<compile_context>
chip_gen: v7x
topology: tpu7x:2x2x1
jax: 0.10.2.dev20260603
libtpu: 0.0.44.dev20260713+nightly
codegen_flags: <defaults>
</compile_context>

<pallas_src>
import functools

import jax
import jax.numpy as jnp
from jax import lax
from jax.experimental import pallas as pl
from jax.experimental.pallas import tpu as pltpu
from jax.experimental.pallas import tpu_sc as plsc

N = 10000
E = 160000
IN = 256
HID = 512
OUT = 256
G = 64

NS = 16
RCH = 632
RLAST = N - 15 * RCH
EB = 128
ER = E // EB
TR = 80
AR = 64
DR = 40

R = 1000
NBLK = N // R
HF = IN // 2

_f32 = jnp.float32


def _sc_mesh():
    return plsc.VectorSubcoreMesh(core_axis_name="c", subcore_axis_name="s")


def _deg_sc(ones_n, dst2):
    @functools.partial(
        pl.kernel,
        out_type=[jax.ShapeDtypeStruct((N,), _f32),
                  jax.ShapeDtypeStruct((N,), _f32)],
        mesh=_sc_mesh(),
        scratch_types=[
            pltpu.VMEM((DR, EB), jnp.int32),
            pltpu.VMEM((EB,), _f32),
            pltpu.VMEM((1000,), _f32),
            pltpu.VMEM_SHARED((N,), _f32),
        ],
    )
    def k(ones_h, dst_h, deg0_h, deg1_h, dst_v, one_v, tmp_v, deg_s):
        cid = lax.axis_index("c")
        sid = lax.axis_index("s")
        wid = cid * NS + sid

        @pl.when(wid < 31)
        def _():
            pltpu.sync_copy(dst_h.at[pl.ds(wid * DR, DR)], dst_v)

        @pl.when(wid == 31)
        def _():
            pltpu.sync_copy(dst_h.at[pl.ds(31 * DR, 10)],
                            dst_v.at[pl.ds(0, 10)])

        pltpu.sync_copy(ones_h.at[pl.ds(0, EB)], one_v)

        @pl.when(sid < 10)
        def _():
            pltpu.sync_copy(ones_h.at[pl.ds(sid * 1000, 1000)], tmp_v)
            pltpu.sync_copy(tmp_v, deg_s.at[pl.ds(sid * 1000, 1000)])

        plsc.subcore_barrier()
        nrow = jnp.where(wid < 31, DR, 10)

        def body(j, carry):
            pltpu.sync_copy(one_v, deg_s.at[dst_v.at[j]], add=True)
            return carry

        lax.fori_loop(0, nrow, body, 0)
        plsc.subcore_barrier()

        @pl.when(sid < 10)
        def _():
            pltpu.sync_copy(deg_s.at[pl.ds(sid * 1000, 1000)], tmp_v)

            @pl.when(cid == 0)
            def _():
                pltpu.sync_copy(tmp_v, deg0_h.at[pl.ds(sid * 1000, 1000)])

            @pl.when(cid == 1)
            def _():
                pltpu.sync_copy(tmp_v, deg1_h.at[pl.ds(sid * 1000, 1000)])

    return k(ones_n, dst2)


def _agg_sc(xs0, xs1, src2, dst2):
    @functools.partial(
        pl.kernel,
        out_type=[jax.ShapeDtypeStruct((N, HF), _f32),
                  jax.ShapeDtypeStruct((N, HF), _f32)],
        mesh=_sc_mesh(),
        scratch_types=[
            pltpu.VMEM((AR, EB), jnp.int32),
            pltpu.VMEM((AR, EB), jnp.int32),
            pltpu.VMEM((EB, HF), _f32),
            pltpu.VMEM((EB, HF), _f32),
            pltpu.VMEM_SHARED((N, HF), _f32),
            pltpu.SemaphoreType.DMA,
            pltpu.SemaphoreType.DMA,
            pltpu.SemaphoreType.DMA,
        ],
    )
    def k(xs0_h, xs1_h, src_h, dst_h, out0_h, out1_h,
          src_v, dst_v, rows_a, rows_b, acc_s,
          sem_g0, sem_s0, sem_s1):
        cid = lax.axis_index("c")
        sid = lax.axis_index("s")
        r0 = sid * RCH

        def run(xs_h, out_h):
            @pl.when(sid < 15)
            def _():
                pltpu.sync_copy(xs_h.at[pl.ds(r0, RCH)],
                                acc_s.at[pl.ds(r0, RCH)])

            @pl.when(sid == 15)
            def _():
                pltpu.sync_copy(xs_h.at[pl.ds(15 * RCH, RLAST)],
                                acc_s.at[pl.ds(15 * RCH, RLAST)])

            plsc.subcore_barrier()

            def gather(row, buf):
                pltpu.async_copy(xs_h.at[src_v.at[row]], buf, sem_g0)

            def gather_wait(row, buf):
                pltpu.make_async_copy(xs_h.at[src_v.at[row]], buf,
                                      sem_g0).wait()

            def scat(row, buf, sem):
                pltpu.async_copy(buf, acc_s.at[dst_v.at[row]], sem, add=True)

            def scat_wait(row, buf, sem):
                pltpu.make_async_copy(buf, acc_s.at[dst_v.at[row]],
                                      sem).wait()

            def do_edges(npair):
                @pl.when(npair > 0)
                def _():
                    gather(0, rows_a)

                    def body(t, carry):
                        r_e = 2 * t
                        r_o = 2 * t + 1
                        gather_wait(r_e, rows_a)

                        @pl.when(t > 0)
                        def _():
                            scat_wait(r_o - 2, rows_b, sem_s1)

                        gather(r_o, rows_b)
                        scat(r_e, rows_a, sem_s0)
                        gather_wait(r_o, rows_b)
                        scat_wait(r_e, rows_a, sem_s0)

                        @pl.when(t + 1 < npair)
                        def _():
                            gather(r_e + 2, rows_a)

                        scat(r_o, rows_b, sem_s1)
                        return carry

                    lax.fori_loop(0, npair, body, 0)
                    scat_wait(2 * npair - 1, rows_b, sem_s1)

            @pl.when(sid < 15)
            def _():
                pltpu.sync_copy(src_h.at[pl.ds(sid * TR, AR)], src_v)
                pltpu.sync_copy(dst_h.at[pl.ds(sid * TR, AR)], dst_v)

            @pl.when(sid == 15)
            def _():
                pltpu.sync_copy(src_h.at[pl.ds(15 * TR, 48)],
                                src_v.at[pl.ds(0, 48)])
                pltpu.sync_copy(src_h.at[pl.ds(15 * TR + 48, 2)],
                                src_v.at[pl.ds(48, 2)])
                pltpu.sync_copy(dst_h.at[pl.ds(15 * TR, 48)],
                                dst_v.at[pl.ds(0, 48)])
                pltpu.sync_copy(dst_h.at[pl.ds(15 * TR + 48, 2)],
                                dst_v.at[pl.ds(48, 2)])

            do_edges(jnp.where(sid < 15, AR // 2, 25))

            @pl.when(sid < 15)
            def _():
                pltpu.sync_copy(src_h.at[pl.ds(sid * TR + AR, TR - AR)],
                                src_v.at[pl.ds(0, TR - AR)])
                pltpu.sync_copy(dst_h.at[pl.ds(sid * TR + AR, TR - AR)],
                                dst_v.at[pl.ds(0, TR - AR)])

            do_edges(jnp.where(sid < 15, (TR - AR) // 2, 0))
            plsc.subcore_barrier()

            @pl.when(sid < 15)
            def _():
                pltpu.sync_copy(acc_s.at[pl.ds(r0, RCH)],
                                out_h.at[pl.ds(r0, RCH)])

            @pl.when(sid == 15)
            def _():
                pltpu.sync_copy(acc_s.at[pl.ds(15 * RCH, RLAST)],
                                out_h.at[pl.ds(15 * RCH, RLAST)])

        @pl.when(cid == 0)
        def _():
            run(xs0_h, out0_h)

        @pl.when(cid == 1)
        def _():
            run(xs1_h, out1_h)

    return k(xs0, xs1, src2, dst2)


def _p0_tc(x, deg0, deg1):
    def body(x_ref, d0_ref, d1_ref, xs0_ref, xs1_ref, dinv_ref):
        dinv = lax.rsqrt(d0_ref[...] + d1_ref[...] - 1.0)
        xs = x_ref[...] * dinv
        xs0_ref[...] = xs[:, :HF]
        xs1_ref[...] = xs[:, HF:]
        dinv_ref[...] = dinv

    return pl.pallas_call(
        body,
        grid=(NBLK,),
        in_specs=[pl.BlockSpec((R, IN), lambda i: (i, 0)),
                  pl.BlockSpec((R, 1), lambda i: (i, 0)),
                  pl.BlockSpec((R, 1), lambda i: (i, 0))],
        out_specs=[pl.BlockSpec((R, HF), lambda i: (i, 0)),
                   pl.BlockSpec((R, HF), lambda i: (i, 0)),
                   pl.BlockSpec((R, 1), lambda i: (i, 0))],
        out_shape=[jax.ShapeDtypeStruct((N, HF), _f32),
                   jax.ShapeDtypeStruct((N, HF), _f32),
                   jax.ShapeDtypeStruct((N, 1), _f32)],
    )(x, deg0, deg1)


def _m12_tc(a0, a1, dinv, W1, b1, gamma1, beta1, W2):
    def body(a0_ref, a1_ref, dinv_ref, w1_ref, b1_ref, g_ref, bt_ref,
             w2_ref, y0_ref, y1_ref, h_s, s_s, q_s):
        ph = pl.program_id(0)
        i = pl.program_id(1)

        @pl.when(ph == 0)
        def _():
            z = (jnp.concatenate([a0_ref[...], a1_ref[...]], axis=1)
                 * dinv_ref[...])
            h = jnp.dot(z, w1_ref[...],
                        preferred_element_type=_f32) + b1_ref[...]
            h_s[pl.ds(i * R, R), :] = h

            @pl.when(i == 0)
            def _():
                s_s[...] = jnp.zeros_like(s_s)
                q_s[...] = jnp.zeros_like(q_s)

            s_s[...] += jnp.sum(h, axis=0, keepdims=True)
            q_s[...] += jnp.sum(h * h, axis=0, keepdims=True)

        @pl.when(ph == 1)
        def _():
            mu = s_s[...] * (1.0 / N)
            var = q_s[...] * (1.0 / N) - mu * mu
            a_ = g_ref[...] * lax.rsqrt(var + 1e-5)
            c_ = bt_ref[...] - mu * a_
            t = jnp.maximum(h_s[pl.ds(i * R, R), :] * a_ + c_, 0.0)
            y = (jnp.dot(t, w2_ref[...], preferred_element_type=_f32)
                 * dinv_ref[...])
            y0_ref[...] = y[:, :HF]
            y1_ref[...] = y[:, HF:]

    return pl.pallas_call(
        body,
        grid=(2, NBLK),
        in_specs=[pl.BlockSpec((R, HF), lambda ph, i: ((1 - ph) * i, 0)),
                  pl.BlockSpec((R, HF), lambda ph, i: ((1 - ph) * i, 0)),
                  pl.BlockSpec((R, 1), lambda ph, i: (i, 0)),
                  pl.BlockSpec((IN, HID), lambda ph, i: (0, 0)),
                  pl.BlockSpec((1, HID), lambda ph, i: (0, 0)),
                  pl.BlockSpec((1, HID), lambda ph, i: (0, 0)),
                  pl.BlockSpec((1, HID), lambda ph, i: (0, 0)),
                  pl.BlockSpec((HID, OUT), lambda ph, i: (0, 0))],
        out_specs=[pl.BlockSpec((R, HF), lambda ph, i: (ph * i, 0)),
                   pl.BlockSpec((R, HF), lambda ph, i: (ph * i, 0))],
        out_shape=[jax.ShapeDtypeStruct((N, HF), _f32),
                   jax.ShapeDtypeStruct((N, HF), _f32)],
        scratch_shapes=[pltpu.VMEM((N, HID), _f32),
                        pltpu.VMEM((1, HID), _f32),
                        pltpu.VMEM((1, HID), _f32)],
    )(a0, a1, dinv, W1, b1, gamma1, beta1, W2)


def _m34_tc(g0, g1, dinv, b2, gamma2, beta2, batch3):
    def body(g0_ref, g1_ref, dinv_ref, b_ref, g2_ref, bt2_ref, ids_ref,
             out_ref, v_s, s_s, q_s, pool_s, cnt_s):
        ph = pl.program_id(0)
        i = pl.program_id(1)

        @pl.when(ph == 0)
        def _():
            v = (jnp.concatenate([g0_ref[...], g1_ref[...]], axis=1)
                 * dinv_ref[...] + b_ref[...])
            v_s[pl.ds(i * R, R), :] = v

            @pl.when(i == 0)
            def _():
                s_s[...] = jnp.zeros_like(s_s)
                q_s[...] = jnp.zeros_like(q_s)

            s_s[...] += jnp.sum(v, axis=0, keepdims=True)
            q_s[...] += jnp.sum(v * v, axis=0, keepdims=True)

        @pl.when(ph == 1)
        def _():
            mu = s_s[...] * (1.0 / N)
            var = q_s[...] * (1.0 / N) - mu * mu
            a_ = g2_ref[...] * lax.rsqrt(var + 1e-5)
            c_ = bt2_ref[...] - mu * a_
            w = jnp.maximum(v_s[pl.ds(i * R, R), :] * a_ + c_, 0.0)
            ids = ids_ref[...].reshape(R, 1)
            oh = (ids == lax.broadcasted_iota(jnp.int32,
                                              (R, G), 1)).astype(_f32)

            @pl.when(i == 0)
            def _():
                pool_s[...] = jnp.zeros_like(pool_s)
                cnt_s[...] = jnp.zeros_like(cnt_s)

            pool_s[...] += lax.dot_general(
                oh, w, (((0,), (0,)), ((), ())), preferred_element_type=_f32)
            cnt_s[...] += jnp.sum(oh, axis=0, keepdims=True)

            @pl.when(i == NBLK - 1)
            def _():
                out_ref[...] = pool_s[...] / jnp.maximum(
                    cnt_s[...].reshape(G, 1), 1.0)

    return pl.pallas_call(
        body,
        grid=(2, NBLK),
        in_specs=[pl.BlockSpec((R, HF), lambda ph, i: ((1 - ph) * i, 0)),
                  pl.BlockSpec((R, HF), lambda ph, i: ((1 - ph) * i, 0)),
                  pl.BlockSpec((R, 1), lambda ph, i: ((1 - ph) * i, 0)),
                  pl.BlockSpec((1, OUT), lambda ph, i: (0, 0)),
                  pl.BlockSpec((1, OUT), lambda ph, i: (0, 0)),
                  pl.BlockSpec((1, OUT), lambda ph, i: (0, 0)),
                  pl.BlockSpec((1, 1, R), lambda ph, i: (ph * i, 0, 0))],
        out_specs=pl.BlockSpec((G, OUT), lambda ph, i: (0, 0)),
        out_shape=jax.ShapeDtypeStruct((G, OUT), _f32),
        scratch_shapes=[pltpu.VMEM((N, OUT), _f32),
                        pltpu.VMEM((1, OUT), _f32),
                        pltpu.VMEM((1, OUT), _f32),
                        pltpu.VMEM((G, OUT), _f32),
                        pltpu.VMEM((1, G), _f32)],
    )(g0, g1, dinv, b2, gamma2, beta2, batch3)


def kernel(x, edge_index, batch, W1, b1, gamma1, beta1, W2, b2, gamma2, beta2):
    src2 = edge_index[0].reshape(ER, EB)
    dst2 = edge_index[1].reshape(ER, EB)
    ones_n = jnp.ones((N,), _f32)

    deg0, deg1 = _deg_sc(ones_n, dst2)
    xs0, xs1, dinv = _p0_tc(x, deg0.reshape(N, 1), deg1.reshape(N, 1))
    a0, a1 = _agg_sc(xs0, xs1, src2, dst2)

    y0, y1 = _m12_tc(a0, a1, dinv, W1, b1.reshape(1, HID),
                     gamma1.reshape(1, HID), beta1.reshape(1, HID), W2)
    g0, g1 = _agg_sc(y0, y1, src2, dst2)

    return _m34_tc(g0, g1, dinv, b2.reshape(1, OUT),
                   gamma2.reshape(1, OUT), beta2.reshape(1, OUT),
                   batch.reshape(NBLK, 1, R))

# --- scband reference (transcript-rebuilt; emitter-appended) ---
"""Pipeline reference for scband-simple-graph-encoder-63763084476609 (READ-ONLY COPY).

The authoritative reference and input builder live on the scoring server;
editing this copy changes nothing except your own understanding.
"""

import jax, jax.numpy as jnp
import numpy as np

N = 10000
E = 160000
IN = 256
HID = 512
OUT = 256
G = 64


def setup_inputs(seed: int = 0) -> dict:
    key = jax.random.key(seed)
    ks = jax.random.split(key, 8)
    x = jax.random.normal(ks[0], (N, IN), dtype=jnp.float32)
    edge_index = jax.random.randint(ks[1], (2, E), 0, N, dtype=jnp.int32)
    batch = jnp.sort(jax.random.randint(ks[2], (N,), 0, G, dtype=jnp.int32))
    W1 = jax.random.normal(ks[3], (IN, HID), dtype=jnp.float32) * (1.0 / np.sqrt(IN))
    b1 = jnp.zeros((HID,), jnp.float32)
    gamma1 = jnp.ones((HID,), jnp.float32)
    beta1 = jnp.zeros((HID,), jnp.float32)
    W2 = jax.random.normal(ks[4], (HID, OUT), dtype=jnp.float32) * (1.0 / np.sqrt(HID))
    b2 = jnp.zeros((OUT,), jnp.float32)
    gamma2 = jnp.ones((OUT,), jnp.float32)
    beta2 = jnp.zeros((OUT,), jnp.float32)
    return {"x": x, "edge_index": edge_index, "batch": batch,
            "W1": W1, "b1": b1, "gamma1": gamma1, "beta1": beta1,
            "W2": W2, "b2": b2, "gamma2": gamma2, "beta2": beta2}


def _gcn_conv(x, src, dst, W, b):
    # PyG GCNConv: x' = D^-1/2 (A + I) D^-1/2 X W + b (self-loops already in src/dst)
    h = x @ W
    deg = jnp.zeros((N,), jnp.float32).at[dst].add(1.0)
    dinv = jnp.where(deg > 0, jax.lax.rsqrt(deg), 0.0)
    norm = dinv[src] * dinv[dst]
    msg = h[src] * norm[:, None]
    out = jnp.zeros((N, h.shape[1]), jnp.float32).at[dst].add(msg)
    return out + b


def _batch_norm(x, gamma, beta):
    # training-mode BatchNorm1d (batch statistics, biased variance)
    mu = jnp.mean(x, axis=0)
    var = jnp.var(x, axis=0)
    return (x - mu) * jax.lax.rsqrt(var + 1e-5) * gamma + beta


def reference(x, edge_index, batch, W1, b1, gamma1, beta1, W2, b2, gamma2, beta2):
    loop = jnp.arange(N, dtype=edge_index.dtype)
    src = jnp.concatenate([edge_index[0], loop])
    dst = jnp.concatenate([edge_index[1], loop])
    h = _gcn_conv(x, src, dst, W1, b1)
    h = _batch_norm(h, gamma1, beta1)
    h = jax.nn.relu(h)
    # dropout is identity in deterministic/eval reference
    h = _gcn_conv(h, src, dst, W2, b2)
    h = _batch_norm(h, gamma2, beta2)
    h = jax.nn.relu(h)
    sums = jax.ops.segment_sum(h, batch, num_segments=G)
    cnt = jax.ops.segment_sum(jnp.ones((N,), jnp.float32), batch, num_segments=G)
    return sums / jnp.maximum(cnt, 1.0)[:, None]

if __name__ == "__main__":
    import jax
    _d = setup_inputs()
    print(jax.jit(kernel)(*tuple(_d.values())))

</pallas_src>

<mosaic_0001>
#map = affine_map<(d0, d1) -> (0, 0)>
module attributes {stable_mosaic.version = 14 : i64} {
  func.func @k(%arg0: i32, %arg1: i32, %arg2: memref<10000x128xf32, #tpu.memory_space<hbm>>, %arg3: memref<10000x128xf32, #tpu.memory_space<hbm>>, %arg4: memref<1250x128xi32, #tpu.memory_space<hbm>>, %arg5: memref<1250x128xi32, #tpu.memory_space<hbm>>, %arg6: memref<10000x128xf32, #tpu.memory_space<hbm>>, %arg7: memref<10000x128xf32, #tpu.memory_space<hbm>>, %arg8: memref<64x128xi32, #tpu.memory_space<vmem>>, %arg9: memref<64x128xi32, #tpu.memory_space<vmem>>, %arg10: memref<128x128xf32, #tpu.memory_space<vmem>>, %arg11: memref<128x128xf32, #tpu.memory_space<vmem>>, %arg12: memref<10000x128xf32, #tpu.memory_space<vmem_shared>>, %arg13: memref<!tpu.dma_semaphore, #tpu.memory_space<semaphore_mem>>, %arg14: memref<!tpu.dma_semaphore, #tpu.memory_space<semaphore_mem>>, %arg15: memref<!tpu.dma_semaphore, #tpu.memory_space<semaphore_mem>>) attributes {dimension_semantics = [#tpu.dimension_semantics<core_parallel>, #tpu.dimension_semantics<subcore_parallel>], iteration_bounds = array<i64: 2, 16>, scalar_prefetch = 0 : i64, scratch_operands = 8 : i64, tpu.core_type = #tpu.core_type<sc_vector_subcore>, window_params = [{transform_indices = #map}, {transform_indices = #map}, {transform_indices = #map}, {transform_indices = #map}, {transform_indices = #map}, {transform_indices = #map}]} {
    %mul3A = arith.constant 632 : i32
    %mul3A_0 = arith.muli %arg1, %mul3A : i32
    %eq3A = arith.constant 0 : i32
    %eq3A_1 = arith.cmpi eq, %arg0, %eq3A : i32
    %convert_element_type3A = arith.extui %eq3A_1 : i1 to i32
    %cond3A = arith.constant 0 : i32
    %cond3A_2 = arith.cmpi ne, %convert_element_type3A, %cond3A : i32
    scf.if %cond3A_2 {
      %lt3A = arith.constant 15 : i32
      %lt3A_8 = arith.cmpi slt, %arg1, %lt3A : i32
      %convert_element_type3A_9 = arith.extui %lt3A_8 : i1 to i32
      %cond3A_10 = arith.constant 0 : i32
      %cond3A_11 = arith.cmpi ne, %convert_element_type3A_9, %cond3A_10 : i32
      scf.if %cond3A_11 {
        "tpu.region"() ({
          %run_scoped3A = tpu.sem_alloc : memref<!tpu.dma_semaphore, #tpu.memory_space<semaphore_mem>>
          %dma_start3A = arith.constant 0 : i32
          %dma_start3A_60 = tpu.memref_slice %arg12[%mul3A_0, %dma_start3A] : memref<10000x128xf32, #tpu.memory_space<vmem_shared>> -> memref<632x128xf32, #tpu.memory_space<vmem_shared>>
          %dma_start3A_61 = arith.constant 0 : i32
          %dma_start3A_62 = tpu.memref_slice %arg2[%mul3A_0, %dma_start3A_61] : memref<10000x128xf32, #tpu.memory_space<hbm>> -> memref<632x128xf32, #tpu.memory_space<hbm>>
          tpu.enqueue_dma source(%dma_start3A_62 : memref<632x128xf32, #tpu.memory_space<hbm>>) target(%dma_start3A_60 : memref<632x128xf32, #tpu.memory_space<vmem_shared>>) target_semaphore(%run_scoped3A : memref<!tpu.dma_semaphore, #tpu.memory_space<semaphore_mem>>)
          %dma_wait3A = arith.constant 0 : i32
          %dma_wait3A_63 = tpu.memref_slice %arg12[%mul3A_0, %dma_wait3A] : memref<10000x128xf32, #tpu.memory_space<vmem_shared>> -> memref<632x128xf32, #tpu.memory_space<vmem_shared>>
          %dma_wait3A_64 = arith.constant 0 : i32
          %dma_wait3A_65 = tpu.memref_slice %arg2[%mul3A_0, %dma_wait3A_64] : memref<10000x128xf32, #tpu.memory_space<hbm>> -> memref<632x128xf32, #tpu.memory_space<hbm>>
          tpu.wait_dma2 semaphore(%run_scoped3A : memref<!tpu.dma_semaphore, #tpu.memory_space<semaphore_mem>>) src(%dma_wait3A_65 : memref<632x128xf32, #tpu.memory_space<hbm>>) dst(%dma_wait3A_63 : memref<632x128xf32, #tpu.memory_space<vmem_shared>>)
          tpu.yield
        }) : () -> ()
      } else {
      }
      %eq3A_12 = arith.constant 15 : i32
      %eq3A_13 = arith.cmpi eq, %arg1, %eq3A_12 : i32
      %convert_element_type3A_14 = arith.extui %eq3A_13 : i1 to i32
      %cond3A_15 = arith.constant 0 : i32
      %cond3A_16 = arith.cmpi ne, %convert_element_type3A_14, %cond3A_15 : i32
      scf.if %cond3A_16 {
        "tpu.region"() ({
          %run_scoped3A = tpu.sem_alloc : memref<!tpu.dma_semaphore, #tpu.memory_space<semaphore_mem>>
          %dma_start3A = arith.constant 9480 : i32
          %dma_start3A_60 = arith.constant 0 : i32
          %dma_start3A_61 = tpu.memref_slice %arg12[%dma_start3A, %dma_start3A_60] : memref<10000x128xf32, #tpu.memory_space<vmem_shared>> -> memref<520x128xf32, #tpu.memory_space<vmem_shared>>
          %dma_start3A_62 = arith.constant 9480 : i32
          %dma_start3A_63 = arith.constant 0 : i32
          %dma_start3A_64 = tpu.memref_slice %arg2[%dma_start3A_62, %dma_start3A_63] : memref<10000x128xf32, #tpu.memory_space<hbm>> -> memref<520x128xf32, #tpu.memory_space<hbm>>
          tpu.enqueue_dma source(%dma_start3A_64 : memref<520x128xf32, #tpu.memory_space<hbm>>) target(%dma_start3A_61 : memref<520x128xf32, #tpu.memory_space<vmem_shared>>) target_semaphore(%run_scoped3A : memref<!tpu.dma_semaphore, #tpu.memory_space<semaphore_mem>>)
          %dma_wait3A = arith.constant 9480 : i32
          %dma_wait3A_65 = arith.constant 0 : i32
          %dma_wait3A_66 = tpu.memref_slice %arg12[%dma_wait3A, %dma_wait3A_65] : memref<10000x128xf32, #tpu.memory_space<vmem_shared>> -> memref<520x128xf32, #tpu.memory_space<vmem_shared>>
          %dma_wait3A_67 = arith.constant 9480 : i32
          %dma_wait3A_68 = arith.constant 0 : i32
          %dma_wait3A_69 = tpu.memref_slice %arg2[%dma_wait3A_67, %dma_wait3A_68] : memref<10000x128xf32, #tpu.memory_space<hbm>> -> memref<520x128xf32, #tpu.memory_space<hbm>>
          tpu.wait_dma2 semaphore(%run_scoped3A : memref<!tpu.dma_semaphore, #tpu.memory_space<semaphore_mem>>) src(%dma_wait3A_69 : memref<520x128xf32, #tpu.memory_space<hbm>>) dst(%dma_wait3A_66 : memref<520x128xf32, #tpu.memory_space<vmem_shared>>)
          tpu.yield
        }) : () -> ()
      } else {
      }
      %barrier3A = arith.constant 0 : index
      tpu.barrier barrier_id(%barrier3A)
      %lt3A_17 = arith.constant 15 : i32
      %lt3A_18 = arith.cmpi slt, %arg1, %lt3A_17 : i32
      %convert_element_type3A_19 = arith.extui %lt3A_18 : i1 to i32
      %cond3A_20 = arith.constant 0 : i32
      %cond3A_21 = arith.cmpi ne, %convert_element_type3A_19, %cond3A_20 : i32
      scf.if %cond3A_21 {
        %mul3A_60 = arith.constant 80 : i32
        %mul3A_61 = arith.muli %arg1, %mul3A_60 : i32
        "tpu.region"() ({
          %run_scoped3A = tpu.sem_alloc : memref<!tpu.dma_semaphore, #tpu.memory_space<semaphore_mem>>
          %dma_start3A = arith.constant 0 : i32
          %dma_start3A_64 = tpu.memref_slice %arg4[%mul3A_61, %dma_start3A] : memref<1250x128xi32, #tpu.memory_space<hbm>> -> memref<64x128xi32, #tpu.memory_space<hbm>>
          %dma_start3A_65 = arith.constant 0 : i32
          %dma_start3A_66 = tpu.memref_slice %arg4[%mul3A_61, %dma_start3A_65] : memref<1250x128xi32, #tpu.memory_space<hbm>> -> memref<64x128xi32, #tpu.memory_space<hbm>>
          tpu.enqueue_dma source(%dma_start3A_66 : memref<64x128xi32, #tpu.memory_space<hbm>>) target(%arg8 : memref<64x128xi32, #tpu.memory_space<vmem>>) target_semaphore(%run_scoped3A : memref<!tpu.dma_semaphore, #tpu.memory_space<semaphore_mem>>)
          %dma_wait3A = arith.constant 0 : i32
          %dma_wait3A_67 = tpu.memref_slice %arg4[%mul3A_61, %dma_wait3A] : memref<1250x128xi32, #tpu.memory_space<hbm>> -> memref<64x128xi32, #tpu.memory_space<hbm>>
          %dma_wait3A_68 = arith.constant 0 : i32
          %dma_wait3A_69 = tpu.memref_slice %arg4[%mul3A_61, %dma_wait3A_68] : memref<1250x128xi32, #tpu.memory_space<hbm>> -> memref<64x128xi32, #tpu.memory_space<hbm>>
          tpu.wait_dma2 semaphore(%run_scoped3A : memref<!tpu.dma_semaphore, #tpu.memory_space<semaphore_mem>>) src(%dma_wait3A_69 : memref<64x128xi32, #tpu.memory_space<hbm>>) dst(%arg8 : memref<64x128xi32, #tpu.memory_space<vmem>>)
          tpu.yield
        }) : () -> ()
        %mul3A_62 = arith.constant 80 : i32
        %mul3A_63 = arith.muli %arg1, %mul3A_62 : i32
        "tpu.region"() ({
          %run_scoped3A = tpu.sem_alloc : memref<!tpu.dma_semaphore, #tpu.memory_space<semaphore_mem>>
          %dma_start3A = arith.constant 0 : i32
          %dma_start3A_64 = tpu.memref_slice %arg5[%mul3A_63, %dma_start3A] : memref<1250x128xi32, #tpu.memory_space<hbm>> -> memref<64x128xi32, #tpu.memory_space<hbm>>
          %dma_start3A_65 = arith.constant 0 : i32
          %dma_start3A_66 = tpu.memref_slice %arg5[%mul3A_63, %dma_start3A_65] : memref<1250x128xi32, #tpu.memory_space<hbm>> -> memref<64x128xi32, #tpu.memory_space<hbm>>
          tpu.enqueue_dma source(%dma_start3A_66 : memref<64x128xi32, #tpu.memory_space<hbm>>) target(%arg9 : memref<64x128xi32, #tpu.memory_space<vmem>>) target_semaphore(%run_scoped3A : memref<!tpu.dma_semaphore, #tpu.memory_space<semaphore_mem>>)
          %dma_wait3A = arith.constant 0 : i32
          %dma_wait3A_67 = tpu.memref_slice %arg5[%mul3A_63, %dma_wait3A] : memref<1250x128xi32, #tpu.memory_space<hbm>> -> memref<64x128xi32, #tpu.memory_space<hbm>>
          %dma_wait3A_68 = arith.constant 0 : i32
          %dma_wait3A_69 = tpu.memref_slice %arg5[%mul3A_63, %dma_wait3A_68] : memref<1250x128xi32, #tpu.memory_space<hbm>> -> memref<64x128xi32, #tpu.memory_space<hbm>>
          tpu.wait_dma2 semaphore(%run_scoped3A : memref<!tpu.dma_semaphore, #tpu.memory_space<semaphore_mem>>) src(%dma_wait3A_69 : memref<64x128xi32, #tpu.memory_space<hbm>>) dst(%arg9 : memref<64x128xi32, #tpu.memory_space<vmem>>)
          tpu.yield
        }) : () -> ()
      } else {
      }
      %eq3A_22 = arith.constant 15 : i32
      %eq3A_23 = arith.cmpi eq, %arg1, %eq3A_22 : i32
      %convert_element_type3A_24 = arith.extui %eq3A_23 : i1 to i32
      %cond3A_25 = arith.constant 0 : i32
      %cond3A_26 = arith.cmpi ne, %convert_element_type3A_24, %cond3A_25 : i32
      scf.if %cond3A_26 {
        "tpu.region"() ({
          %run_scoped3A = tpu.sem_alloc : memref<!tpu.dma_semaphore, #tpu.memory_space<semaphore_mem>>
          %dma_start3A = arith.constant 0 : i32
          %dma_start3A_60 = arith.constant 0 : i32
          %dma_start3A_61 = tpu.memref_slice %arg8[%dma_start3A, %dma_start3A_60] : memref<64x128xi32, #tpu.memory_space<vmem>> -> memref<48x128xi32, #tpu.memory_space<vmem>>
          %dma_start3A_62 = arith.constant 1200 : i32
          %dma_start3A_63 = arith.constant 0 : i32
          %dma_start3A_64 = tpu.memref_slice %arg4[%dma_start3A_62, %dma_start3A_63] : memref<1250x128xi32, #tpu.memory_space<hbm>> -> memref<48x128xi32, #tpu.memory_space<hbm>>
          %dma_start3A_65 = arith.constant 0 : i32
          %dma_start3A_66 = arith.constant 0 : i32
          %dma_start3A_67 = tpu.memref_slice %arg8[%dma_start3A_65, %dma_start3A_66] : memref<64x128xi32, #tpu.memory_space<vmem>> -> memref<48x128xi32, #tpu.memory_space<vmem>>
          %dma_start3A_68 = arith.constant 1200 : i32
          %dma_start3A_69 = arith.constant 0 : i32
          %dma_start3A_70 = tpu.memref_slice %arg4[%dma_start3A_68, %dma_start3A_69] : memref<1250x128xi32, #tpu.memory_space<hbm>> -> memref<48x128xi32, #tpu.memory_space<hbm>>
          tpu.enqueue_dma source(%dma_start3A_70 : memref<48x128xi32, #tpu.memory_space<hbm>>) target(%dma_start3A_67 : memref<48x128xi32, #tpu.memory_space<vmem>>) target_semaphore(%run_scoped3A : memref<!tpu.dma_semaphore, #tpu.memory_space<semaphore_mem>>)
          %dma_wait3A = arith.constant 0 : i32
          %dma_wait3A_71 = arith.constant 0 : i32
          %dma_wait3A_72 = tpu.memref_slice %arg8[%dma_wait3A, %dma_wait3A_71] : memref<64x128xi32, #tpu.memory_space<vmem>> -> memref<48x128xi32, #tpu.memory_space<vmem>>
          %dma_wait3A_73 = arith.constant 1200 : i32
          %dma_wait3A_74 = arith.constant 0 : i32
          %dma_wait3A_75 = tpu.memref_slice %arg4[%dma_wait3A_73, %dma_wait3A_74] : memref<1250x128xi32, #tpu.memory_space<hbm>> -> memref<48x128xi32, #tpu.memory_space<hbm>>
          %dma_wait3A_76 = arith.constant 0 : i32
          %dma_wait3A_77 = arith.constant 0 : i32
          %dma_wait3A_78 = tpu.memref_slice %arg8[%dma_wait3A_76, %dma_wait3A_77] : memref<64x128xi32, #tpu.memory_space<vmem>> -> memref<48x128xi32, #tpu.memory_space<vmem>>
          %dma_wait3A_79 = arith.constant 1200 : i32
          %dma_wait3A_80 = arith.constant 0 : i32
          %dma_wait3A_81 = tpu.memref_slice %arg4[%dma_wait3A_79, %dma_wait3A_80] : memref<1250x128xi32, #tpu.memory_space<hbm>> -> memref<48x128xi32, #tpu.memory_space<hbm>>
          tpu.wait_dma2 semaphore(%run_scoped3A : memref<!tpu.dma_semaphore, #tpu.memory_space<semaphore_mem>>) src(%dma_wait3A_81 : memref<48x128xi32, #tpu.memory_space<hbm>>) dst(%dma_wait3A_78 : memref<48x128xi32, #tpu.memory_space<vmem>>)
          tpu.yield
        }) : () -> ()
        "tpu.region"() ({
          %run_scoped3A = tpu.sem_alloc : memref<!tpu.dma_semaphore, #tpu.memory_space<semaphore_mem>>
          %dma_start3A = arith.constant 48 : i32
          %dma_start3A_60 = arith.constant 0 : i32
          %dma_start3A_61 = tpu.memref_slice %arg8[%dma_start3A, %dma_start3A_60] : memref<64x128xi32, #tpu.memory_space<vmem>> -> memref<2x128xi32, #tpu.memory_space<vmem>>
          %dma_start3A_62 = arith.constant 1248 : i32
          %dma_start3A_63 = arith.constant 0 : i32
          %dma_start3A_64 = tpu.memref_slice %arg4[%dma_start3A_62, %dma_start3A_63] : memref<1250x128xi32, #tpu.memory_space<hbm>> -> memref<2x128xi32, #tpu.memory_space<hbm>>
          %dma_start3A_65 = arith.constant 48 : i32
          %dma_start3A_66 = arith.constant 0 : i32
          %dma_start3A_67 = tpu.memref_slice %arg8[%dma_start3A_65, %dma_start3A_66] : memref<64x128xi32, #tpu.memory_space<vmem>> -> memref<2x128xi32, #tpu.memory_space<vmem>>
          %dma_start3A_68 = arith.constant 1248 : i32
          %dma_start3A_69 = arith.constant 0 : i32
          %dma_start3A_70 = tpu.memref_slice %arg4[%dma_start3A_68, %dma_start3A_69] : memref<1250x128xi32, #tpu.memory_space<hbm>> -> memref<2x128xi32, #tpu.memory_space<hbm>>
          tpu.enqueue_dma source(%dma_start3A_70 : memref<2x128xi32, #tpu.memory_space<hbm>>) target(%dma_start3A_67 : memref<2x128xi32, #tpu.memory_space<vmem>>) target_semaphore(%run_scoped3A : memref<!tpu.dma_semaphore, #tpu.memory_space<semaphore_mem>>)
          %dma_wait3A = arith.constant 48 : i32
          %dma_wait3A_71 = arith.constant 0 : i32
          %dma_wait3A_72 = tpu.memref_slice %arg8[%dma_wait3A, %dma_wait3A_71] : memref<64x128xi32, #tpu.memory_space<vmem>> -> memref<2x128xi32, #tpu.memory_space<vmem>>
          %dma_wait3A_73 = arith.constant 1248 : i32
          %dma_wait3A_74 = arith.constant 0 : i32
          %dma_wait3A_75 = tpu.memref_slice %arg4[%dma_wait3A_73, %dma_wait3A_74] : memref<1250x128xi32, #tpu.memory_space<hbm>> -> memref<2x128xi32, #tpu.memory_space<hbm>>
          %dma_wait3A_76 = arith.constant 48 : i32
          %dma_wait3A_77 = arith.constant 0 : i32
          %dma_wait3A_78 = tpu.memref_slice %arg8[%dma_wait3A_76, %dma_wait3A_77] : memref<64x128xi32, #tpu.memory_space<vmem>> -> memref<2x128xi32, #tpu.memory_space<vmem>>
          %dma_wait3A_79 = arith.constant 1248 : i32
          %dma_wait3A_80 = arith.constant 0 : i32
          %dma_wait3A_81 = tpu.memref_slice %arg4[%dma_wait3A_79, %dma_wait3A_80] : memref<1250x128xi32, #tpu.memory_space<hbm>> -> memref<2x128xi32, #tpu.memory_space<hbm>>
          tpu.wait_dma2 semaphore(%run_scoped3A : memref<!tpu.dma_semaphore, #tpu.memory_space<semaphore_mem>>) src(%dma_wait3A_81 : memref<2x128xi32, #tpu.memory_space<hbm>>) dst(%dma_wait3A_78 : memref<2x128xi32, #tpu.memory_space<vmem>>)
          tpu.yield
        }) : () -> ()
        "tpu.region"() ({
          %run_scoped3A = tpu.sem_alloc : memref<!tpu.dma_semaphore, #tpu.memory_space<semaphore_mem>>
          %dma_start3A = arith.constant 0 : i32
          %dma_start3A_60 = arith.constant 0 : i32
          %dma_start3A_61 = tpu.memref_slice %arg9[%dma_start3A, %dma_start3A_60] : memref<64x128xi32, #tpu.memory_space<vmem>> -> memref<48x128xi32, #tpu.memory_space<vmem>>
          %dma_start3A_62 = arith.constant 1200 : i32
          %dma_start3A_63 = arith.constant 0 : i32
          %dma_start3A_64 = tpu.memref_slice %arg5[%dma_start3A_62, %dma_start3A_63] : memref<1250x128xi32, #tpu.memory_space<hbm>> -> memref<48x128xi32, #tpu.memory_space<hbm>>
          %dma_start3A_65 = arith.constant 0 : i32
          %dma_start3A_66 = arith.constant 0 : i32
          %dma_start3A_67 = tpu.memref_slice %arg9[%dma_start3A_65, %dma_start3A_66] : memref<64x128xi32, #tpu.memory_space<vmem>> -> memref<48x128xi32, #tpu.memory_space<vmem>>
          %dma_start3A_68 = arith.constant 1200 : i32
          %dma_start3A_69 = arith.constant 0 : i32
          %dma_start3A_70 = tpu.memref_slice %arg5[%dma_start3A_68, %dma_start3A_69] : memref<1250x128xi32, #tpu.memory_space<hbm>> -> memref<48x128xi32, #tpu.memory_space<hbm>>
          tpu.enqueue_dma source(%dma_start3A_70 : memref<48x128xi32, #tpu.memory_space<hbm>>) target(%dma_start3A_67 : memref<48x128xi32, #tpu.memory_space<vmem>>) target_semaphore(%run_scoped3A : memref<!tpu.dma_semaphore, #tpu.memory_space<semaphore_mem>>)
          %dma_wait3A = arith.constant 0 : i32
          %dma_wait3A_71 = arith.constant 0 : i32
          %dma_wait3A_72 = tpu.memref_slice %arg9[%dma_wait3A, %dma_wait3A_71] : memref<64x128xi32, #tpu.memory_space<vmem>> -> memref<48x128xi32, #tpu.memory_space<vmem>>
          %dma_wait3A_73 = arith.constant 1200 : i32
          %dma_wait3A_74 = arith.constant 0 : i32
          %dma_wait3A_75 = tpu.memref_slice %arg5[%dma_wait3A_73, %dma_wait3A_74] : memref<1250x128xi32, #tpu.memory_space<hbm>> -> memref<48x128xi32, #tpu.memory_space<hbm>>
          %dma_wait3A_76 = arith.constant 0 : i32
          %dma_wait3A_77 = arith.constant 0 : i32
          %dma_wait3A_78 = tpu.memref_slice %arg9[%dma_wait3A_76, %dma_wait3A_77] : memref<64x128xi32, #tpu.memory_space<vmem>> -> memref<48x128xi32, #tpu.memory_space<vmem>>
          %dma_wait3A_79 = arith.constant 1200 : i32
          %dma_wait3A_80 = arith.constant 0 : i32
          %dma_wait3A_81 = tpu.memref_slice %arg5[%dma_wait3A_79, %dma_wait3A_80] : memref<1250x128xi32, #tpu.memory_space<hbm>> -> memref<48x128xi32, #tpu.memory_space<hbm>>
          tpu.wait_dma2 semaphore(%run_scoped3A : memref<!tpu.dma_semaphore, #tpu.memory_space<semaphore_mem>>) src(%dma_wait3A_81 : memref<48x128xi32, #tpu.memory_space<hbm>>) dst(%dma_wait3A_78 : memref<48x128xi32, #tpu.memory_space<vmem>>)
          tpu.yield
        }) : () -> ()
        "tpu.region"() ({
          %run_scoped3A = tpu.sem_alloc : memref<!tpu.dma_semaphore, #tpu.memory_space<semaphore_mem>>
          %dma_start3A = arith.constant 48 : i32
          %dma_start3A_60 = arith.constant 0 : i32
          %dma_start3A_61 = tpu.memref_slice %arg9[%dma_start3A, %dma_start3A_60] : memref<64x128xi32, #tpu.memory_space<vmem>> -> memref<2x128xi32, #tpu.memory_space<vmem>>
          %dma_start3A_62 = arith.constant 1248 : i32
          %dma_start3A_63 = arith.constant 0 : i32
          %dma_start3A_64 = tpu.memref_slice %arg5[%dma_start3A_62, %dma_start3A_63] : memref<1250x128xi32, #tpu.memory_space<hbm>> -> memref<2x128xi32, #tpu.memory_space<hbm>>
          %dma_start3A_65 = arith.constant 48 : i32
          %dma_start3A_66 = arith.constant 0 : i32
          %dma_start3A_67 = tpu.memref_slice %arg9[%dma_start3A_65, %dma_start3A_66] : memref<64x128xi32, #tpu.memory_space<vmem>> -> memref<2x128xi32, #tpu.memory_space<vmem>>
          %dma_start3A_68 = arith.constant 1248 : i32
          %dma_start3A_69 = arith.constant 0 : i32
          %dma_start3A_70 = tpu.memref_slice %arg5[%dma_start3A_68, %dma_start3A_69] : memref<1250x128xi32, #tpu.memory_space<hbm>> -> memref<2x128xi32, #tpu.memory_space<hbm>>
          tpu.enqueue_dma source(%dma_start3A_70 : memref<2x128xi32, #tpu.memory_space<hbm>>) target(%dma_start3A_67 : memref<2x128xi32, #tpu.memory_space<vmem>>) target_semaphore(%run_scoped3A : memref<!tpu.dma_semaphore, #tpu.memory_space<semaphore_mem>>)
          %dma_wait3A = arith.constant 48 : i32
          %dma_wait3A_71 = arith.constant 0 : i32
          %dma_wait3A_72 = tpu.memref_slice %arg9[%dma_wait3A, %dma_wait3A_71] : memref<64x128xi32, #tpu.memory_space<vmem>> -> memref<2x128xi32, #tpu.memory_space<vmem>>
          %dma_wait3A_73 = arith.constant 1248 : i32
          %dma_wait3A_74 = arith.constant 0 : i32
          %dma_wait3A_75 = tpu.memref_slice %arg5[%dma_wait3A_73, %dma_wait3A_74] : memref<1250x128xi32, #tpu.memory_space<hbm>> -> memref<2x128xi32, #tpu.memory_space<hbm>>
          %dma_wait3A_76 = arith.constant 48 : i32
          %dma_wait3A_77 = arith.constant 0 : i32
          %dma_wait3A_78 = tpu.memref_slice %arg9[%dma_wait3A_76, %dma_wait3A_77] : memref<64x128xi32, #tpu.memory_space<vmem>> -> memref<2x128xi32, #tpu.memory_space<vmem>>
          %dma_wait3A_79 = arith.constant 1248 : i32
          %dma_wait3A_80 = arith.constant 0 : i32
          %dma_wait3A_81 = tpu.memref_slice %arg5[%dma_wait3A_79, %dma_wait3A_80] : memref<1250x128xi32, #tpu.memory_space<hbm>> -> memref<2x128xi32, #tpu.memory_space<hbm>>
          tpu.wait_dma2 semaphore(%run_scoped3A : memref<!tpu.dma_semaphore, #tpu.memory_space<semaphore_mem>>) src(%dma_wait3A_81 : memref<2x128xi32, #tpu.memory_space<hbm>>) dst(%dma_wait3A_78 : memref<2x128xi32, #tpu.memory_space<vmem>>)
          tpu.yield
        }) : () -> ()
      } else {
      }
      %lt3A_27 = arith.constant 15 : i32
      %lt3A_28 = arith.cmpi slt, %arg1, %lt3A_27 : i32
      %jit3A = arith.constant 32 : i32
      %jit3A_29 = arith.constant 25 : i32
      %select_n3A = arith.select %lt3A_28, %jit3A, %jit3A_29 : i32
      %gt3A = arith.constant 0 : i32
      %gt3A_30 = arith.cmpi sgt, %select_n3A, %gt3A : i32
      %convert_element_type3A_31 = arith.extui %gt3A_30 : i1 to i32
      %cond3A_32 = arith.constant 0 : i32
      %cond3A_33 = arith.cmpi ne, %convert_element_type3A_31, %cond3A_32 : i32
      scf.if %cond3A_33 {
        %dma_start3A = arith.constant 0 : i32
        %dma_start3A_60 = arith.constant 0 : i32
        %dma_start3A_61 = tpu.memref_slice %arg8[%dma_start3A, %dma_start3A_60] : memref<64x128xi32, #tpu.memory_space<vmem>> -> memref<1x128xi32, #tpu.memory_space<vmem>>
        %dma_start3A_62 = tpu.memref_squeeze %dma_start3A_61 : memref<1x128xi32, #tpu.memory_space<vmem>> -> memref<128xi32, #tpu.memory_space<vmem>>
        %dma_start3A_63 = arith.constant 0 : i32
        %dma_start3A_64 = arith.constant 0 : i32
        %dma_start3A_65 = tpu.memref_slice %arg2[%dma_start3A_63, %dma_start3A_64] : memref<10000x128xf32, #tpu.memory_space<hbm>> -> memref<10000x128xf32, #tpu.memory_space<hbm>>
        tpu.enqueue_indirect_dma source(%dma_start3A_65 : memref<10000x128xf32, #tpu.memory_space<hbm>>) target(%arg10 : memref<128x128xf32, #tpu.memory_space<vmem>>) offsets(%dma_start3A_62 : memref<128xi32, #tpu.memory_space<vmem>>) semaphore(%arg13 : memref<!tpu.dma_semaphore, #tpu.memory_space<semaphore_mem>>)
        %while3A = arith.constant 0 : i32
        %while3A_66 = arith.constant 0 : i32
        %while3A_67 = arith.subi %select_n3A, %while3A_66 : i32
        %while3A_68 = arith.addi %while3A_66, %while3A_67 : i32
        %while3A_69 = arith.constant 1 : i32
        %while3A_70 = arith.divsi %while3A_67, %while3A_69 : i32
        %while3A_71 = arith.muli %while3A_70, %while3A_69 : i32
        %while3A_72 = arith.addi %while3A_66, %while3A_71 : i32
        %while3A_73 = arith.constant 1 : i32
        scf.for %while3A_83 = %while3A_66 to %while3A_72 step %while3A_73  : i32 {
          %mul3A_84 = arith.constant 2 : i32
          %mul3A_85 = arith.muli %mul3A_84, %while3A_83 : i32
          %mul3A_86 = arith.constant 2 : i32
          %mul3A_87 = arith.muli %mul3A_86, %while3A_83 : i32
          %add3A = arith.constant 1 : i32
          %add3A_88 = arith.addi %mul3A_87, %add3A : i32
          %dma_wait3A_89 = arith.constant 0 : i32
          %dma_wait3A_90 = tpu.memref_slice %arg8[%mul3A_85, %dma_wait3A_89] : memref<64x128xi32, #tpu.memory_space<vmem>> -> memref<1x128xi32, #tpu.memory_space<vmem>>
          %dma_wait3A_91 = tpu.memref_squeeze %dma_wait3A_90 : memref<1x128xi32, #tpu.memory_space<vmem>> -> memref<128xi32, #tpu.memory_space<vmem>>
          %dma_wait3A_92 = arith.constant 0 : i32
          %dma_wait3A_93 = arith.constant 0 : i32
          %dma_wait3A_94 = tpu.memref_slice %arg2[%dma_wait3A_92, %dma_wait3A_93] : memref<10000x128xf32, #tpu.memory_space<hbm>> -> memref<10000x128xf32, #tpu.memory_space<hbm>>
          tpu.wait_indirect_dma semaphore(%arg13 : memref<!tpu.dma_semaphore, #tpu.memory_space<semaphore_mem>>) src(%dma_wait3A_94 : memref<10000x128xf32, #tpu.memory_space<hbm>>) dst(%arg10 : memref<128x128xf32, #tpu.memory_space<vmem>>)
          %gt3A_95 = arith.constant 0 : i32
          %gt3A_96 = arith.cmpi sgt, %while3A_83, %gt3A_95 : i32
          %convert_element_type3A_97 = arith.extui %gt3A_96 : i1 to i32
          %cond3A_98 = arith.constant 0 : i32
          %cond3A_99 = arith.cmpi ne, %convert_element_type3A_97, %cond3A_98 : i32
          scf.if %cond3A_99 {
            %sub3A_136 = arith.constant 2 : i32
            %sub3A_137 = arith.subi %add3A_88, %sub3A_136 : i32
            %dma_wait3A_138 = arith.constant 0 : i32
            %dma_wait3A_139 = tpu.memref_slice %arg9[%sub3A_137, %dma_wait3A_138] : memref<64x128xi32, #tpu.memory_space<vmem>> -> memref<1x128xi32, #tpu.memory_space<vmem>>
            %dma_wait3A_140 = tpu.memref_squeeze %dma_wait3A_139 : memref<1x128xi32, #tpu.memory_space<vmem>> -> memref<128xi32, #tpu.memory_space<vmem>>
            %dma_wait3A_141 = arith.constant 0 : i32
            %dma_wait3A_142 = arith.constant 0 : i32
            %dma_wait3A_143 = tpu.memref_slice %arg12[%dma_wait3A_141, %dma_wait3A_142] : memref<10000x128xf32, #tpu.memory_space<vmem_shared>> -> memref<10000x128xf32, #tpu.memory_space<vmem_shared>>
            tpu.wait_indirect_dma semaphore(%arg15 : memref<!tpu.dma_semaphore, #tpu.memory_space<semaphore_mem>>) src(%arg11 : memref<128x128xf32, #tpu.memory_space<vmem>>) dst(%dma_wait3A_143 : memref<10000x128xf32, #tpu.memory_space<vmem_shared>>)
          } else {
          }
          %dma_start3A_100 = arith.constant 0 : i32
          %dma_start3A_101 = tpu.memref_slice %arg8[%add3A_88, %dma_start3A_100] : memref<64x128xi32, #tpu.memory_space<vmem>> -> memref<1x128xi32, #tpu.memory_space<vmem>>
          %dma_start3A_102 = tpu.memref_squeeze %dma_start3A_101 : memref<1x128xi32, #tpu.memory_space<vmem>> -> memref<128xi32, #tpu.memory_space<vmem>>
          %dma_start3A_103 = arith.constant 0 : i32
          %dma_start3A_104 = arith.constant 0 : i32
          %dma_start3A_105 = tpu.memref_slice %arg2[%dma_start3A_103, %dma_start3A_104] : memref<10000x128xf32, #tpu.memory_space<hbm>> -> memref<10000x128xf32, #tpu.memory_space<hbm>>
          tpu.enqueue_indirect_dma source(%dma_start3A_105 : memref<10000x128xf32, #tpu.memory_space<hbm>>) target(%arg11 : memref<128x128xf32, #tpu.memory_space<vmem>>) offsets(%dma_start3A_102 : memref<128xi32, #tpu.memory_space<vmem>>) semaphore(%arg13 : memref<!tpu.dma_semaphore, #tpu.memory_space<semaphore_mem>>)
          %dma_start3A_106 = arith.constant 0 : i32
          %dma_start3A_107 = tpu.memref_slice %arg9[%mul3A_85, %dma_start3A_106] : memref<64x128xi32, #tpu.memory_space<vmem>> -> memref<1x128xi32, #tpu.memory_space<vmem>>
          %dma_start3A_108 = tpu.memref_squeeze %dma_start3A_107 : memref<1x128xi32, #tpu.memory_space<vmem>> -> memref<128xi32, #tpu.memory_space<vmem>>
          %dma_start3A_109 = arith.constant 0 : i32
          %dma_start3A_110 = arith.constant 0 : i32
          %dma_start3A_111 = tpu.memref_slice %arg12[%dma_start3A_109, %dma_start3A_110] : memref<10000x128xf32, #tpu.memory_space<vmem_shared>> -> memref<10000x128xf32, #tpu.memory_space<vmem_shared>>
          tpu.enqueue_indirect_dma source(%arg10 : memref<128x128xf32, #tpu.memory_space<vmem>>) target(%dma_start3A_111 : memref<10000x128xf32, #tpu.memory_space<vmem_shared>>) offsets(%dma_start3A_108 : memref<128xi32, #tpu.memory_space<vmem>>) semaphore(%arg14 : memref<!tpu.dma_semaphore, #tpu.memory_space<semaphore_mem>>) {add = true}
          %dma_wait3A_112 = arith.constant 0 : i32
          %dma_wait3A_113 = tpu.memref_slice %arg8[%add3A_88, %dma_wait3A_112] : memref<64x128xi32, #tpu.memory_space<vmem>> -> memref<1x128xi32, #tpu.memory_space<vmem>>
          %dma_wait3A_114 = tpu.memref_squeeze %dma_wait3A_113 : memref<1x128xi32, #tpu.memory_space<vmem>> -> memref<128xi32, #tpu.memory_space<vmem>>
          %dma_wait3A_115 = arith.constant 0 : i32
          %dma_wait3A_116 = arith.constant 0 : i32
          %dma_wait3A_117 = tpu.memref_slice %arg2[%dma_wait3A_115, %dma_wait3A_116] : memref<10000x128xf32, #tpu.memory_space<hbm>> -> memref<10000x128xf32, #tpu.memory_space<hbm>>
          tpu.wait_indirect_dma semaphore(%arg13 : memref<!tpu.dma_semaphore, #tpu.memory_space<semaphore_mem>>) src(%dma_wait3A_117 : memref<10000x128xf32, #tpu.memory_space<hbm>>) dst(%arg11 : memref<128x128xf32, #tpu.memory_space<vmem>>)
          %dma_wait3A_118 = arith.constant 0 : i32
          %dma_wait3A_119 = tpu.memref_slice %arg9[%mul3A_85, %dma_wait3A_118] : memref<64x128xi32, #tpu.memory_space<vmem>> -> memref<1x128xi32, #tpu.memory_space<vmem>>
          %dma_wait3A_120 = tpu.memref_squeeze %dma_wait3A_119 : memref<1x128xi32, #tpu.memory_space<vmem>> -> memref<128xi32, #tpu.memory_space<vmem>>
          %dma_wait3A_121 = arith.constant 0 : i32
          %dma_wait3A_122 = arith.constant 0 : i32
          %dma_wait3A_123 = tpu.memref_slice %arg12[%dma_wait3A_121, %dma_wait3A_122] : memref<10000x128xf32, #tpu.memory_space<vmem_shared>> -> memref<10000x128xf32, #tpu.memory_space<vmem_shared>>
          tpu.wait_indirect_dma semaphore(%arg14 : memref<!tpu.dma_semaphore, #tpu.memory_space<semaphore_mem>>) src(%arg10 : memref<128x128xf32, #tpu.memory_space<vmem>>) dst(%dma_wait3A_123 : memref<10000x128xf32, #tpu.memory_space<vmem_shared>>)
          %add3A_124 = arith.constant 1 : i32
          %add3A_125 = arith.addi %while3A_83, %add3A_124 : i32
          %lt3A_126 = arith.cmpi slt, %add3A_125, %select_n3A : i32
          %convert_element_type3A_127 = arith.extui %lt3A_126 : i1 to i32
          %cond3A_128 = arith.constant 0 : i32
          %cond3A_129 = arith.cmpi ne, %convert_element_type3A_127, %cond3A_128 : i32
          scf.if %cond3A_129 {
            %add3A_136 = arith.constant 2 : i32
            %add3A_137 = arith.addi %mul3A_85, %add3A_136 : i32
            %dma_start3A_138 = arith.constant 0 : i32
            %dma_start3A_139 = tpu.memref_slice %arg8[%add3A_137, %dma_start3A_138] : memref<64x128xi32, #tpu.memory_space<vmem>> -> memref<1x128xi32, #tpu.memory_space<vmem>>
            %dma_start3A_140 = tpu.memref_squeeze %dma_start3A_139 : memref<1x128xi32, #tpu.memory_space<vmem>> -> memref<128xi32, #tpu.memory_space<vmem>>
            %dma_start3A_141 = arith.constant 0 : i32
            %dma_start3A_142 = arith.constant 0 : i32
            %dma_start3A_143 = tpu.memref_slice %arg2[%dma_start3A_141, %dma_start3A_142] : memref<10000x128xf32, #tpu.memory_space<hbm>> -> memref<10000x128xf32, #tpu.memory_space<hbm>>
            tpu.enqueue_indirect_dma source(%dma_start3A_143 : memref<10000x128xf32, #tpu.memory_space<hbm>>) target(%arg10 : memref<128x128xf32, #tpu.memory_space<vmem>>) offsets(%dma_start3A_140 : memref<128xi32, #tpu.memory_space<vmem>>) semaphore(%arg13 : memref<!tpu.dma_semaphore, #tpu.memory_space<semaphore_mem>>)
          } else {
          }
          %dma_start3A_130 = arith.constant 0 : i32
          %dma_start3A_131 = tpu.memref_slice %arg9[%add3A_88, %dma_start3A_130] : memref<64x128xi32, #tpu.memory_space<vmem>> -> memref<1x128xi32, #tpu.memory_space<vmem>>
          %dma_start3A_132 = tpu.memref_squeeze %dma_start3A_131 : memref<1x128xi32, #tpu.memory_space<vmem>> -> memref<128xi32, #tpu.memory_space<vmem>>
          %dma_start3A_133 = arith.constant 0 : i32
          %dma_start3A_134 = arith.constant 0 : i32
          %dma_start3A_135 = tpu.memref_slice %arg12[%dma_start3A_133, %dma_start3A_134] : memref<10000x128xf32, #tpu.memory_space<vmem_shared>> -> memref<10000x128xf32, #tpu.memory_space<vmem_shared>>
          tpu.enqueue_indirect_dma source(%arg11 : memref<128x128xf32, #tpu.memory_space<vmem>>) target(%dma_start3A_135 : memref<10000x128xf32, #tpu.memory_space<vmem_shared>>) offsets(%dma_start3A_132 : memref<128xi32, #tpu.memory_space<vmem>>) semaphore(%arg15 : memref<!tpu.dma_semaphore, #tpu.memory_space<semaphore_mem>>) {add = true}
        }
        %while3A_74 = arith.constant 1 : i32
        scf.for %while3A_83 = %while3A_72 to %while3A_68 step %while3A_74  : i32 {
          %mul3A_84 = arith.constant 2 : i32
          %mul3A_85 = arith.muli %mul3A_84, %while3A_83 : i32
          %mul3A_86 = arith.constant 2 : i32
          %mul3A_87 = arith.muli %mul3A_86, %while3A_83 : i32
          %add3A = arith.constant 1 : i32
          %add3A_88 = arith.addi %mul3A_87, %add3A : i32
          %dma_wait3A_89 = arith.constant 0 : i32
          %dma_wait3A_90 = tpu.memref_slice %arg8[%mul3A_85, %dma_wait3A_89] : memref<64x128xi32, #tpu.memory_space<vmem>> -> memref<1x128xi32, #tpu.memory_space<vmem>>
          %dma_wait3A_91 = tpu.memref_squeeze %dma_wait3A_90 : memref<1x128xi32, #tpu.memory_space<vmem>> -> memref<128xi32, #tpu.memory_space<vmem>>
          %dma_wait3A_92 = arith.constant 0 : i32
          %dma_wait3A_93 = arith.constant 0 : i32
          %dma_wait3A_94 = tpu.memref_slice %arg2[%dma_wait3A_92, %dma_wait3A_93] : memref<10000x128xf32, #tpu.memory_space<hbm>> -> memref<10000x128xf32, #tpu.memory_space<hbm>>
          tpu.wait_indirect_dma semaphore(%arg13 : memref<!tpu.dma_semaphore, #tpu.memory_space<semaphore_mem>>) src(%dma_wait3A_94 : memref<10000x128xf32, #tpu.memory_space<hbm>>) dst(%arg10 : memref<128x128xf32, #tpu.memory_space<vmem>>)
          %gt3A_95 = arith.constant 0 : i32
          %gt3A_96 = arith.cmpi sgt, %while3A_83, %gt3A_95 : i32
          %convert_element_type3A_97 = arith.extui %gt3A_96 : i1 to i32
          %cond3A_98 = arith.constant 0 : i32
          %cond3A_99 = arith.cmpi ne, %convert_element_type3A_97, %cond3A_98 : i32
          scf.if %cond3A_99 {
            %sub3A_136 = arith.constant 2 : i32
            %sub3A_137 = arith.subi %add3A_88, %sub3A_136 : i32
            %dma_wait3A_138 = arith.constant 0 : i32
            %dma_wait3A_139 = tpu.memref_slice %arg9[%sub3A_137, %dma_wait3A_138] : memref<64x128xi32, #tpu.memory_space<vmem>> -> memref<1x128xi32, #tpu.memory_space<vmem>>
            %dma_wait3A_140 = tpu.memref_squeeze %dma_wait3A_139 : memref<1x128xi32, #tpu.memory_space<vmem>> -> memref<128xi32, #tpu.memory_space<vmem>>
            %dma_wait3A_141 = arith.constant 0 : i32
            %dma_wait3A_142 = arith.constant 0 : i32
            %dma_wait3A_143 = tpu.memref_slice %arg12[%dma_wait3A_141, %dma_wait3A_142] : memref<10000x128xf32, #tpu.memory_space<vmem_shared>> -> memref<10000x128xf32, #tpu.memory_space<vmem_shared>>
            tpu.wait_indirect_dma semaphore(%arg15 : memref<!tpu.dma_semaphore, #tpu.memory_space<semaphore_mem>>) src(%arg11 : memref<128x128xf32, #tpu.memory_space<vmem>>) dst(%dma_wait3A_143 : memref<10000x128xf32, #tpu.memory_space<vmem_shared>>)
          } else {
          }
          %dma_start3A_100 = arith.constant 0 : i32
          %dma_start3A_101 = tpu.memref_slice %arg8[%add3A_88, %dma_start3A_100] : memref<64x128xi32, #tpu.memory_space<vmem>> -> memref<1x128xi32, #tpu.memory_space<vmem>>
          %dma_start3A_102 = tpu.memref_squeeze %dma_start3A_101 : memref<1x128xi32, #tpu.memory_space<vmem>> -> memref<128xi32, #tpu.memory_space<vmem>>
          %dma_start3A_103 = arith.constant 0 : i32
          %dma_start3A_104 = arith.constant 0 : i32
          %dma_start3A_105 = tpu.memref_slice %arg2[%dma_start3A_103, %dma_start3A_104] : memref<10000x128xf32, #tpu.memory_space<hbm>> -> memref<10000x128xf32, #tpu.memory_space<hbm>>
          tpu.enqueue_indirect_dma source(%dma_start3A_105 : memref<10000x128xf32, #tpu.memory_space<hbm>>) target(%arg11 : memref<128x128xf32, #tpu.memory_space<vmem>>) offsets(%dma_start3A_102 : memref<128xi32, #tpu.memory_space<vmem>>) semaphore(%arg13 : memref<!tpu.dma_semaphore, #tpu.memory_space<semaphore_mem>>)
          %dma_start3A_106 = arith.constant 0 : i32
          %dma_start3A_107 = tpu.memref_slice %arg9[%mul3A_85, %dma_start3A_106] : memref<64x128xi32, #tpu.memory_space<vmem>> -> memref<1x128xi32, #tpu.memory_space<vmem>>
          %dma_start3A_108 = tpu.memref_squeeze %dma_start3A_107 : memref<1x128xi32, #tpu.memory_space<vmem>> -> memref<128xi32, #tpu.memory_space<vmem>>
          %dma_start3A_109 = arith.constant 0 : i32
          %dma_start3A_110 = arith.constant 0 : i32
          %dma_start3A_111 = tpu.memref_slice %arg12[%dma_start3A_109, %dma_start3A_110] : memref<10000x128xf32, #tpu.memory_space<vmem_shared>> -> memref<10000x128xf32, #tpu.memory_space<vmem_shared>>
          tpu.enqueue_indirect_dma source(%arg10 : memref<128x128xf32, #tpu.memory_space<vmem>>) target(%dma_start3A_111 : memref<10000x128xf32, #tpu.memory_space<vmem_shared>>) offsets(%dma_start3A_108 : memref<128xi32, #tpu.memory_space<vmem>>) semaphore(%arg14 : memref<!tpu.dma_semaphore, #tpu.memory_space<semaphore_mem>>) {add = true}
          %dma_wait3A_112 = arith.constant 0 : i32
          %dma_wait3A_113 = tpu.memref_slice %arg8[%add3A_88, %dma_wait3A_112] : memref<64x128xi32, #tpu.memory_space<vmem>> -> memref<1x128xi32, #tpu.memory_space<vmem>>
          %dma_wait3A_114 = tpu.memref_squeeze %dma_wait3A_113 : memref<1x128xi32, #tpu.memory_space<vmem>> -> memref<128xi32, #tpu.memory_space<vmem>>
          %dma_wait3A_115 = arith.constant 0 : i32
          %dma_wait3A_116 = arith.constant 0 : i32
          %dma_wait3A_117 = tpu.memref_slice %arg2[%dma_wait3A_115, %dma_wait3A_116] : memref<10000x128xf32, #tpu.memory_space<hbm>> -> memref<10000x128xf32, #tpu.memory_space<hbm>>
          tpu.wait_indirect_dma semaphore(%arg13 : memref<!tpu.dma_semaphore, #tpu.memory_space<semaphore_mem>>) src(%dma_wait3A_117 : memref<10000x128xf32, #tpu.memory_space<hbm>>) dst(%arg11 : memref<128x128xf32, #tpu.memory_space<vmem>>)
          %dma_wait3A_118 = arith.constant 0 : i32
          %dma_wait3A_119 = tpu.memref_slice %arg9[%mul3A_85, %dma_wait3A_118] : memref<64x128xi32, #tpu.memory_space<vmem>> -> memref<1x128xi32, #tpu.memory_space<vmem>>
          %dma_wait3A_120 = tpu.memref_squeeze %dma_wait3A_119 : memref<1x128xi32, #tpu.memory_space<vmem>> -> memref<128xi32, #tpu.memory_space<vmem>>
          %dma_wait3A_121 = arith.constant 0 : i32
          %dma_wait3A_122 = arith.constant 0 : i32
          %dma_wait3A_123 = tpu.memref_slice %arg12[%dma_wait3A_121, %dma_wait3A_122] : memref<10000x128xf32, #tpu.memory_space<vmem_shared>> -> memref<10000x128xf32, #tpu.memory_space<vmem_shared>>
          tpu.wait_indirect_dma semaphore(%arg14 : memref<!tpu.dma_semaphore, #tpu.memory_space<semaphore_mem>>) src(%arg10 : memref<128x128xf32, #tpu.memory_space<vmem>>) dst(%dma_wait3A_123 : memref<10000x128xf32, #tpu.memory_space<vmem_shared>>)
          %add3A_124 = arith.constant 1 : i32
          %add3A_125 = arith.addi %while3A_83, %add3A_124 : i32
          %lt3A_126 = arith.cmpi slt, %add3A_125, %select_n3A : i32
          %convert_element_type3A_127 = arith.extui %lt3A_126 : i1 to i32
          %cond3A_128 = arith.constant 0 : i32
          %cond3A_129 = arith.cmpi ne, %convert_element_type3A_127, %cond3A_128 : i32
          scf.if %cond3A_129 {
            %add3A_136 = arith.constant 2 : i32
            %add3A_137 = arith.addi %mul3A_85, %add3A_136 : i32
            %dma_start3A_138 = arith.constant 0 : i32
            %dma_start3A_139 = tpu.memref_slice %arg8[%add3A_137, %dma_start3A_138] : memref<64x128xi32, #tpu.memory_space<vmem>> -> memref<1x128xi32, #tpu.memory_space<vmem>>
            %dma_start3A_140 = tpu.memref_squeeze %dma_start3A_139 : memref<1x128xi32, #tpu.memory_space<vmem>> -> memref<128xi32, #tpu.memory_space<vmem>>
            %dma_start3A_141 = arith.constant 0 : i32
            %dma_start3A_142 = arith.constant 0 : i32
            %dma_start3A_143 = tpu.memref_slice %arg2[%dma_start3A_141, %dma_start3A_142] : memref<10000x128xf32, #tpu.memory_space<hbm>> -> memref<10000x128xf32, #tpu.memory_space<hbm>>
            tpu.enqueue_indirect_dma source(%dma_start3A_143 : memref<10000x128xf32, #tpu.memory_space<hbm>>) target(%arg10 : memref<128x128xf32, #tpu.memory_space<vmem>>) offsets(%dma_start3A_140 : memref<128xi32, #tpu.memory_space<vmem>>) semaphore(%arg13 : memref<!tpu.dma_semaphore, #tpu.memory_space<semaphore_mem>>)
          } else {
          }
          %dma_start3A_130 = arith.constant 0 : i32
          %dma_start3A_131 = tpu.memref_slice %arg9[%add3A_88, %dma_start3A_130] : memref<64x128xi32, #tpu.memory_space<vmem>> -> memref<1x128xi32, #tpu.memory_space<vmem>>
          %dma_start3A_132 = tpu.memref_squeeze %dma_start3A_131 : memref<1x128xi32, #tpu.memory_space<vmem>> -> memref<128xi32, #tpu.memory_space<vmem>>
          %dma_start3A_133 = arith.constant 0 : i32
          %dma_start3A_134 = arith.constant 0 : i32
          %dma_start3A_135 = tpu.memref_slice %arg12[%dma_start3A_133, %dma_start3A_134] : memref<10000x128xf32, #tpu.memory_space<vmem_shared>> -> memref<10000x128xf32, #tpu.memory_space<vmem_shared>>
          tpu.enqueue_indirect_dma source(%arg11 : memref<128x128xf32, #tpu.memory_space<vmem>>) target(%dma_start3A_135 : memref<10000x128xf32, #tpu.memory_space<vmem_shared>>) offsets(%dma_start3A_132 : memref<128xi32, #tpu.memory_space<vmem>>) semaphore(%arg15 : memref<!tpu.dma_semaphore, #tpu.memory_space<semaphore_mem>>) {add = true}
        }
        %mul3A_75 = arith.constant 2 : i32
        %mul3A_76 = arith.muli %mul3A_75, %select_n3A : i32
        %sub3A = arith.constant 1 : i32
        %sub3A_77 = arith.subi %mul3A_76, %sub3A : i32
        %dma_wait3A = arith.constant 0 : i32
        %dma_wait3A_78 = tpu.memref_slice %arg9[%sub3A_77, %dma_wait3A] : memref<64x128xi32, #tpu.memory_space<vmem>> -> memref<1x128xi32, #tpu.memory_space<vmem>>
        %dma_wait3A_79 = tpu.memref_squeeze %dma_wait3A_78 : memref<1x128xi32, #tpu.memory_space<vmem>> -> memref<128xi32, #tpu.memory_space<vmem>>
        %dma_wait3A_80 = arith.constant 0 : i32
        %dma_wait3A_81 = arith.constant 0 : i32
        %dma_wait3A_82 = tpu.memref_slice %arg12[%dma_wait3A_80, %dma_wait3A_81] : memref<10000x128xf32, #tpu.memory_space<vmem_shared>> -> memref<10000x128xf32, #tpu.memory_space<vmem_shared>>
        tpu.wait_indirect_dma semaphore(%arg15 : memref<!tpu.dma_semaphore, #tpu.memory_space<semaphore_mem>>) src(%arg11 : memref<128x128xf32, #tpu.memory_space<vmem>>) dst(%dma_wait3A_82 : memref<10000x128xf32, #tpu.memory_space<vmem_shared>>)
      } else {
      }
      %lt3A_34 = arith.constant 15 : i32
      %lt3A_35 = arith.cmpi slt, %arg1, %lt3A_34 : i32
      %convert_element_type3A_36 = arith.extui %lt3A_35 : i1 to i32
      %cond3A_37 = arith.constant 0 : i32
      %cond3A_38 = arith.cmpi ne, %convert_element_type3A_36, %cond3A_37 : i32
      scf.if %cond3A_38 {
        %mul3A_60 = arith.constant 80 : i32
        %mul3A_61 = arith.muli %arg1, %mul3A_60 : i32
        %add3A = arith.constant 64 : i32
        %add3A_62 = arith.addi %mul3A_61, %add3A : i32
        "tpu.region"() ({
          %run_scoped3A = tpu.sem_alloc : memref<!tpu.dma_semaphore, #tpu.memory_space<semaphore_mem>>
          %dma_start3A = arith.constant 0 : i32
          %dma_start3A_67 = arith.constant 0 : i32
          %dma_start3A_68 = tpu.memref_slice %arg8[%dma_start3A, %dma_start3A_67] : memref<64x128xi32, #tpu.memory_space<vmem>> -> memref<16x128xi32, #tpu.memory_space<vmem>>
          %dma_start3A_69 = arith.constant 0 : i32
          %dma_start3A_70 = tpu.memref_slice %arg4[%add3A_62, %dma_start3A_69] : memref<1250x128xi32, #tpu.memory_space<hbm>> -> memref<16x128xi32, #tpu.memory_space<hbm>>
          %dma_start3A_71 = arith.constant 0 : i32
          %dma_start3A_72 = arith.constant 0 : i32
          %dma_start3A_73 = tpu.memref_slice %arg8[%dma_start3A_71, %dma_start3A_72] : memref<64x128xi32, #tpu.memory_space<vmem>> -> memref<16x128xi32, #tpu.memory_space<vmem>>
          %dma_start3A_74 = arith.constant 0 : i32
          %dma_start3A_75 = tpu.memref_slice %arg4[%add3A_62, %dma_start3A_74] : memref<1250x128xi32, #tpu.memory_space<hbm>> -> memref<16x128xi32, #tpu.memory_space<hbm>>
          tpu.enqueue_dma source(%dma_start3A_75 : memref<16x128xi32, #tpu.memory_space<hbm>>) target(%dma_start3A_73 : memref<16x128xi32, #tpu.memory_space<vmem>>) target_semaphore(%run_scoped3A : memref<!tpu.dma_semaphore, #tpu.memory_space<semaphore_mem>>)
          %dma_wait3A = arith.constant 0 : i32
          %dma_wait3A_76 = arith.constant 0 : i32
          %dma_wait3A_77 = tpu.memref_slice %arg8[%dma_wait3A, %dma_wait3A_76] : memref<64x128xi32, #tpu.memory_space<vmem>> -> memref<16x128xi32, #tpu.memory_space<vmem>>
          %dma_wait3A_78 = arith.constant 0 : i32
          %dma_wait3A_79 = tpu.memref_slice %arg4[%add3A_62, %dma_wait3A_78] : memref<1250x128xi32, #tpu.memory_space<hbm>> -> memref<16x128xi32, #tpu.memory_space<hbm>>
          %dma_wait3A_80 = arith.constant 0 : i32
          %dma_wait3A_81 = arith.constant 0 : i32
          %dma_wait3A_82 = tpu.memref_slice %arg8[%dma_wait3A_80, %dma_wait3A_81] : memref<64x128xi32, #tpu.memory_space<vmem>> -> memref<16x128xi32, #tpu.memory_space<vmem>>
          %dma_wait3A_83 = arith.constant 0 : i32
          %dma_wait3A_84 = tpu.memref_slice %arg4[%add3A_62, %dma_wait3A_83] : memref<1250x128xi32, #tpu.memory_space<hbm>> -> memref<16x128xi32, #tpu.memory_space<hbm>>
          tpu.wait_dma2 semaphore(%run_scoped3A : memref<!tpu.dma_semaphore, #tpu.memory_space<semaphore_mem>>) src(%dma_wait3A_84 : memref<16x128xi32, #tpu.memory_space<hbm>>) dst(%dma_wait3A_82 : memref<16x128xi32, #tpu.memory_space<vmem>>)
          tpu.yield
        }) : () -> ()
        %mul3A_63 = arith.constant 80 : i32
        %mul3A_64 = arith.muli %arg1, %mul3A_63 : i32
        %add3A_65 = arith.constant 64 : i32
        %add3A_66 = arith.addi %mul3A_64, %add3A_65 : i32
        "tpu.region"() ({
          %run_scoped3A = tpu.sem_alloc : memref<!tpu.dma_semaphore, #tpu.memory_space<semaphore_mem>>
          %dma_start3A = arith.constant 0 : i32
          %dma_start3A_67 = arith.constant 0 : i32
          %dma_start3A_68 = tpu.memref_slice %arg9[%dma_start3A, %dma_start3A_67] : memref<64x128xi32, #tpu.memory_space<vmem>> -> memref<16x128xi32, #tpu.memory_space<vmem>>
          %dma_start3A_69 = arith.constant 0 : i32
          %dma_start3A_70 = tpu.memref_slice %arg5[%add3A_66, %dma_start3A_69] : memref<1250x128xi32, #tpu.memory_space<hbm>> -> memref<16x128xi32, #tpu.memory_space<hbm>>
          %dma_start3A_71 = arith.constant 0 : i32
          %dma_start3A_72 = arith.constant 0 : i32
          %dma_start3A_73 = tpu.memref_slice %arg9[%dma_start3A_71, %dma_start3A_72] : memref<64x128xi32, #tpu.memory_space<vmem>> -> memref<16x128xi32, #tpu.memory_space<vmem>>
          %dma_start3A_74 = arith.constant 0 : i32
          %dma_start3A_75 = tpu.memref_slice %arg5[%add3A_66, %dma_start3A_74] : memref<1250x128xi32, #tpu.memory_space<hbm>> -> memref<16x128xi32, #tpu.memory_space<hbm>>
          tpu.enqueue_dma source(%dma_start3A_75 : memref<16x128xi32, #tpu.memory_space<hbm>>) target(%dma_start3A_73 : memref<16x128xi32, #tpu.memory_space<vmem>>) target_semaphore(%run_scoped3A : memref<!tpu.dma_semaphore, #tpu.memory_space<semaphore_mem>>)
          %dma_wait3A = arith.constant 0 : i32
          %dma_wait3A_76 = arith.constant 0 : i32
          %dma_wait3A_77 = tpu.memref_slice %arg9[%dma_wait3A, %dma_wait3A_76] : memref<64x128xi32, #tpu.memory_space<vmem>> -> memref<16x128xi32, #tpu.memory_space<vmem>>
          %dma_wait3A_78 = arith.constant 0 : i32
          %dma_wait3A_79 = tpu.memref_slice %arg5[%add3A_66, %dma_wait3A_78] : memref<1250x128xi32, #tpu.memory_space<hbm>> -> memref<16x128xi32, #tpu.memory_space<hbm>>
          %dma_wait3A_80 = arith.constant 0 : i32
          %dma_wait3A_81 = arith.constant 0 : i32
          %dma_wait3A_82 = tpu.memref_slice %arg9[%dma_wait3A_80, %dma_wait3A_81] : memref<64x128xi32, #tpu.memory_space<vmem>> -> memref<16x128xi32, #tpu.memory_space<vmem>>
          %dma_wait3A_83 = arith.constant 0 : i32
          %dma_wait3A_84 = tpu.memref_slice %arg5[%add3A_66, %dma_wait3A_83] : memref<1250x128xi32, #tpu.memory_space<hbm>> -> memref<16x128xi32, #tpu.memory_space<hbm>>
          tpu.wait_dma2 semaphore(%run_scoped3A : memref<!tpu.dma_semaphore, #tpu.memory_space<semaphore_mem>>) src(%dma_wait3A_84 : memref<16x128xi32, #tpu.memory_space<hbm>>) dst(%dma_wait3A_82 : memref<16x128xi32, #tpu.memory_space<vmem>>)
          tpu.yield
        }) : () -> ()
      } else {
      }
      %lt3A_39 = arith.constant 15 : i32
      %lt3A_40 = arith.cmpi slt, %arg1, %lt3A_39 : i32
      %jit3A_41 = arith.constant 8 : i32
      %jit3A_42 = arith.constant 0 : i32
      %select_n3A_43 = arith.select %lt3A_40, %jit3A_41, %jit3A_42 : i32
      %gt3A_44 = arith.constant 0 : i32
      %gt3A_45 = arith.cmpi sgt, %select_n3A_43, %gt3A_44 : i32
      %convert_element_type3A_46 = arith.extui %gt3A_45 : i1 to i32
      %cond3A_47 = arith.constant 0 : i32
      %cond3A_48 = arith.cmpi ne, %convert_element_type3A_46, %cond3A_47 : i32
      scf.if %cond3A_48 {
        %dma_start3A = arith.constant 0 : i32
        %dma_start3A_60 = arith.constant 0 : i32
        %dma_start3A_61 = tpu.memref_slice %arg8[%dma_start3A, %dma_start3A_60] : memref<64x128xi32, #tpu.memory_space<vmem>> -> memref<1x128xi32, #tpu.memory_space<vmem>>
        %dma_start3A_62 = tpu.memref_squeeze %dma_start3A_61 : memref<1x128xi32, #tpu.memory_space<vmem>> -> memref<128xi32, #tpu.memory_space<vmem>>
        %dma_start3A_63 = arith.constant 0 : i32
        %dma_start3A_64 = arith.constant 0 : i32
        %dma_start3A_65 = tpu.memref_slice %arg2[%dma_start3A_63, %dma_start3A_64] : memref<10000x128xf32, #tpu.memory_space<hbm>> -> memref<10000x128xf32, #tpu.memory_space<hbm>>
        tpu.enqueue_indirect_dma source(%dma_start3A_65 : memref<10000x128xf32, #tpu.memory_space<hbm>>) target(%arg10 : memref<128x128xf32, #tpu.memory_space<vmem>>) offsets(%dma_start3A_62 : memref<128xi32, #tpu.memory_space<vmem>>) semaphore(%arg13 : memref<!tpu.dma_semaphore, #tpu.memory_space<semaphore_mem>>)
        %while3A = arith.constant 0 : i32
        %while3A_66 = arith.constant 0 : i32
        %while3A_67 = arith.subi %select_n3A_43, %while3A_66 : i32
        %while3A_68 = arith.addi %while3A_66, %while3A_67 : i32
        %while3A_69 = arith.constant 1 : i32
        %while3A_70 = arith.divsi %while3A_67, %while3A_69 : i32
        %while3A_71 = arith.muli %while3A_70, %while3A_69 : i32
        %while3A_72 = arith.addi %while3A_66, %while3A_71 : i32
        %while3A_73 = arith.constant 1 : i32
        scf.for %while3A_83 = %while3A_66 to %while3A_72 step %while3A_73  : i32 {
          %mul3A_84 = arith.constant 2 : i32
          %mul3A_85 = arith.muli %mul3A_84, %while3A_83 : i32
          %mul3A_86 = arith.constant 2 : i32
          %mul3A_87 = arith.muli %mul3A_86, %while3A_83 : i32
          %add3A = arith.constant 1 : i32
          %add3A_88 = arith.addi %mul3A_87, %add3A : i32
          %dma_wait3A_89 = arith.constant 0 : i32
          %dma_wait3A_90 = tpu.memref_slice %arg8[%mul3A_85, %dma_wait3A_89] : memref<64x128xi32, #tpu.memory_space<vmem>> -> memref<1x128xi32, #tpu.memory_space<vmem>>
          %dma_wait3A_91 = tpu.memref_squeeze %dma_wait3A_90 : memref<1x128xi32, #tpu.memory_space<vmem>> -> memref<128xi32, #tpu.memory_space<vmem>>
          %dma_wait3A_92 = arith.constant 0 : i32
          %dma_wait3A_93 = arith.constant 0 : i32
          %dma_wait3A_94 = tpu.memref_slice %arg2[%dma_wait3A_92, %dma_wait3A_93] : memref<10000x128xf32, #tpu.memory_space<hbm>> -> memref<10000x128xf32, #tpu.memory_space<hbm>>
          tpu.wait_indirect_dma semaphore(%arg13 : memref<!tpu.dma_semaphore, #tpu.memory_space<semaphore_mem>>) src(%dma_wait3A_94 : memref<10000x128xf32, #tpu.memory_space<hbm>>) dst(%arg10 : memref<128x128xf32, #tpu.memory_space<vmem>>)
          %gt3A_95 = arith.constant 0 : i32
          %gt3A_96 = arith.cmpi sgt, %while3A_83, %gt3A_95 : i32
          %convert_element_type3A_97 = arith.extui %gt3A_96 : i1 to i32
          %cond3A_98 = arith.constant 0 : i32
          %cond3A_99 = arith.cmpi ne, %convert_element_type3A_97, %cond3A_98 : i32
          scf.if %cond3A_99 {
            %sub3A_136 = arith.constant 2 : i32
            %sub3A_137 = arith.subi %add3A_88, %sub3A_136 : i32
            %dma_wait3A_138 = arith.constant 0 : i32
            %dma_wait3A_139 = tpu.memref_slice %arg9[%sub3A_137, %dma_wait3A_138] : memref<64x128xi32, #tpu.memory_space<vmem>> -> memref<1x128xi32, #tpu.memory_space<vmem>>
            %dma_wait3A_140 = tpu.memref_squeeze %dma_wait3A_139 : memref<1x128xi32, #tpu.memory_space<vmem>> -> memref<128xi32, #tpu.memory_space<vmem>>
            %dma_wait3A_141 = arith.constant 0 : i32
            %dma_wait3A_142 = arith.constant 0 : i32
            %dma_wait3A_143 = tpu.memref_slice %arg12[%dma_wait3A_141, %dma_wait3A_142] : memref<10000x128xf32, #tpu.memory_space<vmem_shared>> -> memref<10000x128xf32, #tpu.memory_space<vmem_shared>>
            tpu.wait_indirect_dma semaphore(%arg15 : memref<!tpu.dma_semaphore, #tpu.memory_space<semaphore_mem>>) src(%arg11 : memref<128x128xf32, #tpu.memory_space<vmem>>) dst(%dma_wait3A_143 : memref<10000x128xf32, #tpu.memory_space<vmem_shared>>)
          } else {
          }
          %dma_start3A_100 = arith.constant 0 : i32
          %dma_start3A_101 = tpu.memref_slice %arg8[%add3A_88, %dma_start3A_100] : memref<64x128xi32, #tpu.memory_space<vmem>> -> memref<1x128xi32, #tpu.memory_space<vmem>>
          %dma_start3A_102 = tpu.memref_squeeze %dma_start3A_101 : memref<1x128xi32, #tpu.memory_space<vmem>> -> memref<128xi32, #tpu.memory_space<vmem>>
          %dma_start3A_103 = arith.constant 0 : i32
          %dma_start3A_104 = arith.constant 0 : i32
          %dma_start3A_105 = tpu.memref_slice %arg2[%dma_start3A_103, %dma_start3A_104] : memref<10000x128xf32, #tpu.memory_space<hbm>> -> memref<10000x128xf32, #tpu.memory_space<hbm>>
          tpu.enqueue_indirect_dma source(%dma_start3A_105 : memref<10000x128xf32, #tpu.memory_space<hbm>>) target(%arg11 : memref<128x128xf32, #tpu.memory_space<vmem>>) offsets(%dma_start3A_102 : memref<128xi32, #tpu.memory_space<vmem>>) semaphore(%arg13 : memref<!tpu.dma_semaphore, #tpu.memory_space<semaphore_mem>>)
          %dma_start3A_106 = arith.constant 0 : i32
          %dma_start3A_107 = tpu.memref_slice %arg9[%mul3A_85, %dma_start3A_106] : memref<64x128xi32, #tpu.memory_space<vmem>> -> memref<1x128xi32, #tpu.memory_space<vmem>>
          %dma_start3A_108 = tpu.memref_squeeze %dma_start3A_107 : memref<1x128xi32, #tpu.memory_space<vmem>> -> memref<128xi32, #tpu.memory_space<vmem>>
          %dma_start3A_109 = arith.constant 0 : i32
          %dma_start3A_110 = arith.constant 0 : i32
          %dma_start3A_111 = tpu.memref_slice %arg12[%dma_start3A_109, %dma_start3A_110] : memref<10000x128xf32, #tpu.memory_space<vmem_shared>> -> memref<10000x128xf32, #tpu.memory_space<vmem_shared>>
          tpu.enqueue_indirect_dma source(%arg10 : memref<128x128xf32, #tpu.memory_space<vmem>>) target(%dma_start3A_111 : memref<10000x128xf32, #tpu.memory_space<vmem_shared>>) offsets(%dma_start3A_108 : memref<128xi32, #tpu.memory_space<vmem>>) semaphore(%arg14 : memref<!tpu.dma_semaphore, #tpu.memory_space<semaphore_mem>>) {add = true}
          %dma_wait3A_112 = arith.constant 0 : i32
          %dma_wait3A_113 = tpu.memref_slice %arg8[%add3A_88, %dma_wait3A_112] : memref<64x128xi32, #tpu.memory_space<vmem>> -> memref<1x128xi32, #tpu.memory_space<vmem>>
          %dma_wait3A_114 = tpu.memref_squeeze %dma_wait3A_113 : memref<1x128xi32, #tpu.memory_space<vmem>> -> memref<128xi32, #tpu.memory_space<vmem>>
          %dma_wait3A_115 = arith.constant 0 : i32
          %dma_wait3A_116 = arith.constant 0 : i32
          %dma_wait3A_117 = tpu.memref_slice %arg2[%dma_wait3A_115, %dma_wait3A_116] : memref<10000x128xf32, #tpu.memory_space<hbm>> -> memref<10000x128xf32, #tpu.memory_space<hbm>>
          tpu.wait_indirect_dma semaphore(%arg13 : memref<!tpu.dma_semaphore, #tpu.memory_space<semaphore_mem>>) src(%dma_wait3A_117 : memref<10000x128xf32, #tpu.memory_space<hbm>>) dst(%arg11 : memref<128x128xf32, #tpu.memory_space<vmem>>)
          %dma_wait3A_118 = arith.constant 0 : i32
          %dma_wait3A_119 = tpu.memref_slice %arg9[%mul3A_85, %dma_wait3A_118] : memref<64x128xi32, #tpu.memory_space<vmem>> -> memref<1x128xi32, #tpu.memory_space<vmem>>
          %dma_wait3A_120 = tpu.memref_squeeze %dma_wait3A_119 : memref<1x128xi32, #tpu.memory_space<vmem>> -> memref<128xi32, #tpu.memory_space<vmem>>
          %dma_wait3A_121 = arith.constant 0 : i32
          %dma_wait3A_122 = arith.constant 0 : i32
          %dma_wait3A_123 = tpu.memref_slice %arg12[%dma_wait3A_121, %dma_wait3A_122] : memref<10000x128xf32, #tpu.memory_space<vmem_shared>> -> memref<10000x128xf32, #tpu.memory_space<vmem_shared>>
          tpu.wait_indirect_dma semaphore(%arg14 : memref<!tpu.dma_semaphore, #tpu.memory_space<semaphore_mem>>) src(%arg10 : memref<128x128xf32, #tpu.memory_space<vmem>>) dst(%dma_wait3A_123 : memref<10000x128xf32, #tpu.memory_space<vmem_shared>>)
          %add3A_124 = arith.constant 1 : i32
          %add3A_125 = arith.addi %while3A_83, %add3A_124 : i32
          %lt3A_126 = arith.cmpi slt, %add3A_125, %select_n3A_43 : i32
          %convert_element_type3A_127 = arith.extui %lt3A_126 : i1 to i32
          %cond3A_128 = arith.constant 0 : i32
          %cond3A_129 = arith.cmpi ne, %convert_element_type3A_127, %cond3A_128 : i32
          scf.if %cond3A_129 {
            %add3A_136 = arith.constant 2 : i32
            %add3A_137 = arith.addi %mul3A_85, %add3A_136 : i32
            %dma_start3A_138 = arith.constant 0 : i32
            %dma_start3A_139 = tpu.memref_slice %arg8[%add3A_137, %dma_start3A_138] : memref<64x128xi32, #tpu.memory_space<vmem>> -> memref<1x128xi32, #tpu.memory_space<vmem>>
            %dma_start3A_140 = tpu.memref_squeeze %dma_start3A_139 : memref<1x128xi32, #tpu.memory_space<vmem>> -> memref<128xi32, #tpu.memory_space<vmem>>
            %dma_start3A_141 = arith.constant 0 : i32
            %dma_start3A_142 = arith.constant 0 : i32
            %dma_start3A_143 = tpu.memref_slice %arg2[%dma_start3A_141, %dma_start3A_142] : memref<10000x128xf32, #tpu.memory_space<hbm>> -> memref<10000x128xf32, #tpu.memory_space<hbm>>
            tpu.enqueue_indirect_dma source(%dma_start3A_143 : memref<10000x128xf32, #tpu.memory_space<hbm>>) target(%arg10 : memref<128x128xf32, #tpu.memory_space<vmem>>) offsets(%dma_start3A_140 : memref<128xi32, #tpu.memory_space<vmem>>) semaphore(%arg13 : memref<!tpu.dma_semaphore, #tpu.memory_space<semaphore_mem>>)
          } else {
          }
          %dma_start3A_130 = arith.constant 0 : i32
          %dma_start3A_131 = tpu.memref_slice %arg9[%add3A_88, %dma_start3A_130] : memref<64x128xi32, #tpu.memory_space<vmem>> -> memref<1x128xi32, #tpu.memory_space<vmem>>
          %dma_start3A_132 = tpu.memref_squeeze %dma_start3A_131 : memref<1x128xi32, #tpu.memory_space<vmem>> -> memref<128xi32, #tpu.memory_space<vmem>>
          %dma_start3A_133 = arith.constant 0 : i32
          %dma_start3A_134 = arith.constant 0 : i32
          %dma_start3A_135 = tpu.memref_slice %arg12[%dma_start3A_133, %dma_start3A_134] : memref<10000x128xf32, #tpu.memory_space<vmem_shared>> -> memref<10000x128xf32, #tpu.memory_space<vmem_shared>>
          tpu.enqueue_indirect_dma source(%arg11 : memref<128x128xf32, #tpu.memory_space<vmem>>) target(%dma_start3A_135 : memref<10000x128xf32, #tpu.memory_space<vmem_shared>>) offsets(%dma_start3A_132 : memref<128xi32, #tpu.memory_space<vmem>>) semaphore(%arg15 : memref<!tpu.dma_semaphore, #tpu.memory_space<semaphore_mem>>) {add = true}
        }
        %while3A_74 = arith.constant 1 : i32
        scf.for %while3A_83 = %while3A_72 to %while3A_68 step %while3A_74  : i32 {
          %mul3A_84 = arith.constant 2 : i32
          %mul3A_85 = arith.muli %mul3A_84, %while3A_83 : i32
          %mul3A_86 = arith.constant 2 : i32
          %mul3A_87 = arith.muli %mul3A_86, %while3A_83 : i32
          %add3A = arith.constant 1 : i32
          %add3A_88 = arith.addi %mul3A_87, %add3A : i32
          %dma_wait3A_89 = arith.constant 0 : i32
          %dma_wait3A_90 = tpu.memref_slice %arg8[%mul3A_85, %dma_wait3A_89] : memref<64x128xi32, #tpu.memory_space<vmem>> -> memref<1x128xi32, #tpu.memory_space<vmem>>
          %dma_wait3A_91 = tpu.memref_squeeze %dma_wait3A_90 : memref<1x128xi32, #tpu.memory_space<vmem>> -> memref<128xi32, #tpu.memory_space<vmem>>
          %dma_wait3A_92 = arith.constant 0 : i32
          %dma_wait3A_93 = arith.constant 0 : i32
          %dma_wait3A_94 = tpu.memref_slice %arg2[%dma_wait3A_92, %dma_wait3A_93] : memref<10000x128xf32, #tpu.memory_space<hbm>> -> memref<10000x128xf32, #tpu.memory_space<hbm>>
          tpu.wait_indirect_dma semaphore(%arg13 : memref<!tpu.dma_semaphore, #tpu.memory_space<semaphore_mem>>) src(%dma_wait3A_94 : memref<10000x128xf32, #tpu.memory_space<hbm>>) dst(%arg10 : memref<128x128xf32, #tpu.memory_space<vmem>>)
          %gt3A_95 = arith.constant 0 : i32
          %gt3A_96 = arith.cmpi sgt, %while3A_83, %gt3A_95 : i32
          %convert_element_type3A_97 = arith.extui %gt3A_96 : i1 to i32
          %cond3A_98 = arith.constant 0 : i32
          %cond3A_99 = arith.cmpi ne, %convert_element_type3A_97, %cond3A_98 : i32
          scf.if %cond3A_99 {
            %sub3A_136 = arith.constant 2 : i32
            %sub3A_137 = arith.subi %add3A_88, %sub3A_136 : i32
            %dma_wait3A_138 = arith.constant 0 : i32
            %dma_wait3A_139 = tpu.memref_slice %arg9[%sub3A_137, %dma_wait3A_138] : memref<64x128xi32, #tpu.memory_space<vmem>> -> memref<1x128xi32, #tpu.memory_space<vmem>>
            %dma_wait3A_140 = tpu.memref_squeeze %dma_wait3A_139 : memref<1x128xi32, #tpu.memory_space<vmem>> -> memref<128xi32, #tpu.memory_space<vmem>>
            %dma_wait3A_141 = arith.constant 0 : i32
            %dma_wait3A_142 = arith.constant 0 : i32
            %dma_wait3A_143 = tpu.memref_slice %arg12[%dma_wait3A_141, %dma_wait3A_142] : memref<10000x128xf32, #tpu.memory_space<vmem_shared>> -> memref<10000x128xf32, #tpu.memory_space<vmem_shared>>
            tpu.wait_indirect_dma semaphore(%arg15 : memref<!tpu.dma_semaphore, #tpu.memory_space<semaphore_mem>>) src(%arg11 : memref<128x128xf32, #tpu.memory_space<vmem>>) dst(%dma_wait3A_143 : memref<10000x128xf32, #tpu.memory_space<vmem_shared>>)
          } else {
          }
          %dma_start3A_100 = arith.constant 0 : i32
          %dma_start3A_101 = tpu.memref_slice %arg8[%add3A_88, %dma_start3A_100] : memref<64x128xi32, #tpu.memory_space<vmem>> -> memref<1x128xi32, #tpu.memory_space<vmem>>
          %dma_start3A_102 = tpu.memref_squeeze %dma_start3A_101 : memref<1x128xi32, #tpu.memory_space<vmem>> -> memref<128xi32, #tpu.memory_space<vmem>>
          %dma_start3A_103 = arith.constant 0 : i32
          %dma_start3A_104 = arith.constant 0 : i32
          %dma_start3A_105 = tpu.memref_slice %arg2[%dma_start3A_103, %dma_start3A_104] : memref<10000x128xf32, #tpu.memory_space<hbm>> -> memref<10000x128xf32, #tpu.memory_space<hbm>>
          tpu.enqueue_indirect_dma source(%dma_start3A_105 : memref<10000x128xf32, #tpu.memory_space<hbm>>) target(%arg11 : memref<128x128xf32, #tpu.memory_space<vmem>>) offsets(%dma_start3A_102 : memref<128xi32, #tpu.memory_space<vmem>>) semaphore(%arg13 : memref<!tpu.dma_semaphore, #tpu.memory_space<semaphore_mem>>)
          %dma_start3A_106 = arith.constant 0 : i32
          %dma_start3A_107 = tpu.memref_slice %arg9[%mul3A_85, %dma_start3A_106] : memref<64x128xi32, #tpu.memory_space<vmem>> -> memref<1x128xi32, #tpu.memory_space<vmem>>
          %dma_start3A_108 = tpu.memref_squeeze %dma_start3A_107 : memref<1x128xi32, #tpu.memory_space<vmem>> -> memref<128xi32, #tpu.memory_space<vmem>>
          %dma_start3A_109 = arith.constant 0 : i32
          %dma_start3A_110 = arith.constant 0 : i32
          %dma_start3A_111 = tpu.memref_slice %arg12[%dma_start3A_109, %dma_start3A_110] : memref<10000x128xf32, #tpu.memory_space<vmem_shared>> -> memref<10000x128xf32, #tpu.memory_space<vmem_shared>>
          tpu.enqueue_indirect_dma source(%arg10 : memref<128x128xf32, #tpu.memory_space<vmem>>) target(%dma_start3A_111 : memref<10000x128xf32, #tpu.memory_space<vmem_shared>>) offsets(%dma_start3A_108 : memref<128xi32, #tpu.memory_space<vmem>>) semaphore(%arg14 : memref<!tpu.dma_semaphore, #tpu.memory_space<semaphore_mem>>) {add = true}
          %dma_wait3A_112 = arith.constant 0 : i32
          %dma_wait3A_113 = tpu.memref_slice %arg8[%add3A_88, %dma_wait3A_112] : memref<64x128xi32, #tpu.memory_space<vmem>> -> memref<1x128xi32, #tpu.memory_space<vmem>>
          %dma_wait3A_114 = tpu.memref_squeeze %dma_wait3A_113 : memref<1x128xi32, #tpu.memory_space<vmem>> -> memref<128xi32, #tpu.memory_space<vmem>>
          %dma_wait3A_115 = arith.constant 0 : i32
          %dma_wait3A_116 = arith.constant 0 : i32
          %dma_wait3A_117 = tpu.memref_slice %arg2[%dma_wait3A_115, %dma_wait3A_116] : memref<10000x128xf32, #tpu.memory_space<hbm>> -> memref<10000x128xf32, #tpu.memory_space<hbm>>
          tpu.wait_indirect_dma semaphore(%arg13 : memref<!tpu.dma_semaphore, #tpu.memory_space<semaphore_mem>>) src(%dma_wait3A_117 : memref<10000x128xf32, #tpu.memory_space<hbm>>) dst(%arg11 : memref<128x128xf32, #tpu.memory_space<vmem>>)
          %dma_wait3A_118 = arith.constant 0 : i32
          %dma_wait3A_119 = tpu.memref_slice %arg9[%mul3A_85, %dma_wait3A_118] : memref<64x128xi32, #tpu.memory_space<vmem>> -> memref<1x128xi32, #tpu.memory_space<vmem>>
          %dma_wait3A_120 = tpu.memref_squeeze %dma_wait3A_119 : memref<1x128xi32, #tpu.memory_space<vmem>> -> memref<128xi32, #tpu.memory_space<vmem>>
          %dma_wait3A_121 = arith.constant 0 : i32
          %dma_wait3A_122 = arith.constant 0 : i32
          %dma_wait3A_123 = tpu.memref_slice %arg12[%dma_wait3A_121, %dma_wait3A_122] : memref<10000x128xf32, #tpu.memory_space<vmem_shared>> -> memref<10000x128xf32, #tpu.memory_space<vmem_shared>>
          tpu.wait_indirect_dma semaphore(%arg14 : memref<!tpu.dma_semaphore, #tpu.memory_space<semaphore_mem>>) src(%arg10 : memref<128x128xf32, #tpu.memory_space<vmem>>) dst(%dma_wait3A_123 : memref<10000x128xf32, #tpu.memory_space<vmem_shared>>)
          %add3A_124 = arith.constant 1 : i32
          %add3A_125 = arith.addi %while3A_83, %add3A_124 : i32
          %lt3A_126 = arith.cmpi slt, %add3A_125, %select_n3A_43 : i32
          %convert_element_type3A_127 = arith.extui %lt3A_126 : i1 to i32
          %cond3A_128 = arith.constant 0 : i32
          %cond3A_129 = arith.cmpi ne, %convert_element_type3A_127, %cond3A_128 : i32
          scf.if %cond3A_129 {
            %add3A_136 = arith.constant 2 : i32
            %add3A_137 = arith.addi %mul3A_85, %add3A_136 : i32
            %dma_start3A_138 = arith.constant 0 : i32
            %dma_start3A_139 = tpu.memref_slice %arg8[%add3A_137, %dma_start3A_138] : memref<64x128xi32, #tpu.memory_space<vmem>> -> memref<1x128xi32, #tpu.memory_space<vmem>>
            %dma_start3A_140 = tpu.memref_squeeze %dma_start3A_139 : memref<1x128xi32, #tpu.memory_space<vmem>> -> memref<128xi32, #tpu.memory_space<vmem>>
            %dma_start3A_141 = arith.constant 0 : i32
            %dma_start3A_142 = arith.constant 0 : i32
            %dma_start3A_143 = tpu.memref_slice %arg2[%dma_start3A_141, %dma_start3A_142] : memref<10000x128xf32, #tpu.memory_space<hbm>> -> memref<10000x128xf32, #tpu.memory_space<hbm>>
            tpu.enqueue_indirect_dma source(%dma_start3A_143 : memref<10000x128xf32, #tpu.memory_space<hbm>>) target(%arg10 : memref<128x128xf32, #tpu.memory_space<vmem>>) offsets(%dma_start3A_140 : memref<128xi32, #tpu.memory_space<vmem>>) semaphore(%arg13 : memref<!tpu.dma_semaphore, #tpu.memory_space<semaphore_mem>>)
          } else {
          }
          %dma_start3A_130 = arith.constant 0 : i32
          %dma_start3A_131 = tpu.memref_slice %arg9[%add3A_88, %dma_start3A_130] : memref<64x128xi32, #tpu.memory_space<vmem>> -> memref<1x128xi32, #tpu.memory_space<vmem>>
          %dma_start3A_132 = tpu.memref_squeeze %dma_start3A_131 : memref<1x128xi32, #tpu.memory_space<vmem>> -> memref<128xi32, #tpu.memory_space<vmem>>
          %dma_start3A_133 = arith.constant 0 : i32
          %dma_start3A_134 = arith.constant 0 : i32
          %dma_start3A_135 = tpu.memref_slice %arg12[%dma_start3A_133, %dma_start3A_134] : memref<10000x128xf32, #tpu.memory_space<vmem_shared>> -> memref<10000x128xf32, #tpu.memory_space<vmem_shared>>
          tpu.enqueue_indirect_dma source(%arg11 : memref<128x128xf32, #tpu.memory_space<vmem>>) target(%dma_start3A_135 : memref<10000x128xf32, #tpu.memory_space<vmem_shared>>) offsets(%dma_start3A_132 : memref<128xi32, #tpu.memory_space<vmem>>) semaphore(%arg15 : memref<!tpu.dma_semaphore, #tpu.memory_space<semaphore_mem>>) {add = true}
        }
        %mul3A_75 = arith.constant 2 : i32
        %mul3A_76 = arith.muli %mul3A_75, %select_n3A_43 : i32
        %sub3A = arith.constant 1 : i32
        %sub3A_77 = arith.subi %mul3A_76, %sub3A : i32
        %dma_wait3A = arith.constant 0 : i32
        %dma_wait3A_78 = tpu.memref_slice %arg9[%sub3A_77, %dma_wait3A] : memref<64x128xi32, #tpu.memory_space<vmem>> -> memref<1x128xi32, #tpu.memory_space<vmem>>
        %dma_wait3A_79 = tpu.memref_squeeze %dma_wait3A_78 : memref<1x128xi32, #tpu.memory_space<vmem>> -> memref<128xi32, #tpu.memory_space<vmem>>
        %dma_wait3A_80 = arith.constant 0 : i32
        %dma_wait3A_81 = arith.constant 0 : i32
        %dma_wait3A_82 = tpu.memref_slice %arg12[%dma_wait3A_80, %dma_wait3A_81] : memref<10000x128xf32, #tpu.memory_space<vmem_shared>> -> memref<10000x128xf32, #tpu.memory_space<vmem_shared>>
        tpu.wait_indirect_dma semaphore(%arg15 : memref<!tpu.dma_semaphore, #tpu.memory_space<semaphore_mem>>) src(%arg11 : memref<128x128xf32, #tpu.memory_space<vmem>>) dst(%dma_wait3A_82 : memref<10000x128xf32, #tpu.memory_space<vmem_shared>>)
      } else {
      }
      %barrier3A_49 = arith.constant 0 : index
      tpu.barrier barrier_id(%barrier3A_49)
      %lt3A_50 = arith.constant 15 : i32
      %lt3A_51 = arith.cmpi slt, %arg1, %lt3A_50 : i32
      %convert_element_type3A_52 = arith.extui %lt3A_51 : i1 to i32
      %cond3A_53 = arith.constant 0 : i32
      %cond3A_54 = arith.cmpi ne, %convert_element_type3A_52, %cond3A_53 : i32
      scf.if %cond3A_54 {
        "tpu.region"() ({
          %run_scoped3A = tpu.sem_alloc : memref<!tpu.dma_semaphore, #tpu.memory_space<semaphore_mem>>
          %dma_start3A = arith.constant 0 : i32
          %dma_start3A_60 = tpu.memref_slice %arg6[%mul3A_0, %dma_start3A] : memref<10000x128xf32, #tpu.memory_space<hbm>> -> memref<632x128xf32, #tpu.memory_space<hbm>>
          %dma_start3A_61 = arith.constant 0 : i32
          %dma_start3A_62 = tpu.memref_slice %arg12[%mul3A_0, %dma_start3A_61] : memref<10000x128xf32, #tpu.memory_space<vmem_shared>> -> memref<632x128xf32, #tpu.memory_space<vmem_shared>>
          tpu.enqueue_dma source(%dma_start3A_62 : memref<632x128xf32, #tpu.memory_space<vmem_shared>>) target(%dma_start3A_60 : memref<632x128xf32, #tpu.memory_space<hbm>>) target_semaphore(%run_scoped3A : memref<!tpu.dma_semaphore, #tpu.memory_space<semaphore_mem>>)
          %dma_wait3A = arith.constant 0 : i32
          %dma_wait3A_63 = tpu.memref_slice %arg6[%mul3A_0, %dma_wait3A] : memref<10000x128xf32, #tpu.memory_space<hbm>> -> memref<632x128xf32, #tpu.memory_space<hbm>>
          %dma_wait3A_64 = arith.constant 0 : i32
          %dma_wait3A_65 = tpu.memref_slice %arg12[%mul3A_0, %dma_wait3A_64] : memref<10000x128xf32, #tpu.memory_space<vmem_shared>> -> memref<632x128xf32, #tpu.memory_space<vmem_shared>>
          tpu.wait_dma2 semaphore(%run_scoped3A : memref<!tpu.dma_semaphore, #tpu.memory_space<semaphore_mem>>) src(%dma_wait3A_65 : memref<632x128xf32, #tpu.memory_space<vmem_shared>>) dst(%dma_wait3A_63 : memref<632x128xf32, #tpu.memory_space<hbm>>)
          tpu.yield
        }) : () -> ()
      } else {
      }
      %eq3A_55 = arith.constant 15 : i32
      %eq3A_56 = arith.cmpi eq, %arg1, %eq3A_55 : i32
      %convert_element_type3A_57 = arith.extui %eq3A_56 : i1 to i32
      %cond3A_58 = arith.constant 0 : i32
      %cond3A_59 = arith.cmpi ne, %convert_element_type3A_57, %cond3A_58 : i32
      scf.if %cond3A_59 {
        "tpu.region"() ({
          %run_scoped3A = tpu.sem_alloc : memref<!tpu.dma_semaphore, #tpu.memory_space<semaphore_mem>>
          %dma_start3A = arith.constant 9480 : i32
          %dma_start3A_60 = arith.constant 0 : i32
          %dma_start3A_61 = tpu.memref_slice %arg6[%dma_start3A, %dma_start3A_60] : memref<10000x128xf32, #tpu.memory_space<hbm>> -> memref<520x128xf32, #tpu.memory_space<hbm>>
          %dma_start3A_62 = arith.constant 9480 : i32
          %dma_start3A_63 = arith.constant 0 : i32
          %dma_start3A_64 = tpu.memref_slice %arg12[%dma_start3A_62, %dma_start3A_63] : memref<10000x128xf32, #tpu.memory_space<vmem_shared>> -> memref<520x128xf32, #tpu.memory_space<vmem_shared>>
          tpu.enqueue_dma source(%dma_start3A_64 : memref<520x128xf32, #tpu.memory_space<vmem_shared>>) target(%dma_start3A_61 : memref<520x128xf32, #tpu.memory_space<hbm>>) target_semaphore(%run_scoped3A : memref<!tpu.dma_semaphore, #tpu.memory_space<semaphore_mem>>)
          %dma_wait3A = arith.constant 9480 : i32
          %dma_wait3A_65 = arith.constant 0 : i32
          %dma_wait3A_66 = tpu.memref_slice %arg6[%dma_wait3A, %dma_wait3A_65] : memref<10000x128xf32, #tpu.memory_space<hbm>> -> memref<520x128xf32, #tpu.memory_space<hbm>>
          %dma_wait3A_67 = arith.constant 9480 : i32
          %dma_wait3A_68 = arith.constant 0 : i32
          %dma_wait3A_69 = tpu.memref_slice %arg12[%dma_wait3A_67, %dma_wait3A_68] : memref<10000x128xf32, #tpu.memory_space<vmem_shared>> -> memref<520x128xf32, #tpu.memory_space<vmem_shared>>
          tpu.wait_dma2 semaphore(%run_scoped3A : memref<!tpu.dma_semaphore, #tpu.memory_space<semaphore_mem>>) src(%dma_wait3A_69 : memref<520x128xf32, #tpu.memory_space<vmem_shared>>) dst(%dma_wait3A_66 : memref<520x128xf32, #tpu.memory_space<hbm>>)
          tpu.yield
        }) : () -> ()
      } else {
      }
    } else {
    }
    %eq3A_3 = arith.constant 1 : i32
    %eq3A_4 = arith.cmpi eq, %arg0, %eq3A_3 : i32
    %convert_element_type3A_5 = arith.extui %eq3A_4 : i1 to i32
    %cond3A_6 = arith.constant 0 : i32
    %cond3A_7 = arith.cmpi ne, %convert_element_type3A_5, %cond3A_6 : i32
    scf.if %cond3A_7 {
      %lt3A = arith.constant 15 : i32
      %lt3A_8 = arith.cmpi slt, %arg1, %lt3A : i32
      %convert_element_type3A_9 = arith.extui %lt3A_8 : i1 to i32
      %cond3A_10 = arith.constant 0 : i32
      %cond3A_11 = arith.cmpi ne, %convert_element_type3A_9, %cond3A_10 : i32
      scf.if %cond3A_11 {
        "tpu.region"() ({
          %run_scoped3A = tpu.sem_alloc : memref<!tpu.dma_semaphore, #tpu.memory_space<semaphore_mem>>
          %dma_start3A = arith.constant 0 : i32
          %dma_start3A_60 = tpu.memref_slice %arg12[%mul3A_0, %dma_start3A] : memref<10000x128xf32, #tpu.memory_space<vmem_shared>> -> memref<632x128xf32, #tpu.memory_space<vmem_shared>>
          %dma_start3A_61 = arith.constant 0 : i32
          %dma_start3A_62 = tpu.memref_slice %arg3[%mul3A_0, %dma_start3A_61] : memref<10000x128xf32, #tpu.memory_space<hbm>> -> memref<632x128xf32, #tpu.memory_space<hbm>>
          tpu.enqueue_dma source(%dma_start3A_62 : memref<632x128xf32, #tpu.memory_space<hbm>>) target(%dma_start3A_60 : memref<632x128xf32, #tpu.memory_space<vmem_shared>>) target_semaphore(%run_scoped3A : memref<!tpu.dma_semaphore, #tpu.memory_space<semaphore_mem>>)
          %dma_wait3A = arith.constant 0 : i32
          %dma_wait3A_63 = tpu.memref_slice %arg12[%mul3A_0, %dma_wait3A] : memref<10000x128xf32, #tpu.memory_space<vmem_shared>> -> memref<632x128xf32, #tpu.memory_space<vmem_shared>>
          %dma_wait3A_64 = arith.constant 0 : i32
          %dma_wait3A_65 = tpu.memref_slice %arg3[%mul3A_0, %dma_wait3A_64] : memref<10000x128xf32, #tpu.memory_space<hbm>> -> memref<632x128xf32, #tpu.memory_space<hbm>>
          tpu.wait_dma2 semaphore(%run_scoped3A : memref<!tpu.dma_semaphore, #tpu.memory_space<semaphore_mem>>) src(%dma_wait3A_65 : memref<632x128xf32, #tpu.memory_space<hbm>>) dst(%dma_wait3A_63 : memref<632x128xf32, #tpu.memory_space<vmem_shared>>)
          tpu.yield
        }) : () -> ()
      } else {
      }
      %eq3A_12 = arith.constant 15 : i32
      %eq3A_13 = arith.cmpi eq, %arg1, %eq3A_12 : i32
      %convert_element_type3A_14 = arith.extui %eq3A_13 : i1 to i32
      %cond3A_15 = arith.constant 0 : i32
      %cond3A_16 = arith.cmpi ne, %convert_element_type3A_14, %cond3A_15 : i32
      scf.if %cond3A_16 {
        "tpu.region"() ({
          %run_scoped3A = tpu.sem_alloc : memref<!tpu.dma_semaphore, #tpu.memory_space<semaphore_mem>>
          %dma_start3A = arith.constant 9480 : i32
          %dma_start3A_60 = arith.constant 0 : i32
          %dma_start3A_61 = tpu.memref_slice %arg12[%dma_start3A, %dma_start3A_60] : memref<10000x128xf32, #tpu.memory_space<vmem_shared>> -> memref<520x128xf32, #tpu.memory_space<vmem_shared>>
          %dma_start3A_62 = arith.constant 9480 : i32
          %dma_start3A_63 = arith.constant 0 : i32
          %dma_start3A_64 = tpu.memref_slice %arg3[%dma_start3A_62, %dma_start3A_63] : memref<10000x128xf32, #tpu.memory_space<hbm>> -> memref<520x128xf32, #tpu.memory_space<hbm>>
          tpu.enqueue_dma source(%dma_start3A_64 : memref<520x128xf32, #tpu.memory_space<hbm>>) target(%dma_start3A_61 : memref<520x128xf32, #tpu.memory_space<vmem_shared>>) target_semaphore(%run_scoped3A : memref<!tpu.dma_semaphore, #tpu.memory_space<semaphore_mem>>)
          %dma_wait3A = arith.constant 9480 : i32
          %dma_wait3A_65 = arith.constant 0 : i32
          %dma_wait3A_66 = tpu.memref_slice %arg12[%dma_wait3A, %dma_wait3A_65] : memref<10000x128xf32, #tpu.memory_space<vmem_shared>> -> memref<520x128xf32, #tpu.memory_space<vmem_shared>>
          %dma_wait3A_67 = arith.constant 9480 : i32
          %dma_wait3A_68 = arith.constant 0 : i32
          %dma_wait3A_69 = tpu.memref_slice %arg3[%dma_wait3A_67, %dma_wait3A_68] : memref<10000x128xf32, #tpu.memory_space<hbm>> -> memref<520x128xf32, #tpu.memory_space<hbm>>
          tpu.wait_dma2 semaphore(%run_scoped3A : memref<!tpu.dma_semaphore, #tpu.memory_space<semaphore_mem>>) src(%dma_wait3A_69 : memref<520x128xf32, #tpu.memory_space<hbm>>) dst(%dma_wait3A_66 : memref<520x128xf32, #tpu.memory_space<vmem_shared>>)
          tpu.yield
        }) : () -> ()
      } else {
      }
      %barrier3A = arith.constant 0 : index
      tpu.barrier barrier_id(%barrier3A)
      %lt3A_17 = arith.constant 15 : i32
      %lt3A_18 = arith.cmpi slt, %arg1, %lt3A_17 : i32
      %convert_element_type3A_19 = arith.extui %lt3A_18 : i1 to i32
      %cond3A_20 = arith.constant 0 : i32
      %cond3A_21 = arith.cmpi ne, %convert_element_type3A_19, %cond3A_20 : i32
      scf.if %cond3A_21 {
        %mul3A_60 = arith.constant 80 : i32
        %mul3A_61 = arith.muli %arg1, %mul3A_60 : i32
        "tpu.region"() ({
          %run_scoped3A = tpu.sem_alloc : memref<!tpu.dma_semaphore, #tpu.memory_space<semaphore_mem>>
          %dma_start3A = arith.constant 0 : i32
          %dma_start3A_64 = tpu.memref_slice %arg4[%mul3A_61, %dma_start3A] : memref<1250x128xi32, #tpu.memory_space<hbm>> -> memref<64x128xi32, #tpu.memory_space<hbm>>
          %dma_start3A_65 = arith.constant 0 : i32
          %dma_start3A_66 = tpu.memref_slice %arg4[%mul3A_61, %dma_start3A_65] : memref<1250x128xi32, #tpu.memory_space<hbm>> -> memref<64x128xi32, #tpu.memory_space<hbm>>
          tpu.enqueue_dma source(%dma_start3A_66 : memref<64x128xi32, #tpu.memory_space<hbm>>) target(%arg8 : memref<64x128xi32, #tpu.memory_space<vmem>>) target_semaphore(%run_scoped3A : memref<!tpu.dma_semaphore, #tpu.memory_space<semaphore_mem>>)
          %dma_wait3A = arith.constant 0 : i32
          %dma_wait3A_67 = tpu.memref_slice %arg4[%mul3A_61, %dma_wait3A] : memref<1250x128xi32, #tpu.memory_space<hbm>> -> memref<64x128xi32, #tpu.memory_space<hbm>>
          %dma_wait3A_68 = arith.constant 0 : i32
          %dma_wait3A_69 = tpu.memref_slice %arg4[%mul3A_61, %dma_wait3A_68] : memref<1250x128xi32, #tpu.memory_space<hbm>> -> memref<64x128xi32, #tpu.memory_space<hbm>>
          tpu.wait_dma2 semaphore(%run_scoped3A : memref<!tpu.dma_semaphore, #tpu.memory_space<semaphore_mem>>) src(%dma_wait3A_69 : memref<64x128xi32, #tpu.memory_space<hbm>>) dst(%arg8 : memref<64x128xi32, #tpu.memory_space<vmem>>)
          tpu.yield
        }) : () -> ()
        %mul3A_62 = arith.constant 80 : i32
        %mul3A_63 = arith.muli %arg1, %mul3A_62 : i32
        "tpu.region"() ({
          %run_scoped3A = tpu.sem_alloc : memref<!tpu.dma_semaphore, #tpu.memory_space<semaphore_mem>>
          %dma_start3A = arith.constant 0 : i32
          %dma_start3A_64 = tpu.memref_slice %arg5[%mul3A_63, %dma_start3A] : memref<1250x128xi32, #tpu.memory_space<hbm>> -> memref<64x128xi32, #tpu.memory_space<hbm>>
          %dma_start3A_65 = arith.constant 0 : i32
          %dma_start3A_66 = tpu.memref_slice %arg5[%mul3A_63, %dma_start3A_65] : memref<1250x128xi32, #tpu.memory_space<hbm>> -> memref<64x128xi32, #tpu.memory_space<hbm>>
          tpu.enqueue_dma source(%dma_start3A_66 : memref<64x128xi32, #tpu.memory_space<hbm>>) target(%arg9 : memref<64x128xi32, #tpu.memory_space<vmem>>) target_semaphore(%run_scoped3A : memref<!tpu.dma_semaphore, #tpu.memory_space<semaphore_mem>>)
          %dma_wait3A = arith.constant 0 : i32
          %dma_wait3A_67 = tpu.memref_slice %arg5[%mul3A_63, %dma_wait3A] : memref<1250x128xi32, #tpu.memory_space<hbm>> -> memref<64x128xi32, #tpu.memory_space<hbm>>
          %dma_wait3A_68 = arith.constant 0 : i32
          %dma_wait3A_69 = tpu.memref_slice %arg5[%mul3A_63, %dma_wait3A_68] : memref<1250x128xi32, #tpu.memory_space<hbm>> -> memref<64x128xi32, #tpu.memory_space<hbm>>
          tpu.wait_dma2 semaphore(%run_scoped3A : memref<!tpu.dma_semaphore, #tpu.memory_space<semaphore_mem>>) src(%dma_wait3A_69 : memref<64x128xi32, #tpu.memory_space<hbm>>) dst(%arg9 : memref<64x128xi32, #tpu.memory_space<vmem>>)
          tpu.yield
        }) : () -> ()
      } else {
      }
      %eq3A_22 = arith.constant 15 : i32
      %eq3A_23 = arith.cmpi eq, %arg1, %eq3A_22 : i32
      %convert_element_type3A_24 = arith.extui %eq3A_23 : i1 to i32
      %cond3A_25 = arith.constant 0 : i32
      %cond3A_26 = arith.cmpi ne, %convert_element_type3A_24, %cond3A_25 : i32
      scf.if %cond3A_26 {
        "tpu.region"() ({
          %run_scoped3A = tpu.sem_alloc : memref<!tpu.dma_semaphore, #tpu.memory_space<semaphore_mem>>
          %dma_start3A = arith.constant 0 : i32
          %dma_start3A_60 = arith.constant 0 : i32
          %dma_start3A_61 = tpu.memref_slice %arg8[%dma_start3A, %dma_start3A_60] : memref<64x128xi32, #tpu.memory_space<vmem>> -> memref<48x128xi32, #tpu.memory_space<vmem>>
          %dma_start3A_62 = arith.constant 1200 : i32
          %dma_start3A_63 = arith.constant 0 : i32
          %dma_start3A_64 = tpu.memref_slice %arg4[%dma_start3A_62, %dma_start3A_63] : memref<1250x128xi32, #tpu.memory_space<hbm>> -> memref<48x128xi32, #tpu.memory_space<hbm>>
          %dma_start3A_65 = arith.constant 0 : i32
          %dma_start3A_66 = arith.constant 0 : i32
          %dma_start3A_67 = tpu.memref_slice %arg8[%dma_start3A_65, %dma_start3A_66] : memref<64x128xi32, #tpu.memory_space<vmem>> -> memref<48x128xi32, #tpu.memory_space<vmem>>
          %dma_start3A_68 = arith.constant 1200 : i32
          %dma_start3A_69 = arith.constant 0 : i32
          %dma_start3A_70 = tpu.memref_slice %arg4[%dma_start3A_68, %dma_start3A_69] : memref<1250x128xi32, #tpu.memory_space<hbm>> -> memref<48x128xi32, #tpu.memory_space<hbm>>
          tpu.enqueue_dma source(%dma_start3A_70 : memref<48x128xi32, #tpu.memory_space<hbm>>) target(%dma_start3A_67 : memref<48x128xi32, #tpu.memory_space<vmem>>) target_semaphore(%run_scoped3A : memref<!tpu.dma_semaphore, #tpu.memory_space<semaphore_mem>>)
          %dma_wait3A = arith.constant 0 : i32
          %dma_wait3A_71 = arith.constant 0 : i32
          %dma_wait3A_72 = tpu.memref_slice %arg8[%dma_wait3A, %dma_wait3A_71] : memref<64x128xi32, #tpu.memory_space<vmem>> -> memref<48x128xi32, #tpu.memory_space<vmem>>
          %dma_wait3A_73 = arith.constant 1200 : i32
          %dma_wait3A_74 = arith.constant 0 : i32
          %dma_wait3A_75 = tpu.memref_slice %arg4[%dma_wait3A_73, %dma_wait3A_74] : memref<1250x128xi32, #tpu.memory_space<hbm>> -> memref<48x128xi32, #tpu.memory_space<hbm>>
          %dma_wait3A_76 = arith.constant 0 : i32
          %dma_wait3A_77 = arith.constant 0 : i32
          %dma_wait3A_78 = tpu.memref_slice %arg8[%dma_wait3A_76, %dma_wait3A_77] : memref<64x128xi32, #tpu.memory_space<vmem>> -> memref<48x128xi32, #tpu.memory_space<vmem>>
          %dma_wait3A_79 = arith.constant 1200 : i32
          %dma_wait3A_80 = arith.constant 0 : i32
          %dma_wait3A_81 = tpu.memref_slice %arg4[%dma_wait3A_79, %dma_wait3A_80] : memref<1250x128xi32, #tpu.memory_space<hbm>> -> memref<48x128xi32, #tpu.memory_space<hbm>>
          tpu.wait_dma2 semaphore(%run_scoped3A : memref<!tpu.dma_semaphore, #tpu.memory_space<semaphore_mem>>) src(%dma_wait3A_81 : memref<48x128xi32, #tpu.memory_space<hbm>>) dst(%dma_wait3A_78 : memref<48x128xi32, #tpu.memory_space<vmem>>)
          tpu.yield
        }) : () -> ()
        "tpu.region"() ({
          %run_scoped3A = tpu.sem_alloc : memref<!tpu.dma_semaphore, #tpu.memory_space<semaphore_mem>>
          %dma_start3A = arith.constant 48 : i32
          %dma_start3A_60 = arith.constant 0 : i32
          %dma_start3A_61 = tpu.memref_slice %arg8[%dma_start3A, %dma_start3A_60] : memref<64x128xi32, #tpu.memory_space<vmem>> -> memref<2x128xi32, #tpu.memory_space<vmem>>
          %dma_start3A_62 = arith.constant 1248 : i32
          %dma_start3A_63 = arith.constant 0 : i32
          %dma_start3A_64 = tpu.memref_slice %arg4[%dma_start3A_62, %dma_start3A_63] : memref<1250x128xi32, #tpu.memory_space<hbm>> -> memref<2x128xi32, #tpu.memory_space<hbm>>
          %dma_start3A_65 = arith.constant 48 : i32
          %dma_start3A_66 = arith.constant 0 : i32
          %dma_start3A_67 = tpu.memref_slice %arg8[%dma_start3A_65, %dma_start3A_66] : memref<64x128xi32, #tpu.memory_space<vmem>> -> memref<2x128xi32, #tpu.memory_space<vmem>>
          %dma_start3A_68 = arith.constant 1248 : i32
          %dma_start3A_69 = arith.constant 0 : i32
          %dma_start3A_70 = tpu.memref_slice %arg4[%dma_start3A_68, %dma_start3A_69] : memref<1250x128xi32, #tpu.memory_space<hbm>> -> memref<2x128xi32, #tpu.memory_space<hbm>>
          tpu.enqueue_dma source(%dma_start3A_70 : memref<2x128xi32, #tpu.memory_space<hbm>>) target(%dma_start3A_67 : memref<2x128xi32, #tpu.memory_space<vmem>>) target_semaphore(%run_scoped3A : memref<!tpu.dma_semaphore, #tpu.memory_space<semaphore_mem>>)
          %dma_wait3A = arith.constant 48 : i32
          %dma_wait3A_71 = arith.constant 0 : i32
          %dma_wait3A_72 = tpu.memref_slice %arg8[%dma_wait3A, %dma_wait3A_71] : memref<64x128xi32, #tpu.memory_space<vmem>> -> memref<2x128xi32, #tpu.memory_space<vmem>>
          %dma_wait3A_73 = arith.constant 1248 : i32
          %dma_wait3A_74 = arith.constant 0 : i32
          %dma_wait3A_75 = tpu.memref_slice %arg4[%dma_wait3A_73, %dma_wait3A_74] : memref<1250x128xi32, #tpu.memory_space<hbm>> -> memref<2x128xi32, #tpu.memory_space<hbm>>
          %dma_wait3A_76 = arith.constant 48 : i32
          %dma_wait3A_77 = arith.constant 0 : i32
          %dma_wait3A_78 = tpu.memref_slice %arg8[%dma_wait3A_76, %dma_wait3A_77] : memref<64x128xi32, #tpu.memory_space<vmem>> -> memref<2x128xi32, #tpu.memory_space<vmem>>
          %dma_wait3A_79 = arith.constant 1248 : i32
          %dma_wait3A_80 = arith.constant 0 : i32
          %dma_wait3A_81 = tpu.memref_slice %arg4[%dma_wait3A_79, %dma_wait3A_80] : memref<1250x128xi32, #tpu.memory_space<hbm>> -> memref<2x128xi32, #tpu.memory_space<hbm>>
          tpu.wait_dma2 semaphore(%run_scoped3A : memref<!tpu.dma_semaphore, #tpu.memory_space<semaphore_mem>>) src(%dma_wait3A_81 : memref<2x128xi32, #tpu.memory_space<hbm>>) dst(%dma_wait3A_78 : memref<2x128xi32, #tpu.memory_space<vmem>>)
          tpu.yield
        }) : () -> ()
        "tpu.region"() ({
          %run_scoped3A = tpu.sem_alloc : memref<!tpu.dma_semaphore, #tpu.memory_space<semaphore_mem>>
          %dma_start3A = arith.constant 0 : i32
          %dma_start3A_60 = arith.constant 0 : i32
          %dma_start3A_61 = tpu.memref_slice %arg9[%dma_start3A, %dma_start3A_60] : memref<64x128xi32, #tpu.memory_space<vmem>> -> memref<48x128xi32, #tpu.memory_space<vmem>>
          %dma_start3A_62 = arith.constant 1200 : i32
          %dma_start3A_63 = arith.constant 0 : i32
          %dma_start3A_64 = tpu.memref_slice %arg5[%dma_start3A_62, %dma_start3A_63] : memref<1250x128xi32, #tpu.memory_space<hbm>> -> memref<48x128xi32, #tpu.memory_space<hbm>>
          %dma_start3A_65 = arith.constant 0 : i32
          %dma_start3A_66 = arith.constant 0 : i32
          %dma_start3A_67 = tpu.memref_slice %arg9[%dma_start3A_65, %dma_start3A_66] : memref<64x128xi32, #tpu.memory_space<vmem>> -> memref<48x128xi32, #tpu.memory_space<vmem>>
          %dma_start3A_68 = arith.constant 1200 : i32
          %dma_start3A_69 = arith.constant 0 : i32
          %dma_start3A_70 = tpu.memref_slice %arg5[%dma_start3A_68, %dma_start3A_69] : memref<1250x128xi32, #tpu.memory_space<hbm>> -> memref<48x128xi32, #tpu.memory_space<hbm>>
          tpu.enqueue_dma source(%dma_start3A_70 : memref<48x128xi32, #tpu.memory_space<hbm>>) target(%dma_start3A_67 : memref<48x128xi32, #tpu.memory_space<vmem>>) target_semaphore(%run_scoped3A : memref<!tpu.dma_semaphore, #tpu.memory_space<semaphore_mem>>)
          %dma_wait3A = arith.constant 0 : i32
          %dma_wait3A_71 = arith.constant 0 : i32
          %dma_wait3A_72 = tpu.memref_slice %arg9[%dma_wait3A, %dma_wait3A_71] : memref<64x128xi32, #tpu.memory_space<vmem>> -> memref<48x128xi32, #tpu.memory_space<vmem>>
          %dma_wait3A_73 = arith.constant 1200 : i32
          %dma_wait3A_74 = arith.constant 0 : i32
          %dma_wait3A_75 = tpu.memref_slice %arg5[%dma_wait3A_73, %dma_wait3A_74] : memref<1250x128xi32, #tpu.memory_space<hbm>> -> memref<48x128xi32, #tpu.memory_space<hbm>>
          %dma_wait3A_76 = arith.constant 0 : i32
          %dma_wait3A_77 = arith.constant 0 : i32
          %dma_wait3A_78 = tpu.memref_slice %arg9[%dma_wait3A_76, %dma_wait3A_77] : memref<64x128xi32, #tpu.memory_space<vmem>> -> memref<48x128xi32, #tpu.memory_space<vmem>>
          %dma_wait3A_79 = arith.constant 1200 : i32
          %dma_wait3A_80 = arith.constant 0 : i32
          %dma_wait3A_81 = tpu.memref_slice %arg5[%dma_wait3A_79, %dma_wait3A_80] : memref<1250x128xi32, #tpu.memory_space<hbm>> -> memref<48x128xi32, #tpu.memory_space<hbm>>
          tpu.wait_dma2 semaphore(%run_scoped3A : memref<!tpu.dma_semaphore, #tpu.memory_space<semaphore_mem>>) src(%dma_wait3A_81 : memref<48x128xi32, #tpu.memory_space<hbm>>) dst(%dma_wait3A_78 : memref<48x128xi32, #tpu.memory_space<vmem>>)
          tpu.yield
        }) : () -> ()
        "tpu.region"() ({
          %run_scoped3A = tpu.sem_alloc : memref<!tpu.dma_semaphore, #tpu.memory_space<semaphore_mem>>
          %dma_start3A = arith.constant 48 : i32
          %dma_start3A_60 = arith.constant 0 : i32
          %dma_start3A_61 = tpu.memref_slice %arg9[%dma_start3A, %dma_start3A_60] : memref<64x128xi32, #tpu.memory_space<vmem>> -> memref<2x128xi32, #tpu.memory_space<vmem>>
          %dma_start3A_62 = arith.constant 1248 : i32
          %dma_start3A_63 = arith.constant 0 : i32
          %dma_start3A_64 = tpu.memref_slice %arg5[%dma_start3A_62, %dma_start3A_63] : memref<1250x128xi32, #tpu.memory_space<hbm>> -> memref<2x128xi32, #tpu.memory_space<hbm>>
          %dma_start3A_65 = arith.constant 48 : i32
          %dma_start3A_66 = arith.constant 0 : i32
          %dma_start3A_67 = tpu.memref_slice %arg9[%dma_start3A_65, %dma_start3A_66] : memref<64x128xi32, #tpu.memory_space<vmem>> -> memref<2x128xi32, #tpu.memory_space<vmem>>
          %dma_start3A_68 = arith.constant 1248 : i32
          %dma_start3A_69 = arith.constant 0 : i32
          %dma_start3A_70 = tpu.memref_slice %arg5[%dma_start3A_68, %dma_start3A_69] : memref<1250x128xi32, #tpu.memory_space<hbm>> -> memref<2x128xi32, #tpu.memory_space<hbm>>
          tpu.enqueue_dma source(%dma_start3A_70 : memref<2x128xi32, #tpu.memory_space<hbm>>) target(%dma_start3A_67 : memref<2x128xi32, #tpu.memory_space<vmem>>) target_semaphore(%run_scoped3A : memref<!tpu.dma_semaphore, #tpu.memory_space<semaphore_mem>>)
          %dma_wait3A = arith.constant 48 : i32
          %dma_wait3A_71 = arith.constant 0 : i32
          %dma_wait3A_72 = tpu.memref_slice %arg9[%dma_wait3A, %dma_wait3A_71] : memref<64x128xi32, #tpu.memory_space<vmem>> -> memref<2x128xi32, #tpu.memory_space<vmem>>
          %dma_wait3A_73 = arith.constant 1248 : i32
          %dma_wait3A_74 = arith.constant 0 : i32
          %dma_wait3A_75 = tpu.memref_slice %arg5[%dma_wait3A_73, %dma_wait3A_74] : memref<1250x128xi32, #tpu.memory_space<hbm>> -> memref<2x128xi32, #tpu.memory_space<hbm>>
          %dma_wait3A_76 = arith.constant 48 : i32
          %dma_wait3A_77 = arith.constant 0 : i32
          %dma_wait3A_78 = tpu.memref_slice %arg9[%dma_wait3A_76, %dma_wait3A_77] : memref<64x128xi32, #tpu.memory_space<vmem>> -> memref<2x128xi32, #tpu.memory_space<vmem>>
          %dma_wait3A_79 = arith.constant 1248 : i32
          %dma_wait3A_80 = arith.constant 0 : i32
          %dma_wait3A_81 = tpu.memref_slice %arg5[%dma_wait3A_79, %dma_wait3A_80] : memref<1250x128xi32, #tpu.memory_space<hbm>> -> memref<2x128xi32, #tpu.memory_space<hbm>>
          tpu.wait_dma2 semaphore(%run_scoped3A : memref<!tpu.dma_semaphore, #tpu.memory_space<semaphore_mem>>) src(%dma_wait3A_81 : memref<2x128xi32, #tpu.memory_space<hbm>>) dst(%dma_wait3A_78 : memref<2x128xi32, #tpu.memory_space<vmem>>)
          tpu.yield
        }) : () -> ()
      } else {
      }
      %lt3A_27 = arith.constant 15 : i32
      %lt3A_28 = arith.cmpi slt, %arg1, %lt3A_27 : i32
      %jit3A = arith.constant 32 : i32
      %jit3A_29 = arith.constant 25 : i32
      %select_n3A = arith.select %lt3A_28, %jit3A, %jit3A_29 : i32
      %gt3A = arith.constant 0 : i32
      %gt3A_30 = arith.cmpi sgt, %select_n3A, %gt3A : i32
      %convert_element_type3A_31 = arith.extui %gt3A_30 : i1 to i32
      %cond3A_32 = arith.constant 0 : i32
      %cond3A_33 = arith.cmpi ne, %convert_element_type3A_31, %cond3A_32 : i32
      scf.if %cond3A_33 {
        %dma_start3A = arith.constant 0 : i32
        %dma_start3A_60 = arith.constant 0 : i32
        %dma_start3A_61 = tpu.memref_slice %arg8[%dma_start3A, %dma_start3A_60] : memref<64x128xi32, #tpu.memory_space<vmem>> -> memref<1x128xi32, #tpu.memory_space<vmem>>
        %dma_start3A_62 = tpu.memref_squeeze %dma_start3A_61 : memref<1x128xi32, #tpu.memory_space<vmem>> -> memref<128xi32, #tpu.memory_space<vmem>>
        %dma_start3A_63 = arith.constant 0 : i32
        %dma_start3A_64 = arith.constant 0 : i32
        %dma_start3A_65 = tpu.memref_slice %arg3[%dma_start3A_63, %dma_start3A_64] : memref<10000x128xf32, #tpu.memory_space<hbm>> -> memref<10000x128xf32, #tpu.memory_space<hbm>>
        tpu.enqueue_indirect_dma source(%dma_start3A_65 : memref<10000x128xf32, #tpu.memory_space<hbm>>) target(%arg10 : memref<128x128xf32, #tpu.memory_space<vmem>>) offsets(%dma_start3A_62 : memref<128xi32, #tpu.memory_space<vmem>>) semaphore(%arg13 : memref<!tpu.dma_semaphore, #tpu.memory_space<semaphore_mem>>)
        %while3A = arith.constant 0 : i32
        %while3A_66 = arith.constant 0 : i32
        %while3A_67 = arith.subi %select_n3A, %while3A_66 : i32
        %while3A_68 = arith.addi %while3A_66, %while3A_67 : i32
        %while3A_69 = arith.constant 1 : i32
        %while3A_70 = arith.divsi %while3A_67, %while3A_69 : i32
        %while3A_71 = arith.muli %while3A_70, %while3A_69 : i32
        %while3A_72 = arith.addi %while3A_66, %while3A_71 : i32
        %while3A_73 = arith.constant 1 : i32
        scf.for %while3A_83 = %while3A_66 to %while3A_72 step %while3A_73  : i32 {
          %mul3A_84 = arith.constant 2 : i32
          %mul3A_85 = arith.muli %mul3A_84, %while3A_83 : i32
          %mul3A_86 = arith.constant 2 : i32
          %mul3A_87 = arith.muli %mul3A_86, %while3A_83 : i32
          %add3A = arith.constant 1 : i32
          %add3A_88 = arith.addi %mul3A_87, %add3A : i32
          %dma_wait3A_89 = arith.constant 0 : i32
          %dma_wait3A_90 = tpu.memref_slice %arg8[%mul3A_85, %dma_wait3A_89] : memref<64x128xi32, #tpu.memory_space<vmem>> -> memref<1x128xi32, #tpu.memory_space<vmem>>
          %dma_wait3A_91 = tpu.memref_squeeze %dma_wait3A_90 : memref<1x128xi32, #tpu.memory_space<vmem>> -> memref<128xi32, #tpu.memory_space<vmem>>
          %dma_wait3A_92 = arith.constant 0 : i32
          %dma_wait3A_93 = arith.constant 0 : i32
          %dma_wait3A_94 = tpu.memref_slice %arg3[%dma_wait3A_92, %dma_wait3A_93] : memref<10000x128xf32, #tpu.memory_space<hbm>> -> memref<10000x128xf32, #tpu.memory_space<hbm>>
          tpu.wait_indirect_dma semaphore(%arg13 : memref<!tpu.dma_semaphore, #tpu.memory_space<semaphore_mem>>) src(%dma_wait3A_94 : memref<10000x128xf32, #tpu.memory_space<hbm>>) dst(%arg10 : memref<128x128xf32, #tpu.memory_space<vmem>>)
          %gt3A_95 = arith.constant 0 : i32
          %gt3A_96 = arith.cmpi sgt, %while3A_83, %gt3A_95 : i32
          %convert_element_type3A_97 = arith.extui %gt3A_96 : i1 to i32
          %cond3A_98 = arith.constant 0 : i32
          %cond3A_99 = arith.cmpi ne, %convert_element_type3A_97, %cond3A_98 : i32
          scf.if %cond3A_99 {
            %sub3A_136 = arith.constant 2 : i32
            %sub3A_137 = arith.subi %add3A_88, %sub3A_136 : i32
            %dma_wait3A_138 = arith.constant 0 : i32
            %dma_wait3A_139 = tpu.memref_slice %arg9[%sub3A_137, %dma_wait3A_138] : memref<64x128xi32, #tpu.memory_space<vmem>> -> memref<1x128xi32, #tpu.memory_space<vmem>>
            %dma_wait3A_140 = tpu.memref_squeeze %dma_wait3A_139 : memref<1x128xi32, #tpu.memory_space<vmem>> -> memref<128xi32, #tpu.memory_space<vmem>>
            %dma_wait3A_141 = arith.constant 0 : i32
            %dma_wait3A_142 = arith.constant 0 : i32
            %dma_wait3A_143 = tpu.memref_slice %arg12[%dma_wait3A_141, %dma_wait3A_142] : memref<10000x128xf32, #tpu.memory_space<vmem_shared>> -> memref<10000x128xf32, #tpu.memory_space<vmem_shared>>
            tpu.wait_indirect_dma semaphore(%arg15 : memref<!tpu.dma_semaphore, #tpu.memory_space<semaphore_mem>>) src(%arg11 : memref<128x128xf32, #tpu.memory_space<vmem>>) dst(%dma_wait3A_143 : memref<10000x128xf32, #tpu.memory_space<vmem_shared>>)
          } else {
          }
          %dma_start3A_100 = arith.constant 0 : i32
          %dma_start3A_101 = tpu.memref_slice %arg8[%add3A_88, %dma_start3A_100] : memref<64x128xi32, #tpu.memory_space<vmem>> -> memref<1x128xi32, #tpu.memory_space<vmem>>
          %dma_start3A_102 = tpu.memref_squeeze %dma_start3A_101 : memref<1x128xi32, #tpu.memory_space<vmem>> -> memref<128xi32, #tpu.memory_space<vmem>>
          %dma_start3A_103 = arith.constant 0 : i32
          %dma_start3A_104 = arith.constant 0 : i32
          %dma_start3A_105 = tpu.memref_slice %arg3[%dma_start3A_103, %dma_start3A_104] : memref<10000x128xf32, #tpu.memory_space<hbm>> -> memref<10000x128xf32, #tpu.memory_space<hbm>>
          tpu.enqueue_indirect_dma source(%dma_start3A_105 : memref<10000x128xf32, #tpu.memory_space<hbm>>) target(%arg11 : memref<128x128xf32, #tpu.memory_space<vmem>>) offsets(%dma_start3A_102 : memref<128xi32, #tpu.memory_space<vmem>>) semaphore(%arg13 : memref<!tpu.dma_semaphore, #tpu.memory_space<semaphore_mem>>)
          %dma_start3A_106 = arith.constant 0 : i32
          %dma_start3A_107 = tpu.memref_slice %arg9[%mul3A_85, %dma_start3A_106] : memref<64x128xi32, #tpu.memory_space<vmem>> -> memref<1x128xi32, #tpu.memory_space<vmem>>
          %dma_start3A_108 = tpu.memref_squeeze %dma_start3A_107 : memref<1x128xi32, #tpu.memory_space<vmem>> -> memref<128xi32, #tpu.memory_space<vmem>>
          %dma_start3A_109 = arith.constant 0 : i32
          %dma_start3A_110 = arith.constant 0 : i32
          %dma_start3A_111 = tpu.memref_slice %arg12[%dma_start3A_109, %dma_start3A_110] : memref<10000x128xf32, #tpu.memory_space<vmem_shared>> -> memref<10000x128xf32, #tpu.memory_space<vmem_shared>>
          tpu.enqueue_indirect_dma source(%arg10 : memref<128x128xf32, #tpu.memory_space<vmem>>) target(%dma_start3A_111 : memref<10000x128xf32, #tpu.memory_space<vmem_shared>>) offsets(%dma_start3A_108 : memref<128xi32, #tpu.memory_space<vmem>>) semaphore(%arg14 : memref<!tpu.dma_semaphore, #tpu.memory_space<semaphore_mem>>) {add = true}
          %dma_wait3A_112 = arith.constant 0 : i32
          %dma_wait3A_113 = tpu.memref_slice %arg8[%add3A_88, %dma_wait3A_112] : memref<64x128xi32, #tpu.memory_space<vmem>> -> memref<1x128xi32, #tpu.memory_space<vmem>>
          %dma_wait3A_114 = tpu.memref_squeeze %dma_wait3A_113 : memref<1x128xi32, #tpu.memory_space<vmem>> -> memref<128xi32, #tpu.memory_space<vmem>>
          %dma_wait3A_115 = arith.constant 0 : i32
          %dma_wait3A_116 = arith.constant 0 : i32
          %dma_wait3A_117 = tpu.memref_slice %arg3[%dma_wait3A_115, %dma_wait3A_116] : memref<10000x128xf32, #tpu.memory_space<hbm>> -> memref<10000x128xf32, #tpu.memory_space<hbm>>
          tpu.wait_indirect_dma semaphore(%arg13 : memref<!tpu.dma_semaphore, #tpu.memory_space<semaphore_mem>>) src(%dma_wait3A_117 : memref<10000x128xf32, #tpu.memory_space<hbm>>) dst(%arg11 : memref<128x128xf32, #tpu.memory_space<vmem>>)
          %dma_wait3A_118 = arith.constant 0 : i32
          %dma_wait3A_119 = tpu.memref_slice %arg9[%mul3A_85, %dma_wait3A_118] : memref<64x128xi32, #tpu.memory_space<vmem>> -> memref<1x128xi32, #tpu.memory_space<vmem>>
          %dma_wait3A_120 = tpu.memref_squeeze %dma_wait3A_119 : memref<1x128xi32, #tpu.memory_space<vmem>> -> memref<128xi32, #tpu.memory_space<vmem>>
          %dma_wait3A_121 = arith.constant 0 : i32
          %dma_wait3A_122 = arith.constant 0 : i32
          %dma_wait3A_123 = tpu.memref_slice %arg12[%dma_wait3A_121, %dma_wait3A_122] : memref<10000x128xf32, #tpu.memory_space<vmem_shared>> -> memref<10000x128xf32, #tpu.memory_space<vmem_shared>>
          tpu.wait_indirect_dma semaphore(%arg14 : memref<!tpu.dma_semaphore, #tpu.memory_space<semaphore_mem>>) src(%arg10 : memref<128x128xf32, #tpu.memory_space<vmem>>) dst(%dma_wait3A_123 : memref<10000x128xf32, #tpu.memory_space<vmem_shared>>)
          %add3A_124 = arith.constant 1 : i32
          %add3A_125 = arith.addi %while3A_83, %add3A_124 : i32
          %lt3A_126 = arith.cmpi slt, %add3A_125, %select_n3A : i32
          %convert_element_type3A_127 = arith.extui %lt3A_126 : i1 to i32
          %cond3A_128 = arith.constant 0 : i32
          %cond3A_129 = arith.cmpi ne, %convert_element_type3A_127, %cond3A_128 : i32
          scf.if %cond3A_129 {
            %add3A_136 = arith.constant 2 : i32
            %add3A_137 = arith.addi %mul3A_85, %add3A_136 : i32
            %dma_start3A_138 = arith.constant 0 : i32
            %dma_start3A_139 = tpu.memref_slice %arg8[%add3A_137, %dma_start3A_138] : memref<64x128xi32, #tpu.memory_space<vmem>> -> memref<1x128xi32, #tpu.memory_space<vmem>>
            %dma_start3A_140 = tpu.memref_squeeze %dma_start3A_139 : memref<1x128xi32, #tpu.memory_space<vmem>> -> memref<128xi32, #tpu.memory_space<vmem>>
            %dma_start3A_141 = arith.constant 0 : i32
            %dma_start3A_142 = arith.constant 0 : i32
            %dma_start3A_143 = tpu.memref_slice %arg3[%dma_start3A_141, %dma_start3A_142] : memref<10000x128xf32, #tpu.memory_space<hbm>> -> memref<10000x128xf32, #tpu.memory_space<hbm>>
            tpu.enqueue_indirect_dma source(%dma_start3A_143 : memref<10000x128xf32, #tpu.memory_space<hbm>>) target(%arg10 : memref<128x128xf32, #tpu.memory_space<vmem>>) offsets(%dma_start3A_140 : memref<128xi32, #tpu.memory_space<vmem>>) semaphore(%arg13 : memref<!tpu.dma_semaphore, #tpu.memory_space<semaphore_mem>>)
          } else {
          }
          %dma_start3A_130 = arith.constant 0 : i32
          %dma_start3A_131 = tpu.memref_slice %arg9[%add3A_88, %dma_start3A_130] : memref<64x128xi32, #tpu.memory_space<vmem>> -> memref<1x128xi32, #tpu.memory_space<vmem>>
          %dma_start3A_132 = tpu.memref_squeeze %dma_start3A_131 : memref<1x128xi32, #tpu.memory_space<vmem>> -> memref<128xi32, #tpu.memory_space<vmem>>
          %dma_start3A_133 = arith.constant 0 : i32
          %dma_start3A_134 = arith.constant 0 : i32
          %dma_start3A_135 = tpu.memref_slice %arg12[%dma_start3A_133, %dma_start3A_134] : memref<10000x128xf32, #tpu.memory_space<vmem_shared>> -> memref<10000x128xf32, #tpu.memory_space<vmem_shared>>
          tpu.enqueue_indirect_dma source(%arg11 : memref<128x128xf32, #tpu.memory_space<vmem>>) target(%dma_start3A_135 : memref<10000x128xf32, #tpu.memory_space<vmem_shared>>) offsets(%dma_start3A_132 : memref<128xi32, #tpu.memory_space<vmem>>) semaphore(%arg15 : memref<!tpu.dma_semaphore, #tpu.memory_space<semaphore_mem>>) {add = true}
        }
        %while3A_74 = arith.constant 1 : i32
        scf.for %while3A_83 = %while3A_72 to %while3A_68 step %while3A_74  : i32 {
          %mul3A_84 = arith.constant 2 : i32
          %mul3A_85 = arith.muli %mul3A_84, %while3A_83 : i32
          %mul3A_86 = arith.constant 2 : i32
          %mul3A_87 = arith.muli %mul3A_86, %while3A_83 : i32
          %add3A = arith.constant 1 : i32
          %add3A_88 = arith.addi %mul3A_87, %add3A : i32
          %dma_wait3A_89 = arith.constant 0 : i32
          %dma_wait3A_90 = tpu.memref_slice %arg8[%mul3A_85, %dma_wait3A_89] : memref<64x128xi32, #tpu.memory_space<vmem>> -> memref<1x128xi32, #tpu.memory_space<vmem>>
          %dma_wait3A_91 = tpu.memref_squeeze %dma_wait3A_90 : memref<1x128xi32, #tpu.memory_space<vmem>> -> memref<128xi32, #tpu.memory_space<vmem>>
          %dma_wait3A_92 = arith.constant 0 : i32
          %dma_wait3A_93 = arith.constant 0 : i32
          %dma_wait3A_94 = tpu.memref_slice %arg3[%dma_wait3A_92, %dma_wait3A_93] : memref<10000x128xf32, #tpu.memory_space<hbm>> -> memref<10000x128xf32, #tpu.memory_space<hbm>>
          tpu.wait_indirect_dma semaphore(%arg13 : memref<!tpu.dma_semaphore, #tpu.memory_space<semaphore_mem>>) src(%dma_wait3A_94 : memref<10000x128xf32, #tpu.memory_space<hbm>>) dst(%arg10 : memref<128x128xf32, #tpu.memory_space<vmem>>)
          %gt3A_95 = arith.constant 0 : i32
          %gt3A_96 = arith.cmpi sgt, %while3A_83, %gt3A_95 : i32
          %convert_element_type3A_97 = arith.extui %gt3A_96 : i1 to i32
          %cond3A_98 = arith.constant 0 : i32
          %cond3A_99 = arith.cmpi ne, %convert_element_type3A_97, %cond3A_98 : i32
          scf.if %cond3A_99 {
            %sub3A_136 = arith.constant 2 : i32
            %sub3A_137 = arith.subi %add3A_88, %sub3A_136 : i32
            %dma_wait3A_138 = arith.constant 0 : i32
            %dma_wait3A_139 = tpu.memref_slice %arg9[%sub3A_137, %dma_wait3A_138] : memref<64x128xi32, #tpu.memory_space<vmem>> -> memref<1x128xi32, #tpu.memory_space<vmem>>
            %dma_wait3A_140 = tpu.memref_squeeze %dma_wait3A_139 : memref<1x128xi32, #tpu.memory_space<vmem>> -> memref<128xi32, #tpu.memory_space<vmem>>
            %dma_wait3A_141 = arith.constant 0 : i32
            %dma_wait3A_142 = arith.constant 0 : i32
            %dma_wait3A_143 = tpu.memref_slice %arg12[%dma_wait3A_141, %dma_wait3A_142] : memref<10000x128xf32, #tpu.memory_space<vmem_shared>> -> memref<10000x128xf32, #tpu.memory_space<vmem_shared>>
            tpu.wait_indirect_dma semaphore(%arg15 : memref<!tpu.dma_semaphore, #tpu.memory_space<semaphore_mem>>) src(%arg11 : memref<128x128xf32, #tpu.memory_space<vmem>>) dst(%dma_wait3A_143 : memref<10000x128xf32, #tpu.memory_space<vmem_shared>>)
          } else {
          }
          %dma_start3A_100 = arith.constant 0 : i32
          %dma_start3A_101 = tpu.memref_slice %arg8[%add3A_88, %dma_start3A_100] : memref<64x128xi32, #tpu.memory_space<vmem>> -> memref<1x128xi32, #tpu.memory_space<vmem>>
          %dma_start3A_102 = tpu.memref_squeeze %dma_start3A_101 : memref<1x128xi32, #tpu.memory_space<vmem>> -> memref<128xi32, #tpu.memory_space<vmem>>
          %dma_start3A_103 = arith.constant 0 : i32
          %dma_start3A_104 = arith.constant 0 : i32
          %dma_start3A_105 = tpu.memref_slice %arg3[%dma_start3A_103, %dma_start3A_104] : memref<10000x128xf32, #tpu.memory_space<hbm>> -> memref<10000x128xf32, #tpu.memory_space<hbm>>
          tpu.enqueue_indirect_dma source(%dma_start3A_105 : memref<10000x128xf32, #tpu.memory_space<hbm>>) target(%arg11 : memref<128x128xf32, #tpu.memory_space<vmem>>) offsets(%dma_start3A_102 : memref<128xi32, #tpu.memory_space<vmem>>) semaphore(%arg13 : memref<!tpu.dma_semaphore, #tpu.memory_space<semaphore_mem>>)
          %dma_start3A_106 = arith.constant 0 : i32
          %dma_start3A_107 = tpu.memref_slice %arg9[%mul3A_85, %dma_start3A_106] : memref<64x128xi32, #tpu.memory_space<vmem>> -> memref<1x128xi32, #tpu.memory_space<vmem>>
          %dma_start3A_108 = tpu.memref_squeeze %dma_start3A_107 : memref<1x128xi32, #tpu.memory_space<vmem>> -> memref<128xi32, #tpu.memory_space<vmem>>
          %dma_start3A_109 = arith.constant 0 : i32
          %dma_start3A_110 = arith.constant 0 : i32
          %dma_start3A_111 = tpu.memref_slice %arg12[%dma_start3A_109, %dma_start3A_110] : memref<10000x128xf32, #tpu.memory_space<vmem_shared>> -> memref<10000x128xf32, #tpu.memory_space<vmem_shared>>
          tpu.enqueue_indirect_dma source(%arg10 : memref<128x128xf32, #tpu.memory_space<vmem>>) target(%dma_start3A_111 : memref<10000x128xf32, #tpu.memory_space<vmem_shared>>) offsets(%dma_start3A_108 : memref<128xi32, #tpu.memory_space<vmem>>) semaphore(%arg14 : memref<!tpu.dma_semaphore, #tpu.memory_space<semaphore_mem>>) {add = true}
          %dma_wait3A_112 = arith.constant 0 : i32
          %dma_wait3A_113 = tpu.memref_slice %arg8[%add3A_88, %dma_wait3A_112] : memref<64x128xi32, #tpu.memory_space<vmem>> -> memref<1x128xi32, #tpu.memory_space<vmem>>
          %dma_wait3A_114 = tpu.memref_squeeze %dma_wait3A_113 : memref<1x128xi32, #tpu.memory_space<vmem>> -> memref<128xi32, #tpu.memory_space<vmem>>
          %dma_wait3A_115 = arith.constant 0 : i32
          %dma_wait3A_116 = arith.constant 0 : i32
          %dma_wait3A_117 = tpu.memref_slice %arg3[%dma_wait3A_115, %dma_wait3A_116] : memref<10000x128xf32, #tpu.memory_space<hbm>> -> memref<10000x128xf32, #tpu.memory_space<hbm>>
          tpu.wait_indirect_dma semaphore(%arg13 : memref<!tpu.dma_semaphore, #tpu.memory_space<semaphore_mem>>) src(%dma_wait3A_117 : memref<10000x128xf32, #tpu.memory_space<hbm>>) dst(%arg11 : memref<128x128xf32, #tpu.memory_space<vmem>>)
          %dma_wait3A_118 = arith.constant 0 : i32
          %dma_wait3A_119 = tpu.memref_slice %arg9[%mul3A_85, %dma_wait3A_118] : memref<64x128xi32, #tpu.memory_space<vmem>> -> memref<1x128xi32, #tpu.memory_space<vmem>>
          %dma_wait3A_120 = tpu.memref_squeeze %dma_wait3A_119 : memref<1x128xi32, #tpu.memory_space<vmem>> -> memref<128xi32, #tpu.memory_space<vmem>>
          %dma_wait3A_121 = arith.constant 0 : i32
          %dma_wait3A_122 = arith.constant 0 : i32
          %dma_wait3A_123 = tpu.memref_slice %arg12[%dma_wait3A_121, %dma_wait3A_122] : memref<10000x128xf32, #tpu.memory_space<vmem_shared>> -> memref<10000x128xf32, #tpu.memory_space<vmem_shared>>
          tpu.wait_indirect_dma semaphore(%arg14 : memref<!tpu.dma_semaphore, #tpu.memory_space<semaphore_mem>>) src(%arg10 : memref<128x128xf32, #tpu.memory_space<vmem>>) dst(%dma_wait3A_123 : memref<10000x128xf32, #tpu.memory_space<vmem_shared>>)
          %add3A_124 = arith.constant 1 : i32
          %add3A_125 = arith.addi %while3A_83, %add3A_124 : i32
          %lt3A_126 = arith.cmpi slt, %add3A_125, %select_n3A : i32
          %convert_element_type3A_127 = arith.extui %lt3A_126 : i1 to i32
          %cond3A_128 = arith.constant 0 : i32
          %cond3A_129 = arith.cmpi ne, %convert_element_type3A_127, %cond3A_128 : i32
          scf.if %cond3A_129 {
            %add3A_136 = arith.constant 2 : i32
            %add3A_137 = arith.addi %mul3A_85, %add3A_136 : i32
            %dma_start3A_138 = arith.constant 0 : i32
            %dma_start3A_139 = tpu.memref_slice %arg8[%add3A_137, %dma_start3A_138] : memref<64x128xi32, #tpu.memory_space<vmem>> -> memref<1x128xi32, #tpu.memory_space<vmem>>
            %dma_start3A_140 = tpu.memref_squeeze %dma_start3A_139 : memref<1x128xi32, #tpu.memory_space<vmem>> -> memref<128xi32, #tpu.memory_space<vmem>>
            %dma_start3A_141 = arith.constant 0 : i32
            %dma_start3A_142 = arith.constant 0 : i32
            %dma_start3A_143 = tpu.memref_slice %arg3[%dma_start3A_141, %dma_start3A_142] : memref<10000x128xf32, #tpu.memory_space<hbm>> -> memref<10000x128xf32, #tpu.memory_space<hbm>>
            tpu.enqueue_indirect_dma source(%dma_start3A_143 : memref<10000x128xf32, #tpu.memory_space<hbm>>) target(%arg10 : memref<128x128xf32, #tpu.memory_space<vmem>>) offsets(%dma_start3A_140 : memref<128xi32, #tpu.memory_space<vmem>>) semaphore(%arg13 : memref<!tpu.dma_semaphore, #tpu.memory_space<semaphore_mem>>)
          } else {
          }
          %dma_start3A_130 = arith.constant 0 : i32
          %dma_start3A_131 = tpu.memref_slice %arg9[%add3A_88, %dma_start3A_130] : memref<64x128xi32, #tpu.memory_space<vmem>> -> memref<1x128xi32, #tpu.memory_space<vmem>>
          %dma_start3A_132 = tpu.memref_squeeze %dma_start3A_131 : memref<1x128xi32, #tpu.memory_space<vmem>> -> memref<128xi32, #tpu.memory_space<vmem>>
          %dma_start3A_133 = arith.constant 0 : i32
          %dma_start3A_134 = arith.constant 0 : i32
          %dma_start3A_135 = tpu.memref_slice %arg12[%dma_start3A_133, %dma_start3A_134] : memref<10000x128xf32, #tpu.memory_space<vmem_shared>> -> memref<10000x128xf32, #tpu.memory_space<vmem_shared>>
          tpu.enqueue_indirect_dma source(%arg11 : memref<128x128xf32, #tpu.memory_space<vmem>>) target(%dma_start3A_135 : memref<10000x128xf32, #tpu.memory_space<vmem_shared>>) offsets(%dma_start3A_132 : memref<128xi32, #tpu.memory_space<vmem>>) semaphore(%arg15 : memref<!tpu.dma_semaphore, #tpu.memory_space<semaphore_mem>>) {add = true}
        }
        %mul3A_75 = arith.constant 2 : i32
        %mul3A_76 = arith.muli %mul3A_75, %select_n3A : i32
        %sub3A = arith.constant 1 : i32
        %sub3A_77 = arith.subi %mul3A_76, %sub3A : i32
        %dma_wait3A = arith.constant 0 : i32
        %dma_wait3A_78 = tpu.memref_slice %arg9[%sub3A_77, %dma_wait3A] : memref<64x128xi32, #tpu.memory_space<vmem>> -> memref<1x128xi32, #tpu.memory_space<vmem>>
        %dma_wait3A_79 = tpu.memref_squeeze %dma_wait3A_78 : memref<1x128xi32, #tpu.memory_space<vmem>> -> memref<128xi32, #tpu.memory_space<vmem>>
        %dma_wait3A_80 = arith.constant 0 : i32
        %dma_wait3A_81 = arith.constant 0 : i32
        %dma_wait3A_82 = tpu.memref_slice %arg12[%dma_wait3A_80, %dma_wait3A_81] : memref<10000x128xf32, #tpu.memory_space<vmem_shared>> -> memref<10000x128xf32, #tpu.memory_space<vmem_shared>>
        tpu.wait_indirect_dma semaphore(%arg15 : memref<!tpu.dma_semaphore, #tpu.memory_space<semaphore_mem>>) src(%arg11 : memref<128x128xf32, #tpu.memory_space<vmem>>) dst(%dma_wait3A_82 : memref<10000x128xf32, #tpu.memory_space<vmem_shared>>)
      } else {
      }
      %lt3A_34 = arith.constant 15 : i32
      %lt3A_35 = arith.cmpi slt, %arg1, %lt3A_34 : i32
      %convert_element_type3A_36 = arith.extui %lt3A_35 : i1 to i32
      %cond3A_37 = arith.constant 0 : i32
      %cond3A_38 = arith.cmpi ne, %convert_element_type3A_36, %cond3A_37 : i32
      scf.if %cond3A_38 {
        %mul3A_60 = arith.constant 80 : i32
        %mul3A_61 = arith.muli %arg1, %mul3A_60 : i32
        %add3A = arith.constant 64 : i32
        %add3A_62 = arith.addi %mul3A_61, %add3A : i32
        "tpu.region"() ({
          %run_scoped3A = tpu.sem_alloc : memref<!tpu.dma_semaphore, #tpu.memory_space<semaphore_mem>>
          %dma_start3A = arith.constant 0 : i32
          %dma_start3A_67 = arith.constant 0 : i32
          %dma_start3A_68 = tpu.memref_slice %arg8[%dma_start3A, %dma_start3A_67] : memref<64x128xi32, #tpu.memory_space<vmem>> -> memref<16x128xi32, #tpu.memory_space<vmem>>
          %dma_start3A_69 = arith.constant 0 : i32
          %dma_start3A_70 = tpu.memref_slice %arg4[%add3A_62, %dma_start3A_69] : memref<1250x128xi32, #tpu.memory_space<hbm>> -> memref<16x128xi32, #tpu.memory_space<hbm>>
          %dma_start3A_71 = arith.constant 0 : i32
          %dma_start3A_72 = arith.constant 0 : i32
          %dma_start3A_73 = tpu.memref_slice %arg8[%dma_start3A_71, %dma_start3A_72] : memref<64x128xi32, #tpu.memory_space<vmem>> -> memref<16x128xi32, #tpu.memory_space<vmem>>
          %dma_start3A_74 = arith.constant 0 : i32
          %dma_start3A_75 = tpu.memref_slice %arg4[%add3A_62, %dma_start3A_74] : memref<1250x128xi32, #tpu.memory_space<hbm>> -> memref<16x128xi32, #tpu.memory_space<hbm>>
          tpu.enqueue_dma source(%dma_start3A_75 : memref<16x128xi32, #tpu.memory_space<hbm>>) target(%dma_start3A_73 : memref<16x128xi32, #tpu.memory_space<vmem>>) target_semaphore(%run_scoped3A : memref<!tpu.dma_semaphore, #tpu.memory_space<semaphore_mem>>)
          %dma_wait3A = arith.constant 0 : i32
          %dma_wait3A_76 = arith.constant 0 : i32
          %dma_wait3A_77 = tpu.memref_slice %arg8[%dma_wait3A, %dma_wait3A_76] : memref<64x128xi32, #tpu.memory_space<vmem>> -> memref<16x128xi32, #tpu.memory_space<vmem>>
          %dma_wait3A_78 = arith.constant 0 : i32
          %dma_wait3A_79 = tpu.memref_slice %arg4[%add3A_62, %dma_wait3A_78] : memref<1250x128xi32, #tpu.memory_space<hbm>> -> memref<16x128xi32, #tpu.memory_space<hbm>>
          %dma_wait3A_80 = arith.constant 0 : i32
          %dma_wait3A_81 = arith.constant 0 : i32
          %dma_wait3A_82 = tpu.memref_slice %arg8[%dma_wait3A_80, %dma_wait3A_81] : memref<64x128xi32, #tpu.memory_space<vmem>> -> memref<16x128xi32, #tpu.memory_space<vmem>>
          %dma_wait3A_83 = arith.constant 0 : i32
          %dma_wait3A_84 = tpu.memref_slice %arg4[%add3A_62, %dma_wait3A_83] : memref<1250x128xi32, #tpu.memory_space<hbm>> -> memref<16x128xi32, #tpu.memory_space<hbm>>
          tpu.wait_dma2 semaphore(%run_scoped3A : memref<!tpu.dma_semaphore, #tpu.memory_space<semaphore_mem>>) src(%dma_wait3A_84 : memref<16x128xi32, #tpu.memory_space<hbm>>) dst(%dma_wait3A_82 : memref<16x128xi32, #tpu.memory_space<vmem>>)
          tpu.yield
        }) : () -> ()
        %mul3A_63 = arith.constant 80 : i32
        %mul3A_64 = arith.muli %arg1, %mul3A_63 : i32
        %add3A_65 = arith.constant 64 : i32
        %add3A_66 = arith.addi %mul3A_64, %add3A_65 : i32
        "tpu.region"() ({
          %run_scoped3A = tpu.sem_alloc : memref<!tpu.dma_semaphore, #tpu.memory_space<semaphore_mem>>
          %dma_start3A = arith.constant 0 : i32
          %dma_start3A_67 = arith.constant 0 : i32
          %dma_start3A_68 = tpu.memref_slice %arg9[%dma_start3A, %dma_start3A_67] : memref<64x128xi32, #tpu.memory_space<vmem>> -> memref<16x128xi32, #tpu.memory_space<vmem>>
          %dma_start3A_69 = arith.constant 0 : i32
          %dma_start3A_70 = tpu.memref_slice %arg5[%add3A_66, %dma_start3A_69] : memref<1250x128xi32, #tpu.memory_space<hbm>> -> memref<16x128xi32, #tpu.memory_space<hbm>>
          %dma_start3A_71 = arith.constant 0 : i32
          %dma_start3A_72 = arith.constant 0 : i32
          %dma_start3A_73 = tpu.memref_slice %arg9[%dma_start3A_71, %dma_start3A_72] : memref<64x128xi32, #tpu.memory_space<vmem>> -> memref<16x128xi32, #tpu.memory_space<vmem>>
          %dma_start3A_74 = arith.constant 0 : i32
          %dma_start3A_75 = tpu.memref_slice %arg5[%add3A_66, %dma_start3A_74] : memref<1250x128xi32, #tpu.memory_space<hbm>> -> memref<16x128xi32, #tpu.memory_space<hbm>>
          tpu.enqueue_dma source(%dma_start3A_75 : memref<16x128xi32, #tpu.memory_space<hbm>>) target(%dma_start3A_73 : memref<16x128xi32, #tpu.memory_space<vmem>>) target_semaphore(%run_scoped3A : memref<!tpu.dma_semaphore, #tpu.memory_space<semaphore_mem>>)
          %dma_wait3A = arith.constant 0 : i32
          %dma_wait3A_76 = arith.constant 0 : i32
          %dma_wait3A_77 = tpu.memref_slice %arg9[%dma_wait3A, %dma_wait3A_76] : memref<64x128xi32, #tpu.memory_space<vmem>> -> memref<16x128xi32, #tpu.memory_space<vmem>>
          %dma_wait3A_78 = arith.constant 0 : i32
          %dma_wait3A_79 = tpu.memref_slice %arg5[%add3A_66, %dma_wait3A_78] : memref<1250x128xi32, #tpu.memory_space<hbm>> -> memref<16x128xi32, #tpu.memory_space<hbm>>
          %dma_wait3A_80 = arith.constant 0 : i32
          %dma_wait3A_81 = arith.constant 0 : i32
          %dma_wait3A_82 = tpu.memref_slice %arg9[%dma_wait3A_80, %dma_wait3A_81] : memref<64x128xi32, #tpu.memory_space<vmem>> -> memref<16x128xi32, #tpu.memory_space<vmem>>
          %dma_wait3A_83 = arith.constant 0 : i32
          %dma_wait3A_84 = tpu.memref_slice %arg5[%add3A_66, %dma_wait3A_83] : memref<1250x128xi32, #tpu.memory_space<hbm>> -> memref<16x128xi32, #tpu.memory_space<hbm>>
          tpu.wait_dma2 semaphore(%run_scoped3A : memref<!tpu.dma_semaphore, #tpu.memory_space<semaphore_mem>>) src(%dma_wait3A_84 : memref<16x128xi32, #tpu.memory_space<hbm>>) dst(%dma_wait3A_82 : memref<16x128xi32, #tpu.memory_space<vmem>>)
          tpu.yield
        }) : () -> ()
      } else {
      }
      %lt3A_39 = arith.constant 15 : i32
      %lt3A_40 = arith.cmpi slt, %arg1, %lt3A_39 : i32
      %jit3A_41 = arith.constant 8 : i32
      %jit3A_42 = arith.constant 0 : i32
      %select_n3A_43 = arith.select %lt3A_40, %jit3A_41, %jit3A_42 : i32
      %gt3A_44 = arith.constant 0 : i32
      %gt3A_45 = arith.cmpi sgt, %select_n3A_43, %gt3A_44 : i32
      %convert_element_type3A_46 = arith.extui %gt3A_45 : i1 to i32
      %cond3A_47 = arith.constant 0 : i32
      %cond3A_48 = arith.cmpi ne, %convert_element_type3A_46, %cond3A_47 : i32
      scf.if %cond3A_48 {
        %dma_start3A = arith.constant 0 : i32
        %dma_start3A_60 = arith.constant 0 : i32
        %dma_start3A_61 = tpu.memref_slice %arg8[%dma_start3A, %dma_start3A_60] : memref<64x128xi32, #tpu.memory_space<vmem>> -> memref<1x128xi32, #tpu.memory_space<vmem>>
        %dma_start3A_62 = tpu.memref_squeeze %dma_start3A_61 : memref<1x128xi32, #tpu.memory_space<vmem>> -> memref<128xi32, #tpu.memory_space<vmem>>
        %dma_start3A_63 = arith.constant 0 : i32
        %dma_start3A_64 = arith.constant 0 : i32
        %dma_start3A_65 = tpu.memref_slice %arg3[%dma_start3A_63, %dma_start3A_64] : memref<10000x128xf32, #tpu.memory_space<hbm>> -> memref<10000x128xf32, #tpu.memory_space<hbm>>
        tpu.enqueue_indirect_dma source(%dma_start3A_65 : memref<10000x128xf32, #tpu.memory_space<hbm>>) target(%arg10 : memref<128x128xf32, #tpu.memory_space<vmem>>) offsets(%dma_start3A_62 : memref<128xi32, #tpu.memory_space<vmem>>) semaphore(%arg13 : memref<!tpu.dma_semaphore, #tpu.memory_space<semaphore_mem>>)
        %while3A = arith.constant 0 : i32
        %while3A_66 = arith.constant 0 : i32
        %while3A_67 = arith.subi %select_n3A_43, %while3A_66 : i32
        %while3A_68 = arith.addi %while3A_66, %while3A_67 : i32
        %while3A_69 = arith.constant 1 : i32
        %while3A_70 = arith.divsi %while3A_67, %while3A_69 : i32
        %while3A_71 = arith.muli %while3A_70, %while3A_69 : i32
        %while3A_72 = arith.addi %while3A_66, %while3A_71 : i32
        %while3A_73 = arith.constant 1 : i32
        scf.for %while3A_83 = %while3A_66 to %while3A_72 step %while3A_73  : i32 {
          %mul3A_84 = arith.constant 2 : i32
          %mul3A_85 = arith.muli %mul3A_84, %while3A_83 : i32
          %mul3A_86 = arith.constant 2 : i32
          %mul3A_87 = arith.muli %mul3A_86, %while3A_83 : i32
          %add3A = arith.constant 1 : i32
          %add3A_88 = arith.addi %mul3A_87, %add3A : i32
          %dma_wait3A_89 = arith.constant 0 : i32
          %dma_wait3A_90 = tpu.memref_slice %arg8[%mul3A_85, %dma_wait3A_89] : memref<64x128xi32, #tpu.memory_space<vmem>> -> memref<1x128xi32, #tpu.memory_space<vmem>>
          %dma_wait3A_91 = tpu.memref_squeeze %dma_wait3A_90 : memref<1x128xi32, #tpu.memory_space<vmem>> -> memref<128xi32, #tpu.memory_space<vmem>>
          %dma_wait3A_92 = arith.constant 0 : i32
          %dma_wait3A_93 = arith.constant 0 : i32
          %dma_wait3A_94 = tpu.memref_slice %arg3[%dma_wait3A_92, %dma_wait3A_93] : memref<10000x128xf32, #tpu.memory_space<hbm>> -> memref<10000x128xf32, #tpu.memory_space<hbm>>
          tpu.wait_indirect_dma semaphore(%arg13 : memref<!tpu.dma_semaphore, #tpu.memory_space<semaphore_mem>>) src(%dma_wait3A_94 : memref<10000x128xf32, #tpu.memory_space<hbm>>) dst(%arg10 : memref<128x128xf32, #tpu.memory_space<vmem>>)
          %gt3A_95 = arith.constant 0 : i32
          %gt3A_96 = arith.cmpi sgt, %while3A_83, %gt3A_95 : i32
          %convert_element_type3A_97 = arith.extui %gt3A_96 : i1 to i32
          %cond3A_98 = arith.constant 0 : i32
          %cond3A_99 = arith.cmpi ne, %convert_element_type3A_97, %cond3A_98 : i32
          scf.if %cond3A_99 {
            %sub3A_136 = arith.constant 2 : i32
            %sub3A_137 = arith.subi %add3A_88, %sub3A_136 : i32
            %dma_wait3A_138 = arith.constant 0 : i32
            %dma_wait3A_139 = tpu.memref_slice %arg9[%sub3A_137, %dma_wait3A_138] : memref<64x128xi32, #tpu.memory_space<vmem>> -> memref<1x128xi32, #tpu.memory_space<vmem>>
            %dma_wait3A_140 = tpu.memref_squeeze %dma_wait3A_139 : memref<1x128xi32, #tpu.memory_space<vmem>> -> memref<128xi32, #tpu.memory_space<vmem>>
            %dma_wait3A_141 = arith.constant 0 : i32
            %dma_wait3A_142 = arith.constant 0 : i32
            %dma_wait3A_143 = tpu.memref_slice %arg12[%dma_wait3A_141, %dma_wait3A_142] : memref<10000x128xf32, #tpu.memory_space<vmem_shared>> -> memref<10000x128xf32, #tpu.memory_space<vmem_shared>>
            tpu.wait_indirect_dma semaphore(%arg15 : memref<!tpu.dma_semaphore, #tpu.memory_space<semaphore_mem>>) src(%arg11 : memref<128x128xf32, #tpu.memory_space<vmem>>) dst(%dma_wait3A_143 : memref<10000x128xf32, #tpu.memory_space<vmem_shared>>)
          } else {
          }
          %dma_start3A_100 = arith.constant 0 : i32
          %dma_start3A_101 = tpu.memref_slice %arg8[%add3A_88, %dma_start3A_100] : memref<64x128xi32, #tpu.memory_space<vmem>> -> memref<1x128xi32, #tpu.memory_space<vmem>>
          %dma_start3A_102 = tpu.memref_squeeze %dma_start3A_101 : memref<1x128xi32, #tpu.memory_space<vmem>> -> memref<128xi32, #tpu.memory_space<vmem>>
          %dma_start3A_103 = arith.constant 0 : i32
          %dma_start3A_104 = arith.constant 0 : i32
          %dma_start3A_105 = tpu.memref_slice %arg3[%dma_start3A_103, %dma_start3A_104] : memref<10000x128xf32, #tpu.memory_space<hbm>> -> memref<10000x128xf32, #tpu.memory_space<hbm>>
          tpu.enqueue_indirect_dma source(%dma_start3A_105 : memref<10000x128xf32, #tpu.memory_space<hbm>>) target(%arg11 : memref<128x128xf32, #tpu.memory_space<vmem>>) offsets(%dma_start3A_102 : memref<128xi32, #tpu.memory_space<vmem>>) semaphore(%arg13 : memref<!tpu.dma_semaphore, #tpu.memory_space<semaphore_mem>>)
          %dma_start3A_106 = arith.constant 0 : i32
          %dma_start3A_107 = tpu.memref_slice %arg9[%mul3A_85, %dma_start3A_106] : memref<64x128xi32, #tpu.memory_space<vmem>> -> memref<1x128xi32, #tpu.memory_space<vmem>>
          %dma_start3A_108 = tpu.memref_squeeze %dma_start3A_107 : memref<1x128xi32, #tpu.memory_space<vmem>> -> memref<128xi32, #tpu.memory_space<vmem>>
          %dma_start3A_109 = arith.constant 0 : i32
          %dma_start3A_110 = arith.constant 0 : i32
          %dma_start3A_111 = tpu.memref_slice %arg12[%dma_start3A_109, %dma_start3A_110] : memref<10000x128xf32, #tpu.memory_space<vmem_shared>> -> memref<10000x128xf32, #tpu.memory_space<vmem_shared>>
          tpu.enqueue_indirect_dma source(%arg10 : memref<128x128xf32, #tpu.memory_space<vmem>>) target(%dma_start3A_111 : memref<10000x128xf32, #tpu.memory_space<vmem_shared>>) offsets(%dma_start3A_108 : memref<128xi32, #tpu.memory_space<vmem>>) semaphore(%arg14 : memref<!tpu.dma_semaphore, #tpu.memory_space<semaphore_mem>>) {add = true}
          %dma_wait3A_112 = arith.constant 0 : i32
          %dma_wait3A_113 = tpu.memref_slice %arg8[%add3A_88, %dma_wait3A_112] : memref<64x128xi32, #tpu.memory_space<vmem>> -> memref<1x128xi32, #tpu.memory_space<vmem>>
          %dma_wait3A_114 = tpu.memref_squeeze %dma_wait3A_113 : memref<1x128xi32, #tpu.memory_space<vmem>> -> memref<128xi32, #tpu.memory_space<vmem>>
          %dma_wait3A_115 = arith.constant 0 : i32
          %dma_wait3A_116 = arith.constant 0 : i32
          %dma_wait3A_117 = tpu.memref_slice %arg3[%dma_wait3A_115, %dma_wait3A_116] : memref<10000x128xf32, #tpu.memory_space<hbm>> -> memref<10000x128xf32, #tpu.memory_space<hbm>>
          tpu.wait_indirect_dma semaphore(%arg13 : memref<!tpu.dma_semaphore, #tpu.memory_space<semaphore_mem>>) src(%dma_wait3A_117 : memref<10000x128xf32, #tpu.memory_space<hbm>>) dst(%arg11 : memref<128x128xf32, #tpu.memory_space<vmem>>)
          %dma_wait3A_118 = arith.constant 0 : i32
          %dma_wait3A_119 = tpu.memref_slice %arg9[%mul3A_85, %dma_wait3A_118] : memref<64x128xi32, #tpu.memory_space<vmem>> -> memref<1x128xi32, #tpu.memory_space<vmem>>
          %dma_wait3A_120 = tpu.memref_squeeze %dma_wait3A_119 : memref<1x128xi32, #tpu.memory_space<vmem>> -> memref<128xi32, #tpu.memory_space<vmem>>
          %dma_wait3A_121 = arith.constant 0 : i32
          %dma_wait3A_122 = arith.constant 0 : i32
          %dma_wait3A_123 = tpu.memref_slice %arg12[%dma_wait3A_121, %dma_wait3A_122] : memref<10000x128xf32, #tpu.memory_space<vmem_shared>> -> memref<10000x128xf32, #tpu.memory_space<vmem_shared>>
          tpu.wait_indirect_dma semaphore(%arg14 : memref<!tpu.dma_semaphore, #tpu.memory_space<semaphore_mem>>) src(%arg10 : memref<128x128xf32, #tpu.memory_space<vmem>>) dst(%dma_wait3A_123 : memref<10000x128xf32, #tpu.memory_space<vmem_shared>>)
          %add3A_124 = arith.constant 1 : i32
          %add3A_125 = arith.addi %while3A_83, %add3A_124 : i32
          %lt3A_126 = arith.cmpi slt, %add3A_125, %select_n3A_43 : i32
          %convert_element_type3A_127 = arith.extui %lt3A_126 : i1 to i32
          %cond3A_128 = arith.constant 0 : i32
          %cond3A_129 = arith.cmpi ne, %convert_element_type3A_127, %cond3A_128 : i32
          scf.if %cond3A_129 {
            %add3A_136 = arith.constant 2 : i32
            %add3A_137 = arith.addi %mul3A_85, %add3A_136 : i32
            %dma_start3A_138 = arith.constant 0 : i32
            %dma_start3A_139 = tpu.memref_slice %arg8[%add3A_137, %dma_start3A_138] : memref<64x128xi32, #tpu.memory_space<vmem>> -> memref<1x128xi32, #tpu.memory_space<vmem>>
            %dma_start3A_140 = tpu.memref_squeeze %dma_start3A_139 : memref<1x128xi32, #tpu.memory_space<vmem>> -> memref<128xi32, #tpu.memory_space<vmem>>
            %dma_start3A_141 = arith.constant 0 : i32
            %dma_start3A_142 = arith.constant 0 : i32
            %dma_start3A_143 = tpu.memref_slice %arg3[%dma_start3A_141, %dma_start3A_142] : memref<10000x128xf32, #tpu.memory_space<hbm>> -> memref<10000x128xf32, #tpu.memory_space<hbm>>
            tpu.enqueue_indirect_dma source(%dma_start3A_143 : memref<10000x128xf32, #tpu.memory_space<hbm>>) target(%arg10 : memref<128x128xf32, #tpu.memory_space<vmem>>) offsets(%dma_start3A_140 : memref<128xi32, #tpu.memory_space<vmem>>) semaphore(%arg13 : memref<!tpu.dma_semaphore, #tpu.memory_space<semaphore_mem>>)
          } else {
          }
          %dma_start3A_130 = arith.constant 0 : i32
          %dma_start3A_131 = tpu.memref_slice %arg9[%add3A_88, %dma_start3A_130] : memref<64x128xi32, #tpu.memory_space<vmem>> -> memref<1x128xi32, #tpu.memory_space<vmem>>
          %dma_start3A_132 = tpu.memref_squeeze %dma_start3A_131 : memref<1x128xi32, #tpu.memory_space<vmem>> -> memref<128xi32, #tpu.memory_space<vmem>>
          %dma_start3A_133 = arith.constant 0 : i32
          %dma_start3A_134 = arith.constant 0 : i32
          %dma_start3A_135 = tpu.memref_slice %arg12[%dma_start3A_133, %dma_start3A_134] : memref<10000x128xf32, #tpu.memory_space<vmem_shared>> -> memref<10000x128xf32, #tpu.memory_space<vmem_shared>>
          tpu.enqueue_indirect_dma source(%arg11 : memref<128x128xf32, #tpu.memory_space<vmem>>) target(%dma_start3A_135 : memref<10000x128xf32, #tpu.memory_space<vmem_shared>>) offsets(%dma_start3A_132 : memref<128xi32, #tpu.memory_space<vmem>>) semaphore(%arg15 : memref<!tpu.dma_semaphore, #tpu.memory_space<semaphore_mem>>) {add = true}
        }
        %while3A_74 = arith.constant 1 : i32
        scf.for %while3A_83 = %while3A_72 to %while3A_68 step %while3A_74  : i32 {
          %mul3A_84 = arith.constant 2 : i32
          %mul3A_85 = arith.muli %mul3A_84, %while3A_83 : i32
          %mul3A_86 = arith.constant 2 : i32
          %mul3A_87 = arith.muli %mul3A_86, %while3A_83 : i32
          %add3A = arith.constant 1 : i32
          %add3A_88 = arith.addi %mul3A_87, %add3A : i32
          %dma_wait3A_89 = arith.constant 0 : i32
          %dma_wait3A_90 = tpu.memref_slice %arg8[%mul3A_85, %dma_wait3A_89] : memref<64x128xi32, #tpu.memory_space<vmem>> -> memref<1x128xi32, #tpu.memory_space<vmem>>
          %dma_wait3A_91 = tpu.memref_squeeze %dma_wait3A_90 : memref<1x128xi32, #tpu.memory_space<vmem>> -> memref<128xi32, #tpu.memory_space<vmem>>
          %dma_wait3A_92 = arith.constant 0 : i32
          %dma_wait3A_93 = arith.constant 0 : i32
          %dma_wait3A_94 = tpu.memref_slice %arg3[%dma_wait3A_92, %dma_wait3A_93] : memref<10000x128xf32, #tpu.memory_space<hbm>> -> memref<10000x128xf32, #tpu.memory_space<hbm>>
          tpu.wait_indirect_dma semaphore(%arg13 : memref<!tpu.dma_semaphore, #tpu.memory_space<semaphore_mem>>) src(%dma_wait3A_94 : memref<10000x128xf32, #tpu.memory_space<hbm>>) dst(%arg10 : memref<128x128xf32, #tpu.memory_space<vmem>>)
          %gt3A_95 = arith.constant 0 : i32
          %gt3A_96 = arith.cmpi sgt, %while3A_83, %gt3A_95 : i32
          %convert_element_type3A_97 = arith.extui %gt3A_96 : i1 to i32
          %cond3A_98 = arith.constant 0 : i32
          %cond3A_99 = arith.cmpi ne, %convert_element_type3A_97, %cond3A_98 : i32
          scf.if %cond3A_99 {
            %sub3A_136 = arith.constant 2 : i32
            %sub3A_137 = arith.subi %add3A_88, %sub3A_136 : i32
            %dma_wait3A_138 = arith.constant 0 : i32
            %dma_wait3A_139 = tpu.memref_slice %arg9[%sub3A_137, %dma_wait3A_138] : memref<64x128xi32, #tpu.memory_space<vmem>> -> memref<1x128xi32, #tpu.memory_space<vmem>>
            %dma_wait3A_140 = tpu.memref_squeeze %dma_wait3A_139 : memref<1x128xi32, #tpu.memory_space<vmem>> -> memref<128xi32, #tpu.memory_space<vmem>>
            %dma_wait3A_141 = arith.constant 0 : i32
            %dma_wait3A_142 = arith.constant 0 : i32
            %dma_wait3A_143 = tpu.memref_slice %arg12[%dma_wait3A_141, %dma_wait3A_142] : memref<10000x128xf32, #tpu.memory_space<vmem_shared>> -> memref<10000x128xf32, #tpu.memory_space<vmem_shared>>
            tpu.wait_indirect_dma semaphore(%arg15 : memref<!tpu.dma_semaphore, #tpu.memory_space<semaphore_mem>>) src(%arg11 : memref<128x128xf32, #tpu.memory_space<vmem>>) dst(%dma_wait3A_143 : memref<10000x128xf32, #tpu.memory_space<vmem_shared>>)
          } else {
          }
          %dma_start3A_100 = arith.constant 0 : i32
          %dma_start3A_101 = tpu.memref_slice %arg8[%add3A_88, %dma_start3A_100] : memref<64x128xi32, #tpu.memory_space<vmem>> -> memref<1x128xi32, #tpu.memory_space<vmem>>
          %dma_start3A_102 = tpu.memref_squeeze %dma_start3A_101 : memref<1x128xi32, #tpu.memory_space<vmem>> -> memref<128xi32, #tpu.memory_space<vmem>>
          %dma_start3A_103 = arith.constant 0 : i32
          %dma_start3A_104 = arith.constant 0 : i32
          %dma_start3A_105 = tpu.memref_slice %arg3[%dma_start3A_103, %dma_start3A_104] : memref<10000x128xf32, #tpu.memory_space<hbm>> -> memref<10000x128xf32, #tpu.memory_space<hbm>>
          tpu.enqueue_indirect_dma source(%dma_start3A_105 : memref<10000x128xf32, #tpu.memory_space<hbm>>) target(%arg11 : memref<128x128xf32, #tpu.memory_space<vmem>>) offsets(%dma_start3A_102 : memref<128xi32, #tpu.memory_space<vmem>>) semaphore(%arg13 : memref<!tpu.dma_semaphore, #tpu.memory_space<semaphore_mem>>)
          %dma_start3A_106 = arith.constant 0 : i32
          %dma_start3A_107 = tpu.memref_slice %arg9[%mul3A_85, %dma_start3A_106] : memref<64x128xi32, #tpu.memory_space<vmem>> -> memref<1x128xi32, #tpu.memory_space<vmem>>
          %dma_start3A_108 = tpu.memref_squeeze %dma_start3A_107 : memref<1x128xi32, #tpu.memory_space<vmem>> -> memref<128xi32, #tpu.memory_space<vmem>>
          %dma_start3A_109 = arith.constant 0 : i32
          %dma_start3A_110 = arith.constant 0 : i32
          %dma_start3A_111 = tpu.memref_slice %arg12[%dma_start3A_109, %dma_start3A_110] : memref<10000x128xf32, #tpu.memory_space<vmem_shared>> -> memref<10000x128xf32, #tpu.memory_space<vmem_shared>>
          tpu.enqueue_indirect_dma source(%arg10 : memref<128x128xf32, #tpu.memory_space<vmem>>) target(%dma_start3A_111 : memref<10000x128xf32, #tpu.memory_space<vmem_shared>>) offsets(%dma_start3A_108 : memref<128xi32, #tpu.memory_space<vmem>>) semaphore(%arg14 : memref<!tpu.dma_semaphore, #tpu.memory_space<semaphore_mem>>) {add = true}
          %dma_wait3A_112 = arith.constant 0 : i32
          %dma_wait3A_113 = tpu.memref_slice %arg8[%add3A_88, %dma_wait3A_112] : memref<64x128xi32, #tpu.memory_space<vmem>> -> memref<1x128xi32, #tpu.memory_space<vmem>>
          %dma_wait3A_114 = tpu.memref_squeeze %dma_wait3A_113 : memref<1x128xi32, #tpu.memory_space<vmem>> -> memref<128xi32, #tpu.memory_space<vmem>>
          %dma_wait3A_115 = arith.constant 0 : i32
          %dma_wait3A_116 = arith.constant 0 : i32
          %dma_wait3A_117 = tpu.memref_slice %arg3[%dma_wait3A_115, %dma_wait3A_116] : memref<10000x128xf32, #tpu.memory_space<hbm>> -> memref<10000x128xf32, #tpu.memory_space<hbm>>
          tpu.wait_indirect_dma semaphore(%arg13 : memref<!tpu.dma_semaphore, #tpu.memory_space<semaphore_mem>>) src(%dma_wait3A_117 : memref<10000x128xf32, #tpu.memory_space<hbm>>) dst(%arg11 : memref<128x128xf32, #tpu.memory_space<vmem>>)
          %dma_wait3A_118 = arith.constant 0 : i32
          %dma_wait3A_119 = tpu.memref_slice %arg9[%mul3A_85, %dma_wait3A_118] : memref<64x128xi32, #tpu.memory_space<vmem>> -> memref<1x128xi32, #tpu.memory_space<vmem>>
          %dma_wait3A_120 = tpu.memref_squeeze %dma_wait3A_119 : memref<1x128xi32, #tpu.memory_space<vmem>> -> memref<128xi32, #tpu.memory_space<vmem>>
          %dma_wait3A_121 = arith.constant 0 : i32
          %dma_wait3A_122 = arith.constant 0 : i32
          %dma_wait3A_123 = tpu.memref_slice %arg12[%dma_wait3A_121, %dma_wait3A_122] : memref<10000x128xf32, #tpu.memory_space<vmem_shared>> -> memref<10000x128xf32, #tpu.memory_space<vmem_shared>>
          tpu.wait_indirect_dma semaphore(%arg14 : memref<!tpu.dma_semaphore, #tpu.memory_space<semaphore_mem>>) src(%arg10 : memref<128x128xf32, #tpu.memory_space<vmem>>) dst(%dma_wait3A_123 : memref<10000x128xf32, #tpu.memory_space<vmem_shared>>)
          %add3A_124 = arith.constant 1 : i32
          %add3A_125 = arith.addi %while3A_83, %add3A_124 : i32
          %lt3A_126 = arith.cmpi slt, %add3A_125, %select_n3A_43 : i32
          %convert_element_type3A_127 = arith.extui %lt3A_126 : i1 to i32
          %cond3A_128 = arith.constant 0 : i32
          %cond3A_129 = arith.cmpi ne, %convert_element_type3A_127, %cond3A_128 : i32
          scf.if %cond3A_129 {
            %add3A_136 = arith.constant 2 : i32
            %add3A_137 = arith.addi %mul3A_85, %add3A_136 : i32
            %dma_start3A_138 = arith.constant 0 : i32
            %dma_start3A_139 = tpu.memref_slice %arg8[%add3A_137, %dma_start3A_138] : memref<64x128xi32, #tpu.memory_space<vmem>> -> memref<1x128xi32, #tpu.memory_space<vmem>>
            %dma_start3A_140 = tpu.memref_squeeze %dma_start3A_139 : memref<1x128xi32, #tpu.memory_space<vmem>> -> memref<128xi32, #tpu.memory_space<vmem>>
            %dma_start3A_141 = arith.constant 0 : i32
            %dma_start3A_142 = arith.constant 0 : i32
            %dma_start3A_143 = tpu.memref_slice %arg3[%dma_start3A_141, %dma_start3A_142] : memref<10000x128xf32, #tpu.memory_space<hbm>> -> memref<10000x128xf32, #tpu.memory_space<hbm>>
            tpu.enqueue_indirect_dma source(%dma_start3A_143 : memref<10000x128xf32, #tpu.memory_space<hbm>>) target(%arg10 : memref<128x128xf32, #tpu.memory_space<vmem>>) offsets(%dma_start3A_140 : memref<128xi32, #tpu.memory_space<vmem>>) semaphore(%arg13 : memref<!tpu.dma_semaphore, #tpu.memory_space<semaphore_mem>>)
          } else {
          }
          %dma_start3A_130 = arith.constant 0 : i32
          %dma_start3A_131 = tpu.memref_slice %arg9[%add3A_88, %dma_start3A_130] : memref<64x128xi32, #tpu.memory_space<vmem>> -> memref<1x128xi32, #tpu.memory_space<vmem>>
          %dma_start3A_132 = tpu.memref_squeeze %dma_start3A_131 : memref<1x128xi32, #tpu.memory_space<vmem>> -> memref<128xi32, #tpu.memory_space<vmem>>
          %dma_start3A_133 = arith.constant 0 : i32
          %dma_start3A_134 = arith.constant 0 : i32
          %dma_start3A_135 = tpu.memref_slice %arg12[%dma_start3A_133, %dma_start3A_134] : memref<10000x128xf32, #tpu.memory_space<vmem_shared>> -> memref<10000x128xf32, #tpu.memory_space<vmem_shared>>
          tpu.enqueue_indirect_dma source(%arg11 : memref<128x128xf32, #tpu.memory_space<vmem>>) target(%dma_start3A_135 : memref<10000x128xf32, #tpu.memory_space<vmem_shared>>) offsets(%dma_start3A_132 : memref<128xi32, #tpu.memory_space<vmem>>) semaphore(%arg15 : memref<!tpu.dma_semaphore, #tpu.memory_space<semaphore_mem>>) {add = true}
        }
        %mul3A_75 = arith.constant 2 : i32
        %mul3A_76 = arith.muli %mul3A_75, %select_n3A_43 : i32
        %sub3A = arith.constant 1 : i32
        %sub3A_77 = arith.subi %mul3A_76, %sub3A : i32
        %dma_wait3A = arith.constant 0 : i32
        %dma_wait3A_78 = tpu.memref_slice %arg9[%sub3A_77, %dma_wait3A] : memref<64x128xi32, #tpu.memory_space<vmem>> -> memref<1x128xi32, #tpu.memory_space<vmem>>
        %dma_wait3A_79 = tpu.memref_squeeze %dma_wait3A_78 : memref<1x128xi32, #tpu.memory_space<vmem>> -> memref<128xi32, #tpu.memory_space<vmem>>
        %dma_wait3A_80 = arith.constant 0 : i32
        %dma_wait3A_81 = arith.constant 0 : i32
        %dma_wait3A_82 = tpu.memref_slice %arg12[%dma_wait3A_80, %dma_wait3A_81] : memref<10000x128xf32, #tpu.memory_space<vmem_shared>> -> memref<10000x128xf32, #tpu.memory_space<vmem_shared>>
        tpu.wait_indirect_dma semaphore(%arg15 : memref<!tpu.dma_semaphore, #tpu.memory_space<semaphore_mem>>) src(%arg11 : memref<128x128xf32, #tpu.memory_space<vmem>>) dst(%dma_wait3A_82 : memref<10000x128xf32, #tpu.memory_space<vmem_shared>>)
      } else {
      }
      %barrier3A_49 = arith.constant 0 : index
      tpu.barrier barrier_id(%barrier3A_49)
      %lt3A_50 = arith.constant 15 : i32
      %lt3A_51 = arith.cmpi slt, %arg1, %lt3A_50 : i32
      %convert_element_type3A_52 = arith.extui %lt3A_51 : i1 to i32
      %cond3A_53 = arith.constant 0 : i32
      %cond3A_54 = arith.cmpi ne, %convert_element_type3A_52, %cond3A_53 : i32
      scf.if %cond3A_54 {
        "tpu.region"() ({
          %run_scoped3A = tpu.sem_alloc : memref<!tpu.dma_semaphore, #tpu.memory_space<semaphore_mem>>
          %dma_start3A = arith.constant 0 : i32
          %dma_start3A_60 = tpu.memref_slice %arg7[%mul3A_0, %dma_start3A] : memref<10000x128xf32, #tpu.memory_space<hbm>> -> memref<632x128xf32, #tpu.memory_space<hbm>>
          %dma_start3A_61 = arith.constant 0 : i32
          %dma_start3A_62 = tpu.memref_slice %arg12[%mul3A_0, %dma_start3A_61] : memref<10000x128xf32, #tpu.memory_space<vmem_shared>> -> memref<632x128xf32, #tpu.memory_space<vmem_shared>>
          tpu.enqueue_dma source(%dma_start3A_62 : memref<632x128xf32, #tpu.memory_space<vmem_shared>>) target(%dma_start3A_60 : memref<632x128xf32, #tpu.memory_space<hbm>>) target_semaphore(%run_scoped3A : memref<!tpu.dma_semaphore, #tpu.memory_space<semaphore_mem>>)
          %dma_wait3A = arith.constant 0 : i32
          %dma_wait3A_63 = tpu.memref_slice %arg7[%mul3A_0, %dma_wait3A] : memref<10000x128xf32, #tpu.memory_space<hbm>> -> memref<632x128xf32, #tpu.memory_space<hbm>>
          %dma_wait3A_64 = arith.constant 0 : i32
          %dma_wait3A_65 = tpu.memref_slice %arg12[%mul3A_0, %dma_wait3A_64] : memref<10000x128xf32, #tpu.memory_space<vmem_shared>> -> memref<632x128xf32, #tpu.memory_space<vmem_shared>>
          tpu.wait_dma2 semaphore(%run_scoped3A : memref<!tpu.dma_semaphore, #tpu.memory_space<semaphore_mem>>) src(%dma_wait3A_65 : memref<632x128xf32, #tpu.memory_space<vmem_shared>>) dst(%dma_wait3A_63 : memref<632x128xf32, #tpu.memory_space<hbm>>)
          tpu.yield
        }) : () -> ()
      } else {
      }
      %eq3A_55 = arith.constant 15 : i32
      %eq3A_56 = arith.cmpi eq, %arg1, %eq3A_55 : i32
      %convert_element_type3A_57 = arith.extui %eq3A_56 : i1 to i32
      %cond3A_58 = arith.constant 0 : i32
      %cond3A_59 = arith.cmpi ne, %convert_element_type3A_57, %cond3A_58 : i32
      scf.if %cond3A_59 {
        "tpu.region"() ({
          %run_scoped3A = tpu.sem_alloc : memref<!tpu.dma_semaphore, #tpu.memory_space<semaphore_mem>>
          %dma_start3A = arith.constant 9480 : i32
          %dma_start3A_60 = arith.constant 0 : i32
          %dma_start3A_61 = tpu.memref_slice %arg7[%dma_start3A, %dma_start3A_60] : memref<10000x128xf32, #tpu.memory_space<hbm>> -> memref<520x128xf32, #tpu.memory_space<hbm>>
          %dma_start3A_62 = arith.constant 9480 : i32
          %dma_start3A_63 = arith.constant 0 : i32
          %dma_start3A_64 = tpu.memref_slice %arg12[%dma_start3A_62, %dma_start3A_63] : memref<10000x128xf32, #tpu.memory_space<vmem_shared>> -> memref<520x128xf32, #tpu.memory_space<vmem_shared>>
          tpu.enqueue_dma source(%dma_start3A_64 : memref<520x128xf32, #tpu.memory_space<vmem_shared>>) target(%dma_start3A_61 : memref<520x128xf32, #tpu.memory_space<hbm>>) target_semaphore(%run_scoped3A : memref<!tpu.dma_semaphore, #tpu.memory_space<semaphore_mem>>)
          %dma_wait3A = arith.constant 9480 : i32
          %dma_wait3A_65 = arith.constant 0 : i32
          %dma_wait3A_66 = tpu.memref_slice %arg7[%dma_wait3A, %dma_wait3A_65] : memref<10000x128xf32, #tpu.memory_space<hbm>> -> memref<520x128xf32, #tpu.memory_space<hbm>>
          %dma_wait3A_67 = arith.constant 9480 : i32
          %dma_wait3A_68 = arith.constant 0 : i32
          %dma_wait3A_69 = tpu.memref_slice %arg12[%dma_wait3A_67, %dma_wait3A_68] : memref<10000x128xf32, #tpu.memory_space<vmem_shared>> -> memref<520x128xf32, #tpu.memory_space<vmem_shared>>
          tpu.wait_dma2 semaphore(%run_scoped3A : memref<!tpu.dma_semaphore, #tpu.memory_space<semaphore_mem>>) src(%dma_wait3A_69 : memref<520x128xf32, #tpu.memory_space<vmem_shared>>) dst(%dma_wait3A_66 : memref<520x128xf32, #tpu.memory_space<hbm>>)
          tpu.yield
        }) : () -> ()
      } else {
      }
    } else {
    }
    return
  }
}

#map = affine_map<(d0, d1) -> (0)>
#map1 = affine_map<(d0, d1) -> (0, 0)>
module attributes {stable_mosaic.version = 14 : i64} {
  func.func @k(%arg0: i32, %arg1: i32, %arg2: memref<10000xf32, #tpu.memory_space<hbm>>, %arg3: memref<1250x128xi32, #tpu.memory_space<hbm>>, %arg4: memref<10000xf32, #tpu.memory_space<hbm>>, %arg5: memref<10000xf32, #tpu.memory_space<hbm>>, %arg6: memref<40x128xi32, #tpu.memory_space<vmem>>, %arg7: memref<128xf32, #tpu.memory_space<vmem>>, %arg8: memref<1000xf32, #tpu.memory_space<vmem>>, %arg9: memref<10000xf32, #tpu.memory_space<vmem_shared>>) attributes {dimension_semantics = [#tpu.dimension_semantics<core_parallel>, #tpu.dimension_semantics<subcore_parallel>], iteration_bounds = array<i64: 2, 16>, scalar_prefetch = 0 : i64, scratch_operands = 4 : i64, tpu.core_type = #tpu.core_type<sc_vector_subcore>, window_params = [{transform_indices = #map}, {transform_indices = #map1}, {transform_indices = #map}, {transform_indices = #map}]} {
    %mul3A = arith.constant 16 : i32
    %mul3A_0 = arith.muli %arg0, %mul3A : i32
    %add3A = arith.addi %mul3A_0, %arg1 : i32
    %lt3A = arith.constant 31 : i32
    %lt3A_1 = arith.cmpi slt, %add3A, %lt3A : i32
    %convert_element_type3A = arith.extui %lt3A_1 : i1 to i32
    %cond3A = arith.constant 0 : i32
    %cond3A_2 = arith.cmpi ne, %convert_element_type3A, %cond3A : i32
    scf.if %cond3A_2 {
      %mul3A_30 = arith.constant 40 : i32
      %mul3A_31 = arith.muli %add3A, %mul3A_30 : i32
      "tpu.region"() ({
        %run_scoped3A = tpu.sem_alloc : memref<!tpu.dma_semaphore, #tpu.memory_space<semaphore_mem>>
        %dma_start3A = arith.constant 0 : i32
        %dma_start3A_32 = tpu.memref_slice %arg3[%mul3A_31, %dma_start3A] : memref<1250x128xi32, #tpu.memory_space<hbm>> -> memref<40x128xi32, #tpu.memory_space<hbm>>
        %dma_start3A_33 = arith.constant 0 : i32
        %dma_start3A_34 = tpu.memref_slice %arg3[%mul3A_31, %dma_start3A_33] : memref<1250x128xi32, #tpu.memory_space<hbm>> -> memref<40x128xi32, #tpu.memory_space<hbm>>
        tpu.enqueue_dma source(%dma_start3A_34 : memref<40x128xi32, #tpu.memory_space<hbm>>) target(%arg6 : memref<40x128xi32, #tpu.memory_space<vmem>>) target_semaphore(%run_scoped3A : memref<!tpu.dma_semaphore, #tpu.memory_space<semaphore_mem>>)
        %dma_wait3A = arith.constant 0 : i32
        %dma_wait3A_35 = tpu.memref_slice %arg3[%mul3A_31, %dma_wait3A] : memref<1250x128xi32, #tpu.memory_space<hbm>> -> memref<40x128xi32, #tpu.memory_space<hbm>>
        %dma_wait3A_36 = arith.constant 0 : i32
        %dma_wait3A_37 = tpu.memref_slice %arg3[%mul3A_31, %dma_wait3A_36] : memref<1250x128xi32, #tpu.memory_space<hbm>> -> memref<40x128xi32, #tpu.memory_space<hbm>>
        tpu.wait_dma2 semaphore(%run_scoped3A : memref<!tpu.dma_semaphore, #tpu.memory_space<semaphore_mem>>) src(%dma_wait3A_37 : memref<40x128xi32, #tpu.memory_space<hbm>>) dst(%arg6 : memref<40x128xi32, #tpu.memory_space<vmem>>)
        tpu.yield
      }) : () -> ()
    } else {
    }
    %eq3A = arith.constant 31 : i32
    %eq3A_3 = arith.cmpi eq, %add3A, %eq3A : i32
    %convert_element_type3A_4 = arith.extui %eq3A_3 : i1 to i32
    %cond3A_5 = arith.constant 0 : i32
    %cond3A_6 = arith.cmpi ne, %convert_element_type3A_4, %cond3A_5 : i32
    scf.if %cond3A_6 {
      "tpu.region"() ({
        %run_scoped3A = tpu.sem_alloc : memref<!tpu.dma_semaphore, #tpu.memory_space<semaphore_mem>>
        %dma_start3A = arith.constant 0 : i32
        %dma_start3A_30 = arith.constant 0 : i32
        %dma_start3A_31 = tpu.memref_slice %arg6[%dma_start3A, %dma_start3A_30] : memref<40x128xi32, #tpu.memory_space<vmem>> -> memref<10x128xi32, #tpu.memory_space<vmem>>
        %dma_start3A_32 = arith.constant 1240 : i32
        %dma_start3A_33 = arith.constant 0 : i32
        %dma_start3A_34 = tpu.memref_slice %arg3[%dma_start3A_32, %dma_start3A_33] : memref<1250x128xi32, #tpu.memory_space<hbm>> -> memref<10x128xi32, #tpu.memory_space<hbm>>
        %dma_start3A_35 = arith.constant 0 : i32
        %dma_start3A_36 = arith.constant 0 : i32
        %dma_start3A_37 = tpu.memref_slice %arg6[%dma_start3A_35, %dma_start3A_36] : memref<40x128xi32, #tpu.memory_space<vmem>> -> memref<10x128xi32, #tpu.memory_space<vmem>>
        %dma_start3A_38 = arith.constant 1240 : i32
        %dma_start3A_39 = arith.constant 0 : i32
        %dma_start3A_40 = tpu.memref_slice %arg3[%dma_start3A_38, %dma_start3A_39] : memref<1250x128xi32, #tpu.memory_space<hbm>> -> memref<10x128xi32, #tpu.memory_space<hbm>>
        tpu.enqueue_dma source(%dma_start3A_40 : memref<10x128xi32, #tpu.memory_space<hbm>>) target(%dma_start3A_37 : memref<10x128xi32, #tpu.memory_space<vmem>>) target_semaphore(%run_scoped3A : memref<!tpu.dma_semaphore, #tpu.memory_space<semaphore_mem>>)
        %dma_wait3A = arith.constant 0 : i32
        %dma_wait3A_41 = arith.constant 0 : i32
        %dma_wait3A_42 = tpu.memref_slice %arg6[%dma_wait3A, %dma_wait3A_41] : memref<40x128xi32, #tpu.memory_space<vmem>> -> memref<10x128xi32, #tpu.memory_space<vmem>>
        %dma_wait3A_43 = arith.constant 1240 : i32
        %dma_wait3A_44 = arith.constant 0 : i32
        %dma_wait3A_45 = tpu.memref_slice %arg3[%dma_wait3A_43, %dma_wait3A_44] : memref<1250x128xi32, #tpu.memory_space<hbm>> -> memref<10x128xi32, #tpu.memory_space<hbm>>
        %dma_wait3A_46 = arith.constant 0 : i32
        %dma_wait3A_47 = arith.constant 0 : i32
        %dma_wait3A_48 = tpu.memref_slice %arg6[%dma_wait3A_46, %dma_wait3A_47] : memref<40x128xi32, #tpu.memory_space<vmem>> -> memref<10x128xi32, #tpu.memory_space<vmem>>
        %dma_wait3A_49 = arith.constant 1240 : i32
        %dma_wait3A_50 = arith.constant 0 : i32
        %dma_wait3A_51 = tpu.memref_slice %arg3[%dma_wait3A_49, %dma_wait3A_50] : memref<1250x128xi32, #tpu.memory_space<hbm>> -> memref<10x128xi32, #tpu.memory_space<hbm>>
        tpu.wait_dma2 semaphore(%run_scoped3A : memref<!tpu.dma_semaphore, #tpu.memory_space<semaphore_mem>>) src(%dma_wait3A_51 : memref<10x128xi32, #tpu.memory_space<hbm>>) dst(%dma_wait3A_48 : memref<10x128xi32, #tpu.memory_space<vmem>>)
        tpu.yield
      }) : () -> ()
    } else {
    }
    "tpu.region"() ({
      %run_scoped3A = tpu.sem_alloc : memref<!tpu.dma_semaphore, #tpu.memory_space<semaphore_mem>>
      %dma_start3A = arith.constant 0 : i32
      %dma_start3A_30 = tpu.memref_slice %arg2[%dma_start3A] : memref<10000xf32, #tpu.memory_space<hbm>> -> memref<128xf32, #tpu.memory_space<hbm>>
      %dma_start3A_31 = arith.constant 0 : i32
      %dma_start3A_32 = tpu.memref_slice %arg2[%dma_start3A_31] : memref<10000xf32, #tpu.memory_space<hbm>> -> memref<128xf32, #tpu.memory_space<hbm>>
      tpu.enqueue_dma source(%dma_start3A_32 : memref<128xf32, #tpu.memory_space<hbm>>) target(%arg7 : memref<128xf32, #tpu.memory_space<vmem>>) target_semaphore(%run_scoped3A : memref<!tpu.dma_semaphore, #tpu.memory_space<semaphore_mem>>)
      %dma_wait3A = arith.constant 0 : i32
      %dma_wait3A_33 = tpu.memref_slice %arg2[%dma_wait3A] : memref<10000xf32, #tpu.memory_space<hbm>> -> memref<128xf32, #tpu.memory_space<hbm>>
      %dma_wait3A_34 = arith.constant 0 : i32
      %dma_wait3A_35 = tpu.memref_slice %arg2[%dma_wait3A_34] : memref<10000xf32, #tpu.memory_space<hbm>> -> memref<128xf32, #tpu.memory_space<hbm>>
      tpu.wait_dma2 semaphore(%run_scoped3A : memref<!tpu.dma_semaphore, #tpu.memory_space<semaphore_mem>>) src(%dma_wait3A_35 : memref<128xf32, #tpu.memory_space<hbm>>) dst(%arg7 : memref<128xf32, #tpu.memory_space<vmem>>)
      tpu.yield
    }) : () -> ()
    %lt3A_7 = arith.constant 10 : i32
    %lt3A_8 = arith.cmpi slt, %arg1, %lt3A_7 : i32
    %convert_element_type3A_9 = arith.extui %lt3A_8 : i1 to i32
    %cond3A_10 = arith.constant 0 : i32
    %cond3A_11 = arith.cmpi ne, %convert_element_type3A_9, %cond3A_10 : i32
    scf.if %cond3A_11 {
      %mul3A_30 = arith.constant 1000 : i32
      %mul3A_31 = arith.muli %arg1, %mul3A_30 : i32
      "tpu.region"() ({
        %run_scoped3A = tpu.sem_alloc : memref<!tpu.dma_semaphore, #tpu.memory_space<semaphore_mem>>
        %dma_start3A = tpu.memref_slice %arg2[%mul3A_31] : memref<10000xf32, #tpu.memory_space<hbm>> -> memref<1000xf32, #tpu.memory_space<hbm>>
        %dma_start3A_34 = tpu.memref_slice %arg2[%mul3A_31] : memref<10000xf32, #tpu.memory_space<hbm>> -> memref<1000xf32, #tpu.memory_space<hbm>>
        tpu.enqueue_dma source(%dma_start3A_34 : memref<1000xf32, #tpu.memory_space<hbm>>) target(%arg8 : memref<1000xf32, #tpu.memory_space<vmem>>) target_semaphore(%run_scoped3A : memref<!tpu.dma_semaphore, #tpu.memory_space<semaphore_mem>>)
        %dma_wait3A = tpu.memref_slice %arg2[%mul3A_31] : memref<10000xf32, #tpu.memory_space<hbm>> -> memref<1000xf32, #tpu.memory_space<hbm>>
        %dma_wait3A_35 = tpu.memref_slice %arg2[%mul3A_31] : memref<10000xf32, #tpu.memory_space<hbm>> -> memref<1000xf32, #tpu.memory_space<hbm>>
        tpu.wait_dma2 semaphore(%run_scoped3A : memref<!tpu.dma_semaphore, #tpu.memory_space<semaphore_mem>>) src(%dma_wait3A_35 : memref<1000xf32, #tpu.memory_space<hbm>>) dst(%arg8 : memref<1000xf32, #tpu.memory_space<vmem>>)
        tpu.yield
      }) : () -> ()
      %mul3A_32 = arith.constant 1000 : i32
      %mul3A_33 = arith.muli %arg1, %mul3A_32 : i32
      "tpu.region"() ({
        %run_scoped3A = tpu.sem_alloc : memref<!tpu.dma_semaphore, #tpu.memory_space<semaphore_mem>>
        %dma_start3A = tpu.memref_slice %arg9[%mul3A_33] : memref<10000xf32, #tpu.memory_space<vmem_shared>> -> memref<1000xf32, #tpu.memory_space<vmem_shared>>
        %dma_start3A_34 = tpu.memref_slice %arg9[%mul3A_33] : memref<10000xf32, #tpu.memory_space<vmem_shared>> -> memref<1000xf32, #tpu.memory_space<vmem_shared>>
        tpu.enqueue_dma source(%arg8 : memref<1000xf32, #tpu.memory_space<vmem>>) target(%dma_start3A_34 : memref<1000xf32, #tpu.memory_space<vmem_shared>>) target_semaphore(%run_scoped3A : memref<!tpu.dma_semaphore, #tpu.memory_space<semaphore_mem>>)
        %dma_wait3A = tpu.memref_slice %arg9[%mul3A_33] : memref<10000xf32, #tpu.memory_space<vmem_shared>> -> memref<1000xf32, #tpu.memory_space<vmem_shared>>
        %dma_wait3A_35 = tpu.memref_slice %arg9[%mul3A_33] : memref<10000xf32, #tpu.memory_space<vmem_shared>> -> memref<1000xf32, #tpu.memory_space<vmem_shared>>
        tpu.wait_dma2 semaphore(%run_scoped3A : memref<!tpu.dma_semaphore, #tpu.memory_space<semaphore_mem>>) src(%arg8 : memref<1000xf32, #tpu.memory_space<vmem>>) dst(%dma_wait3A_35 : memref<1000xf32, #tpu.memory_space<vmem_shared>>)
        tpu.yield
      }) : () -> ()
    } else {
    }
    %barrier3A = arith.constant 0 : index
    tpu.barrier barrier_id(%barrier3A)
    %lt3A_12 = arith.constant 31 : i32
    %lt3A_13 = arith.cmpi slt, %add3A, %lt3A_12 : i32
    %jit3A = arith.constant 40 : i32
    %jit3A_14 = arith.constant 10 : i32
    %select_n3A = arith.select %lt3A_13, %jit3A, %jit3A_14 : i32
    %while3A = arith.constant 0 : i32
    %while3A_15 = arith.constant 0 : i32
    %while3A_16 = arith.subi %select_n3A, %while3A_15 : i32
    %while3A_17 = arith.addi %while3A_15, %while3A_16 : i32
    %while3A_18 = arith.constant 1 : i32
    %while3A_19 = arith.divsi %while3A_16, %while3A_18 : i32
    %while3A_20 = arith.muli %while3A_19, %while3A_18 : i32
    %while3A_21 = arith.addi %while3A_15, %while3A_20 : i32
    %while3A_22 = arith.constant 1 : i32
    scf.for %while3A_30 = %while3A_15 to %while3A_21 step %while3A_22  : i32 {
      "tpu.region"() ({
        %run_scoped3A = tpu.sem_alloc : memref<!tpu.dma_semaphore, #tpu.memory_space<semaphore_mem>>
        %dma_start3A = arith.constant 0 : i32
        %dma_start3A_31 = tpu.memref_slice %arg6[%while3A_30, %dma_start3A] : memref<40x128xi32, #tpu.memory_space<vmem>> -> memref<1x128xi32, #tpu.memory_space<vmem>>
        %dma_start3A_32 = tpu.memref_squeeze %dma_start3A_31 : memref<1x128xi32, #tpu.memory_space<vmem>> -> memref<128xi32, #tpu.memory_space<vmem>>
        %dma_start3A_33 = arith.constant 0 : i32
        %dma_start3A_34 = tpu.memref_slice %arg9[%dma_start3A_33] : memref<10000xf32, #tpu.memory_space<vmem_shared>> -> memref<10000xf32, #tpu.memory_space<vmem_shared>>
        tpu.enqueue_indirect_dma source(%arg7 : memref<128xf32, #tpu.memory_space<vmem>>) target(%dma_start3A_34 : memref<10000xf32, #tpu.memory_space<vmem_shared>>) offsets(%dma_start3A_32 : memref<128xi32, #tpu.memory_space<vmem>>) semaphore(%run_scoped3A : memref<!tpu.dma_semaphore, #tpu.memory_space<semaphore_mem>>) {add = true}
        %dma_wait3A = arith.constant 0 : i32
        %dma_wait3A_35 = tpu.memref_slice %arg6[%while3A_30, %dma_wait3A] : memref<40x128xi32, #tpu.memory_space<vmem>> -> memref<1x128xi32, #tpu.memory_space<vmem>>
        %dma_wait3A_36 = tpu.memref_squeeze %dma_wait3A_35 : memref<1x128xi32, #tpu.memory_space<vmem>> -> memref<128xi32, #tpu.memory_space<vmem>>
        %dma_wait3A_37 = arith.constant 0 : i32
        %dma_wait3A_38 = tpu.memref_slice %arg9[%dma_wait3A_37] : memref<10000xf32, #tpu.memory_space<vmem_shared>> -> memref<10000xf32, #tpu.memory_space<vmem_shared>>
        tpu.wait_indirect_dma semaphore(%run_scoped3A : memref<!tpu.dma_semaphore, #tpu.memory_space<semaphore_mem>>) src(%arg7 : memref<128xf32, #tpu.memory_space<vmem>>) dst(%dma_wait3A_38 : memref<10000xf32, #tpu.memory_space<vmem_shared>>)
        tpu.yield
      }) : () -> ()
    }
    %while3A_23 = arith.constant 1 : i32
    scf.for %while3A_30 = %while3A_21 to %while3A_17 step %while3A_23  : i32 {
      "tpu.region"() ({
        %run_scoped3A = tpu.sem_alloc : memref<!tpu.dma_semaphore, #tpu.memory_space<semaphore_mem>>
        %dma_start3A = arith.constant 0 : i32
        %dma_start3A_31 = tpu.memref_slice %arg6[%while3A_30, %dma_start3A] : memref<40x128xi32, #tpu.memory_space<vmem>> -> memref<1x128xi32, #tpu.memory_space<vmem>>
        %dma_start3A_32 = tpu.memref_squeeze %dma_start3A_31 : memref<1x128xi32, #tpu.memory_space<vmem>> -> memref<128xi32, #tpu.memory_space<vmem>>
        %dma_start3A_33 = arith.constant 0 : i32
        %dma_start3A_34 = tpu.memref_slice %arg9[%dma_start3A_33] : memref<10000xf32, #tpu.memory_space<vmem_shared>> -> memref<10000xf32, #tpu.memory_space<vmem_shared>>
        tpu.enqueue_indirect_dma source(%arg7 : memref<128xf32, #tpu.memory_space<vmem>>) target(%dma_start3A_34 : memref<10000xf32, #tpu.memory_space<vmem_shared>>) offsets(%dma_start3A_32 : memref<128xi32, #tpu.memory_space<vmem>>) semaphore(%run_scoped3A : memref<!tpu.dma_semaphore, #tpu.memory_space<semaphore_mem>>) {add = true}
        %dma_wait3A = arith.constant 0 : i32
        %dma_wait3A_35 = tpu.memref_slice %arg6[%while3A_30, %dma_wait3A] : memref<40x128xi32, #tpu.memory_space<vmem>> -> memref<1x128xi32, #tpu.memory_space<vmem>>
        %dma_wait3A_36 = tpu.memref_squeeze %dma_wait3A_35 : memref<1x128xi32, #tpu.memory_space<vmem>> -> memref<128xi32, #tpu.memory_space<vmem>>
        %dma_wait3A_37 = arith.constant 0 : i32
        %dma_wait3A_38 = tpu.memref_slice %arg9[%dma_wait3A_37] : memref<10000xf32, #tpu.memory_space<vmem_shared>> -> memref<10000xf32, #tpu.memory_space<vmem_shared>>
        tpu.wait_indirect_dma semaphore(%run_scoped3A : memref<!tpu.dma_semaphore, #tpu.memory_space<semaphore_mem>>) src(%arg7 : memref<128xf32, #tpu.memory_space<vmem>>) dst(%dma_wait3A_38 : memref<10000xf32, #tpu.memory_space<vmem_shared>>)
        tpu.yield
      }) : () -> ()
    }
    %barrier3A_24 = arith.constant 0 : index
    tpu.barrier barrier_id(%barrier3A_24)
    %lt3A_25 = arith.constant 10 : i32
    %lt3A_26 = arith.cmpi slt, %arg1, %lt3A_25 : i32
    %convert_element_type3A_27 = arith.extui %lt3A_26 : i1 to i32
    %cond3A_28 = arith.constant 0 : i32
    %cond3A_29 = arith.cmpi ne, %convert_element_type3A_27, %cond3A_28 : i32
    scf.if %cond3A_29 {
      %mul3A_30 = arith.constant 1000 : i32
      %mul3A_31 = arith.muli %arg1, %mul3A_30 : i32
      "tpu.region"() ({
        %run_scoped3A = tpu.sem_alloc : memref<!tpu.dma_semaphore, #tpu.memory_space<semaphore_mem>>
        %dma_start3A = tpu.memref_slice %arg9[%mul3A_31] : memref<10000xf32, #tpu.memory_space<vmem_shared>> -> memref<1000xf32, #tpu.memory_space<vmem_shared>>
        %dma_start3A_42 = tpu.memref_slice %arg9[%mul3A_31] : memref<10000xf32, #tpu.memory_space<vmem_shared>> -> memref<1000xf32, #tpu.memory_space<vmem_shared>>
        tpu.enqueue_dma source(%dma_start3A_42 : memref<1000xf32, #tpu.memory_space<vmem_shared>>) target(%arg8 : memref<1000xf32, #tpu.memory_space<vmem>>) target_semaphore(%run_scoped3A : memref<!tpu.dma_semaphore, #tpu.memory_space<semaphore_mem>>)
        %dma_wait3A = tpu.memref_slice %arg9[%mul3A_31] : memref<10000xf32, #tpu.memory_space<vmem_shared>> -> memref<1000xf32, #tpu.memory_space<vmem_shared>>
        %dma_wait3A_43 = tpu.memref_slice %arg9[%mul3A_31] : memref<10000xf32, #tpu.memory_space<vmem_shared>> -> memref<1000xf32, #tpu.memory_space<vmem_shared>>
        tpu.wait_dma2 semaphore(%run_scoped3A : memref<!tpu.dma_semaphore, #tpu.memory_space<semaphore_mem>>) src(%dma_wait3A_43 : memref<1000xf32, #tpu.memory_space<vmem_shared>>) dst(%arg8 : memref<1000xf32, #tpu.memory_space<vmem>>)
        tpu.yield
      }) : () -> ()
      %eq3A_32 = arith.constant 0 : i32
      %eq3A_33 = arith.cmpi eq, %arg0, %eq3A_32 : i32
      %convert_element_type3A_34 = arith.extui %eq3A_33 : i1 to i32
      %cond3A_35 = arith.constant 0 : i32
      %cond3A_36 = arith.cmpi ne, %convert_element_type3A_34, %cond3A_35 : i32
      scf.if %cond3A_36 {
        %mul3A_42 = arith.constant 1000 : i32
        %mul3A_43 = arith.muli %arg1, %mul3A_42 : i32
        "tpu.region"() ({
          %run_scoped3A = tpu.sem_alloc : memref<!tpu.dma_semaphore, #tpu.memory_space<semaphore_mem>>
          %dma_start3A = tpu.memref_slice %arg4[%mul3A_43] : memref<10000xf32, #tpu.memory_space<hbm>> -> memref<1000xf32, #tpu.memory_space<hbm>>
          %dma_start3A_44 = tpu.memref_slice %arg4[%mul3A_43] : memref<10000xf32, #tpu.memory_space<hbm>> -> memref<1000xf32, #tpu.memory_space<hbm>>
          tpu.enqueue_dma source(%arg8 : memref<1000xf32, #tpu.memory_space<vmem>>) target(%dma_start3A_44 : memref<1000xf32, #tpu.memory_space<hbm>>) target_semaphore(%run_scoped3A : memref<!tpu.dma_semaphore, #tpu.memory_space<semaphore_mem>>)
          %dma_wait3A = tpu.memref_slice %arg4[%mul3A_43] : memref<10000xf32, #tpu.memory_space<hbm>> -> memref<1000xf32, #tpu.memory_space<hbm>>
          %dma_wait3A_45 = tpu.memref_slice %arg4[%mul3A_43] : memref<10000xf32, #tpu.memory_space<hbm>> -> memref<1000xf32, #tpu.memory_space<hbm>>
          tpu.wait_dma2 semaphore(%run_scoped3A : memref<!tpu.dma_semaphore, #tpu.memory_space<semaphore_mem>>) src(%arg8 : memref<1000xf32, #tpu.memory_space<vmem>>) dst(%dma_wait3A_45 : memref<1000xf32, #tpu.memory_space<hbm>>)
          tpu.yield
        }) : () -> ()
      } else {
      }
      %eq3A_37 = arith.constant 1 : i32
      %eq3A_38 = arith.cmpi eq, %arg0, %eq3A_37 : i32
      %convert_element_type3A_39 = arith.extui %eq3A_38 : i1 to i32
      %cond3A_40 = arith.constant 0 : i32
      %cond3A_41 = arith.cmpi ne, %convert_element_type3A_39, %cond3A_40 : i32
      scf.if %cond3A_41 {
        %mul3A_42 = arith.constant 1000 : i32
        %mul3A_43 = arith.muli %arg1, %mul3A_42 : i32
        "tpu.region"() ({
          %run_scoped3A = tpu.sem_alloc : memref<!tpu.dma_semaphore, #tpu.memory_space<semaphore_mem>>
          %dma_start3A = tpu.memref_slice %arg5[%mul3A_43] : memref<10000xf32, #tpu.memory_space<hbm>> -> memref<1000xf32, #tpu.memory_space<hbm>>
          %dma_start3A_44 = tpu.memref_slice %arg5[%mul3A_43] : memref<10000xf32, #tpu.memory_space<hbm>> -> memref<1000xf32, #tpu.memory_space<hbm>>
          tpu.enqueue_dma source(%arg8 : memref<1000xf32, #tpu.memory_space<vmem>>) target(%dma_start3A_44 : memref<1000xf32, #tpu.memory_space<hbm>>) target_semaphore(%run_scoped3A : memref<!tpu.dma_semaphore, #tpu.memory_space<semaphore_mem>>)
          %dma_wait3A = tpu.memref_slice %arg5[%mul3A_43] : memref<10000xf32, #tpu.memory_space<hbm>> -> memref<1000xf32, #tpu.memory_space<hbm>>
          %dma_wait3A_45 = tpu.memref_slice %arg5[%mul3A_43] : memref<10000xf32, #tpu.memory_space<hbm>> -> memref<1000xf32, #tpu.memory_space<hbm>>
          tpu.wait_dma2 semaphore(%run_scoped3A : memref<!tpu.dma_semaphore, #tpu.memory_space<semaphore_mem>>) src(%arg8 : memref<1000xf32, #tpu.memory_space<vmem>>) dst(%dma_wait3A_45 : memref<1000xf32, #tpu.memory_space<hbm>>)
          tpu.yield
        }) : () -> ()
      } else {
      }
    } else {
    }
    return
  }
}

#map = affine_map<(d0, d1) -> (0, 0)>
module attributes {stable_mosaic.version = 14 : i64} {
  func.func @k(%arg0: i32, %arg1: i32, %arg2: memref<10000x128xf32, #tpu.memory_space<hbm>>, %arg3: memref<10000x128xf32, #tpu.memory_space<hbm>>, %arg4: memref<1250x128xi32, #tpu.memory_space<hbm>>, %arg5: memref<1250x128xi32, #tpu.memory_space<hbm>>, %arg6: memref<10000x128xf32, #tpu.memory_space<hbm>>, %arg7: memref<10000x128xf32, #tpu.memory_space<hbm>>, %arg8: memref<64x128xi32, #tpu.memory_space<vmem>>, %arg9: memref<64x128xi32, #tpu.memory_space<vmem>>, %arg10: memref<128x128xf32, #tpu.memory_space<vmem>>, %arg11: memref<128x128xf32, #tpu.memory_space<vmem>>, %arg12: memref<10000x128xf32, #tpu.memory_space<vmem_shared>>, %arg13: memref<!tpu.dma_semaphore, #tpu.memory_space<semaphore_mem>>, %arg14: memref<!tpu.dma_semaphore, #tpu.memory_space<semaphore_mem>>, %arg15: memref<!tpu.dma_semaphore, #tpu.memory_space<semaphore_mem>>) attributes {dimension_semantics = [#tpu.dimension_semantics<core_parallel>, #tpu.dimension_semantics<subcore_parallel>], iteration_bounds = array<i64: 2, 16>, scalar_prefetch = 0 : i64, scratch_operands = 8 : i64, tpu.core_type = #tpu.core_type<sc_vector_subcore>, window_params = [{transform_indices = #map}, {transform_indices = #map}, {transform_indices = #map}, {transform_indices = #map}, {transform_indices = #map}, {transform_indices = #map}]} {
    %mul3A = arith.constant 632 : i32
    %mul3A_0 = arith.muli %arg1, %mul3A : i32
    %eq3A = arith.constant 0 : i32
    %eq3A_1 = arith.cmpi eq, %arg0, %eq3A : i32
    %convert_element_type3A = arith.extui %eq3A_1 : i1 to i32
    %cond3A = arith.constant 0 : i32
    %cond3A_2 = arith.cmpi ne, %convert_element_type3A, %cond3A : i32
    scf.if %cond3A_2 {
      %lt3A = arith.constant 15 : i32
      %lt3A_8 = arith.cmpi slt, %arg1, %lt3A : i32
      %convert_element_type3A_9 = arith.extui %lt3A_8 : i1 to i32
      %cond3A_10 = arith.constant 0 : i32
      %cond3A_11 = arith.cmpi ne, %convert_element_type3A_9, %cond3A_10 : i32
      scf.if %cond3A_11 {
        "tpu.region"() ({
          %run_scoped3A = tpu.sem_alloc : memref<!tpu.dma_semaphore, #tpu.memory_space<semaphore_mem>>
          %dma_start3A = arith.constant 0 : i32
          %dma_start3A_60 = tpu.memref_slice %arg12[%mul3A_0, %dma_start3A] : memref<10000x128xf32, #tpu.memory_space<vmem_shared>> -> memref<632x128xf32, #tpu.memory_space<vmem_shared>>
          %dma_start3A_61 = arith.constant 0 : i32
          %dma_start3A_62 = tpu.memref_slice %arg2[%mul3A_0, %dma_start3A_61] : memref<10000x128xf32, #tpu.memory_space<hbm>> -> memref<632x128xf32, #tpu.memory_space<hbm>>
          tpu.enqueue_dma source(%dma_start3A_62 : memref<632x128xf32, #tpu.memory_space<hbm>>) target(%dma_start3A_60 : memref<632x128xf32, #tpu.memory_space<vmem_shared>>) target_semaphore(%run_scoped3A : memref<!tpu.dma_semaphore, #tpu.memory_space<semaphore_mem>>)
          %dma_wait3A = arith.constant 0 : i32
          %dma_wait3A_63 = tpu.memref_slice %arg12[%mul3A_0, %dma_wait3A] : memref<10000x128xf32, #tpu.memory_space<vmem_shared>> -> memref<632x128xf32, #tpu.memory_space<vmem_shared>>
          %dma_wait3A_64 = arith.constant 0 : i32
          %dma_wait3A_65 = tpu.memref_slice %arg2[%mul3A_0, %dma_wait3A_64] : memref<10000x128xf32, #tpu.memory_space<hbm>> -> memref<632x128xf32, #tpu.memory_space<hbm>>
          tpu.wait_dma2 semaphore(%run_scoped3A : memref<!tpu.dma_semaphore, #tpu.memory_space<semaphore_mem>>) src(%dma_wait3A_65 : memref<632x128xf32, #tpu.memory_space<hbm>>) dst(%dma_wait3A_63 : memref<632x128xf32, #tpu.memory_space<vmem_shared>>)
          tpu.yield
        }) : () -> ()
      } else {
      }
      %eq3A_12 = arith.constant 15 : i32
      %eq3A_13 = arith.cmpi eq, %arg1, %eq3A_12 : i32
      %convert_element_type3A_14 = arith.extui %eq3A_13 : i1 to i32
      %cond3A_15 = arith.constant 0 : i32
      %cond3A_16 = arith.cmpi ne, %convert_element_type3A_14, %cond3A_15 : i32
      scf.if %cond3A_16 {
        "tpu.region"() ({
          %run_scoped3A = tpu.sem_alloc : memref<!tpu.dma_semaphore, #tpu.memory_space<semaphore_mem>>
          %dma_start3A = arith.constant 9480 : i32
          %dma_start3A_60 = arith.constant 0 : i32
          %dma_start3A_61 = tpu.memref_slice %arg12[%dma_start3A, %dma_start3A_60] : memref<10000x128xf32, #tpu.memory_space<vmem_shared>> -> memref<520x128xf32, #tpu.memory_space<vmem_shared>>
          %dma_start3A_62 = arith.constant 9480 : i32
          %dma_start3A_63 = arith.constant 0 : i32
          %dma_start3A_64 = tpu.memref_slice %arg2[%dma_start3A_62, %dma_start3A_63] : memref<10000x128xf32, #tpu.memory_space<hbm>> -> memref<520x128xf32, #tpu.memory_space<hbm>>
          tpu.enqueue_dma source(%dma_start3A_64 : memref<520x128xf32, #tpu.memory_space<hbm>>) target(%dma_start3A_61 : memref<520x128xf32, #tpu.memory_space<vmem_shared>>) target_semaphore(%run_scoped3A : memref<!tpu.dma_semaphore, #tpu.memory_space<semaphore_mem>>)
          %dma_wait3A = arith.constant 9480 : i32
          %dma_wait3A_65 = arith.constant 0 : i32
          %dma_wait3A_66 = tpu.memref_slice %arg12[%dma_wait3A, %dma_wait3A_65] : memref<10000x128xf32, #tpu.memory_space<vmem_shared>> -> memref<520x128xf32, #tpu.memory_space<vmem_shared>>
          %dma_wait3A_67 = arith.constant 9480 : i32
          %dma_wait3A_68 = arith.constant 0 : i32
          %dma_wait3A_69 = tpu.memref_slice %arg2[%dma_wait3A_67, %dma_wait3A_68] : memref<10000x128xf32, #tpu.memory_space<hbm>> -> memref<520x128xf32, #tpu.memory_space<hbm>>
          tpu.wait_dma2 semaphore(%run_scoped3A : memref<!tpu.dma_semaphore, #tpu.memory_space<semaphore_mem>>) src(%dma_wait3A_69 : memref<520x128xf32, #tpu.memory_space<hbm>>) dst(%dma_wait3A_66 : memref<520x128xf32, #tpu.memory_space<vmem_shared>>)
          tpu.yield
        }) : () -> ()
      } else {
      }
      %barrier3A = arith.constant 0 : index
      tpu.barrier barrier_id(%barrier3A)
      %lt3A_17 = arith.constant 15 : i32
      %lt3A_18 = arith.cmpi slt, %arg1, %lt3A_17 : i32
      %convert_element_type3A_19 = arith.extui %lt3A_18 : i1 to i32
      %cond3A_20 = arith.constant 0 : i32
      %cond3A_21 = arith.cmpi ne, %convert_element_type3A_19, %cond3A_20 : i32
      scf.if %cond3A_21 {
        %mul3A_60 = arith.constant 80 : i32
        %mul3A_61 = arith.muli %arg1, %mul3A_60 : i32
        "tpu.region"() ({
          %run_scoped3A = tpu.sem_alloc : memref<!tpu.dma_semaphore, #tpu.memory_space<semaphore_mem>>
          %dma_start3A = arith.constant 0 : i32
          %dma_start3A_64 = tpu.memref_slice %arg4[%mul3A_61, %dma_start3A] : memref<1250x128xi32, #tpu.memory_space<hbm>> -> memref<64x128xi32, #tpu.memory_space<hbm>>
          %dma_start3A_65 = arith.constant 0 : i32
          %dma_start3A_66 = tpu.memref_slice %arg4[%mul3A_61, %dma_start3A_65] : memref<1250x128xi32, #tpu.memory_space<hbm>> -> memref<64x128xi32, #tpu.memory_space<hbm>>
          tpu.enqueue_dma source(%dma_start3A_66 : memref<64x128xi32, #tpu.memory_space<hbm>>) target(%arg8 : memref<64x128xi32, #tpu.memory_space<vmem>>) target_semaphore(%run_scoped3A : memref<!tpu.dma_semaphore, #tpu.memory_space<semaphore_mem>>)
          %dma_wait3A = arith.constant 0 : i32
          %dma_wait3A_67 = tpu.memref_slice %arg4[%mul3A_61, %dma_wait3A] : memref<1250x128xi32, #tpu.memory_space<hbm>> -> memref<64x128xi32, #tpu.memory_space<hbm>>
          %dma_wait3A_68 = arith.constant 0 : i32
          %dma_wait3A_69 = tpu.memref_slice %arg4[%mul3A_61, %dma_wait3A_68] : memref<1250x128xi32, #tpu.memory_space<hbm>> -> memref<64x128xi32, #tpu.memory_space<hbm>>
          tpu.wait_dma2 semaphore(%run_scoped3A : memref<!tpu.dma_semaphore, #tpu.memory_space<semaphore_mem>>) src(%dma_wait3A_69 : memref<64x128xi32, #tpu.memory_space<hbm>>) dst(%arg8 : memref<64x128xi32, #tpu.memory_space<vmem>>)
          tpu.yield
        }) : () -> ()
        %mul3A_62 = arith.constant 80 : i32
        %mul3A_63 = arith.muli %arg1, %mul3A_62 : i32
        "tpu.region"() ({
          %run_scoped3A = tpu.sem_alloc : memref<!tpu.dma_semaphore, #tpu.memory_space<semaphore_mem>>
          %dma_start3A = arith.constant 0 : i32
          %dma_start3A_64 = tpu.memref_slice %arg5[%mul3A_63, %dma_start3A] : memref<1250x128xi32, #tpu.memory_space<hbm>> -> memref<64x128xi32, #tpu.memory_space<hbm>>
          %dma_start3A_65 = arith.constant 0 : i32
          %dma_start3A_66 = tpu.memref_slice %arg5[%mul3A_63, %dma_start3A_65] : memref<1250x128xi32, #tpu.memory_space<hbm>> -> memref<64x128xi32, #tpu.memory_space<hbm>>
          tpu.enqueue_dma source(%dma_start3A_66 : memref<64x128xi32, #tpu.memory_space<hbm>>) target(%arg9 : memref<64x128xi32, #tpu.memory_space<vmem>>) target_semaphore(%run_scoped3A : memref<!tpu.dma_semaphore, #tpu.memory_space<semaphore_mem>>)
          %dma_wait3A = arith.constant 0 : i32
          %dma_wait3A_67 = tpu.memref_slice %arg5[%mul3A_63, %dma_wait3A] : memref<1250x128xi32, #tpu.memory_space<hbm>> -> memref<64x128xi32, #tpu.memory_space<hbm>>
          %dma_wait3A_68 = arith.constant 0 : i32
          %dma_wait3A_69 = tpu.memref_slice %arg5[%mul3A_63, %dma_wait3A_68] : memref<1250x128xi32, #tpu.memory_space<hbm>> -> memref<64x128xi32, #tpu.memory_space<hbm>>
          tpu.wait_dma2 semaphore(%run_scoped3A : memref<!tpu.dma_semaphore, #tpu.memory_space<semaphore_mem>>) src(%dma_wait3A_69 : memref<64x128xi32, #tpu.memory_space<hbm>>) dst(%arg9 : memref<64x128xi32, #tpu.memory_space<vmem>>)
          tpu.yield
        }) : () -> ()
      } else {
      }
      %eq3A_22 = arith.constant 15 : i32
      %eq3A_23 = arith.cmpi eq, %arg1, %eq3A_22 : i32
      %convert_element_type3A_24 = arith.extui %eq3A_23 : i1 to i32
      %cond3A_25 = arith.constant 0 : i32
      %cond3A_26 = arith.cmpi ne, %convert_element_type3A_24, %cond3A_25 : i32
      scf.if %cond3A_26 {
        "tpu.region"() ({
          %run_scoped3A = tpu.sem_alloc : memref<!tpu.dma_semaphore, #tpu.memory_space<semaphore_mem>>
          %dma_start3A = arith.constant 0 : i32
          %dma_start3A_60 = arith.constant 0 : i32
          %dma_start3A_61 = tpu.memref_slice %arg8[%dma_start3A, %dma_start3A_60] : memref<64x128xi32, #tpu.memory_space<vmem>> -> memref<48x128xi32, #tpu.memory_space<vmem>>
          %dma_start3A_62 = arith.constant 1200 : i32
          %dma_start3A_63 = arith.constant 0 : i32
          %dma_start3A_64 = tpu.memref_slice %arg4[%dma_start3A_62, %dma_start3A_63] : memref<1250x128xi32, #tpu.memory_space<hbm>> -> memref<48x128xi32, #tpu.memory_space<hbm>>
          %dma_start3A_65 = arith.constant 0 : i32
          %dma_start3A_66 = arith.constant 0 : i32
          %dma_start3A_67 = tpu.memref_slice %arg8[%dma_start3A_65, %dma_start3A_66] : memref<64x128xi32, #tpu.memory_space<vmem>> -> memref<48x128xi32, #tpu.memory_space<vmem>>
          %dma_start3A_68 = arith.constant 1200 : i32
          %dma_start3A_69 = arith.constant 0 : i32
          %dma_start3A_70 = tpu.memref_slice %arg4[%dma_start3A_68, %dma_start3A_69] : memref<1250x128xi32, #tpu.memory_space<hbm>> -> memref<48x128xi32, #tpu.memory_space<hbm>>
          tpu.enqueue_dma source(%dma_start3A_70 : memref<48x128xi32, #tpu.memory_space<hbm>>) target(%dma_start3A_67 : memref<48x128xi32, #tpu.memory_space<vmem>>) target_semaphore(%run_scoped3A : memref<!tpu.dma_semaphore, #tpu.memory_space<semaphore_mem>>)
          %dma_wait3A = arith.constant 0 : i32
          %dma_wait3A_71 = arith.constant 0 : i32
          %dma_wait3A_72 = tpu.memref_slice %arg8[%dma_wait3A, %dma_wait3A_71] : memref<64x128xi32, #tpu.memory_space<vmem>> -> memref<48x128xi32, #tpu.memory_space<vmem>>
          %dma_wait3A_73 = arith.constant 1200 : i32
          %dma_wait3A_74 = arith.constant 0 : i32
          %dma_wait3A_75 = tpu.memref_slice %arg4[%dma_wait3A_73, %dma_wait3A_74] : memref<1250x128xi32, #tpu.memory_space<hbm>> -> memref<48x128xi32, #tpu.memory_space<hbm>>
          %dma_wait3A_76 = arith.constant 0 : i32
          %dma_wait3A_77 = arith.constant 0 : i32
          %dma_wait3A_78 = tpu.memref_slice %arg8[%dma_wait3A_76, %dma_wait3A_77] : memref<64x128xi32, #tpu.memory_space<vmem>> -> memref<48x128xi32, #tpu.memory_space<vmem>>
          %dma_wait3A_79 = arith.constant 1200 : i32
          %dma_wait3A_80 = arith.constant 0 : i32
          %dma_wait3A_81 = tpu.memref_slice %arg4[%dma_wait3A_79, %dma_wait3A_80] : memref<1250x128xi32, #tpu.memory_space<hbm>> -> memref<48x128xi32, #tpu.memory_space<hbm>>
          tpu.wait_dma2 semaphore(%run_scoped3A : memref<!tpu.dma_semaphore, #tpu.memory_space<semaphore_mem>>) src(%dma_wait3A_81 : memref<48x128xi32, #tpu.memory_space<hbm>>) dst(%dma_wait3A_78 : memref<48x128xi32, #tpu.memory_space<vmem>>)
          tpu.yield
        }) : () -> ()
        "tpu.region"() ({
          %run_scoped3A = tpu.sem_alloc : memref<!tpu.dma_semaphore, #tpu.memory_space<semaphore_mem>>
          %dma_start3A = arith.constant 48 : i32
          %dma_start3A_60 = arith.constant 0 : i32
          %dma_start3A_61 = tpu.memref_slice %arg8[%dma_start3A, %dma_start3A_60] : memref<64x128xi32, #tpu.memory_space<vmem>> -> memref<2x128xi32, #tpu.memory_space<vmem>>
          %dma_start3A_62 = arith.constant 1248 : i32
          %dma_start3A_63 = arith.constant 0 : i32
          %dma_start3A_64 = tpu.memref_slice %arg4[%dma_start3A_62, %dma_start3A_63] : memref<1250x128xi32, #tpu.memory_space<hbm>> -> memref<2x128xi32, #tpu.memory_space<hbm>>
          %dma_start3A_65 = arith.constant 48 : i32
          %dma_start3A_66 = arith.constant 0 : i32
          %dma_start3A_67 = tpu.memref_slice %arg8[%dma_start3A_65, %dma_start3A_66] : memref<64x128xi32, #tpu.memory_space<vmem>> -> memref<2x128xi32, #tpu.memory_space<vmem>>
          %dma_start3A_68 = arith.constant 1248 : i32
          %dma_start3A_69 = arith.constant 0 : i32
          %dma_start3A_70 = tpu.memref_slice %arg4[%dma_start3A_68, %dma_start3A_69] : memref<1250x128xi32, #tpu.memory_space<hbm>> -> memref<2x128xi32, #tpu.memory_space<hbm>>
          tpu.enqueue_dma source(%dma_start3A_70 : memref<2x128xi32, #tpu.memory_space<hbm>>) target(%dma_start3A_67 : memref<2x128xi32, #tpu.memory_space<vmem>>) target_semaphore(%run_scoped3A : memref<!tpu.dma_semaphore, #tpu.memory_space<semaphore_mem>>)
          %dma_wait3A = arith.constant 48 : i32
          %dma_wait3A_71 = arith.constant 0 : i32
          %dma_wait3A_72 = tpu.memref_slice %arg8[%dma_wait3A, %dma_wait3A_71] : memref<64x128xi32, #tpu.memory_space<vmem>> -> memref<2x128xi32, #tpu.memory_space<vmem>>
          %dma_wait3A_73 = arith.constant 1248 : i32
          %dma_wait3A_74 = arith.constant 0 : i32
          %dma_wait3A_75 = tpu.memref_slice %arg4[%dma_wait3A_73, %dma_wait3A_74] : memref<1250x128xi32, #tpu.memory_space<hbm>> -> memref<2x128xi32, #tpu.memory_space<hbm>>
          %dma_wait3A_76 = arith.constant 48 : i32
          %dma_wait3A_77 = arith.constant 0 : i32
          %dma_wait3A_78 = tpu.memref_slice %arg8[%dma_wait3A_76, %dma_wait3A_77] : memref<64x128xi32, #tpu.memory_space<vmem>> -> memref<2x128xi32, #tpu.memory_space<vmem>>
          %dma_wait3A_79 = arith.constant 1248 : i32
          %dma_wait3A_80 = arith.constant 0 : i32
          %dma_wait3A_81 = tpu.memref_slice %arg4[%dma_wait3A_79, %dma_wait3A_80] : memref<1250x128xi32, #tpu.memory_space<hbm>> -> memref<2x128xi32, #tpu.memory_space<hbm>>
          tpu.wait_dma2 semaphore(%run_scoped3A : memref<!tpu.dma_semaphore, #tpu.memory_space<semaphore_mem>>) src(%dma_wait3A_81 : memref<2x128xi32, #tpu.memory_space<hbm>>) dst(%dma_wait3A_78 : memref<2x128xi32, #tpu.memory_space<vmem>>)
          tpu.yield
        }) : () -> ()
        "tpu.region"() ({
          %run_scoped3A = tpu.sem_alloc : memref<!tpu.dma_semaphore, #tpu.memory_space<semaphore_mem>>
          %dma_start3A = arith.constant 0 : i32
          %dma_start3A_60 = arith.constant 0 : i32
          %dma_start3A_61 = tpu.memref_slice %arg9[%dma_start3A, %dma_start3A_60] : memref<64x128xi32, #tpu.memory_space<vmem>> -> memref<48x128xi32, #tpu.memory_space<vmem>>
          %dma_start3A_62 = arith.constant 1200 : i32
          %dma_start3A_63 = arith.constant 0 : i32
          %dma_start3A_64 = tpu.memref_slice %arg5[%dma_start3A_62, %dma_start3A_63] : memref<1250x128xi32, #tpu.memory_space<hbm>> -> memref<48x128xi32, #tpu.memory_space<hbm>>
          %dma_start3A_65 = arith.constant 0 : i32
          %dma_start3A_66 = arith.constant 0 : i32
          %dma_start3A_67 = tpu.memref_slice %arg9[%dma_start3A_65, %dma_start3A_66] : memref<64x128xi32, #tpu.memory_space<vmem>> -> memref<48x128xi32, #tpu.memory_space<vmem>>
          %dma_start3A_68 = arith.constant 1200 : i32
          %dma_start3A_69 = arith.constant 0 : i32
          %dma_start3A_70 = tpu.memref_slice %arg5[%dma_start3A_68, %dma_start3A_69] : memref<1250x128xi32, #tpu.memory_space<hbm>> -> memref<48x128xi32, #tpu.memory_space<hbm>>
          tpu.enqueue_dma source(%dma_start3A_70 : memref<48x128xi32, #tpu.memory_space<hbm>>) target(%dma_start3A_67 : memref<48x128xi32, #tpu.memory_space<vmem>>) target_semaphore(%run_scoped3A : memref<!tpu.dma_semaphore, #tpu.memory_space<semaphore_mem>>)
          %dma_wait3A = arith.constant 0 : i32
          %dma_wait3A_71 = arith.constant 0 : i32
          %dma_wait3A_72 = tpu.memref_slice %arg9[%dma_wait3A, %dma_wait3A_71] : memref<64x128xi32, #tpu.memory_space<vmem>> -> memref<48x128xi32, #tpu.memory_space<vmem>>
          %dma_wait3A_73 = arith.constant 1200 : i32
          %dma_wait3A_74 = arith.constant 0 : i32
          %dma_wait3A_75 = tpu.memref_slice %arg5[%dma_wait3A_73, %dma_wait3A_74] : memref<1250x128xi32, #tpu.memory_space<hbm>> -> memref<48x128xi32, #tpu.memory_space<hbm>>
          %dma_wait3A_76 = arith.constant 0 : i32
          %dma_wait3A_77 = arith.constant 0 : i32
          %dma_wait3A_78 = tpu.memref_slice %arg9[%dma_wait3A_76, %dma_wait3A_77] : memref<64x128xi32, #tpu.memory_space<vmem>> -> memref<48x128xi32, #tpu.memory_space<vmem>>
          %dma_wait3A_79 = arith.constant 1200 : i32
          %dma_wait3A_80 = arith.constant 0 : i32
          %dma_wait3A_81 = tpu.memref_slice %arg5[%dma_wait3A_79, %dma_wait3A_80] : memref<1250x128xi32, #tpu.memory_space<hbm>> -> memref<48x128xi32, #tpu.memory_space<hbm>>
          tpu.wait_dma2 semaphore(%run_scoped3A : memref<!tpu.dma_semaphore, #tpu.memory_space<semaphore_mem>>) src(%dma_wait3A_81 : memref<48x128xi32, #tpu.memory_space<hbm>>) dst(%dma_wait3A_78 : memref<48x128xi32, #tpu.memory_space<vmem>>)
          tpu.yield
        }) : () -> ()
        "tpu.region"() ({
          %run_scoped3A = tpu.sem_alloc : memref<!tpu.dma_semaphore, #tpu.memory_space<semaphore_mem>>
          %dma_start3A = arith.constant 48 : i32
          %dma_start3A_60 = arith.constant 0 : i32
          %dma_start3A_61 = tpu.memref_slice %arg9[%dma_start3A, %dma_start3A_60] : memref<64x128xi32, #tpu.memory_space<vmem>> -> memref<2x128xi32, #tpu.memory_space<vmem>>
          %dma_start3A_62 = arith.constant 1248 : i32
          %dma_start3A_63 = arith.constant 0 : i32
          %dma_start3A_64 = tpu.memref_slice %arg5[%dma_start3A_62, %dma_start3A_63] : memref<1250x128xi32, #tpu.memory_space<hbm>> -> memref<2x128xi32, #tpu.memory_space<hbm>>
          %dma_start3A_65 = arith.constant 48 : i32
          %dma_start3A_66 = arith.constant 0 : i32
          %dma_start3A_67 = tpu.memref_slice %arg9[%dma_start3A_65, %dma_start3A_66] : memref<64x128xi32, #tpu.memory_space<vmem>> -> memref<2x128xi32, #tpu.memory_space<vmem>>
          %dma_start3A_68 = arith.constant 1248 : i32
          %dma_start3A_69 = arith.constant 0 : i32
          %dma_start3A_70 = tpu.memref_slice %arg5[%dma_start3A_68, %dma_start3A_69] : memref<1250x128xi32, #tpu.memory_space<hbm>> -> memref<2x128xi32, #tpu.memory_space<hbm>>
          tpu.enqueue_dma source(%dma_start3A_70 : memref<2x128xi32, #tpu.memory_space<hbm>>) target(%dma_start3A_67 : memref<2x128xi32, #tpu.memory_space<vmem>>) target_semaphore(%run_scoped3A : memref<!tpu.dma_semaphore, #tpu.memory_space<semaphore_mem>>)
          %dma_wait3A = arith.constant 48 : i32
          %dma_wait3A_71 = arith.constant 0 : i32
          %dma_wait3A_72 = tpu.memref_slice %arg9[%dma_wait3A, %dma_wait3A_71] : memref<64x128xi32, #tpu.memory_space<vmem>> -> memref<2x128xi32, #tpu.memory_space<vmem>>
          %dma_wait3A_73 = arith.constant 1248 : i32
          %dma_wait3A_74 = arith.constant 0 : i32
          %dma_wait3A_75 = tpu.memref_slice %arg5[%dma_wait3A_73, %dma_wait3A_74] : memref<1250x128xi32, #tpu.memory_space<hbm>> -> memref<2x128xi32, #tpu.memory_space<hbm>>
          %dma_wait3A_76 = arith.constant 48 : i32
          %dma_wait3A_77 = arith.constant 0 : i32
          %dma_wait3A_78 = tpu.memref_slice %arg9[%dma_wait3A_76, %dma_wait3A_77] : memref<64x128xi32, #tpu.memory_space<vmem>> -> memref<2x128xi32, #tpu.memory_space<vmem>>
          %dma_wait3A_79 = arith.constant 1248 : i32
          %dma_wait3A_80 = arith.constant 0 : i32
          %dma_wait3A_81 = tpu.memref_slice %arg5[%dma_wait3A_79, %dma_wait3A_80] : memref<1250x128xi32, #tpu.memory_space<hbm>> -> memref<2x128xi32, #tpu.memory_space<hbm>>
          tpu.wait_dma2 semaphore(%run_scoped3A : memref<!tpu.dma_semaphore, #tpu.memory_space<semaphore_mem>>) src(%dma_wait3A_81 : memref<2x128xi32, #tpu.memory_space<hbm>>) dst(%dma_wait3A_78 : memref<2x128xi32, #tpu.memory_space<vmem>>)
          tpu.yield
        }) : () -> ()
      } else {
      }
      %lt3A_27 = arith.constant 15 : i32
      %lt3A_28 = arith.cmpi slt, %arg1, %lt3A_27 : i32
      %jit3A = arith.constant 32 : i32
      %jit3A_29 = arith.constant 25 : i32
      %select_n3A = arith.select %lt3A_28, %jit3A, %jit3A_29 : i32
      %gt3A = arith.constant 0 : i32
      %gt3A_30 = arith.cmpi sgt, %select_n3A, %gt3A : i32
      %convert_element_type3A_31 = arith.extui %gt3A_30 : i1 to i32
      %cond3A_32 = arith.constant 0 : i32
      %cond3A_33 = arith.cmpi ne, %convert_element_type3A_31, %cond3A_32 : i32
      scf.if %cond3A_33 {
        %dma_start3A = arith.constant 0 : i32
        %dma_start3A_60 = arith.constant 0 : i32
        %dma_start3A_61 = tpu.memref_slice %arg8[%dma_start3A, %dma_start3A_60] : memref<64x128xi32, #tpu.memory_space<vmem>> -> memref<1x128xi32, #tpu.memory_space<vmem>>
        %dma_start3A_62 = tpu.memref_squeeze %dma_start3A_61 : memref<1x128xi32, #tpu.memory_space<vmem>> -> memref<128xi32, #tpu.memory_space<vmem>>
        %dma_start3A_63 = arith.constant 0 : i32
        %dma_start3A_64 = arith.constant 0 : i32
        %dma_start3A_65 = tpu.memref_slice %arg2[%dma_start3A_63, %dma_start3A_64] : memref<10000x128xf32, #tpu.memory_space<hbm>> -> memref<10000x128xf32, #tpu.memory_space<hbm>>
        tpu.enqueue_indirect_dma source(%dma_start3A_65 : memref<10000x128xf32, #tpu.memory_space<hbm>>) target(%arg10 : memref<128x128xf32, #tpu.memory_space<vmem>>) offsets(%dma_start3A_62 : memref<128xi32, #tpu.memory_space<vmem>>) semaphore(%arg13 : memref<!tpu.dma_semaphore, #tpu.memory_space<semaphore_mem>>)
        %while3A = arith.constant 0 : i32
        %while3A_66 = arith.constant 0 : i32
        %while3A_67 = arith.subi %select_n3A, %while3A_66 : i32
        %while3A_68 = arith.addi %while3A_66, %while3A_67 : i32
        %while3A_69 = arith.constant 1 : i32
        %while3A_70 = arith.divsi %while3A_67, %while3A_69 : i32
        %while3A_71 = arith.muli %while3A_70, %while3A_69 : i32
        %while3A_72 = arith.addi %while3A_66, %while3A_71 : i32
        %while3A_73 = arith.constant 1 : i32
        scf.for %while3A_83 = %while3A_66 to %while3A_72 step %while3A_73  : i32 {
          %mul3A_84 = arith.constant 2 : i32
          %mul3A_85 = arith.muli %mul3A_84, %while3A_83 : i32
          %mul3A_86 = arith.constant 2 : i32
          %mul3A_87 = arith.muli %mul3A_86, %while3A_83 : i32
          %add3A = arith.constant 1 : i32
          %add3A_88 = arith.addi %mul3A_87, %add3A : i32
          %dma_wait3A_89 = arith.constant 0 : i32
          %dma_wait3A_90 = tpu.memref_slice %arg8[%mul3A_85, %dma_wait3A_89] : memref<64x128xi32, #tpu.memory_space<vmem>> -> memref<1x128xi32, #tpu.memory_space<vmem>>
          %dma_wait3A_91 = tpu.memref_squeeze %dma_wait3A_90 : memref<1x128xi32, #tpu.memory_space<vmem>> -> memref<128xi32, #tpu.memory_space<vmem>>
          %dma_wait3A_92 = arith.constant 0 : i32
          %dma_wait3A_93 = arith.constant 0 : i32
          %dma_wait3A_94 = tpu.memref_slice %arg2[%dma_wait3A_92, %dma_wait3A_93] : memref<10000x128xf32, #tpu.memory_space<hbm>> -> memref<10000x128xf32, #tpu.memory_space<hbm>>
          tpu.wait_indirect_dma semaphore(%arg13 : memref<!tpu.dma_semaphore, #tpu.memory_space<semaphore_mem>>) src(%dma_wait3A_94 : memref<10000x128xf32, #tpu.memory_space<hbm>>) dst(%arg10 : memref<128x128xf32, #tpu.memory_space<vmem>>)
          %gt3A_95 = arith.constant 0 : i32
          %gt3A_96 = arith.cmpi sgt, %while3A_83, %gt3A_95 : i32
          %convert_element_type3A_97 = arith.extui %gt3A_96 : i1 to i32
          %cond3A_98 = arith.constant 0 : i32
          %cond3A_99 = arith.cmpi ne, %convert_element_type3A_97, %cond3A_98 : i32
          scf.if %cond3A_99 {
            %sub3A_136 = arith.constant 2 : i32
            %sub3A_137 = arith.subi %add3A_88, %sub3A_136 : i32
            %dma_wait3A_138 = arith.constant 0 : i32
            %dma_wait3A_139 = tpu.memref_slice %arg9[%sub3A_137, %dma_wait3A_138] : memref<64x128xi32, #tpu.memory_space<vmem>> -> memref<1x128xi32, #tpu.memory_space<vmem>>
            %dma_wait3A_140 = tpu.memref_squeeze %dma_wait3A_139 : memref<1x128xi32, #tpu.memory_space<vmem>> -> memref<128xi32, #tpu.memory_space<vmem>>
            %dma_wait3A_141 = arith.constant 0 : i32
            %dma_wait3A_142 = arith.constant 0 : i32
            %dma_wait3A_143 = tpu.memref_slice %arg12[%dma_wait3A_141, %dma_wait3A_142] : memref<10000x128xf32, #tpu.memory_space<vmem_shared>> -> memref<10000x128xf32, #tpu.memory_space<vmem_shared>>
            tpu.wait_indirect_dma semaphore(%arg15 : memref<!tpu.dma_semaphore, #tpu.memory_space<semaphore_mem>>) src(%arg11 : memref<128x128xf32, #tpu.memory_space<vmem>>) dst(%dma_wait3A_143 : memref<10000x128xf32, #tpu.memory_space<vmem_shared>>)
          } else {
          }
          %dma_start3A_100 = arith.constant 0 : i32
          %dma_start3A_101 = tpu.memref_slice %arg8[%add3A_88, %dma_start3A_100] : memref<64x128xi32, #tpu.memory_space<vmem>> -> memref<1x128xi32, #tpu.memory_space<vmem>>
          %dma_start3A_102 = tpu.memref_squeeze %dma_start3A_101 : memref<1x128xi32, #tpu.memory_space<vmem>> -> memref<128xi32, #tpu.memory_space<vmem>>
          %dma_start3A_103 = arith.constant 0 : i32
          %dma_start3A_104 = arith.constant 0 : i32
          %dma_start3A_105 = tpu.memref_slice %arg2[%dma_start3A_103, %dma_start3A_104] : memref<10000x128xf32, #tpu.memory_space<hbm>> -> memref<10000x128xf32, #tpu.memory_space<hbm>>
          tpu.enqueue_indirect_dma source(%dma_start3A_105 : memref<10000x128xf32, #tpu.memory_space<hbm>>) target(%arg11 : memref<128x128xf32, #tpu.memory_space<vmem>>) offsets(%dma_start3A_102 : memref<128xi32, #tpu.memory_space<vmem>>) semaphore(%arg13 : memref<!tpu.dma_semaphore, #tpu.memory_space<semaphore_mem>>)
          %dma_start3A_106 = arith.constant 0 : i32
          %dma_start3A_107 = tpu.memref_slice %arg9[%mul3A_85, %dma_start3A_106] : memref<64x128xi32, #tpu.memory_space<vmem>> -> memref<1x128xi32, #tpu.memory_space<vmem>>
          %dma_start3A_108 = tpu.memref_squeeze %dma_start3A_107 : memref<1x128xi32, #tpu.memory_space<vmem>> -> memref<128xi32, #tpu.memory_space<vmem>>
          %dma_start3A_109 = arith.constant 0 : i32
          %dma_start3A_110 = arith.constant 0 : i32
          %dma_start3A_111 = tpu.memref_slice %arg12[%dma_start3A_109, %dma_start3A_110] : memref<10000x128xf32, #tpu.memory_space<vmem_shared>> -> memref<10000x128xf32, #tpu.memory_space<vmem_shared>>
          tpu.enqueue_indirect_dma source(%arg10 : memref<128x128xf32, #tpu.memory_space<vmem>>) target(%dma_start3A_111 : memref<10000x128xf32, #tpu.memory_space<vmem_shared>>) offsets(%dma_start3A_108 : memref<128xi32, #tpu.memory_space<vmem>>) semaphore(%arg14 : memref<!tpu.dma_semaphore, #tpu.memory_space<semaphore_mem>>) {add = true}
          %dma_wait3A_112 = arith.constant 0 : i32
          %dma_wait3A_113 = tpu.memref_slice %arg8[%add3A_88, %dma_wait3A_112] : memref<64x128xi32, #tpu.memory_space<vmem>> -> memref<1x128xi32, #tpu.memory_space<vmem>>
          %dma_wait3A_114 = tpu.memref_squeeze %dma_wait3A_113 : memref<1x128xi32, #tpu.memory_space<vmem>> -> memref<128xi32, #tpu.memory_space<vmem>>
          %dma_wait3A_115 = arith.constant 0 : i32
          %dma_wait3A_116 = arith.constant 0 : i32
          %dma_wait3A_117 = tpu.memref_slice %arg2[%dma_wait3A_115, %dma_wait3A_116] : memref<10000x128xf32, #tpu.memory_space<hbm>> -> memref<10000x128xf32, #tpu.memory_space<hbm>>
          tpu.wait_indirect_dma semaphore(%arg13 : memref<!tpu.dma_semaphore, #tpu.memory_space<semaphore_mem>>) src(%dma_wait3A_117 : memref<10000x128xf32, #tpu.memory_space<hbm>>) dst(%arg11 : memref<128x128xf32, #tpu.memory_space<vmem>>)
          %dma_wait3A_118 = arith.constant 0 : i32
          %dma_wait3A_119 = tpu.memref_slice %arg9[%mul3A_85, %dma_wait3A_118] : memref<64x128xi32, #tpu.memory_space<vmem>> -> memref<1x128xi32, #tpu.memory_space<vmem>>
          %dma_wait3A_120 = tpu.memref_squeeze %dma_wait3A_119 : memref<1x128xi32, #tpu.memory_space<vmem>> -> memref<128xi32, #tpu.memory_space<vmem>>
          %dma_wait3A_121 = arith.constant 0 : i32
          %dma_wait3A_122 = arith.constant 0 : i32
          %dma_wait3A_123 = tpu.memref_slice %arg12[%dma_wait3A_121, %dma_wait3A_122] : memref<10000x128xf32, #tpu.memory_space<vmem_shared>> -> memref<10000x128xf32, #tpu.memory_space<vmem_shared>>
          tpu.wait_indirect_dma semaphore(%arg14 : memref<!tpu.dma_semaphore, #tpu.memory_space<semaphore_mem>>) src(%arg10 : memref<128x128xf32, #tpu.memory_space<vmem>>) dst(%dma_wait3A_123 : memref<10000x128xf32, #tpu.memory_space<vmem_shared>>)
          %add3A_124 = arith.constant 1 : i32
          %add3A_125 = arith.addi %while3A_83, %add3A_124 : i32
          %lt3A_126 = arith.cmpi slt, %add3A_125, %select_n3A : i32
          %convert_element_type3A_127 = arith.extui %lt3A_126 : i1 to i32
          %cond3A_128 = arith.constant 0 : i32
          %cond3A_129 = arith.cmpi ne, %convert_element_type3A_127, %cond3A_128 : i32
          scf.if %cond3A_129 {
            %add3A_136 = arith.constant 2 : i32
            %add3A_137 = arith.addi %mul3A_85, %add3A_136 : i32
            %dma_start3A_138 = arith.constant 0 : i32
            %dma_start3A_139 = tpu.memref_slice %arg8[%add3A_137, %dma_start3A_138] : memref<64x128xi32, #tpu.memory_space<vmem>> -> memref<1x128xi32, #tpu.memory_space<vmem>>
            %dma_start3A_140 = tpu.memref_squeeze %dma_start3A_139 : memref<1x128xi32, #tpu.memory_space<vmem>> -> memref<128xi32, #tpu.memory_space<vmem>>
            %dma_start3A_141 = arith.constant 0 : i32
            %dma_start3A_142 = arith.constant 0 : i32
            %dma_start3A_143 = tpu.memref_slice %arg2[%dma_start3A_141, %dma_start3A_142] : memref<10000x128xf32, #tpu.memory_space<hbm>> -> memref<10000x128xf32, #tpu.memory_space<hbm>>
            tpu.enqueue_indirect_dma source(%dma_start3A_143 : memref<10000x128xf32, #tpu.memory_space<hbm>>) target(%arg10 : memref<128x128xf32, #tpu.memory_space<vmem>>) offsets(%dma_start3A_140 : memref<128xi32, #tpu.memory_space<vmem>>) semaphore(%arg13 : memref<!tpu.dma_semaphore, #tpu.memory_space<semaphore_mem>>)
          } else {
          }
          %dma_start3A_130 = arith.constant 0 : i32
          %dma_start3A_131 = tpu.memref_slice %arg9[%add3A_88, %dma_start3A_130] : memref<64x128xi32, #tpu.memory_space<vmem>> -> memref<1x128xi32, #tpu.memory_space<vmem>>
          %dma_start3A_132 = tpu.memref_squeeze %dma_start3A_131 : memref<1x128xi32, #tpu.memory_space<vmem>> -> memref<128xi32, #tpu.memory_space<vmem>>
          %dma_start3A_133 = arith.constant 0 : i32
          %dma_start3A_134 = arith.constant 0 : i32
          %dma_start3A_135 = tpu.memref_slice %arg12[%dma_start3A_133, %dma_start3A_134] : memref<10000x128xf32, #tpu.memory_space<vmem_shared>> -> memref<10000x128xf32, #tpu.memory_space<vmem_shared>>
          tpu.enqueue_indirect_dma source(%arg11 : memref<128x128xf32, #tpu.memory_space<vmem>>) target(%dma_start3A_135 : memref<10000x128xf32, #tpu.memory_space<vmem_shared>>) offsets(%dma_start3A_132 : memref<128xi32, #tpu.memory_space<vmem>>) semaphore(%arg15 : memref<!tpu.dma_semaphore, #tpu.memory_space<semaphore_mem>>) {add = true}
        }
        %while3A_74 = arith.constant 1 : i32
        scf.for %while3A_83 = %while3A_72 to %while3A_68 step %while3A_74  : i32 {
          %mul3A_84 = arith.constant 2 : i32
          %mul3A_85 = arith.muli %mul3A_84, %while3A_83 : i32
          %mul3A_86 = arith.constant 2 : i32
          %mul3A_87 = arith.muli %mul3A_86, %while3A_83 : i32
          %add3A = arith.constant 1 : i32
          %add3A_88 = arith.addi %mul3A_87, %add3A : i32
          %dma_wait3A_89 = arith.constant 0 : i32
          %dma_wait3A_90 = tpu.memref_slice %arg8[%mul3A_85, %dma_wait3A_89] : memref<64x128xi32, #tpu.memory_space<vmem>> -> memref<1x128xi32, #tpu.memory_space<vmem>>
          %dma_wait3A_91 = tpu.memref_squeeze %dma_wait3A_90 : memref<1x128xi32, #tpu.memory_space<vmem>> -> memref<128xi32, #tpu.memory_space<vmem>>
          %dma_wait3A_92 = arith.constant 0 : i32
          %dma_wait3A_93 = arith.constant 0 : i32
          %dma_wait3A_94 = tpu.memref_slice %arg2[%dma_wait3A_92, %dma_wait3A_93] : memref<10000x128xf32, #tpu.memory_space<hbm>> -> memref<10000x128xf32, #tpu.memory_space<hbm>>
          tpu.wait_indirect_dma semaphore(%arg13 : memref<!tpu.dma_semaphore, #tpu.memory_space<semaphore_mem>>) src(%dma_wait3A_94 : memref<10000x128xf32, #tpu.memory_space<hbm>>) dst(%arg10 : memref<128x128xf32, #tpu.memory_space<vmem>>)
          %gt3A_95 = arith.constant 0 : i32
          %gt3A_96 = arith.cmpi sgt, %while3A_83, %gt3A_95 : i32
          %convert_element_type3A_97 = arith.extui %gt3A_96 : i1 to i32
          %cond3A_98 = arith.constant 0 : i32
          %cond3A_99 = arith.cmpi ne, %convert_element_type3A_97, %cond3A_98 : i32
          scf.if %cond3A_99 {
            %sub3A_136 = arith.constant 2 : i32
            %sub3A_137 = arith.subi %add3A_88, %sub3A_136 : i32
            %dma_wait3A_138 = arith.constant 0 : i32
            %dma_wait3A_139 = tpu.memref_slice %arg9[%sub3A_137, %dma_wait3A_138] : memref<64x128xi32, #tpu.memory_space<vmem>> -> memref<1x128xi32, #tpu.memory_space<vmem>>
            %dma_wait3A_140 = tpu.memref_squeeze %dma_wait3A_139 : memref<1x128xi32, #tpu.memory_space<vmem>> -> memref<128xi32, #tpu.memory_space<vmem>>
            %dma_wait3A_141 = arith.constant 0 : i32
            %dma_wait3A_142 = arith.constant 0 : i32
            %dma_wait3A_143 = tpu.memref_slice %arg12[%dma_wait3A_141, %dma_wait3A_142] : memref<10000x128xf32, #tpu.memory_space<vmem_shared>> -> memref<10000x128xf32, #tpu.memory_space<vmem_shared>>
            tpu.wait_indirect_dma semaphore(%arg15 : memref<!tpu.dma_semaphore, #tpu.memory_space<semaphore_mem>>) src(%arg11 : memref<128x128xf32, #tpu.memory_space<vmem>>) dst(%dma_wait3A_143 : memref<10000x128xf32, #tpu.memory_space<vmem_shared>>)
          } else {
          }
          %dma_start3A_100 = arith.constant 0 : i32
          %dma_start3A_101 = tpu.memref_slice %arg8[%add3A_88, %dma_start3A_100] : memref<64x128xi32, #tpu.memory_space<vmem>> -> memref<1x128xi32, #tpu.memory_space<vmem>>
          %dma_start3A_102 = tpu.memref_squeeze %dma_start3A_101 : memref<1x128xi32, #tpu.memory_space<vmem>> -> memref<128xi32, #tpu.memory_space<vmem>>
          %dma_start3A_103 = arith.constant 0 : i32
          %dma_start3A_104 = arith.constant 0 : i32
          %dma_start3A_105 = tpu.memref_slice %arg2[%dma_start3A_103, %dma_start3A_104] : memref<10000x128xf32, #tpu.memory_space<hbm>> -> memref<10000x128xf32, #tpu.memory_space<hbm>>
          tpu.enqueue_indirect_dma source(%dma_start3A_105 : memref<10000x128xf32, #tpu.memory_space<hbm>>) target(%arg11 : memref<128x128xf32, #tpu.memory_space<vmem>>) offsets(%dma_start3A_102 : memref<128xi32, #tpu.memory_space<vmem>>) semaphore(%arg13 : memref<!tpu.dma_semaphore, #tpu.memory_space<semaphore_mem>>)
          %dma_start3A_106 = arith.constant 0 : i32
          %dma_start3A_107 = tpu.memref_slice %arg9[%mul3A_85, %dma_start3A_106] : memref<64x128xi32, #tpu.memory_space<vmem>> -> memref<1x128xi32, #tpu.memory_space<vmem>>
          %dma_start3A_108 = tpu.memref_squeeze %dma_start3A_107 : memref<1x128xi32, #tpu.memory_space<vmem>> -> memref<128xi32, #tpu.memory_space<vmem>>
          %dma_start3A_109 = arith.constant 0 : i32
          %dma_start3A_110 = arith.constant 0 : i32
          %dma_start3A_111 = tpu.memref_slice %arg12[%dma_start3A_109, %dma_start3A_110] : memref<10000x128xf32, #tpu.memory_space<vmem_shared>> -> memref<10000x128xf32, #tpu.memory_space<vmem_shared>>
          tpu.enqueue_indirect_dma source(%arg10 : memref<128x128xf32, #tpu.memory_space<vmem>>) target(%dma_start3A_111 : memref<10000x128xf32, #tpu.memory_space<vmem_shared>>) offsets(%dma_start3A_108 : memref<128xi32, #tpu.memory_space<vmem>>) semaphore(%arg14 : memref<!tpu.dma_semaphore, #tpu.memory_space<semaphore_mem>>) {add = true}
          %dma_wait3A_112 = arith.constant 0 : i32
          %dma_wait3A_113 = tpu.memref_slice %arg8[%add3A_88, %dma_wait3A_112] : memref<64x128xi32, #tpu.memory_space<vmem>> -> memref<1x128xi32, #tpu.memory_space<vmem>>
          %dma_wait3A_114 = tpu.memref_squeeze %dma_wait3A_113 : memref<1x128xi32, #tpu.memory_space<vmem>> -> memref<128xi32, #tpu.memory_space<vmem>>
          %dma_wait3A_115 = arith.constant 0 : i32
          %dma_wait3A_116 = arith.constant 0 : i32
          %dma_wait3A_117 = tpu.memref_slice %arg2[%dma_wait3A_115, %dma_wait3A_116] : memref<10000x128xf32, #tpu.memory_space<hbm>> -> memref<10000x128xf32, #tpu.memory_space<hbm>>
          tpu.wait_indirect_dma semaphore(%arg13 : memref<!tpu.dma_semaphore, #tpu.memory_space<semaphore_mem>>) src(%dma_wait3A_117 : memref<10000x128xf32, #tpu.memory_space<hbm>>) dst(%arg11 : memref<128x128xf32, #tpu.memory_space<vmem>>)
          %dma_wait3A_118 = arith.constant 0 : i32
          %dma_wait3A_119 = tpu.memref_slice %arg9[%mul3A_85, %dma_wait3A_118] : memref<64x128xi32, #tpu.memory_space<vmem>> -> memref<1x128xi32, #tpu.memory_space<vmem>>
          %dma_wait3A_120 = tpu.memref_squeeze %dma_wait3A_119 : memref<1x128xi32, #tpu.memory_space<vmem>> -> memref<128xi32, #tpu.memory_space<vmem>>
          %dma_wait3A_121 = arith.constant 0 : i32
          %dma_wait3A_122 = arith.constant 0 : i32
          %dma_wait3A_123 = tpu.memref_slice %arg12[%dma_wait3A_121, %dma_wait3A_122] : memref<10000x128xf32, #tpu.memory_space<vmem_shared>> -> memref<10000x128xf32, #tpu.memory_space<vmem_shared>>
          tpu.wait_indirect_dma semaphore(%arg14 : memref<!tpu.dma_semaphore, #tpu.memory_space<semaphore_mem>>) src(%arg10 : memref<128x128xf32, #tpu.memory_space<vmem>>) dst(%dma_wait3A_123 : memref<10000x128xf32, #tpu.memory_space<vmem_shared>>)
          %add3A_124 = arith.constant 1 : i32
          %add3A_125 = arith.addi %while3A_83, %add3A_124 : i32
          %lt3A_126 = arith.cmpi slt, %add3A_125, %select_n3A : i32
          %convert_element_type3A_127 = arith.extui %lt3A_126 : i1 to i32
          %cond3A_128 = arith.constant 0 : i32
          %cond3A_129 = arith.cmpi ne, %convert_element_type3A_127, %cond3A_128 : i32
          scf.if %cond3A_129 {
            %add3A_136 = arith.constant 2 : i32
            %add3A_137 = arith.addi %mul3A_85, %add3A_136 : i32
            %dma_start3A_138 = arith.constant 0 : i32
            %dma_start3A_139 = tpu.memref_slice %arg8[%add3A_137, %dma_start3A_138] : memref<64x128xi32, #tpu.memory_space<vmem>> -> memref<1x128xi32, #tpu.memory_space<vmem>>
            %dma_start3A_140 = tpu.memref_squeeze %dma_start3A_139 : memref<1x128xi32, #tpu.memory_space<vmem>> -> memref<128xi32, #tpu.memory_space<vmem>>
            %dma_start3A_141 = arith.constant 0 : i32
            %dma_start3A_142 = arith.constant 0 : i32
            %dma_start3A_143 = tpu.memref_slice %arg2[%dma_start3A_141, %dma_start3A_142] : memref<10000x128xf32, #tpu.memory_space<hbm>> -> memref<10000x128xf32, #tpu.memory_space<hbm>>
            tpu.enqueue_indirect_dma source(%dma_start3A_143 : memref<10000x128xf32, #tpu.memory_space<hbm>>) target(%arg10 : memref<128x128xf32, #tpu.memory_space<vmem>>) offsets(%dma_start3A_140 : memref<128xi32, #tpu.memory_space<vmem>>) semaphore(%arg13 : memref<!tpu.dma_semaphore, #tpu.memory_space<semaphore_mem>>)
          } else {
          }
          %dma_start3A_130 = arith.constant 0 : i32
          %dma_start3A_131 = tpu.memref_slice %arg9[%add3A_88, %dma_start3A_130] : memref<64x128xi32, #tpu.memory_space<vmem>> -> memref<1x128xi32, #tpu.memory_space<vmem>>
          %dma_start3A_132 = tpu.memref_squeeze %dma_start3A_131 : memref<1x128xi32, #tpu.memory_space<vmem>> -> memref<128xi32, #tpu.memory_space<vmem>>
          %dma_start3A_133 = arith.constant 0 : i32
          %dma_start3A_134 = arith.constant 0 : i32
          %dma_start3A_135 = tpu.memref_slice %arg12[%dma_start3A_133, %dma_start3A_134] : memref<10000x128xf32, #tpu.memory_space<vmem_shared>> -> memref<10000x128xf32, #tpu.memory_space<vmem_shared>>
          tpu.enqueue_indirect_dma source(%arg11 : memref<128x128xf32, #tpu.memory_space<vmem>>) target(%dma_start3A_135 : memref<10000x128xf32, #tpu.memory_space<vmem_shared>>) offsets(%dma_start3A_132 : memref<128xi32, #tpu.memory_space<vmem>>) semaphore(%arg15 : memref<!tpu.dma_semaphore, #tpu.memory_space<semaphore_mem>>) {add = true}
        }
        %mul3A_75 = arith.constant 2 : i32
        %mul3A_76 = arith.muli %mul3A_75, %select_n3A : i32
        %sub3A = arith.constant 1 : i32
        %sub3A_77 = arith.subi %mul3A_76, %sub3A : i32
        %dma_wait3A = arith.constant 0 : i32
        %dma_wait3A_78 = tpu.memref_slice %arg9[%sub3A_77, %dma_wait3A] : memref<64x128xi32, #tpu.memory_space<vmem>> -> memref<1x128xi32, #tpu.memory_space<vmem>>
        %dma_wait3A_79 = tpu.memref_squeeze %dma_wait3A_78 : memref<1x128xi32, #tpu.memory_space<vmem>> -> memref<128xi32, #tpu.memory_space<vmem>>
        %dma_wait3A_80 = arith.constant 0 : i32
        %dma_wait3A_81 = arith.constant 0 : i32
        %dma_wait3A_82 = tpu.memref_slice %arg12[%dma_wait3A_80, %dma_wait3A_81] : memref<10000x128xf32, #tpu.memory_space<vmem_shared>> -> memref<10000x128xf32, #tpu.memory_space<vmem_shared>>
        tpu.wait_indirect_dma semaphore(%arg15 : memref<!tpu.dma_semaphore, #tpu.memory_space<semaphore_mem>>) src(%arg11 : memref<128x128xf32, #tpu.memory_space<vmem>>) dst(%dma_wait3A_82 : memref<10000x128xf32, #tpu.memory_space<vmem_shared>>)
      } else {
      }
      %lt3A_34 = arith.constant 15 : i32
      %lt3A_35 = arith.cmpi slt, %arg1, %lt3A_34 : i32
      %convert_element_type3A_36 = arith.extui %lt3A_35 : i1 to i32
      %cond3A_37 = arith.constant 0 : i32
      %cond3A_38 = arith.cmpi ne, %convert_element_type3A_36, %cond3A_37 : i32
      scf.if %cond3A_38 {
        %mul3A_60 = arith.constant 80 : i32
        %mul3A_61 = arith.muli %arg1, %mul3A_60 : i32
        %add3A = arith.constant 64 : i32
        %add3A_62 = arith.addi %mul3A_61, %add3A : i32
        "tpu.region"() ({
          %run_scoped3A = tpu.sem_alloc : memref<!tpu.dma_semaphore, #tpu.memory_space<semaphore_mem>>
          %dma_start3A = arith.constant 0 : i32
          %dma_start3A_67 = arith.constant 0 : i32
          %dma_start3A_68 = tpu.memref_slice %arg8[%dma_start3A, %dma_start3A_67] : memref<64x128xi32, #tpu.memory_space<vmem>> -> memref<16x128xi32, #tpu.memory_space<vmem>>
          %dma_start3A_69 = arith.constant 0 : i32
          %dma_start3A_70 = tpu.memref_slice %arg4[%add3A_62, %dma_start3A_69] : memref<1250x128xi32, #tpu.memory_space<hbm>> -> memref<16x128xi32, #tpu.memory_space<hbm>>
          %dma_start3A_71 = arith.constant 0 : i32
          %dma_start3A_72 = arith.constant 0 : i32
          %dma_start3A_73 = tpu.memref_slice %arg8[%dma_start3A_71, %dma_start3A_72] : memref<64x128xi32, #tpu.memory_space<vmem>> -> memref<16x128xi32, #tpu.memory_space<vmem>>
          %dma_start3A_74 = arith.constant 0 : i32
          %dma_start3A_75 = tpu.memref_slice %arg4[%add3A_62, %dma_start3A_74] : memref<1250x128xi32, #tpu.memory_space<hbm>> -> memref<16x128xi32, #tpu.memory_space<hbm>>
          tpu.enqueue_dma source(%dma_start3A_75 : memref<16x128xi32, #tpu.memory_space<hbm>>) target(%dma_start3A_73 : memref<16x128xi32, #tpu.memory_space<vmem>>) target_semaphore(%run_scoped3A : memref<!tpu.dma_semaphore, #tpu.memory_space<semaphore_mem>>)
          %dma_wait3A = arith.constant 0 : i32
          %dma_wait3A_76 = arith.constant 0 : i32
          %dma_wait3A_77 = tpu.memref_slice %arg8[%dma_wait3A, %dma_wait3A_76] : memref<64x128xi32, #tpu.memory_space<vmem>> -> memref<16x128xi32, #tpu.memory_space<vmem>>
          %dma_wait3A_78 = arith.constant 0 : i32
          %dma_wait3A_79 = tpu.memref_slice %arg4[%add3A_62, %dma_wait3A_78] : memref<1250x128xi32, #tpu.memory_space<hbm>> -> memref<16x128xi32, #tpu.memory_space<hbm>>
          %dma_wait3A_80 = arith.constant 0 : i32
          %dma_wait3A_81 = arith.constant 0 : i32
          %dma_wait3A_82 = tpu.memref_slice %arg8[%dma_wait3A_80, %dma_wait3A_81] : memref<64x128xi32, #tpu.memory_space<vmem>> -> memref<16x128xi32, #tpu.memory_space<vmem>>
          %dma_wait3A_83 = arith.constant 0 : i32
          %dma_wait3A_84 = tpu.memref_slice %arg4[%add3A_62, %dma_wait3A_83] : memref<1250x128xi32, #tpu.memory_space<hbm>> -> memref<16x128xi32, #tpu.memory_space<hbm>>
          tpu.wait_dma2 semaphore(%run_scoped3A : memref<!tpu.dma_semaphore, #tpu.memory_space<semaphore_mem>>) src(%dma_wait3A_84 : memref<16x128xi32, #tpu.memory_space<hbm>>) dst(%dma_wait3A_82 : memref<16x128xi32, #tpu.memory_space<vmem>>)
          tpu.yield
        }) : () -> ()
        %mul3A_63 = arith.constant 80 : i32
        %mul3A_64 = arith.muli %arg1, %mul3A_63 : i32
        %add3A_65 = arith.constant 64 : i32
        %add3A_66 = arith.addi %mul3A_64, %add3A_65 : i32
        "tpu.region"() ({
          %run_scoped3A = tpu.sem_alloc : memref<!tpu.dma_semaphore, #tpu.memory_space<semaphore_mem>>
          %dma_start3A = arith.constant 0 : i32
          %dma_start3A_67 = arith.constant 0 : i32
          %dma_start3A_68 = tpu.memref_slice %arg9[%dma_start3A, %dma_start3A_67] : memref<64x128xi32, #tpu.memory_space<vmem>> -> memref<16x128xi32, #tpu.memory_space<vmem>>
          %dma_start3A_69 = arith.constant 0 : i32
          %dma_start3A_70 = tpu.memref_slice %arg5[%add3A_66, %dma_start3A_69] : memref<1250x128xi32, #tpu.memory_space<hbm>> -> memref<16x128xi32, #tpu.memory_space<hbm>>
          %dma_start3A_71 = arith.constant 0 : i32
          %dma_start3A_72 = arith.constant 0 : i32
          %dma_start3A_73 = tpu.memref_slice %arg9[%dma_start3A_71, %dma_start3A_72] : memref<64x128xi32, #tpu.memory_space<vmem>> -> memref<16x128xi32, #tpu.memory_space<vmem>>
          %dma_start3A_74 = arith.constant 0 : i32
          %dma_start3A_75 = tpu.memref_slice %arg5[%add3A_66, %dma_start3A_74] : memref<1250x128xi32, #tpu.memory_space<hbm>> -> memref<16x128xi32, #tpu.memory_space<hbm>>
          tpu.enqueue_dma source(%dma_start3A_75 : memref<16x128xi32, #tpu.memory_space<hbm>>) target(%dma_start3A_73 : memref<16x128xi32, #tpu.memory_space<vmem>>) target_semaphore(%run_scoped3A : memref<!tpu.dma_semaphore, #tpu.memory_space<semaphore_mem>>)
          %dma_wait3A = arith.constant 0 : i32
          %dma_wait3A_76 = arith.constant 0 : i32
          %dma_wait3A_77 = tpu.memref_slice %arg9[%dma_wait3A, %dma_wait3A_76] : memref<64x128xi32, #tpu.memory_space<vmem>> -> memref<16x128xi32, #tpu.memory_space<vmem>>
          %dma_wait3A_78 = arith.constant 0 : i32
          %dma_wait3A_79 = tpu.memref_slice %arg5[%add3A_66, %dma_wait3A_78] : memref<1250x128xi32, #tpu.memory_space<hbm>> -> memref<16x128xi32, #tpu.memory_space<hbm>>
          %dma_wait3A_80 = arith.constant 0 : i32
          %dma_wait3A_81 = arith.constant 0 : i32
          %dma_wait3A_82 = tpu.memref_slice %arg9[%dma_wait3A_80, %dma_wait3A_81] : memref<64x128xi32, #tpu.memory_space<vmem>> -> memref<16x128xi32, #tpu.memory_space<vmem>>
          %dma_wait3A_83 = arith.constant 0 : i32
          %dma_wait3A_84 = tpu.memref_slice %arg5[%add3A_66, %dma_wait3A_83] : memref<1250x128xi32, #tpu.memory_space<hbm>> -> memref<16x128xi32, #tpu.memory_space<hbm>>
          tpu.wait_dma2 semaphore(%run_scoped3A : memref<!tpu.dma_semaphore, #tpu.memory_space<semaphore_mem>>) src(%dma_wait3A_84 : memref<16x128xi32, #tpu.memory_space<hbm>>) dst(%dma_wait3A_82 : memref<16x128xi32, #tpu.memory_space<vmem>>)
          tpu.yield
        }) : () -> ()
      } else {
      }
      %lt3A_39 = arith.constant 15 : i32
      %lt3A_40 = arith.cmpi slt, %arg1, %lt3A_39 : i32
      %jit3A_41 = arith.constant 8 : i32
      %jit3A_42 = arith.constant 0 : i32
      %select_n3A_43 = arith.select %lt3A_40, %jit3A_41, %jit3A_42 : i32
      %gt3A_44 = arith.constant 0 : i32
      %gt3A_45 = arith.cmpi sgt, %select_n3A_43, %gt3A_44 : i32
      %convert_element_type3A_46 = arith.extui %gt3A_45 : i1 to i32
      %cond3A_47 = arith.constant 0 : i32
      %cond3A_48 = arith.cmpi ne, %convert_element_type3A_46, %cond3A_47 : i32
      scf.if %cond3A_48 {
        %dma_start3A = arith.constant 0 : i32
        %dma_start3A_60 = arith.constant 0 : i32
        %dma_start3A_61 = tpu.memref_slice %arg8[%dma_start3A, %dma_start3A_60] : memref<64x128xi32, #tpu.memory_space<vmem>> -> memref<1x128xi32, #tpu.memory_space<vmem>>
        %dma_start3A_62 = tpu.memref_squeeze %dma_start3A_61 : memref<1x128xi32, #tpu.memory_space<vmem>> -> memref<128xi32, #tpu.memory_space<vmem>>
        %dma_start3A_63 = arith.constant 0 : i32
        %dma_start3A_64 = arith.constant 0 : i32
        %dma_start3A_65 = tpu.memref_slice %arg2[%dma_start3A_63, %dma_start3A_64] : memref<10000x128xf32, #tpu.memory_space<hbm>> -> memref<10000x128xf32, #tpu.memory_space<hbm>>
        tpu.enqueue_indirect_dma source(%dma_start3A_65 : memref<10000x128xf32, #tpu.memory_space<hbm>>) target(%arg10 : memref<128x128xf32, #tpu.memory_space<vmem>>) offsets(%dma_start3A_62 : memref<128xi32, #tpu.memory_space<vmem>>) semaphore(%arg13 : memref<!tpu.dma_semaphore, #tpu.memory_space<semaphore_mem>>)
        %while3A = arith.constant 0 : i32
        %while3A_66 = arith.constant 0 : i32
        %while3A_67 = arith.subi %select_n3A_43, %while3A_66 : i32
        %while3A_68 = arith.addi %while3A_66, %while3A_67 : i32
        %while3A_69 = arith.constant 1 : i32
        %while3A_70 = arith.divsi %while3A_67, %while3A_69 : i32
        %while3A_71 = arith.muli %while3A_70, %while3A_69 : i32
        %while3A_72 = arith.addi %while3A_66, %while3A_71 : i32
        %while3A_73 = arith.constant 1 : i32
        scf.for %while3A_83 = %while3A_66 to %while3A_72 step %while3A_73  : i32 {
          %mul3A_84 = arith.constant 2 : i32
          %mul3A_85 = arith.muli %mul3A_84, %while3A_83 : i32
          %mul3A_86 = arith.constant 2 : i32
          %mul3A_87 = arith.muli %mul3A_86, %while3A_83 : i32
          %add3A = arith.constant 1 : i32
          %add3A_88 = arith.addi %mul3A_87, %add3A : i32
          %dma_wait3A_89 = arith.constant 0 : i32
          %dma_wait3A_90 = tpu.memref_slice %arg8[%mul3A_85, %dma_wait3A_89] : memref<64x128xi32, #tpu.memory_space<vmem>> -> memref<1x128xi32, #tpu.memory_space<vmem>>
          %dma_wait3A_91 = tpu.memref_squeeze %dma_wait3A_90 : memref<1x128xi32, #tpu.memory_space<vmem>> -> memref<128xi32, #tpu.memory_space<vmem>>
          %dma_wait3A_92 = arith.constant 0 : i32
          %dma_wait3A_93 = arith.constant 0 : i32
          %dma_wait3A_94 = tpu.memref_slice %arg2[%dma_wait3A_92, %dma_wait3A_93] : memref<10000x128xf32, #tpu.memory_space<hbm>> -> memref<10000x128xf32, #tpu.memory_space<hbm>>
          tpu.wait_indirect_dma semaphore(%arg13 : memref<!tpu.dma_semaphore, #tpu.memory_space<semaphore_mem>>) src(%dma_wait3A_94 : memref<10000x128xf32, #tpu.memory_space<hbm>>) dst(%arg10 : memref<128x128xf32, #tpu.memory_space<vmem>>)
          %gt3A_95 = arith.constant 0 : i32
          %gt3A_96 = arith.cmpi sgt, %while3A_83, %gt3A_95 : i32
          %convert_element_type3A_97 = arith.extui %gt3A_96 : i1 to i32
          %cond3A_98 = arith.constant 0 : i32
          %cond3A_99 = arith.cmpi ne, %convert_element_type3A_97, %cond3A_98 : i32
          scf.if %cond3A_99 {
            %sub3A_136 = arith.constant 2 : i32
            %sub3A_137 = arith.subi %add3A_88, %sub3A_136 : i32
            %dma_wait3A_138 = arith.constant 0 : i32
            %dma_wait3A_139 = tpu.memref_slice %arg9[%sub3A_137, %dma_wait3A_138] : memref<64x128xi32, #tpu.memory_space<vmem>> -> memref<1x128xi32, #tpu.memory_space<vmem>>
            %dma_wait3A_140 = tpu.memref_squeeze %dma_wait3A_139 : memref<1x128xi32, #tpu.memory_space<vmem>> -> memref<128xi32, #tpu.memory_space<vmem>>
            %dma_wait3A_141 = arith.constant 0 : i32
            %dma_wait3A_142 = arith.constant 0 : i32
            %dma_wait3A_143 = tpu.memref_slice %arg12[%dma_wait3A_141, %dma_wait3A_142] : memref<10000x128xf32, #tpu.memory_space<vmem_shared>> -> memref<10000x128xf32, #tpu.memory_space<vmem_shared>>
            tpu.wait_indirect_dma semaphore(%arg15 : memref<!tpu.dma_semaphore, #tpu.memory_space<semaphore_mem>>) src(%arg11 : memref<128x128xf32, #tpu.memory_space<vmem>>) dst(%dma_wait3A_143 : memref<10000x128xf32, #tpu.memory_space<vmem_shared>>)
          } else {
          }
          %dma_start3A_100 = arith.constant 0 : i32
          %dma_start3A_101 = tpu.memref_slice %arg8[%add3A_88, %dma_start3A_100] : memref<64x128xi32, #tpu.memory_space<vmem>> -> memref<1x128xi32, #tpu.memory_space<vmem>>
          %dma_start3A_102 = tpu.memref_squeeze %dma_start3A_101 : memref<1x128xi32, #tpu.memory_space<vmem>> -> memref<128xi32, #tpu.memory_space<vmem>>
          %dma_start3A_103 = arith.constant 0 : i32
          %dma_start3A_104 = arith.constant 0 : i32
          %dma_start3A_105 = tpu.memref_slice %arg2[%dma_start3A_103, %dma_start3A_104] : memref<10000x128xf32, #tpu.memory_space<hbm>> -> memref<10000x128xf32, #tpu.memory_space<hbm>>
          tpu.enqueue_indirect_dma source(%dma_start3A_105 : memref<10000x128xf32, #tpu.memory_space<hbm>>) target(%arg11 : memref<128x128xf32, #tpu.memory_space<vmem>>) offsets(%dma_start3A_102 : memref<128xi32, #tpu.memory_space<vmem>>) semaphore(%arg13 : memref<!tpu.dma_semaphore, #tpu.memory_space<semaphore_mem>>)
          %dma_start3A_106 = arith.constant 0 : i32
          %dma_start3A_107 = tpu.memref_slice %arg9[%mul3A_85, %dma_start3A_106] : memref<64x128xi32, #tpu.memory_space<vmem>> -> memref<1x128xi32, #tpu.memory_space<vmem>>
          %dma_start3A_108 = tpu.memref_squeeze %dma_start3A_107 : memref<1x128xi32, #tpu.memory_space<vmem>> -> memref<128xi32, #tpu.memory_space<vmem>>
          %dma_start3A_109 = arith.constant 0 : i32
          %dma_start3A_110 = arith.constant 0 : i32
          %dma_start3A_111 = tpu.memref_slice %arg12[%dma_start3A_109, %dma_start3A_110] : memref<10000x128xf32, #tpu.memory_space<vmem_shared>> -> memref<10000x128xf32, #tpu.memory_space<vmem_shared>>
          tpu.enqueue_indirect_dma source(%arg10 : memref<128x128xf32, #tpu.memory_space<vmem>>) target(%dma_start3A_111 : memref<10000x128xf32, #tpu.memory_space<vmem_shared>>) offsets(%dma_start3A_108 : memref<128xi32, #tpu.memory_space<vmem>>) semaphore(%arg14 : memref<!tpu.dma_semaphore, #tpu.memory_space<semaphore_mem>>) {add = true}
          %dma_wait3A_112 = arith.constant 0 : i32
          %dma_wait3A_113 = tpu.memref_slice %arg8[%add3A_88, %dma_wait3A_112] : memref<64x128xi32, #tpu.memory_space<vmem>> -> memref<1x128xi32, #tpu.memory_space<vmem>>
          %dma_wait3A_114 = tpu.memref_squeeze %dma_wait3A_113 : memref<1x128xi32, #tpu.memory_space<vmem>> -> memref<128xi32, #tpu.memory_space<vmem>>
          %dma_wait3A_115 = arith.constant 0 : i32
          %dma_wait3A_116 = arith.constant 0 : i32
          %dma_wait3A_117 = tpu.memref_slice %arg2[%dma_wait3A_115, %dma_wait3A_116] : memref<10000x128xf32, #tpu.memory_space<hbm>> -> memref<10000x128xf32, #tpu.memory_space<hbm>>
          tpu.wait_indirect_dma semaphore(%arg13 : memref<!tpu.dma_semaphore, #tpu.memory_space<semaphore_mem>>) src(%dma_wait3A_117 : memref<10000x128xf32, #tpu.memory_space<hbm>>) dst(%arg11 : memref<128x128xf32, #tpu.memory_space<vmem>>)
          %dma_wait3A_118 = arith.constant 0 : i32
          %dma_wait3A_119 = tpu.memref_slice %arg9[%mul3A_85, %dma_wait3A_118] : memref<64x128xi32, #tpu.memory_space<vmem>> -> memref<1x128xi32, #tpu.memory_space<vmem>>
          %dma_wait3A_120 = tpu.memref_squeeze %dma_wait3A_119 : memref<1x128xi32, #tpu.memory_space<vmem>> -> memref<128xi32, #tpu.memory_space<vmem>>
          %dma_wait3A_121 = arith.constant 0 : i32
          %dma_wait3A_122 = arith.constant 0 : i32
          %dma_wait3A_123 = tpu.memref_slice %arg12[%dma_wait3A_121, %dma_wait3A_122] : memref<10000x128xf32, #tpu.memory_space<vmem_shared>> -> memref<10000x128xf32, #tpu.memory_space<vmem_shared>>
          tpu.wait_indirect_dma semaphore(%arg14 : memref<!tpu.dma_semaphore, #tpu.memory_space<semaphore_mem>>) src(%arg10 : memref<128x128xf32, #tpu.memory_space<vmem>>) dst(%dma_wait3A_123 : memref<10000x128xf32, #tpu.memory_space<vmem_shared>>)
          %add3A_124 = arith.constant 1 : i32
          %add3A_125 = arith.addi %while3A_83, %add3A_124 : i32
          %lt3A_126 = arith.cmpi slt, %add3A_125, %select_n3A_43 : i32
          %convert_element_type3A_127 = arith.extui %lt3A_126 : i1 to i32
          %cond3A_128 = arith.constant 0 : i32
          %cond3A_129 = arith.cmpi ne, %convert_element_type3A_127, %cond3A_128 : i32
          scf.if %cond3A_129 {
            %add3A_136 = arith.constant 2 : i32
            %add3A_137 = arith.addi %mul3A_85, %add3A_136 : i32
            %dma_start3A_138 = arith.constant 0 : i32
            %dma_start3A_139 = tpu.memref_slice %arg8[%add3A_137, %dma_start3A_138] : memref<64x128xi32, #tpu.memory_space<vmem>> -> memref<1x128xi32, #tpu.memory_space<vmem>>
            %dma_start3A_140 = tpu.memref_squeeze %dma_start3A_139 : memref<1x128xi32, #tpu.memory_space<vmem>> -> memref<128xi32, #tpu.memory_space<vmem>>
            %dma_start3A_141 = arith.constant 0 : i32
            %dma_start3A_142 = arith.constant 0 : i32
            %dma_start3A_143 = tpu.memref_slice %arg2[%dma_start3A_141, %dma_start3A_142] : memref<10000x128xf32, #tpu.memory_space<hbm>> -> memref<10000x128xf32, #tpu.memory_space<hbm>>
            tpu.enqueue_indirect_dma source(%dma_start3A_143 : memref<10000x128xf32, #tpu.memory_space<hbm>>) target(%arg10 : memref<128x128xf32, #tpu.memory_space<vmem>>) offsets(%dma_start3A_140 : memref<128xi32, #tpu.memory_space<vmem>>) semaphore(%arg13 : memref<!tpu.dma_semaphore, #tpu.memory_space<semaphore_mem>>)
          } else {
          }
          %dma_start3A_130 = arith.constant 0 : i32
          %dma_start3A_131 = tpu.memref_slice %arg9[%add3A_88, %dma_start3A_130] : memref<64x128xi32, #tpu.memory_space<vmem>> -> memref<1x128xi32, #tpu.memory_space<vmem>>
          %dma_start3A_132 = tpu.memref_squeeze %dma_start3A_131 : memref<1x128xi32, #tpu.memory_space<vmem>> -> memref<128xi32, #tpu.memory_space<vmem>>
          %dma_start3A_133 = arith.constant 0 : i32
          %dma_start3A_134 = arith.constant 0 : i32
          %dma_start3A_135 = tpu.memref_slice %arg12[%dma_start3A_133, %dma_start3A_134] : memref<10000x128xf32, #tpu.memory_space<vmem_shared>> -> memref<10000x128xf32, #tpu.memory_space<vmem_shared>>
          tpu.enqueue_indirect_dma source(%arg11 : memref<128x128xf32, #tpu.memory_space<vmem>>) target(%dma_start3A_135 : memref<10000x128xf32, #tpu.memory_space<vmem_shared>>) offsets(%dma_start3A_132 : memref<128xi32, #tpu.memory_space<vmem>>) semaphore(%arg15 : memref<!tpu.dma_semaphore, #tpu.memory_space<semaphore_mem>>) {add = true}
        }
        %while3A_74 = arith.constant 1 : i32
        scf.for %while3A_83 = %while3A_72 to %while3A_68 step %while3A_74  : i32 {
          %mul3A_84 = arith.constant 2 : i32
          %mul3A_85 = arith.muli %mul3A_84, %while3A_83 : i32
          %mul3A_86 = arith.constant 2 : i32
          %mul3A_87 = arith.muli %mul3A_86, %while3A_83 : i32
          %add3A = arith.constant 1 : i32
          %add3A_88 = arith.addi %mul3A_87, %add3A : i32
          %dma_wait3A_89 = arith.constant 0 : i32
          %dma_wait3A_90 = tpu.memref_slice %arg8[%mul3A_85, %dma_wait3A_89] : memref<64x128xi32, #tpu.memory_space<vmem>> -> memref<1x128xi32, #tpu.memory_space<vmem>>
          %dma_wait3A_91 = tpu.memref_squeeze %dma_wait3A_90 : memref<1x128xi32, #tpu.memory_space<vmem>> -> memref<128xi32, #tpu.memory_space<vmem>>
          %dma_wait3A_92 = arith.constant 0 : i32
          %dma_wait3A_93 = arith.constant 0 : i32
          %dma_wait3A_94 = tpu.memref_slice %arg2[%dma_wait3A_92, %dma_wait3A_93] : memref<10000x128xf32, #tpu.memory_space<hbm>> -> memref<10000x128xf32, #tpu.memory_space<hbm>>
          tpu.wait_indirect_dma semaphore(%arg13 : memref<!tpu.dma_semaphore, #tpu.memory_space<semaphore_mem>>) src(%dma_wait3A_94 : memref<10000x128xf32, #tpu.memory_space<hbm>>) dst(%arg10 : memref<128x128xf32, #tpu.memory_space<vmem>>)
          %gt3A_95 = arith.constant 0 : i32
          %gt3A_96 = arith.cmpi sgt, %while3A_83, %gt3A_95 : i32
          %convert_element_type3A_97 = arith.extui %gt3A_96 : i1 to i32
          %cond3A_98 = arith.constant 0 : i32
          %cond3A_99 = arith.cmpi ne, %convert_element_type3A_97, %cond3A_98 : i32
          scf.if %cond3A_99 {
            %sub3A_136 = arith.constant 2 : i32
            %sub3A_137 = arith.subi %add3A_88, %sub3A_136 : i32
            %dma_wait3A_138 = arith.constant 0 : i32
            %dma_wait3A_139 = tpu.memref_slice %arg9[%sub3A_137, %dma_wait3A_138] : memref<64x128xi32, #tpu.memory_space<vmem>> -> memref<1x128xi32, #tpu.memory_space<vmem>>
            %dma_wait3A_140 = tpu.memref_squeeze %dma_wait3A_139 : memref<1x128xi32, #tpu.memory_space<vmem>> -> memref<128xi32, #tpu.memory_space<vmem>>
            %dma_wait3A_141 = arith.constant 0 : i32
            %dma_wait3A_142 = arith.constant 0 : i32
            %dma_wait3A_143 = tpu.memref_slice %arg12[%dma_wait3A_141, %dma_wait3A_142] : memref<10000x128xf32, #tpu.memory_space<vmem_shared>> -> memref<10000x128xf32, #tpu.memory_space<vmem_shared>>
            tpu.wait_indirect_dma semaphore(%arg15 : memref<!tpu.dma_semaphore, #tpu.memory_space<semaphore_mem>>) src(%arg11 : memref<128x128xf32, #tpu.memory_space<vmem>>) dst(%dma_wait3A_143 : memref<10000x128xf32, #tpu.memory_space<vmem_shared>>)
          } else {
          }
          %dma_start3A_100 = arith.constant 0 : i32
          %dma_start3A_101 = tpu.memref_slice %arg8[%add3A_88, %dma_start3A_100] : memref<64x128xi32, #tpu.memory_space<vmem>> -> memref<1x128xi32, #tpu.memory_space<vmem>>
          %dma_start3A_102 = tpu.memref_squeeze %dma_start3A_101 : memref<1x128xi32, #tpu.memory_space<vmem>> -> memref<128xi32, #tpu.memory_space<vmem>>
          %dma_start3A_103 = arith.constant 0 : i32
          %dma_start3A_104 = arith.constant 0 : i32
          %dma_start3A_105 = tpu.memref_slice %arg2[%dma_start3A_103, %dma_start3A_104] : memref<10000x128xf32, #tpu.memory_space<hbm>> -> memref<10000x128xf32, #tpu.memory_space<hbm>>
          tpu.enqueue_indirect_dma source(%dma_start3A_105 : memref<10000x128xf32, #tpu.memory_space<hbm>>) target(%arg11 : memref<128x128xf32, #tpu.memory_space<vmem>>) offsets(%dma_start3A_102 : memref<128xi32, #tpu.memory_space<vmem>>) semaphore(%arg13 : memref<!tpu.dma_semaphore, #tpu.memory_space<semaphore_mem>>)
          %dma_start3A_106 = arith.constant 0 : i32
          %dma_start3A_107 = tpu.memref_slice %arg9[%mul3A_85, %dma_start3A_106] : memref<64x128xi32, #tpu.memory_space<vmem>> -> memref<1x128xi32, #tpu.memory_space<vmem>>
          %dma_start3A_108 = tpu.memref_squeeze %dma_start3A_107 : memref<1x128xi32, #tpu.memory_space<vmem>> -> memref<128xi32, #tpu.memory_space<vmem>>
          %dma_start3A_109 = arith.constant 0 : i32
          %dma_start3A_110 = arith.constant 0 : i32
          %dma_start3A_111 = tpu.memref_slice %arg12[%dma_start3A_109, %dma_start3A_110] : memref<10000x128xf32, #tpu.memory_space<vmem_shared>> -> memref<10000x128xf32, #tpu.memory_space<vmem_shared>>
          tpu.enqueue_indirect_dma source(%arg10 : memref<128x128xf32, #tpu.memory_space<vmem>>) target(%dma_start3A_111 : memref<10000x128xf32, #tpu.memory_space<vmem_shared>>) offsets(%dma_start3A_108 : memref<128xi32, #tpu.memory_space<vmem>>) semaphore(%arg14 : memref<!tpu.dma_semaphore, #tpu.memory_space<semaphore_mem>>) {add = true}
          %dma_wait3A_112 = arith.constant 0 : i32
          %dma_wait3A_113 = tpu.memref_slice %arg8[%add3A_88, %dma_wait3A_112] : memref<64x128xi32, #tpu.memory_space<vmem>> -> memref<1x128xi32, #tpu.memory_space<vmem>>
          %dma_wait3A_114 = tpu.memref_squeeze %dma_wait3A_113 : memref<1x128xi32, #tpu.memory_space<vmem>> -> memref<128xi32, #tpu.memory_space<vmem>>
          %dma_wait3A_115 = arith.constant 0 : i32
          %dma_wait3A_116 = arith.constant 0 : i32
          %dma_wait3A_117 = tpu.memref_slice %arg2[%dma_wait3A_115, %dma_wait3A_116] : memref<10000x128xf32, #tpu.memory_space<hbm>> -> memref<10000x128xf32, #tpu.memory_space<hbm>>
          tpu.wait_indirect_dma semaphore(%arg13 : memref<!tpu.dma_semaphore, #tpu.memory_space<semaphore_mem>>) src(%dma_wait3A_117 : memref<10000x128xf32, #tpu.memory_space<hbm>>) dst(%arg11 : memref<128x128xf32, #tpu.memory_space<vmem>>)
          %dma_wait3A_118 = arith.constant 0 : i32
          %dma_wait3A_119 = tpu.memref_slice %arg9[%mul3A_85, %dma_wait3A_118] : memref<64x128xi32, #tpu.memory_space<vmem>> -> memref<1x128xi32, #tpu.memory_space<vmem>>
          %dma_wait3A_120 = tpu.memref_squeeze %dma_wait3A_119 : memref<1x128xi32, #tpu.memory_space<vmem>> -> memref<128xi32, #tpu.memory_space<vmem>>
          %dma_wait3A_121 = arith.constant 0 : i32
          %dma_wait3A_122 = arith.constant 0 : i32
          %dma_wait3A_123 = tpu.memref_slice %arg12[%dma_wait3A_121, %dma_wait3A_122] : memref<10000x128xf32, #tpu.memory_space<vmem_shared>> -> memref<10000x128xf32, #tpu.memory_space<vmem_shared>>
          tpu.wait_indirect_dma semaphore(%arg14 : memref<!tpu.dma_semaphore, #tpu.memory_space<semaphore_mem>>) src(%arg10 : memref<128x128xf32, #tpu.memory_space<vmem>>) dst(%dma_wait3A_123 : memref<10000x128xf32, #tpu.memory_space<vmem_shared>>)
          %add3A_124 = arith.constant 1 : i32
          %add3A_125 = arith.addi %while3A_83, %add3A_124 : i32
          %lt3A_126 = arith.cmpi slt, %add3A_125, %select_n3A_43 : i32
          %convert_element_type3A_127 = arith.extui %lt3A_126 : i1 to i32
          %cond3A_128 = arith.constant 0 : i32
          %cond3A_129 = arith.cmpi ne, %convert_element_type3A_127, %cond3A_128 : i32
          scf.if %cond3A_129 {
            %add3A_136 = arith.constant 2 : i32
            %add3A_137 = arith.addi %mul3A_85, %add3A_136 : i32
            %dma_start3A_138 = arith.constant 0 : i32
            %dma_start3A_139 = tpu.memref_slice %arg8[%add3A_137, %dma_start3A_138] : memref<64x128xi32, #tpu.memory_space<vmem>> -> memref<1x128xi32, #tpu.memory_space<vmem>>
            %dma_start3A_140 = tpu.memref_squeeze %dma_start3A_139 : memref<1x128xi32, #tpu.memory_space<vmem>> -> memref<128xi32, #tpu.memory_space<vmem>>
            %dma_start3A_141 = arith.constant 0 : i32
            %dma_start3A_142 = arith.constant 0 : i32
            %dma_start3A_143 = tpu.memref_slice %arg2[%dma_start3A_141, %dma_start3A_142] : memref<10000x128xf32, #tpu.memory_space<hbm>> -> memref<10000x128xf32, #tpu.memory_space<hbm>>
            tpu.enqueue_indirect_dma source(%dma_start3A_143 : memref<10000x128xf32, #tpu.memory_space<hbm>>) target(%arg10 : memref<128x128xf32, #tpu.memory_space<vmem>>) offsets(%dma_start3A_140 : memref<128xi32, #tpu.memory_space<vmem>>) semaphore(%arg13 : memref<!tpu.dma_semaphore, #tpu.memory_space<semaphore_mem>>)
          } else {
          }
          %dma_start3A_130 = arith.constant 0 : i32
          %dma_start3A_131 = tpu.memref_slice %arg9[%add3A_88, %dma_start3A_130] : memref<64x128xi32, #tpu.memory_space<vmem>> -> memref<1x128xi32, #tpu.memory_space<vmem>>
          %dma_start3A_132 = tpu.memref_squeeze %dma_start3A_131 : memref<1x128xi32, #tpu.memory_space<vmem>> -> memref<128xi32, #tpu.memory_space<vmem>>
          %dma_start3A_133 = arith.constant 0 : i32
          %dma_start3A_134 = arith.constant 0 : i32
          %dma_start3A_135 = tpu.memref_slice %arg12[%dma_start3A_133, %dma_start3A_134] : memref<10000x128xf32, #tpu.memory_space<vmem_shared>> -> memref<10000x128xf32, #tpu.memory_space<vmem_shared>>
          tpu.enqueue_indirect_dma source(%arg11 : memref<128x128xf32, #tpu.memory_space<vmem>>) target(%dma_start3A_135 : memref<10000x128xf32, #tpu.memory_space<vmem_shared>>) offsets(%dma_start3A_132 : memref<128xi32, #tpu.memory_space<vmem>>) semaphore(%arg15 : memref<!tpu.dma_semaphore, #tpu.memory_space<semaphore_mem>>) {add = true}
        }
        %mul3A_75 = arith.constant 2 : i32
        %mul3A_76 = arith.muli %mul3A_75, %select_n3A_43 : i32
        %sub3A = arith.constant 1 : i32
        %sub3A_77 = arith.subi %mul3A_76, %sub3A : i32
        %dma_wait3A = arith.constant 0 : i32
        %dma_wait3A_78 = tpu.memref_slice %arg9[%sub3A_77, %dma_wait3A] : memref<64x128xi32, #tpu.memory_space<vmem>> -> memref<1x128xi32, #tpu.memory_space<vmem>>
        %dma_wait3A_79 = tpu.memref_squeeze %dma_wait3A_78 : memref<1x128xi32, #tpu.memory_space<vmem>> -> memref<128xi32, #tpu.memory_space<vmem>>
        %dma_wait3A_80 = arith.constant 0 : i32
        %dma_wait3A_81 = arith.constant 0 : i32
        %dma_wait3A_82 = tpu.memref_slice %arg12[%dma_wait3A_80, %dma_wait3A_81] : memref<10000x128xf32, #tpu.memory_space<vmem_shared>> -> memref<10000x128xf32, #tpu.memory_space<vmem_shared>>
        tpu.wait_indirect_dma semaphore(%arg15 : memref<!tpu.dma_semaphore, #tpu.memory_space<semaphore_mem>>) src(%arg11 : memref<128x128xf32, #tpu.memory_space<vmem>>) dst(%dma_wait3A_82 : memref<10000x128xf32, #tpu.memory_space<vmem_shared>>)
      } else {
      }
      %barrier3A_49 = arith.constant 0 : index
      tpu.barrier barrier_id(%barrier3A_49)
      %lt3A_50 = arith.constant 15 : i32
      %lt3A_51 = arith.cmpi slt, %arg1, %lt3A_50 : i32
      %convert_element_type3A_52 = arith.extui %lt3A_51 : i1 to i32
      %cond3A_53 = arith.constant 0 : i32
      %cond3A_54 = arith.cmpi ne, %convert_element_type3A_52, %cond3A_53 : i32
      scf.if %cond3A_54 {
        "tpu.region"() ({
          %run_scoped3A = tpu.sem_alloc : memref<!tpu.dma_semaphore, #tpu.memory_space<semaphore_mem>>
          %dma_start3A = arith.constant 0 : i32
          %dma_start3A_60 = tpu.memref_slice %arg6[%mul3A_0, %dma_start3A] : memref<10000x128xf32, #tpu.memory_space<hbm>> -> memref<632x128xf32, #tpu.memory_space<hbm>>
          %dma_start3A_61 = arith.constant 0 : i32
          %dma_start3A_62 = tpu.memref_slice %arg12[%mul3A_0, %dma_start3A_61] : memref<10000x128xf32, #tpu.memory_space<vmem_shared>> -> memref<632x128xf32, #tpu.memory_space<vmem_shared>>
          tpu.enqueue_dma source(%dma_start3A_62 : memref<632x128xf32, #tpu.memory_space<vmem_shared>>) target(%dma_start3A_60 : memref<632x128xf32, #tpu.memory_space<hbm>>) target_semaphore(%run_scoped3A : memref<!tpu.dma_semaphore, #tpu.memory_space<semaphore_mem>>)
          %dma_wait3A = arith.constant 0 : i32
          %dma_wait3A_63 = tpu.memref_slice %arg6[%mul3A_0, %dma_wait3A] : memref<10000x128xf32, #tpu.memory_space<hbm>> -> memref<632x128xf32, #tpu.memory_space<hbm>>
          %dma_wait3A_64 = arith.constant 0 : i32
          %dma_wait3A_65 = tpu.memref_slice %arg12[%mul3A_0, %dma_wait3A_64] : memref<10000x128xf32, #tpu.memory_space<vmem_shared>> -> memref<632x128xf32, #tpu.memory_space<vmem_shared>>
          tpu.wait_dma2 semaphore(%run_scoped3A : memref<!tpu.dma_semaphore, #tpu.memory_space<semaphore_mem>>) src(%dma_wait3A_65 : memref<632x128xf32, #tpu.memory_space<vmem_shared>>) dst(%dma_wait3A_63 : memref<632x128xf32, #tpu.memory_space<hbm>>)
          tpu.yield
        }) : () -> ()
      } else {
      }
      %eq3A_55 = arith.constant 15 : i32
      %eq3A_56 = arith.cmpi eq, %arg1, %eq3A_55 : i32
      %convert_element_type3A_57 = arith.extui %eq3A_56 : i1 to i32
      %cond3A_58 = arith.constant 0 : i32
      %cond3A_59 = arith.cmpi ne, %convert_element_type3A_57, %cond3A_58 : i32
      scf.if %cond3A_59 {
        "tpu.region"() ({
          %run_scoped3A = tpu.sem_alloc : memref<!tpu.dma_semaphore, #tpu.memory_space<semaphore_mem>>
          %dma_start3A = arith.constant 9480 : i32
          %dma_start3A_60 = arith.constant 0 : i32
          %dma_start3A_61 = tpu.memref_slice %arg6[%dma_start3A, %dma_start3A_60] : memref<10000x128xf32, #tpu.memory_space<hbm>> -> memref<520x128xf32, #tpu.memory_space<hbm>>
          %dma_start3A_62 = arith.constant 9480 : i32
          %dma_start3A_63 = arith.constant 0 : i32
          %dma_start3A_64 = tpu.memref_slice %arg12[%dma_start3A_62, %dma_start3A_63] : memref<10000x128xf32, #tpu.memory_space<vmem_shared>> -> memref<520x128xf32, #tpu.memory_space<vmem_shared>>
          tpu.enqueue_dma source(%dma_start3A_64 : memref<520x128xf32, #tpu.memory_space<vmem_shared>>) target(%dma_start3A_61 : memref<520x128xf32, #tpu.memory_space<hbm>>) target_semaphore(%run_scoped3A : memref<!tpu.dma_semaphore, #tpu.memory_space<semaphore_mem>>)
          %dma_wait3A = arith.constant 9480 : i32
          %dma_wait3A_65 = arith.constant 0 : i32
          %dma_wait3A_66 = tpu.memref_slice %arg6[%dma_wait3A, %dma_wait3A_65] : memref<10000x128xf32, #tpu.memory_space<hbm>> -> memref<520x128xf32, #tpu.memory_space<hbm>>
          %dma_wait3A_67 = arith.constant 9480 : i32
          %dma_wait3A_68 = arith.constant 0 : i32
          %dma_wait3A_69 = tpu.memref_slice %arg12[%dma_wait3A_67, %dma_wait3A_68] : memref<10000x128xf32, #tpu.memory_space<vmem_shared>> -> memref<520x128xf32, #tpu.memory_space<vmem_shared>>
          tpu.wait_dma2 semaphore(%run_scoped3A : memref<!tpu.dma_semaphore, #tpu.memory_space<semaphore_mem>>) src(%dma_wait3A_69 : memref<520x128xf32, #tpu.memory_space<vmem_shared>>) dst(%dma_wait3A_66 : memref<520x128xf32, #tpu.memory_space<hbm>>)
          tpu.yield
        }) : () -> ()
      } else {
      }
    } else {
    }
    %eq3A_3 = arith.constant 1 : i32
    %eq3A_4 = arith.cmpi eq, %arg0, %eq3A_3 : i32
    %convert_element_type3A_5 = arith.extui %eq3A_4 : i1 to i32
    %cond3A_6 = arith.constant 0 : i32
    %cond3A_7 = arith.cmpi ne, %convert_element_type3A_5, %cond3A_6 : i32
    scf.if %cond3A_7 {
      %lt3A = arith.constant 15 : i32
      %lt3A_8 = arith.cmpi slt, %arg1, %lt3A : i32
      %convert_element_type3A_9 = arith.extui %lt3A_8 : i1 to i32
      %cond3A_10 = arith.constant 0 : i32
      %cond3A_11 = arith.cmpi ne, %convert_element_type3A_9, %cond3A_10 : i32
      scf.if %cond3A_11 {
        "tpu.region"() ({
          %run_scoped3A = tpu.sem_alloc : memref<!tpu.dma_semaphore, #tpu.memory_space<semaphore_mem>>
          %dma_start3A = arith.constant 0 : i32
          %dma_start3A_60 = tpu.memref_slice %arg12[%mul3A_0, %dma_start3A] : memref<10000x128xf32, #tpu.memory_space<vmem_shared>> -> memref<632x128xf32, #tpu.memory_space<vmem_shared>>
          %dma_start3A_61 = arith.constant 0 : i32
          %dma_start3A_62 = tpu.memref_slice %arg3[%mul3A_0, %dma_start3A_61] : memref<10000x128xf32, #tpu.memory_space<hbm>> -> memref<632x128xf32, #tpu.memory_space<hbm>>
          tpu.enqueue_dma source(%dma_start3A_62 : memref<632x128xf32, #tpu.memory_space<hbm>>) target(%dma_start3A_60 : memref<632x128xf32, #tpu.memory_space<vmem_shared>>) target_semaphore(%run_scoped3A : memref<!tpu.dma_semaphore, #tpu.memory_space<semaphore_mem>>)
          %dma_wait3A = arith.constant 0 : i32
          %dma_wait3A_63 = tpu.memref_slice %arg12[%mul3A_0, %dma_wait3A] : memref<10000x128xf32, #tpu.memory_space<vmem_shared>> -> memref<632x128xf32, #tpu.memory_space<vmem_shared>>
          %dma_wait3A_64 = arith.constant 0 : i32
          %dma_wait3A_65 = tpu.memref_slice %arg3[%mul3A_0, %dma_wait3A_64] : memref<10000x128xf32, #tpu.memory_space<hbm>> -> memref<632x128xf32, #tpu.memory_space<hbm>>
          tpu.wait_dma2 semaphore(%run_scoped3A : memref<!tpu.dma_semaphore, #tpu.memory_space<semaphore_mem>>) src(%dma_wait3A_65 : memref<632x128xf32, #tpu.memory_space<hbm>>) dst(%dma_wait3A_63 : memref<632x128xf32, #tpu.memory_space<vmem_shared>>)
          tpu.yield
        }) : () -> ()
      } else {
      }
      %eq3A_12 = arith.constant 15 : i32
      %eq3A_13 = arith.cmpi eq, %arg1, %eq3A_12 : i32
      %convert_element_type3A_14 = arith.extui %eq3A_13 : i1 to i32
      %cond3A_15 = arith.constant 0 : i32
      %cond3A_16 = arith.cmpi ne, %convert_element_type3A_14, %cond3A_15 : i32
      scf.if %cond3A_16 {
        "tpu.region"() ({
          %run_scoped3A = tpu.sem_alloc : memref<!tpu.dma_semaphore, #tpu.memory_space<semaphore_mem>>
          %dma_start3A = arith.constant 9480 : i32
          %dma_start3A_60 = arith.constant 0 : i32
          %dma_start3A_61 = tpu.memref_slice %arg12[%dma_start3A, %dma_start3A_60] : memref<10000x128xf32, #tpu.memory_space<vmem_shared>> -> memref<520x128xf32, #tpu.memory_space<vmem_shared>>
          %dma_start3A_62 = arith.constant 9480 : i32
          %dma_start3A_63 = arith.constant 0 : i32
          %dma_start3A_64 = tpu.memref_slice %arg3[%dma_start3A_62, %dma_start3A_63] : memref<10000x128xf32, #tpu.memory_space<hbm>> -> memref<520x128xf32, #tpu.memory_space<hbm>>
          tpu.enqueue_dma source(%dma_start3A_64 : memref<520x128xf32, #tpu.memory_space<hbm>>) target(%dma_start3A_61 : memref<520x128xf32, #tpu.memory_space<vmem_shared>>) target_semaphore(%run_scoped3A : memref<!tpu.dma_semaphore, #tpu.memory_space<semaphore_mem>>)
          %dma_wait3A = arith.constant 9480 : i32
          %dma_wait3A_65 = arith.constant 0 : i32
          %dma_wait3A_66 = tpu.memref_slice %arg12[%dma_wait3A, %dma_wait3A_65] : memref<10000x128xf32, #tpu.memory_space<vmem_shared>> -> memref<520x128xf32, #tpu.memory_space<vmem_shared>>
          %dma_wait3A_67 = arith.constant 9480 : i32
          %dma_wait3A_68 = arith.constant 0 : i32
          %dma_wait3A_69 = tpu.memref_slice %arg3[%dma_wait3A_67, %dma_wait3A_68] : memref<10000x128xf32, #tpu.memory_space<hbm>> -> memref<520x128xf32, #tpu.memory_space<hbm>>
          tpu.wait_dma2 semaphore(%run_scoped3A : memref<!tpu.dma_semaphore, #tpu.memory_space<semaphore_mem>>) src(%dma_wait3A_69 : memref<520x128xf32, #tpu.memory_space<hbm>>) dst(%dma_wait3A_66 : memref<520x128xf32, #tpu.memory_space<vmem_shared>>)
          tpu.yield
        }) : () -> ()
      } else {
      }
      %barrier3A = arith.constant 0 : index
      tpu.barrier barrier_id(%barrier3A)
      %lt3A_17 = arith.constant 15 : i32
      %lt3A_18 = arith.cmpi slt, %arg1, %lt3A_17 : i32
      %convert_element_type3A_19 = arith.extui %lt3A_18 : i1 to i32
      %cond3A_20 = arith.constant 0 : i32
      %cond3A_21 = arith.cmpi ne, %convert_element_type3A_19, %cond3A_20 : i32
      scf.if %cond3A_21 {
        %mul3A_60 = arith.constant 80 : i32
        %mul3A_61 = arith.muli %arg1, %mul3A_60 : i32
        "tpu.region"() ({
          %run_scoped3A = tpu.sem_alloc : memref<!tpu.dma_semaphore, #tpu.memory_space<semaphore_mem>>
          %dma_start3A = arith.constant 0 : i32
          %dma_start3A_64 = tpu.memref_slice %arg4[%mul3A_61, %dma_start3A] : memref<1250x128xi32, #tpu.memory_space<hbm>> -> memref<64x128xi32, #tpu.memory_space<hbm>>
          %dma_start3A_65 = arith.constant 0 : i32
          %dma_start3A_66 = tpu.memref_slice %arg4[%mul3A_61, %dma_start3A_65] : memref<1250x128xi32, #tpu.memory_space<hbm>> -> memref<64x128xi32, #tpu.memory_space<hbm>>
          tpu.enqueue_dma source(%dma_start3A_66 : memref<64x128xi32, #tpu.memory_space<hbm>>) target(%arg8 : memref<64x128xi32, #tpu.memory_space<vmem>>) target_semaphore(%run_scoped3A : memref<!tpu.dma_semaphore, #tpu.memory_space<semaphore_mem>>)
          %dma_wait3A = arith.constant 0 : i32
          %dma_wait3A_67 = tpu.memref_slice %arg4[%mul3A_61, %dma_wait3A] : memref<1250x128xi32, #tpu.memory_space<hbm>> -> memref<64x128xi32, #tpu.memory_space<hbm>>
          %dma_wait3A_68 = arith.constant 0 : i32
          %dma_wait3A_69 = tpu.memref_slice %arg4[%mul3A_61, %dma_wait3A_68] : memref<1250x128xi32, #tpu.memory_space<hbm>> -> memref<64x128xi32, #tpu.memory_space<hbm>>
          tpu.wait_dma2 semaphore(%run_scoped3A : memref<!tpu.dma_semaphore, #tpu.memory_space<semaphore_mem>>) src(%dma_wait3A_69 : memref<64x128xi32, #tpu.memory_space<hbm>>) dst(%arg8 : memref<64x128xi32, #tpu.memory_space<vmem>>)
          tpu.yield
        }) : () -> ()
        %mul3A_62 = arith.constant 80 : i32
        %mul3A_63 = arith.muli %arg1, %mul3A_62 : i32
        "tpu.region"() ({
          %run_scoped3A = tpu.sem_alloc : memref<!tpu.dma_semaphore, #tpu.memory_space<semaphore_mem>>
          %dma_start3A = arith.constant 0 : i32
          %dma_start3A_64 = tpu.memref_slice %arg5[%mul3A_63, %dma_start3A] : memref<1250x128xi32, #tpu.memory_space<hbm>> -> memref<64x128xi32, #tpu.memory_space<hbm>>
          %dma_start3A_65 = arith.constant 0 : i32
          %dma_start3A_66 = tpu.memref_slice %arg5[%mul3A_63, %dma_start3A_65] : memref<1250x128xi32, #tpu.memory_space<hbm>> -> memref<64x128xi32, #tpu.memory_space<hbm>>
          tpu.enqueue_dma source(%dma_start3A_66 : memref<64x128xi32, #tpu.memory_space<hbm>>) target(%arg9 : memref<64x128xi32, #tpu.memory_space<vmem>>) target_semaphore(%run_scoped3A : memref<!tpu.dma_semaphore, #tpu.memory_space<semaphore_mem>>)
          %dma_wait3A = arith.constant 0 : i32
          %dma_wait3A_67 = tpu.memref_slice %arg5[%mul3A_63, %dma_wait3A] : memref<1250x128xi32, #tpu.memory_space<hbm>> -> memref<64x128xi32, #tpu.memory_space<hbm>>
          %dma_wait3A_68 = arith.constant 0 : i32
          %dma_wait3A_69 = tpu.memref_slice %arg5[%mul3A_63, %dma_wait3A_68] : memref<1250x128xi32, #tpu.memory_space<hbm>> -> memref<64x128xi32, #tpu.memory_space<hbm>>
          tpu.wait_dma2 semaphore(%run_scoped3A : memref<!tpu.dma_semaphore, #tpu.memory_space<semaphore_mem>>) src(%dma_wait3A_69 : memref<64x128xi32, #tpu.memory_space<hbm>>) dst(%arg9 : memref<64x128xi32, #tpu.memory_space<vmem>>)
          tpu.yield
        }) : () -> ()
      } else {
      }
      %eq3A_22 = arith.constant 15 : i32
      %eq3A_23 = arith.cmpi eq, %arg1, %eq3A_22 : i32
      %convert_element_type3A_24 = arith.extui %eq3A_23 : i1 to i32
      %cond3A_25 = arith.constant 0 : i32
      %cond3A_26 = arith.cmpi ne, %convert_element_type3A_24, %cond3A_25 : i32
      scf.if %cond3A_26 {
        "tpu.region"() ({
          %run_scoped3A = tpu.sem_alloc : memref<!tpu.dma_semaphore, #tpu.memory_space<semaphore_mem>>
          %dma_start3A = arith.constant 0 : i32
          %dma_start3A_60 = arith.constant 0 : i32
          %dma_start3A_61 = tpu.memref_slice %arg8[%dma_start3A, %dma_start3A_60] : memref<64x128xi32, #tpu.memory_space<vmem>> -> memref<48x128xi32, #tpu.memory_space<vmem>>
          %dma_start3A_62 = arith.constant 1200 : i32
          %dma_start3A_63 = arith.constant 0 : i32
          %dma_start3A_64 = tpu.memref_slice %arg4[%dma_start3A_62, %dma_start3A_63] : memref<1250x128xi32, #tpu.memory_space<hbm>> -> memref<48x128xi32, #tpu.memory_space<hbm>>
          %dma_start3A_65 = arith.constant 0 : i32
          %dma_start3A_66 = arith.constant 0 : i32
          %dma_start3A_67 = tpu.memref_slice %arg8[%dma_start3A_65, %dma_start3A_66] : memref<64x128xi32, #tpu.memory_space<vmem>> -> memref<48x128xi32, #tpu.memory_space<vmem>>
          %dma_start3A_68 = arith.constant 1200 : i32
          %dma_start3A_69 = arith.constant 0 : i32
          %dma_start3A_70 = tpu.memref_slice %arg4[%dma_start3A_68, %dma_start3A_69] : memref<1250x128xi32, #tpu.memory_space<hbm>> -> memref<48x128xi32, #tpu.memory_space<hbm>>
          tpu.enqueue_dma source(%dma_start3A_70 : memref<48x128xi32, #tpu.memory_space<hbm>>) target(%dma_start3A_67 : memref<48x128xi32, #tpu.memory_space<vmem>>) target_semaphore(%run_scoped3A : memref<!tpu.dma_semaphore, #tpu.memory_space<semaphore_mem>>)
          %dma_wait3A = arith.constant 0 : i32
          %dma_wait3A_71 = arith.constant 0 : i32
          %dma_wait3A_72 = tpu.memref_slice %arg8[%dma_wait3A, %dma_wait3A_71] : memref<64x128xi32, #tpu.memory_space<vmem>> -> memref<48x128xi32, #tpu.memory_space<vmem>>
          %dma_wait3A_73 = arith.constant 1200 : i32
          %dma_wait3A_74 = arith.constant 0 : i32
          %dma_wait3A_75 = tpu.memref_slice %arg4[%dma_wait3A_73, %dma_wait3A_74] : memref<1250x128xi32, #tpu.memory_space<hbm>> -> memref<48x128xi32, #tpu.memory_space<hbm>>
          %dma_wait3A_76 = arith.constant 0 : i32
          %dma_wait3A_77 = arith.constant 0 : i32
          %dma_wait3A_78 = tpu.memref_slice %arg8[%dma_wait3A_76, %dma_wait3A_77] : memref<64x128xi32, #tpu.memory_space<vmem>> -> memref<48x128xi32, #tpu.memory_space<vmem>>
          %dma_wait3A_79 = arith.constant 1200 : i32
          %dma_wait3A_80 = arith.constant 0 : i32
          %dma_wait3A_81 = tpu.memref_slice %arg4[%dma_wait3A_79, %dma_wait3A_80] : memref<1250x128xi32, #tpu.memory_space<hbm>> -> memref<48x128xi32, #tpu.memory_space<hbm>>
          tpu.wait_dma2 semaphore(%run_scoped3A : memref<!tpu.dma_semaphore, #tpu.memory_space<semaphore_mem>>) src(%dma_wait3A_81 : memref<48x128xi32, #tpu.memory_space<hbm>>) dst(%dma_wait3A_78 : memref<48x128xi32, #tpu.memory_space<vmem>>)
          tpu.yield
        }) : () -> ()
        "tpu.region"() ({
          %run_scoped3A = tpu.sem_alloc : memref<!tpu.dma_semaphore, #tpu.memory_space<semaphore_mem>>
          %dma_start3A = arith.constant 48 : i32
          %dma_start3A_60 = arith.constant 0 : i32
          %dma_start3A_61 = tpu.memref_slice %arg8[%dma_start3A, %dma_start3A_60] : memref<64x128xi32, #tpu.memory_space<vmem>> -> memref<2x128xi32, #tpu.memory_space<vmem>>
          %dma_start3A_62 = arith.constant 1248 : i32
          %dma_start3A_63 = arith.constant 0 : i32
          %dma_start3A_64 = tpu.memref_slice %arg4[%dma_start3A_62, %dma_start3A_63] : memref<1250x128xi32, #tpu.memory_space<hbm>> -> memref<2x128xi32, #tpu.memory_space<hbm>>
          %dma_start3A_65 = arith.constant 48 : i32
          %dma_start3A_66 = arith.constant 0 : i32
          %dma_start3A_67 = tpu.memref_slice %arg8[%dma_start3A_65, %dma_start3A_66] : memref<64x128xi32, #tpu.memory_space<vmem>> -> memref<2x128xi32, #tpu.memory_space<vmem>>
          %dma_start3A_68 = arith.constant 1248 : i32
          %dma_start3A_69 = arith.constant 0 : i32
          %dma_start3A_70 = tpu.memref_slice %arg4[%dma_start3A_68, %dma_start3A_69] : memref<1250x128xi32, #tpu.memory_space<hbm>> -> memref<2x128xi32, #tpu.memory_space<hbm>>
          tpu.enqueue_dma source(%dma_start3A_70 : memref<2x128xi32, #tpu.memory_space<hbm>>) target(%dma_start3A_67 : memref<2x128xi32, #tpu.memory_space<vmem>>) target_semaphore(%run_scoped3A : memref<!tpu.dma_semaphore, #tpu.memory_space<semaphore_mem>>)
          %dma_wait3A = arith.constant 48 : i32
          %dma_wait3A_71 = arith.constant 0 : i32
          %dma_wait3A_72 = tpu.memref_slice %arg8[%dma_wait3A, %dma_wait3A_71] : memref<64x128xi32, #tpu.memory_space<vmem>> -> memref<2x128xi32, #tpu.memory_space<vmem>>
          %dma_wait3A_73 = arith.constant 1248 : i32
          %dma_wait3A_74 = arith.constant 0 : i32
          %dma_wait3A_75 = tpu.memref_slice %arg4[%dma_wait3A_73, %dma_wait3A_74] : memref<1250x128xi32, #tpu.memory_space<hbm>> -> memref<2x128xi32, #tpu.memory_space<hbm>>
          %dma_wait3A_76 = arith.constant 48 : i32
          %dma_wait3A_77 = arith.constant 0 : i32
          %dma_wait3A_78 = tpu.memref_slice %arg8[%dma_wait3A_76, %dma_wait3A_77] : memref<64x128xi32, #tpu.memory_space<vmem>> -> memref<2x128xi32, #tpu.memory_space<vmem>>
          %dma_wait3A_79 = arith.constant 1248 : i32
          %dma_wait3A_80 = arith.constant 0 : i32
          %dma_wait3A_81 = tpu.memref_slice %arg4[%dma_wait3A_79, %dma_wait3A_80] : memref<1250x128xi32, #tpu.memory_space<hbm>> -> memref<2x128xi32, #tpu.memory_space<hbm>>
          tpu.wait_dma2 semaphore(%run_scoped3A : memref<!tpu.dma_semaphore, #tpu.memory_space<semaphore_mem>>) src(%dma_wait3A_81 : memref<2x128xi32, #tpu.memory_space<hbm>>) dst(%dma_wait3A_78 : memref<2x128xi32, #tpu.memory_space<vmem>>)
          tpu.yield
        }) : () -> ()
        "tpu.region"() ({
          %run_scoped3A = tpu.sem_alloc : memref<!tpu.dma_semaphore, #tpu.memory_space<semaphore_mem>>
          %dma_start3A = arith.constant 0 : i32
          %dma_start3A_60 = arith.constant 0 : i32
          %dma_start3A_61 = tpu.memref_slice %arg9[%dma_start3A, %dma_start3A_60] : memref<64x128xi32, #tpu.memory_space<vmem>> -> memref<48x128xi32, #tpu.memory_space<vmem>>
          %dma_start3A_62 = arith.constant 1200 : i32
          %dma_start3A_63 = arith.constant 0 : i32
          %dma_start3A_64 = tpu.memref_slice %arg5[%dma_start3A_62, %dma_start3A_63] : memref<1250x128xi32, #tpu.memory_space<hbm>> -> memref<48x128xi32, #tpu.memory_space<hbm>>
          %dma_start3A_65 = arith.constant 0 : i32
          %dma_start3A_66 = arith.constant 0 : i32
          %dma_start3A_67 = tpu.memref_slice %arg9[%dma_start3A_65, %dma_start3A_66] : memref<64x128xi32, #tpu.memory_space<vmem>> -> memref<48x128xi32, #tpu.memory_space<vmem>>
          %dma_start3A_68 = arith.constant 1200 : i32
          %dma_start3A_69 = arith.constant 0 : i32
          %dma_start3A_70 = tpu.memref_slice %arg5[%dma_start3A_68, %dma_start3A_69] : memref<1250x128xi32, #tpu.memory_space<hbm>> -> memref<48x128xi32, #tpu.memory_space<hbm>>
          tpu.enqueue_dma source(%dma_start3A_70 : memref<48x128xi32, #tpu.memory_space<hbm>>) target(%dma_start3A_67 : memref<48x128xi32, #tpu.memory_space<vmem>>) target_semaphore(%run_scoped3A : memref<!tpu.dma_semaphore, #tpu.memory_space<semaphore_mem>>)
          %dma_wait3A = arith.constant 0 : i32
          %dma_wait3A_71 = arith.constant 0 : i32
          %dma_wait3A_72 = tpu.memref_slice %arg9[%dma_wait3A, %dma_wait3A_71] : memref<64x128xi32, #tpu.memory_space<vmem>> -> memref<48x128xi32, #tpu.memory_space<vmem>>
          %dma_wait3A_73 = arith.constant 1200 : i32
          %dma_wait3A_74 = arith.constant 0 : i32
          %dma_wait3A_75 = tpu.memref_slice %arg5[%dma_wait3A_73, %dma_wait3A_74] : memref<1250x128xi32, #tpu.memory_space<hbm>> -> memref<48x128xi32, #tpu.memory_space<hbm>>
          %dma_wait3A_76 = arith.constant 0 : i32
          %dma_wait3A_77 = arith.constant 0 : i32
          %dma_wait3A_78 = tpu.memref_slice %arg9[%dma_wait3A_76, %dma_wait3A_77] : memref<64x128xi32, #tpu.memory_space<vmem>> -> memref<48x128xi32, #tpu.memory_space<vmem>>
          %dma_wait3A_79 = arith.constant 1200 : i32
          %dma_wait3A_80 = arith.constant 0 : i32
          %dma_wait3A_81 = tpu.memref_slice %arg5[%dma_wait3A_79, %dma_wait3A_80] : memref<1250x128xi32, #tpu.memory_space<hbm>> -> memref<48x128xi32, #tpu.memory_space<hbm>>
          tpu.wait_dma2 semaphore(%run_scoped3A : memref<!tpu.dma_semaphore, #tpu.memory_space<semaphore_mem>>) src(%dma_wait3A_81 : memref<48x128xi32, #tpu.memory_space<hbm>>) dst(%dma_wait3A_78 : memref<48x128xi32, #tpu.memory_space<vmem>>)
          tpu.yield
        }) : () -> ()
        "tpu.region"() ({
          %run_scoped3A = tpu.sem_alloc : memref<!tpu.dma_semaphore, #tpu.memory_space<semaphore_mem>>
          %dma_start3A = arith.constant 48 : i32
          %dma_start3A_60 = arith.constant 0 : i32
          %dma_start3A_61 = tpu.memref_slice %arg9[%dma_start3A, %dma_start3A_60] : memref<64x128xi32, #tpu.memory_space<vmem>> -> memref<2x128xi32, #tpu.memory_space<vmem>>
          %dma_start3A_62 = arith.constant 1248 : i32
          %dma_start3A_63 = arith.constant 0 : i32
          %dma_start3A_64 = tpu.memref_slice %arg5[%dma_start3A_62, %dma_start3A_63] : memref<1250x128xi32, #tpu.memory_space<hbm>> -> memref<2x128xi32, #tpu.memory_space<hbm>>
          %dma_start3A_65 = arith.constant 48 : i32
          %dma_start3A_66 = arith.constant 0 : i32
          %dma_start3A_67 = tpu.memref_slice %arg9[%dma_start3A_65, %dma_start3A_66] : memref<64x128xi32, #tpu.memory_space<vmem>> -> memref<2x128xi32, #tpu.memory_space<vmem>>
          %dma_start3A_68 = arith.constant 1248 : i32
          %dma_start3A_69 = arith.constant 0 : i32
          %dma_start3A_70 = tpu.memref_slice %arg5[%dma_start3A_68, %dma_start3A_69] : memref<1250x128xi32, #tpu.memory_space<hbm>> -> memref<2x128xi32, #tpu.memory_space<hbm>>
          tpu.enqueue_dma source(%dma_start3A_70 : memref<2x128xi32, #tpu.memory_space<hbm>>) target(%dma_start3A_67 : memref<2x128xi32, #tpu.memory_space<vmem>>) target_semaphore(%run_scoped3A : memref<!tpu.dma_semaphore, #tpu.memory_space<semaphore_mem>>)
          %dma_wait3A = arith.constant 48 : i32
          %dma_wait3A_71 = arith.constant 0 : i32
          %dma_wait3A_72 = tpu.memref_slice %arg9[%dma_wait3A, %dma_wait3A_71] : memref<64x128xi32, #tpu.memory_space<vmem>> -> memref<2x128xi32, #tpu.memory_space<vmem>>
          %dma_wait3A_73 = arith.constant 1248 : i32
          %dma_wait3A_74 = arith.constant 0 : i32
          %dma_wait3A_75 = tpu.memref_slice %arg5[%dma_wait3A_73, %dma_wait3A_74] : memref<1250x128xi32, #tpu.memory_space<hbm>> -> memref<2x128xi32, #tpu.memory_space<hbm>>
          %dma_wait3A_76 = arith.constant 48 : i32
          %dma_wait3A_77 = arith.constant 0 : i32
          %dma_wait3A_78 = tpu.memref_slice %arg9[%dma_wait3A_76, %dma_wait3A_77] : memref<64x128xi32, #tpu.memory_space<vmem>> -> memref<2x128xi32, #tpu.memory_space<vmem>>
          %dma_wait3A_79 = arith.constant 1248 : i32
          %dma_wait3A_80 = arith.constant 0 : i32
          %dma_wait3A_81 = tpu.memref_slice %arg5[%dma_wait3A_79, %dma_wait3A_80] : memref<1250x128xi32, #tpu.memory_space<hbm>> -> memref<2x128xi32, #tpu.memory_space<hbm>>
          tpu.wait_dma2 semaphore(%run_scoped3A : memref<!tpu.dma_semaphore, #tpu.memory_space<semaphore_mem>>) src(%dma_wait3A_81 : memref<2x128xi32, #tpu.memory_space<hbm>>) dst(%dma_wait3A_78 : memref<2x128xi32, #tpu.memory_space<vmem>>)
          tpu.yield
        }) : () -> ()
      } else {
      }
      %lt3A_27 = arith.constant 15 : i32
      %lt3A_28 = arith.cmpi slt, %arg1, %lt3A_27 : i32
      %jit3A = arith.constant 32 : i32
      %jit3A_29 = arith.constant 25 : i32
      %select_n3A = arith.select %lt3A_28, %jit3A, %jit3A_29 : i32
      %gt3A = arith.constant 0 : i32
      %gt3A_30 = arith.cmpi sgt, %select_n3A, %gt3A : i32
      %convert_element_type3A_31 = arith.extui %gt3A_30 : i1 to i32
      %cond3A_32 = arith.constant 0 : i32
      %cond3A_33 = arith.cmpi ne, %convert_element_type3A_31, %cond3A_32 : i32
      scf.if %cond3A_33 {
        %dma_start3A = arith.constant 0 : i32
        %dma_start3A_60 = arith.constant 0 : i32
        %dma_start3A_61 = tpu.memref_slice %arg8[%dma_start3A, %dma_start3A_60] : memref<64x128xi32, #tpu.memory_space<vmem>> -> memref<1x128xi32, #tpu.memory_space<vmem>>
        %dma_start3A_62 = tpu.memref_squeeze %dma_start3A_61 : memref<1x128xi32, #tpu.memory_space<vmem>> -> memref<128xi32, #tpu.memory_space<vmem>>
        %dma_start3A_63 = arith.constant 0 : i32
        %dma_start3A_64 = arith.constant 0 : i32
        %dma_start3A_65 = tpu.memref_slice %arg3[%dma_start3A_63, %dma_start3A_64] : memref<10000x128xf32, #tpu.memory_space<hbm>> -> memref<10000x128xf32, #tpu.memory_space<hbm>>
        tpu.enqueue_indirect_dma source(%dma_start3A_65 : memref<10000x128xf32, #tpu.memory_space<hbm>>) target(%arg10 : memref<128x128xf32, #tpu.memory_space<vmem>>) offsets(%dma_start3A_62 : memref<128xi32, #tpu.memory_space<vmem>>) semaphore(%arg13 : memref<!tpu.dma_semaphore, #tpu.memory_space<semaphore_mem>>)
        %while3A = arith.constant 0 : i32
        %while3A_66 = arith.constant 0 : i32
        %while3A_67 = arith.subi %select_n3A, %while3A_66 : i32
        %while3A_68 = arith.addi %while3A_66, %while3A_67 : i32
        %while3A_69 = arith.constant 1 : i32
        %while3A_70 = arith.divsi %while3A_67, %while3A_69 : i32
        %while3A_71 = arith.muli %while3A_70, %while3A_69 : i32
        %while3A_72 = arith.addi %while3A_66, %while3A_71 : i32
        %while3A_73 = arith.constant 1 : i32
        scf.for %while3A_83 = %while3A_66 to %while3A_72 step %while3A_73  : i32 {
          %mul3A_84 = arith.constant 2 : i32
          %mul3A_85 = arith.muli %mul3A_84, %while3A_83 : i32
          %mul3A_86 = arith.constant 2 : i32
          %mul3A_87 = arith.muli %mul3A_86, %while3A_83 : i32
          %add3A = arith.constant 1 : i32
          %add3A_88 = arith.addi %mul3A_87, %add3A : i32
          %dma_wait3A_89 = arith.constant 0 : i32
          %dma_wait3A_90 = tpu.memref_slice %arg8[%mul3A_85, %dma_wait3A_89] : memref<64x128xi32, #tpu.memory_space<vmem>> -> memref<1x128xi32, #tpu.memory_space<vmem>>
          %dma_wait3A_91 = tpu.memref_squeeze %dma_wait3A_90 : memref<1x128xi32, #tpu.memory_space<vmem>> -> memref<128xi32, #tpu.memory_space<vmem>>
          %dma_wait3A_92 = arith.constant 0 : i32
          %dma_wait3A_93 = arith.constant 0 : i32
          %dma_wait3A_94 = tpu.memref_slice %arg3[%dma_wait3A_92, %dma_wait3A_93] : memref<10000x128xf32, #tpu.memory_space<hbm>> -> memref<10000x128xf32, #tpu.memory_space<hbm>>
          tpu.wait_indirect_dma semaphore(%arg13 : memref<!tpu.dma_semaphore, #tpu.memory_space<semaphore_mem>>) src(%dma_wait3A_94 : memref<10000x128xf32, #tpu.memory_space<hbm>>) dst(%arg10 : memref<128x128xf32, #tpu.memory_space<vmem>>)
          %gt3A_95 = arith.constant 0 : i32
          %gt3A_96 = arith.cmpi sgt, %while3A_83, %gt3A_95 : i32
          %convert_element_type3A_97 = arith.extui %gt3A_96 : i1 to i32
          %cond3A_98 = arith.constant 0 : i32
          %cond3A_99 = arith.cmpi ne, %convert_element_type3A_97, %cond3A_98 : i32
          scf.if %cond3A_99 {
            %sub3A_136 = arith.constant 2 : i32
            %sub3A_137 = arith.subi %add3A_88, %sub3A_136 : i32
            %dma_wait3A_138 = arith.constant 0 : i32
            %dma_wait3A_139 = tpu.memref_slice %arg9[%sub3A_137, %dma_wait3A_138] : memref<64x128xi32, #tpu.memory_space<vmem>> -> memref<1x128xi32, #tpu.memory_space<vmem>>
            %dma_wait3A_140 = tpu.memref_squeeze %dma_wait3A_139 : memref<1x128xi32, #tpu.memory_space<vmem>> -> memref<128xi32, #tpu.memory_space<vmem>>
            %dma_wait3A_141 = arith.constant 0 : i32
            %dma_wait3A_142 = arith.constant 0 : i32
            %dma_wait3A_143 = tpu.memref_slice %arg12[%dma_wait3A_141, %dma_wait3A_142] : memref<10000x128xf32, #tpu.memory_space<vmem_shared>> -> memref<10000x128xf32, #tpu.memory_space<vmem_shared>>
            tpu.wait_indirect_dma semaphore(%arg15 : memref<!tpu.dma_semaphore, #tpu.memory_space<semaphore_mem>>) src(%arg11 : memref<128x128xf32, #tpu.memory_space<vmem>>) dst(%dma_wait3A_143 : memref<10000x128xf32, #tpu.memory_space<vmem_shared>>)
          } else {
          }
          %dma_start3A_100 = arith.constant 0 : i32
          %dma_start3A_101 = tpu.memref_slice %arg8[%add3A_88, %dma_start3A_100] : memref<64x128xi32, #tpu.memory_space<vmem>> -> memref<1x128xi32, #tpu.memory_space<vmem>>
          %dma_start3A_102 = tpu.memref_squeeze %dma_start3A_101 : memref<1x128xi32, #tpu.memory_space<vmem>> -> memref<128xi32, #tpu.memory_space<vmem>>
          %dma_start3A_103 = arith.constant 0 : i32
          %dma_start3A_104 = arith.constant 0 : i32
          %dma_start3A_105 = tpu.memref_slice %arg3[%dma_start3A_103, %dma_start3A_104] : memref<10000x128xf32, #tpu.memory_space<hbm>> -> memref<10000x128xf32, #tpu.memory_space<hbm>>
          tpu.enqueue_indirect_dma source(%dma_start3A_105 : memref<10000x128xf32, #tpu.memory_space<hbm>>) target(%arg11 : memref<128x128xf32, #tpu.memory_space<vmem>>) offsets(%dma_start3A_102 : memref<128xi32, #tpu.memory_space<vmem>>) semaphore(%arg13 : memref<!tpu.dma_semaphore, #tpu.memory_space<semaphore_mem>>)
          %dma_start3A_106 = arith.constant 0 : i32
          %dma_start3A_107 = tpu.memref_slice %arg9[%mul3A_85, %dma_start3A_106] : memref<64x128xi32, #tpu.memory_space<vmem>> -> memref<1x128xi32, #tpu.memory_space<vmem>>
          %dma_start3A_108 = tpu.memref_squeeze %dma_start3A_107 : memref<1x128xi32, #tpu.memory_space<vmem>> -> memref<128xi32, #tpu.memory_space<vmem>>
          %dma_start3A_109 = arith.constant 0 : i32
          %dma_start3A_110 = arith.constant 0 : i32
          %dma_start3A_111 = tpu.memref_slice %arg12[%dma_start3A_109, %dma_start3A_110] : memref<10000x128xf32, #tpu.memory_space<vmem_shared>> -> memref<10000x128xf32, #tpu.memory_space<vmem_shared>>
          tpu.enqueue_indirect_dma source(%arg10 : memref<128x128xf32, #tpu.memory_space<vmem>>) target(%dma_start3A_111 : memref<10000x128xf32, #tpu.memory_space<vmem_shared>>) offsets(%dma_start3A_108 : memref<128xi32, #tpu.memory_space<vmem>>) semaphore(%arg14 : memref<!tpu.dma_semaphore, #tpu.memory_space<semaphore_mem>>) {add = true}
          %dma_wait3A_112 = arith.constant 0 : i32
          %dma_wait3A_113 = tpu.memref_slice %arg8[%add3A_88, %dma_wait3A_112] : memref<64x128xi32, #tpu.memory_space<vmem>> -> memref<1x128xi32, #tpu.memory_space<vmem>>
          %dma_wait3A_114 = tpu.memref_squeeze %dma_wait3A_113 : memref<1x128xi32, #tpu.memory_space<vmem>> -> memref<128xi32, #tpu.memory_space<vmem>>
          %dma_wait3A_115 = arith.constant 0 : i32
          %dma_wait3A_116 = arith.constant 0 : i32
          %dma_wait3A_117 = tpu.memref_slice %arg3[%dma_wait3A_115, %dma_wait3A_116] : memref<10000x128xf32, #tpu.memory_space<hbm>> -> memref<10000x128xf32, #tpu.memory_space<hbm>>
          tpu.wait_indirect_dma semaphore(%arg13 : memref<!tpu.dma_semaphore, #tpu.memory_space<semaphore_mem>>) src(%dma_wait3A_117 : memref<10000x128xf32, #tpu.memory_space<hbm>>) dst(%arg11 : memref<128x128xf32, #tpu.memory_space<vmem>>)
          %dma_wait3A_118 = arith.constant 0 : i32
          %dma_wait3A_119 = tpu.memref_slice %arg9[%mul3A_85, %dma_wait3A_118] : memref<64x128xi32, #tpu.memory_space<vmem>> -> memref<1x128xi32, #tpu.memory_space<vmem>>
          %dma_wait3A_120 = tpu.memref_squeeze %dma_wait3A_119 : memref<1x128xi32, #tpu.memory_space<vmem>> -> memref<128xi32, #tpu.memory_space<vmem>>
          %dma_wait3A_121 = arith.constant 0 : i32
          %dma_wait3A_122 = arith.constant 0 : i32
          %dma_wait3A_123 = tpu.memref_slice %arg12[%dma_wait3A_121, %dma_wait3A_122] : memref<10000x128xf32, #tpu.memory_space<vmem_shared>> -> memref<10000x128xf32, #tpu.memory_space<vmem_shared>>
          tpu.wait_indirect_dma semaphore(%arg14 : memref<!tpu.dma_semaphore, #tpu.memory_space<semaphore_mem>>) src(%arg10 : memref<128x128xf32, #tpu.memory_space<vmem>>) dst(%dma_wait3A_123 : memref<10000x128xf32, #tpu.memory_space<vmem_shared>>)
          %add3A_124 = arith.constant 1 : i32
          %add3A_125 = arith.addi %while3A_83, %add3A_124 : i32
          %lt3A_126 = arith.cmpi slt, %add3A_125, %select_n3A : i32
          %convert_element_type3A_127 = arith.extui %lt3A_126 : i1 to i32
          %cond3A_128 = arith.constant 0 : i32
          %cond3A_129 = arith.cmpi ne, %convert_element_type3A_127, %cond3A_128 : i32
          scf.if %cond3A_129 {
            %add3A_136 = arith.constant 2 : i32
            %add3A_137 = arith.addi %mul3A_85, %add3A_136 : i32
            %dma_start3A_138 = arith.constant 0 : i32
            %dma_start3A_139 = tpu.memref_slice %arg8[%add3A_137, %dma_start3A_138] : memref<64x128xi32, #tpu.memory_space<vmem>> -> memref<1x128xi32, #tpu.memory_space<vmem>>
            %dma_start3A_140 = tpu.memref_squeeze %dma_start3A_139 : memref<1x128xi32, #tpu.memory_space<vmem>> -> memref<128xi32, #tpu.memory_space<vmem>>
            %dma_start3A_141 = arith.constant 0 : i32
            %dma_start3A_142 = arith.constant 0 : i32
            %dma_start3A_143 = tpu.memref_slice %arg3[%dma_start3A_141, %dma_start3A_142] : memref<10000x128xf32, #tpu.memory_space<hbm>> -> memref<10000x128xf32, #tpu.memory_space<hbm>>
            tpu.enqueue_indirect_dma source(%dma_start3A_143 : memref<10000x128xf32, #tpu.memory_space<hbm>>) target(%arg10 : memref<128x128xf32, #tpu.memory_space<vmem>>) offsets(%dma_start3A_140 : memref<128xi32, #tpu.memory_space<vmem>>) semaphore(%arg13 : memref<!tpu.dma_semaphore, #tpu.memory_space<semaphore_mem>>)
          } else {
          }
          %dma_start3A_130 = arith.constant 0 : i32
          %dma_start3A_131 = tpu.memref_slice %arg9[%add3A_88, %dma_start3A_130] : memref<64x128xi32, #tpu.memory_space<vmem>> -> memref<1x128xi32, #tpu.memory_space<vmem>>
          %dma_start3A_132 = tpu.memref_squeeze %dma_start3A_131 : memref<1x128xi32, #tpu.memory_space<vmem>> -> memref<128xi32, #tpu.memory_space<vmem>>
          %dma_start3A_133 = arith.constant 0 : i32
          %dma_start3A_134 = arith.constant 0 : i32
          %dma_start3A_135 = tpu.memref_slice %arg12[%dma_start3A_133, %dma_start3A_134] : memref<10000x128xf32, #tpu.memory_space<vmem_shared>> -> memref<10000x128xf32, #tpu.memory_space<vmem_shared>>
          tpu.enqueue_indirect_dma source(%arg11 : memref<128x128xf32, #tpu.memory_space<vmem>>) target(%dma_start3A_135 : memref<10000x128xf32, #tpu.memory_space<vmem_shared>>) offsets(%dma_start3A_132 : memref<128xi32, #tpu.memory_space<vmem>>) semaphore(%arg15 : memref<!tpu.dma_semaphore, #tpu.memory_space<semaphore_mem>>) {add = true}
        }
        %while3A_74 = arith.constant 1 : i32
        scf.for %while3A_83 = %while3A_72 to %while3A_68 step %while3A_74  : i32 {
          %mul3A_84 = arith.constant 2 : i32
          %mul3A_85 = arith.muli %mul3A_84, %while3A_83 : i32
          %mul3A_86 = arith.constant 2 : i32
          %mul3A_87 = arith.muli %mul3A_86, %while3A_83 : i32
          %add3A = arith.constant 1 : i32
          %add3A_88 = arith.addi %mul3A_87, %add3A : i32
          %dma_wait3A_89 = arith.constant 0 : i32
          %dma_wait3A_90 = tpu.memref_slice %arg8[%mul3A_85, %dma_wait3A_89] : memref<64x128xi32, #tpu.memory_space<vmem>> -> memref<1x128xi32, #tpu.memory_space<vmem>>
          %dma_wait3A_91 = tpu.memref_squeeze %dma_wait3A_90 : memref<1x128xi32, #tpu.memory_space<vmem>> -> memref<128xi32, #tpu.memory_space<vmem>>
          %dma_wait3A_92 = arith.constant 0 : i32
          %dma_wait3A_93 = arith.constant 0 : i32
          %dma_wait3A_94 = tpu.memref_slice %arg3[%dma_wait3A_92, %dma_wait3A_93] : memref<10000x128xf32, #tpu.memory_space<hbm>> -> memref<10000x128xf32, #tpu.memory_space<hbm>>
          tpu.wait_indirect_dma semaphore(%arg13 : memref<!tpu.dma_semaphore, #tpu.memory_space<semaphore_mem>>) src(%dma_wait3A_94 : memref<10000x128xf32, #tpu.memory_space<hbm>>) dst(%arg10 : memref<128x128xf32, #tpu.memory_space<vmem>>)
          %gt3A_95 = arith.constant 0 : i32
          %gt3A_96 = arith.cmpi sgt, %while3A_83, %gt3A_95 : i32
          %convert_element_type3A_97 = arith.extui %gt3A_96 : i1 to i32
          %cond3A_98 = arith.constant 0 : i32
          %cond3A_99 = arith.cmpi ne, %convert_element_type3A_97, %cond3A_98 : i32
          scf.if %cond3A_99 {
            %sub3A_136 = arith.constant 2 : i32
            %sub3A_137 = arith.subi %add3A_88, %sub3A_136 : i32
            %dma_wait3A_138 = arith.constant 0 : i32
            %dma_wait3A_139 = tpu.memref_slice %arg9[%sub3A_137, %dma_wait3A_138] : memref<64x128xi32, #tpu.memory_space<vmem>> -> memref<1x128xi32, #tpu.memory_space<vmem>>
            %dma_wait3A_140 = tpu.memref_squeeze %dma_wait3A_139 : memref<1x128xi32, #tpu.memory_space<vmem>> -> memref<128xi32, #tpu.memory_space<vmem>>
            %dma_wait3A_141 = arith.constant 0 : i32
            %dma_wait3A_142 = arith.constant 0 : i32
            %dma_wait3A_143 = tpu.memref_slice %arg12[%dma_wait3A_141, %dma_wait3A_142] : memref<10000x128xf32, #tpu.memory_space<vmem_shared>> -> memref<10000x128xf32, #tpu.memory_space<vmem_shared>>
            tpu.wait_indirect_dma semaphore(%arg15 : memref<!tpu.dma_semaphore, #tpu.memory_space<semaphore_mem>>) src(%arg11 : memref<128x128xf32, #tpu.memory_space<vmem>>) dst(%dma_wait3A_143 : memref<10000x128xf32, #tpu.memory_space<vmem_shared>>)
          } else {
          }
          %dma_start3A_100 = arith.constant 0 : i32
          %dma_start3A_101 = tpu.memref_slice %arg8[%add3A_88, %dma_start3A_100] : memref<64x128xi32, #tpu.memory_space<vmem>> -> memref<1x128xi32, #tpu.memory_space<vmem>>
          %dma_start3A_102 = tpu.memref_squeeze %dma_start3A_101 : memref<1x128xi32, #tpu.memory_space<vmem>> -> memref<128xi32, #tpu.memory_space<vmem>>
          %dma_start3A_103 = arith.constant 0 : i32
          %dma_start3A_104 = arith.constant 0 : i32
          %dma_start3A_105 = tpu.memref_slice %arg3[%dma_start3A_103, %dma_start3A_104] : memref<10000x128xf32, #tpu.memory_space<hbm>> -> memref<10000x128xf32, #tpu.memory_space<hbm>>
          tpu.enqueue_indirect_dma source(%dma_start3A_105 : memref<10000x128xf32, #tpu.memory_space<hbm>>) target(%arg11 : memref<128x128xf32, #tpu.memory_space<vmem>>) offsets(%dma_start3A_102 : memref<128xi32, #tpu.memory_space<vmem>>) semaphore(%arg13 : memref<!tpu.dma_semaphore, #tpu.memory_space<semaphore_mem>>)
          %dma_start3A_106 = arith.constant 0 : i32
          %dma_start3A_107 = tpu.memref_slice %arg9[%mul3A_85, %dma_start3A_106] : memref<64x128xi32, #tpu.memory_space<vmem>> -> memref<1x128xi32, #tpu.memory_space<vmem>>
          %dma_start3A_108 = tpu.memref_squeeze %dma_start3A_107 : memref<1x128xi32, #tpu.memory_space<vmem>> -> memref<128xi32, #tpu.memory_space<vmem>>
          %dma_start3A_109 = arith.constant 0 : i32
          %dma_start3A_110 = arith.constant 0 : i32
          %dma_start3A_111 = tpu.memref_slice %arg12[%dma_start3A_109, %dma_start3A_110] : memref<10000x128xf32, #tpu.memory_space<vmem_shared>> -> memref<10000x128xf32, #tpu.memory_space<vmem_shared>>
          tpu.enqueue_indirect_dma source(%arg10 : memref<128x128xf32, #tpu.memory_space<vmem>>) target(%dma_start3A_111 : memref<10000x128xf32, #tpu.memory_space<vmem_shared>>) offsets(%dma_start3A_108 : memref<128xi32, #tpu.memory_space<vmem>>) semaphore(%arg14 : memref<!tpu.dma_semaphore, #tpu.memory_space<semaphore_mem>>) {add = true}
          %dma_wait3A_112 = arith.constant 0 : i32
          %dma_wait3A_113 = tpu.memref_slice %arg8[%add3A_88, %dma_wait3A_112] : memref<64x128xi32, #tpu.memory_space<vmem>> -> memref<1x128xi32, #tpu.memory_space<vmem>>
          %dma_wait3A_114 = tpu.memref_squeeze %dma_wait3A_113 : memref<1x128xi32, #tpu.memory_space<vmem>> -> memref<128xi32, #tpu.memory_space<vmem>>
          %dma_wait3A_115 = arith.constant 0 : i32
          %dma_wait3A_116 = arith.constant 0 : i32
          %dma_wait3A_117 = tpu.memref_slice %arg3[%dma_wait3A_115, %dma_wait3A_116] : memref<10000x128xf32, #tpu.memory_space<hbm>> -> memref<10000x128xf32, #tpu.memory_space<hbm>>
          tpu.wait_indirect_dma semaphore(%arg13 : memref<!tpu.dma_semaphore, #tpu.memory_space<semaphore_mem>>) src(%dma_wait3A_117 : memref<10000x128xf32, #tpu.memory_space<hbm>>) dst(%arg11 : memref<128x128xf32, #tpu.memory_space<vmem>>)
          %dma_wait3A_118 = arith.constant 0 : i32
          %dma_wait3A_119 = tpu.memref_slice %arg9[%mul3A_85, %dma_wait3A_118] : memref<64x128xi32, #tpu.memory_space<vmem>> -> memref<1x128xi32, #tpu.memory_space<vmem>>
          %dma_wait3A_120 = tpu.memref_squeeze %dma_wait3A_119 : memref<1x128xi32, #tpu.memory_space<vmem>> -> memref<128xi32, #tpu.memory_space<vmem>>
          %dma_wait3A_121 = arith.constant 0 : i32
          %dma_wait3A_122 = arith.constant 0 : i32
          %dma_wait3A_123 = tpu.memref_slice %arg12[%dma_wait3A_121, %dma_wait3A_122] : memref<10000x128xf32, #tpu.memory_space<vmem_shared>> -> memref<10000x128xf32, #tpu.memory_space<vmem_shared>>
          tpu.wait_indirect_dma semaphore(%arg14 : memref<!tpu.dma_semaphore, #tpu.memory_space<semaphore_mem>>) src(%arg10 : memref<128x128xf32, #tpu.memory_space<vmem>>) dst(%dma_wait3A_123 : memref<10000x128xf32, #tpu.memory_space<vmem_shared>>)
          %add3A_124 = arith.constant 1 : i32
          %add3A_125 = arith.addi %while3A_83, %add3A_124 : i32
          %lt3A_126 = arith.cmpi slt, %add3A_125, %select_n3A : i32
          %convert_element_type3A_127 = arith.extui %lt3A_126 : i1 to i32
          %cond3A_128 = arith.constant 0 : i32
          %cond3A_129 = arith.cmpi ne, %convert_element_type3A_127, %cond3A_128 : i32
          scf.if %cond3A_129 {
            %add3A_136 = arith.constant 2 : i32
            %add3A_137 = arith.addi %mul3A_85, %add3A_136 : i32
            %dma_start3A_138 = arith.constant 0 : i32
            %dma_start3A_139 = tpu.memref_slice %arg8[%add3A_137, %dma_start3A_138] : memref<64x128xi32, #tpu.memory_space<vmem>> -> memref<1x128xi32, #tpu.memory_space<vmem>>
            %dma_start3A_140 = tpu.memref_squeeze %dma_start3A_139 : memref<1x128xi32, #tpu.memory_space<vmem>> -> memref<128xi32, #tpu.memory_space<vmem>>
            %dma_start3A_141 = arith.constant 0 : i32
            %dma_start3A_142 = arith.constant 0 : i32
            %dma_start3A_143 = tpu.memref_slice %arg3[%dma_start3A_141, %dma_start3A_142] : memref<10000x128xf32, #tpu.memory_space<hbm>> -> memref<10000x128xf32, #tpu.memory_space<hbm>>
            tpu.enqueue_indirect_dma source(%dma_start3A_143 : memref<10000x128xf32, #tpu.memory_space<hbm>>) target(%arg10 : memref<128x128xf32, #tpu.memory_space<vmem>>) offsets(%dma_start3A_140 : memref<128xi32, #tpu.memory_space<vmem>>) semaphore(%arg13 : memref<!tpu.dma_semaphore, #tpu.memory_space<semaphore_mem>>)
          } else {
          }
          %dma_start3A_130 = arith.constant 0 : i32
          %dma_start3A_131 = tpu.memref_slice %arg9[%add3A_88, %dma_start3A_130] : memref<64x128xi32, #tpu.memory_space<vmem>> -> memref<1x128xi32, #tpu.memory_space<vmem>>
          %dma_start3A_132 = tpu.memref_squeeze %dma_start3A_131 : memref<1x128xi32, #tpu.memory_space<vmem>> -> memref<128xi32, #tpu.memory_space<vmem>>
          %dma_start3A_133 = arith.constant 0 : i32
          %dma_start3A_134 = arith.constant 0 : i32
          %dma_start3A_135 = tpu.memref_slice %arg12[%dma_start3A_133, %dma_start3A_134] : memref<10000x128xf32, #tpu.memory_space<vmem_shared>> -> memref<10000x128xf32, #tpu.memory_space<vmem_shared>>
          tpu.enqueue_indirect_dma source(%arg11 : memref<128x128xf32, #tpu.memory_space<vmem>>) target(%dma_start3A_135 : memref<10000x128xf32, #tpu.memory_space<vmem_shared>>) offsets(%dma_start3A_132 : memref<128xi32, #tpu.memory_space<vmem>>) semaphore(%arg15 : memref<!tpu.dma_semaphore, #tpu.memory_space<semaphore_mem>>) {add = true}
        }
        %mul3A_75 = arith.constant 2 : i32
        %mul3A_76 = arith.muli %mul3A_75, %select_n3A : i32
        %sub3A = arith.constant 1 : i32
        %sub3A_77 = arith.subi %mul3A_76, %sub3A : i32
        %dma_wait3A = arith.constant 0 : i32
        %dma_wait3A_78 = tpu.memref_slice %arg9[%sub3A_77, %dma_wait3A] : memref<64x128xi32, #tpu.memory_space<vmem>> -> memref<1x128xi32, #tpu.memory_space<vmem>>
        %dma_wait3A_79 = tpu.memref_squeeze %dma_wait3A_78 : memref<1x128xi32, #tpu.memory_space<vmem>> -> memref<128xi32, #tpu.memory_space<vmem>>
        %dma_wait3A_80 = arith.constant 0 : i32
        %dma_wait3A_81 = arith.constant 0 : i32
        %dma_wait3A_82 = tpu.memref_slice %arg12[%dma_wait3A_80, %dma_wait3A_81] : memref<10000x128xf32, #tpu.memory_space<vmem_shared>> -> memref<10000x128xf32, #tpu.memory_space<vmem_shared>>
        tpu.wait_indirect_dma semaphore(%arg15 : memref<!tpu.dma_semaphore, #tpu.memory_space<semaphore_mem>>) src(%arg11 : memref<128x128xf32, #tpu.memory_space<vmem>>) dst(%dma_wait3A_82 : memref<10000x128xf32, #tpu.memory_space<vmem_shared>>)
      } else {
      }
      %lt3A_34 = arith.constant 15 : i32
      %lt3A_35 = arith.cmpi slt, %arg1, %lt3A_34 : i32
      %convert_element_type3A_36 = arith.extui %lt3A_35 : i1 to i32
      %cond3A_37 = arith.constant 0 : i32
      %cond3A_38 = arith.cmpi ne, %convert_element_type3A_36, %cond3A_37 : i32
      scf.if %cond3A_38 {
        %mul3A_60 = arith.constant 80 : i32
        %mul3A_61 = arith.muli %arg1, %mul3A_60 : i32
        %add3A = arith.constant 64 : i32
        %add3A_62 = arith.addi %mul3A_61, %add3A : i32
        "tpu.region"() ({
          %run_scoped3A = tpu.sem_alloc : memref<!tpu.dma_semaphore, #tpu.memory_space<semaphore_mem>>
          %dma_start3A = arith.constant 0 : i32
          %dma_start3A_67 = arith.constant 0 : i32
          %dma_start3A_68 = tpu.memref_slice %arg8[%dma_start3A, %dma_start3A_67] : memref<64x128xi32, #tpu.memory_space<vmem>> -> memref<16x128xi32, #tpu.memory_space<vmem>>
          %dma_start3A_69 = arith.constant 0 : i32
          %dma_start3A_70 = tpu.memref_slice %arg4[%add3A_62, %dma_start3A_69] : memref<1250x128xi32, #tpu.memory_space<hbm>> -> memref<16x128xi32, #tpu.memory_space<hbm>>
          %dma_start3A_71 = arith.constant 0 : i32
          %dma_start3A_72 = arith.constant 0 : i32
          %dma_start3A_73 = tpu.memref_slice %arg8[%dma_start3A_71, %dma_start3A_72] : memref<64x128xi32, #tpu.memory_space<vmem>> -> memref<16x128xi32, #tpu.memory_space<vmem>>
          %dma_start3A_74 = arith.constant 0 : i32
          %dma_start3A_75 = tpu.memref_slice %arg4[%add3A_62, %dma_start3A_74] : memref<1250x128xi32, #tpu.memory_space<hbm>> -> memref<16x128xi32, #tpu.memory_space<hbm>>
          tpu.enqueue_dma source(%dma_start3A_75 : memref<16x128xi32, #tpu.memory_space<hbm>>) target(%dma_start3A_73 : memref<16x128xi32, #tpu.memory_space<vmem>>) target_semaphore(%run_scoped3A : memref<!tpu.dma_semaphore, #tpu.memory_space<semaphore_mem>>)
          %dma_wait3A = arith.constant 0 : i32
          %dma_wait3A_76 = arith.constant 0 : i32
          %dma_wait3A_77 = tpu.memref_slice %arg8[%dma_wait3A, %dma_wait3A_76] : memref<64x128xi32, #tpu.memory_space<vmem>> -> memref<16x128xi32, #tpu.memory_space<vmem>>
          %dma_wait3A_78 = arith.constant 0 : i32
          %dma_wait3A_79 = tpu.memref_slice %arg4[%add3A_62, %dma_wait3A_78] : memref<1250x128xi32, #tpu.memory_space<hbm>> -> memref<16x128xi32, #tpu.memory_space<hbm>>
          %dma_wait3A_80 = arith.constant 0 : i32
          %dma_wait3A_81 = arith.constant 0 : i32
          %dma_wait3A_82 = tpu.memref_slice %arg8[%dma_wait3A_80, %dma_wait3A_81] : memref<64x128xi32, #tpu.memory_space<vmem>> -> memref<16x128xi32, #tpu.memory_space<vmem>>
          %dma_wait3A_83 = arith.constant 0 : i32
          %dma_wait3A_84 = tpu.memref_slice %arg4[%add3A_62, %dma_wait3A_83] : memref<1250x128xi32, #tpu.memory_space<hbm>> -> memref<16x128xi32, #tpu.memory_space<hbm>>
          tpu.wait_dma2 semaphore(%run_scoped3A : memref<!tpu.dma_semaphore, #tpu.memory_space<semaphore_mem>>) src(%dma_wait3A_84 : memref<16x128xi32, #tpu.memory_space<hbm>>) dst(%dma_wait3A_82 : memref<16x128xi32, #tpu.memory_space<vmem>>)
          tpu.yield
        }) : () -> ()
        %mul3A_63 = arith.constant 80 : i32
        %mul3A_64 = arith.muli %arg1, %mul3A_63 : i32
        %add3A_65 = arith.constant 64 : i32
        %add3A_66 = arith.addi %mul3A_64, %add3A_65 : i32
        "tpu.region"() ({
          %run_scoped3A = tpu.sem_alloc : memref<!tpu.dma_semaphore, #tpu.memory_space<semaphore_mem>>
          %dma_start3A = arith.constant 0 : i32
          %dma_start3A_67 = arith.constant 0 : i32
          %dma_start3A_68 = tpu.memref_slice %arg9[%dma_start3A, %dma_start3A_67] : memref<64x128xi32, #tpu.memory_space<vmem>> -> memref<16x128xi32, #tpu.memory_space<vmem>>
          %dma_start3A_69 = arith.constant 0 : i32
          %dma_start3A_70 = tpu.memref_slice %arg5[%add3A_66, %dma_start3A_69] : memref<1250x128xi32, #tpu.memory_space<hbm>> -> memref<16x128xi32, #tpu.memory_space<hbm>>
          %dma_start3A_71 = arith.constant 0 : i32
          %dma_start3A_72 = arith.constant 0 : i32
          %dma_start3A_73 = tpu.memref_slice %arg9[%dma_start3A_71, %dma_start3A_72] : memref<64x128xi32, #tpu.memory_space<vmem>> -> memref<16x128xi32, #tpu.memory_space<vmem>>
          %dma_start3A_74 = arith.constant 0 : i32
          %dma_start3A_75 = tpu.memref_slice %arg5[%add3A_66, %dma_start3A_74] : memref<1250x128xi32, #tpu.memory_space<hbm>> -> memref<16x128xi32, #tpu.memory_space<hbm>>
          tpu.enqueue_dma source(%dma_start3A_75 : memref<16x128xi32, #tpu.memory_space<hbm>>) target(%dma_start3A_73 : memref<16x128xi32, #tpu.memory_space<vmem>>) target_semaphore(%run_scoped3A : memref<!tpu.dma_semaphore, #tpu.memory_space<semaphore_mem>>)
          %dma_wait3A = arith.constant 0 : i32
          %dma_wait3A_76 = arith.constant 0 : i32
          %dma_wait3A_77 = tpu.memref_slice %arg9[%dma_wait3A, %dma_wait3A_76] : memref<64x128xi32, #tpu.memory_space<vmem>> -> memref<16x128xi32, #tpu.memory_space<vmem>>
          %dma_wait3A_78 = arith.constant 0 : i32
          %dma_wait3A_79 = tpu.memref_slice %arg5[%add3A_66, %dma_wait3A_78] : memref<1250x128xi32, #tpu.memory_space<hbm>> -> memref<16x128xi32, #tpu.memory_space<hbm>>
          %dma_wait3A_80 = arith.constant 0 : i32
          %dma_wait3A_81 = arith.constant 0 : i32
          %dma_wait3A_82 = tpu.memref_slice %arg9[%dma_wait3A_80, %dma_wait3A_81] : memref<64x128xi32, #tpu.memory_space<vmem>> -> memref<16x128xi32, #tpu.memory_space<vmem>>
          %dma_wait3A_83 = arith.constant 0 : i32
          %dma_wait3A_84 = tpu.memref_slice %arg5[%add3A_66, %dma_wait3A_83] : memref<1250x128xi32, #tpu.memory_space<hbm>> -> memref<16x128xi32, #tpu.memory_space<hbm>>
          tpu.wait_dma2 semaphore(%run_scoped3A : memref<!tpu.dma_semaphore, #tpu.memory_space<semaphore_mem>>) src(%dma_wait3A_84 : memref<16x128xi32, #tpu.memory_space<hbm>>) dst(%dma_wait3A_82 : memref<16x128xi32, #tpu.memory_space<vmem>>)
          tpu.yield
        }) : () -> ()
      } else {
      }
      %lt3A_39 = arith.constant 15 : i32
      %lt3A_40 = arith.cmpi slt, %arg1, %lt3A_39 : i32
      %jit3A_41 = arith.constant 8 : i32
      %jit3A_42 = arith.constant 0 : i32
      %select_n3A_43 = arith.select %lt3A_40, %jit3A_41, %jit3A_42 : i32
      %gt3A_44 = arith.constant 0 : i32
      %gt3A_45 = arith.cmpi sgt, %select_n3A_43, %gt3A_44 : i32
      %convert_element_type3A_46 = arith.extui %gt3A_45 : i1 to i32
      %cond3A_47 = arith.constant 0 : i32
      %cond3A_48 = arith.cmpi ne, %convert_element_type3A_46, %cond3A_47 : i32
      scf.if %cond3A_48 {
        %dma_start3A = arith.constant 0 : i32
        %dma_start3A_60 = arith.constant 0 : i32
        %dma_start3A_61 = tpu.memref_slice %arg8[%dma_start3A, %dma_start3A_60] : memref<64x128xi32, #tpu.memory_space<vmem>> -> memref<1x128xi32, #tpu.memory_space<vmem>>
        %dma_start3A_62 = tpu.memref_squeeze %dma_start3A_61 : memref<1x128xi32, #tpu.memory_space<vmem>> -> memref<128xi32, #tpu.memory_space<vmem>>
        %dma_start3A_63 = arith.constant 0 : i32
        %dma_start3A_64 = arith.constant 0 : i32
        %dma_start3A_65 = tpu.memref_slice %arg3[%dma_start3A_63, %dma_start3A_64] : memref<10000x128xf32, #tpu.memory_space<hbm>> -> memref<10000x128xf32, #tpu.memory_space<hbm>>
        tpu.enqueue_indirect_dma source(%dma_start3A_65 : memref<10000x128xf32, #tpu.memory_space<hbm>>) target(%arg10 : memref<128x128xf32, #tpu.memory_space<vmem>>) offsets(%dma_start3A_62 : memref<128xi32, #tpu.memory_space<vmem>>) semaphore(%arg13 : memref<!tpu.dma_semaphore, #tpu.memory_space<semaphore_mem>>)
        %while3A = arith.constant 0 : i32
        %while3A_66 = arith.constant 0 : i32
        %while3A_67 = arith.subi %select_n3A_43, %while3A_66 : i32
        %while3A_68 = arith.addi %while3A_66, %while3A_67 : i32
        %while3A_69 = arith.constant 1 : i32
        %while3A_70 = arith.divsi %while3A_67, %while3A_69 : i32
        %while3A_71 = arith.muli %while3A_70, %while3A_69 : i32
        %while3A_72 = arith.addi %while3A_66, %while3A_71 : i32
        %while3A_73 = arith.constant 1 : i32
        scf.for %while3A_83 = %while3A_66 to %while3A_72 step %while3A_73  : i32 {
          %mul3A_84 = arith.constant 2 : i32
          %mul3A_85 = arith.muli %mul3A_84, %while3A_83 : i32
          %mul3A_86 = arith.constant 2 : i32
          %mul3A_87 = arith.muli %mul3A_86, %while3A_83 : i32
          %add3A = arith.constant 1 : i32
          %add3A_88 = arith.addi %mul3A_87, %add3A : i32
          %dma_wait3A_89 = arith.constant 0 : i32
          %dma_wait3A_90 = tpu.memref_slice %arg8[%mul3A_85, %dma_wait3A_89] : memref<64x128xi32, #tpu.memory_space<vmem>> -> memref<1x128xi32, #tpu.memory_space<vmem>>
          %dma_wait3A_91 = tpu.memref_squeeze %dma_wait3A_90 : memref<1x128xi32, #tpu.memory_space<vmem>> -> memref<128xi32, #tpu.memory_space<vmem>>
          %dma_wait3A_92 = arith.constant 0 : i32
          %dma_wait3A_93 = arith.constant 0 : i32
          %dma_wait3A_94 = tpu.memref_slice %arg3[%dma_wait3A_92, %dma_wait3A_93] : memref<10000x128xf32, #tpu.memory_space<hbm>> -> memref<10000x128xf32, #tpu.memory_space<hbm>>
          tpu.wait_indirect_dma semaphore(%arg13 : memref<!tpu.dma_semaphore, #tpu.memory_space<semaphore_mem>>) src(%dma_wait3A_94 : memref<10000x128xf32, #tpu.memory_space<hbm>>) dst(%arg10 : memref<128x128xf32, #tpu.memory_space<vmem>>)
          %gt3A_95 = arith.constant 0 : i32
          %gt3A_96 = arith.cmpi sgt, %while3A_83, %gt3A_95 : i32
          %convert_element_type3A_97 = arith.extui %gt3A_96 : i1 to i32
          %cond3A_98 = arith.constant 0 : i32
          %cond3A_99 = arith.cmpi ne, %convert_element_type3A_97, %cond3A_98 : i32
          scf.if %cond3A_99 {
            %sub3A_136 = arith.constant 2 : i32
            %sub3A_137 = arith.subi %add3A_88, %sub3A_136 : i32
            %dma_wait3A_138 = arith.constant 0 : i32
            %dma_wait3A_139 = tpu.memref_slice %arg9[%sub3A_137, %dma_wait3A_138] : memref<64x128xi32, #tpu.memory_space<vmem>> -> memref<1x128xi32, #tpu.memory_space<vmem>>
            %dma_wait3A_140 = tpu.memref_squeeze %dma_wait3A_139 : memref<1x128xi32, #tpu.memory_space<vmem>> -> memref<128xi32, #tpu.memory_space<vmem>>
            %dma_wait3A_141 = arith.constant 0 : i32
            %dma_wait3A_142 = arith.constant 0 : i32
            %dma_wait3A_143 = tpu.memref_slice %arg12[%dma_wait3A_141, %dma_wait3A_142] : memref<10000x128xf32, #tpu.memory_space<vmem_shared>> -> memref<10000x128xf32, #tpu.memory_space<vmem_shared>>
            tpu.wait_indirect_dma semaphore(%arg15 : memref<!tpu.dma_semaphore, #tpu.memory_space<semaphore_mem>>) src(%arg11 : memref<128x128xf32, #tpu.memory_space<vmem>>) dst(%dma_wait3A_143 : memref<10000x128xf32, #tpu.memory_space<vmem_shared>>)
          } else {
          }
          %dma_start3A_100 = arith.constant 0 : i32
          %dma_start3A_101 = tpu.memref_slice %arg8[%add3A_88, %dma_start3A_100] : memref<64x128xi32, #tpu.memory_space<vmem>> -> memref<1x128xi32, #tpu.memory_space<vmem>>
          %dma_start3A_102 = tpu.memref_squeeze %dma_start3A_101 : memref<1x128xi32, #tpu.memory_space<vmem>> -> memref<128xi32, #tpu.memory_space<vmem>>
          %dma_start3A_103 = arith.constant 0 : i32
          %dma_start3A_104 = arith.constant 0 : i32
          %dma_start3A_105 = tpu.memref_slice %arg3[%dma_start3A_103, %dma_start3A_104] : memref<10000x128xf32, #tpu.memory_space<hbm>> -> memref<10000x128xf32, #tpu.memory_space<hbm>>
          tpu.enqueue_indirect_dma source(%dma_start3A_105 : memref<10000x128xf32, #tpu.memory_space<hbm>>) target(%arg11 : memref<128x128xf32, #tpu.memory_space<vmem>>) offsets(%dma_start3A_102 : memref<128xi32, #tpu.memory_space<vmem>>) semaphore(%arg13 : memref<!tpu.dma_semaphore, #tpu.memory_space<semaphore_mem>>)
          %dma_start3A_106 = arith.constant 0 : i32
          %dma_start3A_107 = tpu.memref_slice %arg9[%mul3A_85, %dma_start3A_106] : memref<64x128xi32, #tpu.memory_space<vmem>> -> memref<1x128xi32, #tpu.memory_space<vmem>>
          %dma_start3A_108 = tpu.memref_squeeze %dma_start3A_107 : memref<1x128xi32, #tpu.memory_space<vmem>> -> memref<128xi32, #tpu.memory_space<vmem>>
          %dma_start3A_109 = arith.constant 0 : i32
          %dma_start3A_110 = arith.constant 0 : i32
          %dma_start3A_111 = tpu.memref_slice %arg12[%dma_start3A_109, %dma_start3A_110] : memref<10000x128xf32, #tpu.memory_space<vmem_shared>> -> memref<10000x128xf32, #tpu.memory_space<vmem_shared>>
          tpu.enqueue_indirect_dma source(%arg10 : memref<128x128xf32, #tpu.memory_space<vmem>>) target(%dma_start3A_111 : memref<10000x128xf32, #tpu.memory_space<vmem_shared>>) offsets(%dma_start3A_108 : memref<128xi32, #tpu.memory_space<vmem>>) semaphore(%arg14 : memref<!tpu.dma_semaphore, #tpu.memory_space<semaphore_mem>>) {add = true}
          %dma_wait3A_112 = arith.constant 0 : i32
          %dma_wait3A_113 = tpu.memref_slice %arg8[%add3A_88, %dma_wait3A_112] : memref<64x128xi32, #tpu.memory_space<vmem>> -> memref<1x128xi32, #tpu.memory_space<vmem>>
          %dma_wait3A_114 = tpu.memref_squeeze %dma_wait3A_113 : memref<1x128xi32, #tpu.memory_space<vmem>> -> memref<128xi32, #tpu.memory_space<vmem>>
          %dma_wait3A_115 = arith.constant 0 : i32
          %dma_wait3A_116 = arith.constant 0 : i32
          %dma_wait3A_117 = tpu.memref_slice %arg3[%dma_wait3A_115, %dma_wait3A_116] : memref<10000x128xf32, #tpu.memory_space<hbm>> -> memref<10000x128xf32, #tpu.memory_space<hbm>>
          tpu.wait_indirect_dma semaphore(%arg13 : memref<!tpu.dma_semaphore, #tpu.memory_space<semaphore_mem>>) src(%dma_wait3A_117 : memref<10000x128xf32, #tpu.memory_space<hbm>>) dst(%arg11 : memref<128x128xf32, #tpu.memory_space<vmem>>)
          %dma_wait3A_118 = arith.constant 0 : i32
          %dma_wait3A_119 = tpu.memref_slice %arg9[%mul3A_85, %dma_wait3A_118] : memref<64x128xi32, #tpu.memory_space<vmem>> -> memref<1x128xi32, #tpu.memory_space<vmem>>
          %dma_wait3A_120 = tpu.memref_squeeze %dma_wait3A_119 : memref<1x128xi32, #tpu.memory_space<vmem>> -> memref<128xi32, #tpu.memory_space<vmem>>
          %dma_wait3A_121 = arith.constant 0 : i32
          %dma_wait3A_122 = arith.constant 0 : i32
          %dma_wait3A_123 = tpu.memref_slice %arg12[%dma_wait3A_121, %dma_wait3A_122] : memref<10000x128xf32, #tpu.memory_space<vmem_shared>> -> memref<10000x128xf32, #tpu.memory_space<vmem_shared>>
          tpu.wait_indirect_dma semaphore(%arg14 : memref<!tpu.dma_semaphore, #tpu.memory_space<semaphore_mem>>) src(%arg10 : memref<128x128xf32, #tpu.memory_space<vmem>>) dst(%dma_wait3A_123 : memref<10000x128xf32, #tpu.memory_space<vmem_shared>>)
          %add3A_124 = arith.constant 1 : i32
          %add3A_125 = arith.addi %while3A_83, %add3A_124 : i32
          %lt3A_126 = arith.cmpi slt, %add3A_125, %select_n3A_43 : i32
          %convert_element_type3A_127 = arith.extui %lt3A_126 : i1 to i32
          %cond3A_128 = arith.constant 0 : i32
          %cond3A_129 = arith.cmpi ne, %convert_element_type3A_127, %cond3A_128 : i32
          scf.if %cond3A_129 {
            %add3A_136 = arith.constant 2 : i32
            %add3A_137 = arith.addi %mul3A_85, %add3A_136 : i32
            %dma_start3A_138 = arith.constant 0 : i32
            %dma_start3A_139 = tpu.memref_slice %arg8[%add3A_137, %dma_start3A_138] : memref<64x128xi32, #tpu.memory_space<vmem>> -> memref<1x128xi32, #tpu.memory_space<vmem>>
            %dma_start3A_140 = tpu.memref_squeeze %dma_start3A_139 : memref<1x128xi32, #tpu.memory_space<vmem>> -> memref<128xi32, #tpu.memory_space<vmem>>
            %dma_start3A_141 = arith.constant 0 : i32
            %dma_start3A_142 = arith.constant 0 : i32
            %dma_start3A_143 = tpu.memref_slice %arg3[%dma_start3A_141, %dma_start3A_142] : memref<10000x128xf32, #tpu.memory_space<hbm>> -> memref<10000x128xf32, #tpu.memory_space<hbm>>
            tpu.enqueue_indirect_dma source(%dma_start3A_143 : memref<10000x128xf32, #tpu.memory_space<hbm>>) target(%arg10 : memref<128x128xf32, #tpu.memory_space<vmem>>) offsets(%dma_start3A_140 : memref<128xi32, #tpu.memory_space<vmem>>) semaphore(%arg13 : memref<!tpu.dma_semaphore, #tpu.memory_space<semaphore_mem>>)
          } else {
          }
          %dma_start3A_130 = arith.constant 0 : i32
          %dma_start3A_131 = tpu.memref_slice %arg9[%add3A_88, %dma_start3A_130] : memref<64x128xi32, #tpu.memory_space<vmem>> -> memref<1x128xi32, #tpu.memory_space<vmem>>
          %dma_start3A_132 = tpu.memref_squeeze %dma_start3A_131 : memref<1x128xi32, #tpu.memory_space<vmem>> -> memref<128xi32, #tpu.memory_space<vmem>>
          %dma_start3A_133 = arith.constant 0 : i32
          %dma_start3A_134 = arith.constant 0 : i32
          %dma_start3A_135 = tpu.memref_slice %arg12[%dma_start3A_133, %dma_start3A_134] : memref<10000x128xf32, #tpu.memory_space<vmem_shared>> -> memref<10000x128xf32, #tpu.memory_space<vmem_shared>>
          tpu.enqueue_indirect_dma source(%arg11 : memref<128x128xf32, #tpu.memory_space<vmem>>) target(%dma_start3A_135 : memref<10000x128xf32, #tpu.memory_space<vmem_shared>>) offsets(%dma_start3A_132 : memref<128xi32, #tpu.memory_space<vmem>>) semaphore(%arg15 : memref<!tpu.dma_semaphore, #tpu.memory_space<semaphore_mem>>) {add = true}
        }
        %while3A_74 = arith.constant 1 : i32
        scf.for %while3A_83 = %while3A_72 to %while3A_68 step %while3A_74  : i32 {
          %mul3A_84 = arith.constant 2 : i32
          %mul3A_85 = arith.muli %mul3A_84, %while3A_83 : i32
          %mul3A_86 = arith.constant 2 : i32
          %mul3A_87 = arith.muli %mul3A_86, %while3A_83 : i32
          %add3A = arith.constant 1 : i32
          %add3A_88 = arith.addi %mul3A_87, %add3A : i32
          %dma_wait3A_89 = arith.constant 0 : i32
          %dma_wait3A_90 = tpu.memref_slice %arg8[%mul3A_85, %dma_wait3A_89] : memref<64x128xi32, #tpu.memory_space<vmem>> -> memref<1x128xi32, #tpu.memory_space<vmem>>
          %dma_wait3A_91 = tpu.memref_squeeze %dma_wait3A_90 : memref<1x128xi32, #tpu.memory_space<vmem>> -> memref<128xi32, #tpu.memory_space<vmem>>
          %dma_wait3A_92 = arith.constant 0 : i32
          %dma_wait3A_93 = arith.constant 0 : i32
          %dma_wait3A_94 = tpu.memref_slice %arg3[%dma_wait3A_92, %dma_wait3A_93] : memref<10000x128xf32, #tpu.memory_space<hbm>> -> memref<10000x128xf32, #tpu.memory_space<hbm>>
          tpu.wait_indirect_dma semaphore(%arg13 : memref<!tpu.dma_semaphore, #tpu.memory_space<semaphore_mem>>) src(%dma_wait3A_94 : memref<10000x128xf32, #tpu.memory_space<hbm>>) dst(%arg10 : memref<128x128xf32, #tpu.memory_space<vmem>>)
          %gt3A_95 = arith.constant 0 : i32
          %gt3A_96 = arith.cmpi sgt, %while3A_83, %gt3A_95 : i32
          %convert_element_type3A_97 = arith.extui %gt3A_96 : i1 to i32
          %cond3A_98 = arith.constant 0 : i32
          %cond3A_99 = arith.cmpi ne, %convert_element_type3A_97, %cond3A_98 : i32
          scf.if %cond3A_99 {
            %sub3A_136 = arith.constant 2 : i32
            %sub3A_137 = arith.subi %add3A_88, %sub3A_136 : i32
            %dma_wait3A_138 = arith.constant 0 : i32
            %dma_wait3A_139 = tpu.memref_slice %arg9[%sub3A_137, %dma_wait3A_138] : memref<64x128xi32, #tpu.memory_space<vmem>> -> memref<1x128xi32, #tpu.memory_space<vmem>>
            %dma_wait3A_140 = tpu.memref_squeeze %dma_wait3A_139 : memref<1x128xi32, #tpu.memory_space<vmem>> -> memref<128xi32, #tpu.memory_space<vmem>>
            %dma_wait3A_141 = arith.constant 0 : i32
            %dma_wait3A_142 = arith.constant 0 : i32
            %dma_wait3A_143 = tpu.memref_slice %arg12[%dma_wait3A_141, %dma_wait3A_142] : memref<10000x128xf32, #tpu.memory_space<vmem_shared>> -> memref<10000x128xf32, #tpu.memory_space<vmem_shared>>
            tpu.wait_indirect_dma semaphore(%arg15 : memref<!tpu.dma_semaphore, #tpu.memory_space<semaphore_mem>>) src(%arg11 : memref<128x128xf32, #tpu.memory_space<vmem>>) dst(%dma_wait3A_143 : memref<10000x128xf32, #tpu.memory_space<vmem_shared>>)
          } else {
          }
          %dma_start3A_100 = arith.constant 0 : i32
          %dma_start3A_101 = tpu.memref_slice %arg8[%add3A_88, %dma_start3A_100] : memref<64x128xi32, #tpu.memory_space<vmem>> -> memref<1x128xi32, #tpu.memory_space<vmem>>
          %dma_start3A_102 = tpu.memref_squeeze %dma_start3A_101 : memref<1x128xi32, #tpu.memory_space<vmem>> -> memref<128xi32, #tpu.memory_space<vmem>>
          %dma_start3A_103 = arith.constant 0 : i32
          %dma_start3A_104 = arith.constant 0 : i32
          %dma_start3A_105 = tpu.memref_slice %arg3[%dma_start3A_103, %dma_start3A_104] : memref<10000x128xf32, #tpu.memory_space<hbm>> -> memref<10000x128xf32, #tpu.memory_space<hbm>>
          tpu.enqueue_indirect_dma source(%dma_start3A_105 : memref<10000x128xf32, #tpu.memory_space<hbm>>) target(%arg11 : memref<128x128xf32, #tpu.memory_space<vmem>>) offsets(%dma_start3A_102 : memref<128xi32, #tpu.memory_space<vmem>>) semaphore(%arg13 : memref<!tpu.dma_semaphore, #tpu.memory_space<semaphore_mem>>)
          %dma_start3A_106 = arith.constant 0 : i32
          %dma_start3A_107 = tpu.memref_slice %arg9[%mul3A_85, %dma_start3A_106] : memref<64x128xi32, #tpu.memory_space<vmem>> -> memref<1x128xi32, #tpu.memory_space<vmem>>
          %dma_start3A_108 = tpu.memref_squeeze %dma_start3A_107 : memref<1x128xi32, #tpu.memory_space<vmem>> -> memref<128xi32, #tpu.memory_space<vmem>>
          %dma_start3A_109 = arith.constant 0 : i32
          %dma_start3A_110 = arith.constant 0 : i32
          %dma_start3A_111 = tpu.memref_slice %arg12[%dma_start3A_109, %dma_start3A_110] : memref<10000x128xf32, #tpu.memory_space<vmem_shared>> -> memref<10000x128xf32, #tpu.memory_space<vmem_shared>>
          tpu.enqueue_indirect_dma source(%arg10 : memref<128x128xf32, #tpu.memory_space<vmem>>) target(%dma_start3A_111 : memref<10000x128xf32, #tpu.memory_space<vmem_shared>>) offsets(%dma_start3A_108 : memref<128xi32, #tpu.memory_space<vmem>>) semaphore(%arg14 : memref<!tpu.dma_semaphore, #tpu.memory_space<semaphore_mem>>) {add = true}
          %dma_wait3A_112 = arith.constant 0 : i32
          %dma_wait3A_113 = tpu.memref_slice %arg8[%add3A_88, %dma_wait3A_112] : memref<64x128xi32, #tpu.memory_space<vmem>> -> memref<1x128xi32, #tpu.memory_space<vmem>>
          %dma_wait3A_114 = tpu.memref_squeeze %dma_wait3A_113 : memref<1x128xi32, #tpu.memory_space<vmem>> -> memref<128xi32, #tpu.memory_space<vmem>>
          %dma_wait3A_115 = arith.constant 0 : i32
          %dma_wait3A_116 = arith.constant 0 : i32
          %dma_wait3A_117 = tpu.memref_slice %arg3[%dma_wait3A_115, %dma_wait3A_116] : memref<10000x128xf32, #tpu.memory_space<hbm>> -> memref<10000x128xf32, #tpu.memory_space<hbm>>
          tpu.wait_indirect_dma semaphore(%arg13 : memref<!tpu.dma_semaphore, #tpu.memory_space<semaphore_mem>>) src(%dma_wait3A_117 : memref<10000x128xf32, #tpu.memory_space<hbm>>) dst(%arg11 : memref<128x128xf32, #tpu.memory_space<vmem>>)
          %dma_wait3A_118 = arith.constant 0 : i32
          %dma_wait3A_119 = tpu.memref_slice %arg9[%mul3A_85, %dma_wait3A_118] : memref<64x128xi32, #tpu.memory_space<vmem>> -> memref<1x128xi32, #tpu.memory_space<vmem>>
          %dma_wait3A_120 = tpu.memref_squeeze %dma_wait3A_119 : memref<1x128xi32, #tpu.memory_space<vmem>> -> memref<128xi32, #tpu.memory_space<vmem>>
          %dma_wait3A_121 = arith.constant 0 : i32
          %dma_wait3A_122 = arith.constant 0 : i32
          %dma_wait3A_123 = tpu.memref_slice %arg12[%dma_wait3A_121, %dma_wait3A_122] : memref<10000x128xf32, #tpu.memory_space<vmem_shared>> -> memref<10000x128xf32, #tpu.memory_space<vmem_shared>>
          tpu.wait_indirect_dma semaphore(%arg14 : memref<!tpu.dma_semaphore, #tpu.memory_space<semaphore_mem>>) src(%arg10 : memref<128x128xf32, #tpu.memory_space<vmem>>) dst(%dma_wait3A_123 : memref<10000x128xf32, #tpu.memory_space<vmem_shared>>)
          %add3A_124 = arith.constant 1 : i32
          %add3A_125 = arith.addi %while3A_83, %add3A_124 : i32
          %lt3A_126 = arith.cmpi slt, %add3A_125, %select_n3A_43 : i32
          %convert_element_type3A_127 = arith.extui %lt3A_126 : i1 to i32
          %cond3A_128 = arith.constant 0 : i32
          %cond3A_129 = arith.cmpi ne, %convert_element_type3A_127, %cond3A_128 : i32
          scf.if %cond3A_129 {
            %add3A_136 = arith.constant 2 : i32
            %add3A_137 = arith.addi %mul3A_85, %add3A_136 : i32
            %dma_start3A_138 = arith.constant 0 : i32
            %dma_start3A_139 = tpu.memref_slice %arg8[%add3A_137, %dma_start3A_138] : memref<64x128xi32, #tpu.memory_space<vmem>> -> memref<1x128xi32, #tpu.memory_space<vmem>>
            %dma_start3A_140 = tpu.memref_squeeze %dma_start3A_139 : memref<1x128xi32, #tpu.memory_space<vmem>> -> memref<128xi32, #tpu.memory_space<vmem>>
            %dma_start3A_141 = arith.constant 0 : i32
            %dma_start3A_142 = arith.constant 0 : i32
            %dma_start3A_143 = tpu.memref_slice %arg3[%dma_start3A_141, %dma_start3A_142] : memref<10000x128xf32, #tpu.memory_space<hbm>> -> memref<10000x128xf32, #tpu.memory_space<hbm>>
            tpu.enqueue_indirect_dma source(%dma_start3A_143 : memref<10000x128xf32, #tpu.memory_space<hbm>>) target(%arg10 : memref<128x128xf32, #tpu.memory_space<vmem>>) offsets(%dma_start3A_140 : memref<128xi32, #tpu.memory_space<vmem>>) semaphore(%arg13 : memref<!tpu.dma_semaphore, #tpu.memory_space<semaphore_mem>>)
          } else {
          }
          %dma_start3A_130 = arith.constant 0 : i32
          %dma_start3A_131 = tpu.memref_slice %arg9[%add3A_88, %dma_start3A_130] : memref<64x128xi32, #tpu.memory_space<vmem>> -> memref<1x128xi32, #tpu.memory_space<vmem>>
          %dma_start3A_132 = tpu.memref_squeeze %dma_start3A_131 : memref<1x128xi32, #tpu.memory_space<vmem>> -> memref<128xi32, #tpu.memory_space<vmem>>
          %dma_start3A_133 = arith.constant 0 : i32
          %dma_start3A_134 = arith.constant 0 : i32
          %dma_start3A_135 = tpu.memref_slice %arg12[%dma_start3A_133, %dma_start3A_134] : memref<10000x128xf32, #tpu.memory_space<vmem_shared>> -> memref<10000x128xf32, #tpu.memory_space<vmem_shared>>
          tpu.enqueue_indirect_dma source(%arg11 : memref<128x128xf32, #tpu.memory_space<vmem>>) target(%dma_start3A_135 : memref<10000x128xf32, #tpu.memory_space<vmem_shared>>) offsets(%dma_start3A_132 : memref<128xi32, #tpu.memory_space<vmem>>) semaphore(%arg15 : memref<!tpu.dma_semaphore, #tpu.memory_space<semaphore_mem>>) {add = true}
        }
        %mul3A_75 = arith.constant 2 : i32
        %mul3A_76 = arith.muli %mul3A_75, %select_n3A_43 : i32
        %sub3A = arith.constant 1 : i32
        %sub3A_77 = arith.subi %mul3A_76, %sub3A : i32
        %dma_wait3A = arith.constant 0 : i32
        %dma_wait3A_78 = tpu.memref_slice %arg9[%sub3A_77, %dma_wait3A] : memref<64x128xi32, #tpu.memory_space<vmem>> -> memref<1x128xi32, #tpu.memory_space<vmem>>
        %dma_wait3A_79 = tpu.memref_squeeze %dma_wait3A_78 : memref<1x128xi32, #tpu.memory_space<vmem>> -> memref<128xi32, #tpu.memory_space<vmem>>
        %dma_wait3A_80 = arith.constant 0 : i32
        %dma_wait3A_81 = arith.constant 0 : i32
        %dma_wait3A_82 = tpu.memref_slice %arg12[%dma_wait3A_80, %dma_wait3A_81] : memref<10000x128xf32, #tpu.memory_space<vmem_shared>> -> memref<10000x128xf32, #tpu.memory_space<vmem_shared>>
        tpu.wait_indirect_dma semaphore(%arg15 : memref<!tpu.dma_semaphore, #tpu.memory_space<semaphore_mem>>) src(%arg11 : memref<128x128xf32, #tpu.memory_space<vmem>>) dst(%dma_wait3A_82 : memref<10000x128xf32, #tpu.memory_space<vmem_shared>>)
      } else {
      }
      %barrier3A_49 = arith.constant 0 : index
      tpu.barrier barrier_id(%barrier3A_49)
      %lt3A_50 = arith.constant 15 : i32
      %lt3A_51 = arith.cmpi slt, %arg1, %lt3A_50 : i32
      %convert_element_type3A_52 = arith.extui %lt3A_51 : i1 to i32
      %cond3A_53 = arith.constant 0 : i32
      %cond3A_54 = arith.cmpi ne, %convert_element_type3A_52, %cond3A_53 : i32
      scf.if %cond3A_54 {
        "tpu.region"() ({
          %run_scoped3A = tpu.sem_alloc : memref<!tpu.dma_semaphore, #tpu.memory_space<semaphore_mem>>
          %dma_start3A = arith.constant 0 : i32
          %dma_start3A_60 = tpu.memref_slice %arg7[%mul3A_0, %dma_start3A] : memref<10000x128xf32, #tpu.memory_space<hbm>> -> memref<632x128xf32, #tpu.memory_space<hbm>>
          %dma_start3A_61 = arith.constant 0 : i32
          %dma_start3A_62 = tpu.memref_slice %arg12[%mul3A_0, %dma_start3A_61] : memref<10000x128xf32, #tpu.memory_space<vmem_shared>> -> memref<632x128xf32, #tpu.memory_space<vmem_shared>>
          tpu.enqueue_dma source(%dma_start3A_62 : memref<632x128xf32, #tpu.memory_space<vmem_shared>>) target(%dma_start3A_60 : memref<632x128xf32, #tpu.memory_space<hbm>>) target_semaphore(%run_scoped3A : memref<!tpu.dma_semaphore, #tpu.memory_space<semaphore_mem>>)
          %dma_wait3A = arith.constant 0 : i32
          %dma_wait3A_63 = tpu.memref_slice %arg7[%mul3A_0, %dma_wait3A] : memref<10000x128xf32, #tpu.memory_space<hbm>> -> memref<632x128xf32, #tpu.memory_space<hbm>>
          %dma_wait3A_64 = arith.constant 0 : i32
          %dma_wait3A_65 = tpu.memref_slice %arg12[%mul3A_0, %dma_wait3A_64] : memref<10000x128xf32, #tpu.memory_space<vmem_shared>> -> memref<632x128xf32, #tpu.memory_space<vmem_shared>>
          tpu.wait_dma2 semaphore(%run_scoped3A : memref<!tpu.dma_semaphore, #tpu.memory_space<semaphore_mem>>) src(%dma_wait3A_65 : memref<632x128xf32, #tpu.memory_space<vmem_shared>>) dst(%dma_wait3A_63 : memref<632x128xf32, #tpu.memory_space<hbm>>)
          tpu.yield
        }) : () -> ()
      } else {
      }
      %eq3A_55 = arith.constant 15 : i32
      %eq3A_56 = arith.cmpi eq, %arg1, %eq3A_55 : i32
      %convert_element_type3A_57 = arith.extui %eq3A_56 : i1 to i32
      %cond3A_58 = arith.constant 0 : i32
      %cond3A_59 = arith.cmpi ne, %convert_element_type3A_57, %cond3A_58 : i32
      scf.if %cond3A_59 {
        "tpu.region"() ({
          %run_scoped3A = tpu.sem_alloc : memref<!tpu.dma_semaphore, #tpu.memory_space<semaphore_mem>>
          %dma_start3A = arith.constant 9480 : i32
          %dma_start3A_60 = arith.constant 0 : i32
          %dma_start3A_61 = tpu.memref_slice %arg7[%dma_start3A, %dma_start3A_60] : memref<10000x128xf32, #tpu.memory_space<hbm>> -> memref<520x128xf32, #tpu.memory_space<hbm>>
          %dma_start3A_62 = arith.constant 9480 : i32
          %dma_start3A_63 = arith.constant 0 : i32
          %dma_start3A_64 = tpu.memref_slice %arg12[%dma_start3A_62, %dma_start3A_63] : memref<10000x128xf32, #tpu.memory_space<vmem_shared>> -> memref<520x128xf32, #tpu.memory_space<vmem_shared>>
          tpu.enqueue_dma source(%dma_start3A_64 : memref<520x128xf32, #tpu.memory_space<vmem_shared>>) target(%dma_start3A_61 : memref<520x128xf32, #tpu.memory_space<hbm>>) target_semaphore(%run_scoped3A : memref<!tpu.dma_semaphore, #tpu.memory_space<semaphore_mem>>)
          %dma_wait3A = arith.constant 9480 : i32
          %dma_wait3A_65 = arith.constant 0 : i32
          %dma_wait3A_66 = tpu.memref_slice %arg7[%dma_wait3A, %dma_wait3A_65] : memref<10000x128xf32, #tpu.memory_space<hbm>> -> memref<520x128xf32, #tpu.memory_space<hbm>>
          %dma_wait3A_67 = arith.constant 9480 : i32
          %dma_wait3A_68 = arith.constant 0 : i32
          %dma_wait3A_69 = tpu.memref_slice %arg12[%dma_wait3A_67, %dma_wait3A_68] : memref<10000x128xf32, #tpu.memory_space<vmem_shared>> -> memref<520x128xf32, #tpu.memory_space<vmem_shared>>
          tpu.wait_dma2 semaphore(%run_scoped3A : memref<!tpu.dma_semaphore, #tpu.memory_space<semaphore_mem>>) src(%dma_wait3A_69 : memref<520x128xf32, #tpu.memory_space<vmem_shared>>) dst(%dma_wait3A_66 : memref<520x128xf32, #tpu.memory_space<hbm>>)
          tpu.yield
        }) : () -> ()
      } else {
      }
    } else {
    }
    return
  }
}

module attributes {stable_mosaic.version = 14 : i64} {
  func.func @body(%arg0: i32, %arg1: memref<1000x256xf32, #tpu.memory_space<vmem>>, %arg2: memref<1000x1xf32, #tpu.memory_space<vmem>>, %arg3: memref<1000x1xf32, #tpu.memory_space<vmem>>, %arg4: memref<1000x128xf32, #tpu.memory_space<vmem>>, %arg5: memref<1000x128xf32, #tpu.memory_space<vmem>>, %arg6: memref<1000x1xf32, #tpu.memory_space<vmem>>) attributes {dimension_semantics = [#tpu.dimension_semantics<arbitrary>], iteration_bounds = array<i64: 10>, scalar_prefetch = 0 : i64, scratch_operands = 0 : i64, tpu.core_type = #tpu.core_type<tc>, window_params = [{transform_indices = @transform_0, window_bounds = array<i64: 1000, 256>}, {transform_indices = @transform_1, window_bounds = array<i64: 1000, 1>}, {transform_indices = @transform_2, window_bounds = array<i64: 1000, 1>}, {transform_indices = @transform_3, window_bounds = array<i64: 1000, 128>}, {transform_indices = @transform_4, window_bounds = array<i64: 1000, 128>}, {transform_indices = @transform_5, window_bounds = array<i64: 1000, 1>}]} {
    %get3A = arith.constant 0 : index
    %get3A_0 = arith.constant 0 : index
    %get3A_1 = vector.load %arg2[%get3A, %get3A_0] : memref<1000x1xf32, #tpu.memory_space<vmem>>, vector<1000x1xf32>
    %get3A_2 = arith.constant 0 : index
    %get3A_3 = arith.constant 0 : index
    %get3A_4 = vector.load %arg3[%get3A_2, %get3A_3] : memref<1000x1xf32, #tpu.memory_space<vmem>>, vector<1000x1xf32>
    %add3A = arith.addf %get3A_1, %get3A_4 : vector<1000x1xf32>
    %sub3A = arith.constant 1.000000e+00 : f32
    %sub3A_5 = vector.broadcast %sub3A : f32 to vector<1000x1xf32>
    %sub3A_6 = arith.subf %add3A, %sub3A_5 : vector<1000x1xf32>
    %rsqrt3A = math.rsqrt %sub3A_6 : vector<1000x1xf32>
    %get3A_7 = arith.constant 0 : index
    %get3A_8 = arith.constant 0 : index
    %get3A_9 = vector.load %arg1[%get3A_7, %get3A_8] : memref<1000x256xf32, #tpu.memory_space<vmem>>, vector<1000x256xf32>
    %mul3A = vector.broadcast %rsqrt3A : vector<1000x1xf32> to vector<1000x256xf32>
    %mul3A_10 = arith.mulf %get3A_9, %mul3A : vector<1000x256xf32>
    %slice3A = vector.extract_strided_slice %mul3A_10 {offsets = [0, 0], sizes = [1000, 128], strides = [1, 1]} : vector<1000x256xf32> to vector<1000x128xf32>
    %swap3A = arith.constant 0 : index
    %swap3A_11 = arith.constant 0 : index
    %swap3A_12 = vector.load %arg4[%swap3A, %swap3A_11] : memref<1000x128xf32, #tpu.memory_space<vmem>>, vector<1000x128xf32>
    tpu.vector_store %arg4[%swap3A, %swap3A_11], %slice3A {strides = array<i32>} : memref<1000x128xf32, #tpu.memory_space<vmem>>, vector<1000x128xf32>,
    %slice3A_13 = vector.extract_strided_slice %mul3A_10 {offsets = [0, 128], sizes = [1000, 128], strides = [1, 1]} : vector<1000x256xf32> to vector<1000x128xf32>
    %swap3A_14 = arith.constant 0 : index
    %swap3A_15 = arith.constant 0 : index
    %swap3A_16 = vector.load %arg5[%swap3A_14, %swap3A_15] : memref<1000x128xf32, #tpu.memory_space<vmem>>, vector<1000x128xf32>
    tpu.vector_store %arg5[%swap3A_14, %swap3A_15], %slice3A_13 {strides = array<i32>} : memref<1000x128xf32, #tpu.memory_space<vmem>>, vector<1000x128xf32>,
    %swap3A_17 = arith.constant 0 : index
    %swap3A_18 = arith.constant 0 : index
    %swap3A_19 = vector.load %arg6[%swap3A_17, %swap3A_18] : memref<1000x1xf32, #tpu.memory_space<vmem>>, vector<1000x1xf32>
    tpu.vector_store %arg6[%swap3A_17, %swap3A_18], %rsqrt3A {strides = array<i32>} : memref<1000x1xf32, #tpu.memory_space<vmem>>, vector<1000x1xf32>,
    return
  }
  func.func @transform_0(%arg0: i32) -> (i32, i32) {
    %c0_i32 = arith.constant 0 : i32
    %c0_i32_0 = arith.constant 0 : i32
    return %arg0, %c0_i32 : i32, i32
  }
  func.func @transform_1(%arg0: i32) -> (i32, i32) {
    %c0_i32 = arith.constant 0 : i32
    %c0_i32_0 = arith.constant 0 : i32
    return %arg0, %c0_i32 : i32, i32
  }
  func.func @transform_2(%arg0: i32) -> (i32, i32) {
    %c0_i32 = arith.constant 0 : i32
    %c0_i32_0 = arith.constant 0 : i32
    return %arg0, %c0_i32 : i32, i32
  }
  func.func @transform_3(%arg0: i32) -> (i32, i32) {
    %c0_i32 = arith.constant 0 : i32
    %c0_i32_0 = arith.constant 0 : i32
    return %arg0, %c0_i32 : i32, i32
  }
  func.func @transform_4(%arg0: i32) -> (i32, i32) {
    %c0_i32 = arith.constant 0 : i32
    %c0_i32_0 = arith.constant 0 : i32
    return %arg0, %c0_i32 : i32, i32
  }
  func.func @transform_5(%arg0: i32) -> (i32, i32) {
    %c0_i32 = arith.constant 0 : i32
    %c0_i32_0 = arith.constant 0 : i32
    return %arg0, %c0_i32 : i32, i32
  }
}

module attributes {stable_mosaic.version = 14 : i64} {
  func.func @body(%arg0: i32, %arg1: i32, %arg2: memref<1000x128xf32, #tpu.memory_space<vmem>>, %arg3: memref<1000x128xf32, #tpu.memory_space<vmem>>, %arg4: memref<1000x1xf32, #tpu.memory_space<vmem>>, %arg5: memref<256x512xf32, #tpu.memory_space<vmem>>, %arg6: memref<1x512xf32, #tpu.memory_space<vmem>>, %arg7: memref<1x512xf32, #tpu.memory_space<vmem>>, %arg8: memref<1x512xf32, #tpu.memory_space<vmem>>, %arg9: memref<512x256xf32, #tpu.memory_space<vmem>>, %arg10: memref<1000x128xf32, #tpu.memory_space<vmem>>, %arg11: memref<1000x128xf32, #tpu.memory_space<vmem>>, %arg12: memref<10000x512xf32, #tpu.memory_space<vmem>>, %arg13: memref<1x512xf32, #tpu.memory_space<vmem>>, %arg14: memref<1x512xf32, #tpu.memory_space<vmem>>) attributes {dimension_semantics = [#tpu.dimension_semantics<arbitrary>, #tpu.dimension_semantics<arbitrary>], iteration_bounds = array<i64: 2, 10>, scalar_prefetch = 0 : i64, scratch_operands = 3 : i64, tpu.core_type = #tpu.core_type<tc>, window_params = [{transform_indices = @transform_0, window_bounds = array<i64: 1000, 128>}, {transform_indices = @transform_1, window_bounds = array<i64: 1000, 128>}, {transform_indices = @transform_2, window_bounds = array<i64: 1000, 1>}, {pipeline_mode = #tpu.pipeline_mode<synchronous>, transform_indices = @transform_3, window_bounds = array<i64: 256, 512>}, {pipeline_mode = #tpu.pipeline_mode<synchronous>, transform_indices = @transform_4, window_bounds = array<i64: 1, 512>}, {pipeline_mode = #tpu.pipeline_mode<synchronous>, transform_indices = @transform_5, window_bounds = array<i64: 1, 512>}, {pipeline_mode = #tpu.pipeline_mode<synchronous>, transform_indices = @transform_6, window_bounds = array<i64: 1, 512>}, {pipeline_mode = #tpu.pipeline_mode<synchronous>, transform_indices = @transform_7, window_bounds = array<i64: 512, 256>}, {transform_indices = @transform_8, window_bounds = array<i64: 1000, 128>}, {transform_indices = @transform_9, window_bounds = array<i64: 1000, 128>}]} {
    %eq3A = arith.constant 0 : i32
    %eq3A_0 = arith.cmpi eq, %arg0, %eq3A : i32
    %convert_element_type3A = arith.extui %eq3A_0 : i1 to i32
    %cond3A = arith.constant 0 : i32
    %cond3A_1 = arith.cmpi ne, %convert_element_type3A, %cond3A : i32
    scf.if %cond3A_1 {
      %get3A = arith.constant 0 : index
      %get3A_7 = arith.constant 0 : index
      %get3A_8 = vector.load %arg2[%get3A, %get3A_7] : memref<1000x128xf32, #tpu.memory_space<vmem>>, vector<1000x128xf32>
      %get3A_9 = arith.constant 0 : index
      %get3A_10 = arith.constant 0 : index
      %get3A_11 = vector.load %arg3[%get3A_9, %get3A_10] : memref<1000x128xf32, #tpu.memory_space<vmem>>, vector<1000x128xf32>
      %concatenate3A = tpu.concatenate %get3A_8, %get3A_11 in 1 : vector<1000x128xf32>, vector<1000x128xf32> -> vector<1000x256xf32>
      %get3A_12 = arith.constant 0 : index
      %get3A_13 = arith.constant 0 : index
      %get3A_14 = vector.load %arg4[%get3A_12, %get3A_13] : memref<1000x1xf32, #tpu.memory_space<vmem>>, vector<1000x1xf32>
      %mul3A = vector.broadcast %get3A_14 : vector<1000x1xf32> to vector<1000x256xf32>
      %mul3A_15 = arith.mulf %concatenate3A, %mul3A : vector<1000x256xf32>
      %get3A_16 = arith.constant 0 : index
      %get3A_17 = arith.constant 0 : index
      %get3A_18 = vector.load %arg5[%get3A_16, %get3A_17] : memref<256x512xf32, #tpu.memory_space<vmem>>, vector<256x512xf32>
      %dot_general3A = arith.constant dense<0.000000e+00> : vector<1000x512xf32>
      %dot_general3A_19 = tpu.matmul %mul3A_15, %get3A_18, %dot_general3A {dimension_numbers = #tpu.dot_dimension_numbers<[1], [0], [0], [1], [0, 0, 1, 1], [], []>, transpose_lhs_hint = false} : vector<1000x256xf32>, vector<256x512xf32>, vector<1000x512xf32> -> vector<1000x512xf32>
      %get3A_20 = arith.constant 0 : index
      %get3A_21 = arith.constant 0 : index
      %get3A_22 = vector.load %arg6[%get3A_20, %get3A_21] : memref<1x512xf32, #tpu.memory_space<vmem>>, vector<1x512xf32>
      %add3A = vector.broadcast %get3A_22 : vector<1x512xf32> to vector<1000x512xf32>
      %add3A_23 = arith.addf %dot_general3A_19, %add3A : vector<1000x512xf32>
      %mul3A_24 = arith.constant 1000 : i32
      %mul3A_25 = arith.muli %arg1, %mul3A_24 : i32
      %swap3A = arith.index_cast %mul3A_25 : i32 to index
      %swap3A_26 = arith.constant 0 : index
      %swap3A_27 = vector.load %arg12[%swap3A, %swap3A_26] : memref<10000x512xf32, #tpu.memory_space<vmem>>, vector<1000x512xf32>
      tpu.vector_store %arg12[%swap3A, %swap3A_26], %add3A_23 {strides = array<i32>} : memref<10000x512xf32, #tpu.memory_space<vmem>>, vector<1000x512xf32>,
      %eq3A_28 = arith.constant 0 : i32
      %eq3A_29 = arith.cmpi eq, %arg1, %eq3A_28 : i32
      %convert_element_type3A_30 = arith.extui %eq3A_29 : i1 to i32
      %cond3A_31 = arith.constant 0 : i32
      %cond3A_32 = arith.cmpi ne, %convert_element_type3A_30, %cond3A_31 : i32
      scf.if %cond3A_32 {
        %broadcast_in_dim3A_52 = arith.constant 0.000000e+00 : f32
        %broadcast_in_dim3A_53 = vector.broadcast %broadcast_in_dim3A_52 : f32 to vector<1x512xf32>
        %swap3A_54 = arith.constant 0 : index
        %swap3A_55 = arith.constant 0 : index
        %swap3A_56 = vector.load %arg13[%swap3A_54, %swap3A_55] : memref<1x512xf32, #tpu.memory_space<vmem>>, vector<1x512xf32>
        tpu.vector_store %arg13[%swap3A_54, %swap3A_55], %broadcast_in_dim3A_53 {strides = array<i32>} : memref<1x512xf32, #tpu.memory_space<vmem>>, vector<1x512xf32>,
        %broadcast_in_dim3A_57 = arith.constant 0.000000e+00 : f32
        %broadcast_in_dim3A_58 = vector.broadcast %broadcast_in_dim3A_57 : f32 to vector<1x512xf32>
        %swap3A_59 = arith.constant 0 : index
        %swap3A_60 = arith.constant 0 : index
        %swap3A_61 = vector.load %arg14[%swap3A_59, %swap3A_60] : memref<1x512xf32, #tpu.memory_space<vmem>>, vector<1x512xf32>
        tpu.vector_store %arg14[%swap3A_59, %swap3A_60], %broadcast_in_dim3A_58 {strides = array<i32>} : memref<1x512xf32, #tpu.memory_space<vmem>>, vector<1x512xf32>,
      } else {
      }
      %get3A_33 = arith.constant 0 : index
      %get3A_34 = arith.constant 0 : index
      %get3A_35 = vector.load %arg13[%get3A_33, %get3A_34] : memref<1x512xf32, #tpu.memory_space<vmem>>, vector<1x512xf32>
      %reduce_sum3A = arith.constant dense<0.000000e+00> : vector<512xf32>
      %reduce_sum3A_36 = vector.multi_reduction <add>, %add3A_23, %reduce_sum3A [0] : vector<1000x512xf32> to vector<512xf32>
      %broadcast_in_dim3A = vector.shape_cast %reduce_sum3A_36 : vector<512xf32> to vector<1x512xf32>
      %add3A_37 = arith.addf %get3A_35, %broadcast_in_dim3A : vector<1x512xf32>
      %swap3A_38 = arith.constant 0 : index
      %swap3A_39 = arith.constant 0 : index
      %swap3A_40 = vector.load %arg13[%swap3A_38, %swap3A_39] : memref<1x512xf32, #tpu.memory_space<vmem>>, vector<1x512xf32>
      tpu.vector_store %arg13[%swap3A_38, %swap3A_39], %add3A_37 {strides = array<i32>} : memref<1x512xf32, #tpu.memory_space<vmem>>, vector<1x512xf32>,
      %get3A_41 = arith.constant 0 : index
      %get3A_42 = arith.constant 0 : index
      %get3A_43 = vector.load %arg14[%get3A_41, %get3A_42] : memref<1x512xf32, #tpu.memory_space<vmem>>, vector<1x512xf32>
      %mul3A_44 = arith.mulf %add3A_23, %add3A_23 : vector<1000x512xf32>
      %reduce_sum3A_45 = arith.constant dense<0.000000e+00> : vector<512xf32>
      %reduce_sum3A_46 = vector.multi_reduction <add>, %mul3A_44, %reduce_sum3A_45 [0] : vector<1000x512xf32> to vector<512xf32>
      %broadcast_in_dim3A_47 = vector.shape_cast %reduce_sum3A_46 : vector<512xf32> to vector<1x512xf32>
      %add3A_48 = arith.addf %get3A_43, %broadcast_in_dim3A_47 : vector<1x512xf32>
      %swap3A_49 = arith.constant 0 : index
      %swap3A_50 = arith.constant 0 : index
      %swap3A_51 = vector.load %arg14[%swap3A_49, %swap3A_50] : memref<1x512xf32, #tpu.memory_space<vmem>>, vector<1x512xf32>
      tpu.vector_store %arg14[%swap3A_49, %swap3A_50], %add3A_48 {strides = array<i32>} : memref<1x512xf32, #tpu.memory_space<vmem>>, vector<1x512xf32>,
    } else {
    }
    %eq3A_2 = arith.constant 1 : i32
    %eq3A_3 = arith.cmpi eq, %arg0, %eq3A_2 : i32
    %convert_element_type3A_4 = arith.extui %eq3A_3 : i1 to i32
    %cond3A_5 = arith.constant 0 : i32
    %cond3A_6 = arith.cmpi ne, %convert_element_type3A_4, %cond3A_5 : i32
    scf.if %cond3A_6 {
      %get3A = arith.constant 0 : index
      %get3A_7 = arith.constant 0 : index
      %get3A_8 = vector.load %arg13[%get3A, %get3A_7] : memref<1x512xf32, #tpu.memory_space<vmem>>, vector<1x512xf32>
      %mul3A = arith.constant 9.99999974E-5 : f32
      %mul3A_9 = vector.broadcast %mul3A : f32 to vector<1x512xf32>
      %mul3A_10 = arith.mulf %get3A_8, %mul3A_9 : vector<1x512xf32>
      %get3A_11 = arith.constant 0 : index
      %get3A_12 = arith.constant 0 : index
      %get3A_13 = vector.load %arg14[%get3A_11, %get3A_12] : memref<1x512xf32, #tpu.memory_space<vmem>>, vector<1x512xf32>
      %mul3A_14 = arith.constant 9.99999974E-5 : f32
      %mul3A_15 = vector.broadcast %mul3A_14 : f32 to vector<1x512xf32>
      %mul3A_16 = arith.mulf %get3A_13, %mul3A_15 : vector<1x512xf32>
      %mul3A_17 = arith.mulf %mul3A_10, %mul3A_10 : vector<1x512xf32>
      %sub3A = arith.subf %mul3A_16, %mul3A_17 : vector<1x512xf32>
      %get3A_18 = arith.constant 0 : index
      %get3A_19 = arith.constant 0 : index
      %get3A_20 = vector.load %arg7[%get3A_18, %get3A_19] : memref<1x512xf32, #tpu.memory_space<vmem>>, vector<1x512xf32>
      %add3A = arith.constant 9.99999974E-6 : f32
      %add3A_21 = vector.broadcast %add3A : f32 to vector<1x512xf32>
      %add3A_22 = arith.addf %sub3A, %add3A_21 : vector<1x512xf32>
      %rsqrt3A = math.rsqrt %add3A_22 : vector<1x512xf32>
      %mul3A_23 = arith.mulf %get3A_20, %rsqrt3A : vector<1x512xf32>
      %get3A_24 = arith.constant 0 : index
      %get3A_25 = arith.constant 0 : index
      %get3A_26 = vector.load %arg8[%get3A_24, %get3A_25] : memref<1x512xf32, #tpu.memory_space<vmem>>, vector<1x512xf32>
      %mul3A_27 = arith.mulf %mul3A_10, %mul3A_23 : vector<1x512xf32>
      %sub3A_28 = arith.subf %get3A_26, %mul3A_27 : vector<1x512xf32>
      %mul3A_29 = arith.constant 1000 : i32
      %mul3A_30 = arith.muli %arg1, %mul3A_29 : i32
      %get3A_31 = arith.index_cast %mul3A_30 : i32 to index
      %get3A_32 = arith.constant 0 : index
      %get3A_33 = vector.load %arg12[%get3A_31, %get3A_32] : memref<10000x512xf32, #tpu.memory_space<vmem>>, vector<1000x512xf32>
      %mul3A_34 = vector.broadcast %mul3A_23 : vector<1x512xf32> to vector<1000x512xf32>
      %mul3A_35 = arith.mulf %get3A_33, %mul3A_34 : vector<1000x512xf32>
      %add3A_36 = vector.broadcast %sub3A_28 : vector<1x512xf32> to vector<1000x512xf32>
      %add3A_37 = arith.addf %mul3A_35, %add3A_36 : vector<1000x512xf32>
      %max3A = arith.constant 0.000000e+00 : f32
      %max3A_38 = vector.broadcast %max3A : f32 to vector<1000x512xf32>
      %max3A_39 = arith.maximumf %add3A_37, %max3A_38 : vector<1000x512xf32>
      %get3A_40 = arith.constant 0 : index
      %get3A_41 = arith.constant 0 : index
      %get3A_42 = vector.load %arg9[%get3A_40, %get3A_41] : memref<512x256xf32, #tpu.memory_space<vmem>>, vector<512x256xf32>
      %dot_general3A = arith.constant dense<0.000000e+00> : vector<1000x256xf32>
      %dot_general3A_43 = tpu.matmul %max3A_39, %get3A_42, %dot_general3A {dimension_numbers = #tpu.dot_dimension_numbers<[1], [0], [0], [1], [0, 0, 1, 1], [], []>, transpose_lhs_hint = false} : vector<1000x512xf32>, vector<512x256xf32>, vector<1000x256xf32> -> vector<1000x256xf32>
      %get3A_44 = arith.constant 0 : index
      %get3A_45 = arith.constant 0 : index
      %get3A_46 = vector.load %arg4[%get3A_44, %get3A_45] : memref<1000x1xf32, #tpu.memory_space<vmem>>, vector<1000x1xf32>
      %mul3A_47 = vector.broadcast %get3A_46 : vector<1000x1xf32> to vector<1000x256xf32>
      %mul3A_48 = arith.mulf %dot_general3A_43, %mul3A_47 : vector<1000x256xf32>
      %slice3A = vector.extract_strided_slice %mul3A_48 {offsets = [0, 0], sizes = [1000, 128], strides = [1, 1]} : vector<1000x256xf32> to vector<1000x128xf32>
      %swap3A = arith.constant 0 : index
      %swap3A_49 = arith.constant 0 : index
      %swap3A_50 = vector.load %arg10[%swap3A, %swap3A_49] : memref<1000x128xf32, #tpu.memory_space<vmem>>, vector<1000x128xf32>
      tpu.vector_store %arg10[%swap3A, %swap3A_49], %slice3A {strides = array<i32>} : memref<1000x128xf32, #tpu.memory_space<vmem>>, vector<1000x128xf32>,
      %slice3A_51 = vector.extract_strided_slice %mul3A_48 {offsets = [0, 128], sizes = [1000, 128], strides = [1, 1]} : vector<1000x256xf32> to vector<1000x128xf32>
      %swap3A_52 = arith.constant 0 : index
      %swap3A_53 = arith.constant 0 : index
      %swap3A_54 = vector.load %arg11[%swap3A_52, %swap3A_53] : memref<1000x128xf32, #tpu.memory_space<vmem>>, vector<1000x128xf32>
      tpu.vector_store %arg11[%swap3A_52, %swap3A_53], %slice3A_51 {strides = array<i32>} : memref<1000x128xf32, #tpu.memory_space<vmem>>, vector<1000x128xf32>,
    } else {
    }
    return
  }
  func.func @transform_0(%arg0: i32, %arg1: i32) -> (i32, i32) {
    %sub3A = arith.constant 1 : i32
    %sub3A_0 = arith.subi %sub3A, %arg0 : i32
    %mul3A = arith.muli %sub3A_0, %arg1 : i32
    %c0_i32 = arith.constant 0 : i32
    %c0_i32_1 = arith.constant 0 : i32
    return %mul3A, %c0_i32 : i32, i32
  }
  func.func @transform_1(%arg0: i32, %arg1: i32) -> (i32, i32) {
    %sub3A = arith.constant 1 : i32
    %sub3A_0 = arith.subi %sub3A, %arg0 : i32
    %mul3A = arith.muli %sub3A_0, %arg1 : i32
    %c0_i32 = arith.constant 0 : i32
    %c0_i32_1 = arith.constant 0 : i32
    return %mul3A, %c0_i32 : i32, i32
  }
  func.func @transform_2(%arg0: i32, %arg1: i32) -> (i32, i32) {
    %c0_i32 = arith.constant 0 : i32
    %c0_i32_0 = arith.constant 0 : i32
    return %arg1, %c0_i32 : i32, i32
  }
  func.func @transform_3(%arg0: i32, %arg1: i32) -> (i32, i32) {
    %c0_i32 = arith.constant 0 : i32
    %c0_i32_0 = arith.constant 0 : i32
    %c0_i32_1 = arith.constant 0 : i32
    return %c0_i32, %c0_i32_0 : i32, i32
  }
  func.func @transform_4(%arg0: i32, %arg1: i32) -> (i32, i32) {
    %c0_i32 = arith.constant 0 : i32
    %c0_i32_0 = arith.constant 0 : i32
    %c0_i32_1 = arith.constant 0 : i32
    return %c0_i32, %c0_i32_0 : i32, i32
  }
  func.func @transform_5(%arg0: i32, %arg1: i32) -> (i32, i32) {
    %c0_i32 = arith.constant 0 : i32
    %c0_i32_0 = arith.constant 0 : i32
    %c0_i32_1 = arith.constant 0 : i32
    return %c0_i32, %c0_i32_0 : i32, i32
  }
  func.func @transform_6(%arg0: i32, %arg1: i32) -> (i32, i32) {
    %c0_i32 = arith.constant 0 : i32
    %c0_i32_0 = arith.constant 0 : i32
    %c0_i32_1 = arith.constant 0 : i32
    return %c0_i32, %c0_i32_0 : i32, i32
  }
  func.func @transform_7(%arg0: i32, %arg1: i32) -> (i32, i32) {
    %c0_i32 = arith.constant 0 : i32
    %c0_i32_0 = arith.constant 0 : i32
    %c0_i32_1 = arith.constant 0 : i32
    return %c0_i32, %c0_i32_0 : i32, i32
  }
  func.func @transform_8(%arg0: i32, %arg1: i32) -> (i32, i32) {
    %mul3A = arith.muli %arg0, %arg1 : i32
    %c0_i32 = arith.constant 0 : i32
    %c0_i32_0 = arith.constant 0 : i32
    return %mul3A, %c0_i32 : i32, i32
  }
  func.func @transform_9(%arg0: i32, %arg1: i32) -> (i32, i32) {
    %mul3A = arith.muli %arg0, %arg1 : i32
    %c0_i32 = arith.constant 0 : i32
    %c0_i32_0 = arith.constant 0 : i32
    return %mul3A, %c0_i32 : i32, i32
  }
}

module attributes {stable_mosaic.version = 14 : i64} {
  func.func @body(%arg0: i32, %arg1: i32, %arg2: memref<1000x128xf32, #tpu.memory_space<vmem>>, %arg3: memref<1000x128xf32, #tpu.memory_space<vmem>>, %arg4: memref<1000x1xf32, #tpu.memory_space<vmem>>, %arg5: memref<1x256xf32, #tpu.memory_space<vmem>>, %arg6: memref<1x256xf32, #tpu.memory_space<vmem>>, %arg7: memref<1x256xf32, #tpu.memory_space<vmem>>, %arg8: memref<1x1x1000xi32, #tpu.memory_space<vmem>>, %arg9: memref<64x256xf32, #tpu.memory_space<vmem>>, %arg10: memref<10000x256xf32, #tpu.memory_space<vmem>>, %arg11: memref<1x256xf32, #tpu.memory_space<vmem>>, %arg12: memref<1x256xf32, #tpu.memory_space<vmem>>, %arg13: memref<64x256xf32, #tpu.memory_space<vmem>>, %arg14: memref<1x64xf32, #tpu.memory_space<vmem>>) attributes {dimension_semantics = [#tpu.dimension_semantics<arbitrary>, #tpu.dimension_semantics<arbitrary>], iteration_bounds = array<i64: 2, 10>, scalar_prefetch = 0 : i64, scratch_operands = 5 : i64, tpu.core_type = #tpu.core_type<tc>, window_params = [{transform_indices = @transform_0, window_bounds = array<i64: 1000, 128>}, {transform_indices = @transform_1, window_bounds = array<i64: 1000, 128>}, {transform_indices = @transform_2, window_bounds = array<i64: 1000, 1>}, {pipeline_mode = #tpu.pipeline_mode<synchronous>, transform_indices = @transform_3, window_bounds = array<i64: 1, 256>}, {pipeline_mode = #tpu.pipeline_mode<synchronous>, transform_indices = @transform_4, window_bounds = array<i64: 1, 256>}, {pipeline_mode = #tpu.pipeline_mode<synchronous>, transform_indices = @transform_5, window_bounds = array<i64: 1, 256>}, {transform_indices = @transform_6, window_bounds = array<i64: 1, 1, 1000>}, {pipeline_mode = #tpu.pipeline_mode<synchronous>, transform_indices = @transform_7, window_bounds = array<i64: 64, 256>}]} {
    %eq3A = arith.constant 0 : i32
    %eq3A_0 = arith.cmpi eq, %arg0, %eq3A : i32
    %convert_element_type3A = arith.extui %eq3A_0 : i1 to i32
    %cond3A = arith.constant 0 : i32
    %cond3A_1 = arith.cmpi ne, %convert_element_type3A, %cond3A : i32
    scf.if %cond3A_1 {
      %get3A = arith.constant 0 : index
      %get3A_7 = arith.constant 0 : index
      %get3A_8 = vector.load %arg2[%get3A, %get3A_7] : memref<1000x128xf32, #tpu.memory_space<vmem>>, vector<1000x128xf32>
      %get3A_9 = arith.constant 0 : index
      %get3A_10 = arith.constant 0 : index
      %get3A_11 = vector.load %arg3[%get3A_9, %get3A_10] : memref<1000x128xf32, #tpu.memory_space<vmem>>, vector<1000x128xf32>
      %concatenate3A = tpu.concatenate %get3A_8, %get3A_11 in 1 : vector<1000x128xf32>, vector<1000x128xf32> -> vector<1000x256xf32>
      %get3A_12 = arith.constant 0 : index
      %get3A_13 = arith.constant 0 : index
      %get3A_14 = vector.load %arg4[%get3A_12, %get3A_13] : memref<1000x1xf32, #tpu.memory_space<vmem>>, vector<1000x1xf32>
      %mul3A = vector.broadcast %get3A_14 : vector<1000x1xf32> to vector<1000x256xf32>
      %mul3A_15 = arith.mulf %concatenate3A, %mul3A : vector<1000x256xf32>
      %get3A_16 = arith.constant 0 : index
      %get3A_17 = arith.constant 0 : index
      %get3A_18 = vector.load %arg5[%get3A_16, %get3A_17] : memref<1x256xf32, #tpu.memory_space<vmem>>, vector<1x256xf32>
      %add3A = vector.broadcast %get3A_18 : vector<1x256xf32> to vector<1000x256xf32>
      %add3A_19 = arith.addf %mul3A_15, %add3A : vector<1000x256xf32>
      %mul3A_20 = arith.constant 1000 : i32
      %mul3A_21 = arith.muli %arg1, %mul3A_20 : i32
      %swap3A = arith.index_cast %mul3A_21 : i32 to index
      %swap3A_22 = arith.constant 0 : index
      %swap3A_23 = vector.load %arg10[%swap3A, %swap3A_22] : memref<10000x256xf32, #tpu.memory_space<vmem>>, vector<1000x256xf32>
      tpu.vector_store %arg10[%swap3A, %swap3A_22], %add3A_19 {strides = array<i32>} : memref<10000x256xf32, #tpu.memory_space<vmem>>, vector<1000x256xf32>,
      %eq3A_24 = arith.constant 0 : i32
      %eq3A_25 = arith.cmpi eq, %arg1, %eq3A_24 : i32
      %convert_element_type3A_26 = arith.extui %eq3A_25 : i1 to i32
      %cond3A_27 = arith.constant 0 : i32
      %cond3A_28 = arith.cmpi ne, %convert_element_type3A_26, %cond3A_27 : i32
      scf.if %cond3A_28 {
        %broadcast_in_dim3A_48 = arith.constant 0.000000e+00 : f32
        %broadcast_in_dim3A_49 = vector.broadcast %broadcast_in_dim3A_48 : f32 to vector<1x256xf32>
        %swap3A_50 = arith.constant 0 : index
        %swap3A_51 = arith.constant 0 : index
        %swap3A_52 = vector.load %arg11[%swap3A_50, %swap3A_51] : memref<1x256xf32, #tpu.memory_space<vmem>>, vector<1x256xf32>
        tpu.vector_store %arg11[%swap3A_50, %swap3A_51], %broadcast_in_dim3A_49 {strides = array<i32>} : memref<1x256xf32, #tpu.memory_space<vmem>>, vector<1x256xf32>,
        %broadcast_in_dim3A_53 = arith.constant 0.000000e+00 : f32
        %broadcast_in_dim3A_54 = vector.broadcast %broadcast_in_dim3A_53 : f32 to vector<1x256xf32>
        %swap3A_55 = arith.constant 0 : index
        %swap3A_56 = arith.constant 0 : index
        %swap3A_57 = vector.load %arg12[%swap3A_55, %swap3A_56] : memref<1x256xf32, #tpu.memory_space<vmem>>, vector<1x256xf32>
        tpu.vector_store %arg12[%swap3A_55, %swap3A_56], %broadcast_in_dim3A_54 {strides = array<i32>} : memref<1x256xf32, #tpu.memory_space<vmem>>, vector<1x256xf32>,
      } else {
      }
      %get3A_29 = arith.constant 0 : index
      %get3A_30 = arith.constant 0 : index
      %get3A_31 = vector.load %arg11[%get3A_29, %get3A_30] : memref<1x256xf32, #tpu.memory_space<vmem>>, vector<1x256xf32>
      %reduce_sum3A = arith.constant dense<0.000000e+00> : vector<256xf32>
      %reduce_sum3A_32 = vector.multi_reduction <add>, %add3A_19, %reduce_sum3A [0] : vector<1000x256xf32> to vector<256xf32>
      %broadcast_in_dim3A = vector.shape_cast %reduce_sum3A_32 : vector<256xf32> to vector<1x256xf32>
      %add3A_33 = arith.addf %get3A_31, %broadcast_in_dim3A : vector<1x256xf32>
      %swap3A_34 = arith.constant 0 : index
      %swap3A_35 = arith.constant 0 : index
      %swap3A_36 = vector.load %arg11[%swap3A_34, %swap3A_35] : memref<1x256xf32, #tpu.memory_space<vmem>>, vector<1x256xf32>
      tpu.vector_store %arg11[%swap3A_34, %swap3A_35], %add3A_33 {strides = array<i32>} : memref<1x256xf32, #tpu.memory_space<vmem>>, vector<1x256xf32>,
      %get3A_37 = arith.constant 0 : index
      %get3A_38 = arith.constant 0 : index
      %get3A_39 = vector.load %arg12[%get3A_37, %get3A_38] : memref<1x256xf32, #tpu.memory_space<vmem>>, vector<1x256xf32>
      %mul3A_40 = arith.mulf %add3A_19, %add3A_19 : vector<1000x256xf32>
      %reduce_sum3A_41 = arith.constant dense<0.000000e+00> : vector<256xf32>
      %reduce_sum3A_42 = vector.multi_reduction <add>, %mul3A_40, %reduce_sum3A_41 [0] : vector<1000x256xf32> to vector<256xf32>
      %broadcast_in_dim3A_43 = vector.shape_cast %reduce_sum3A_42 : vector<256xf32> to vector<1x256xf32>
      %add3A_44 = arith.addf %get3A_39, %broadcast_in_dim3A_43 : vector<1x256xf32>
      %swap3A_45 = arith.constant 0 : index
      %swap3A_46 = arith.constant 0 : index
      %swap3A_47 = vector.load %arg12[%swap3A_45, %swap3A_46] : memref<1x256xf32, #tpu.memory_space<vmem>>, vector<1x256xf32>
      tpu.vector_store %arg12[%swap3A_45, %swap3A_46], %add3A_44 {strides = array<i32>} : memref<1x256xf32, #tpu.memory_space<vmem>>, vector<1x256xf32>,
    } else {
    }
    %eq3A_2 = arith.constant 1 : i32
    %eq3A_3 = arith.cmpi eq, %arg0, %eq3A_2 : i32
    %convert_element_type3A_4 = arith.extui %eq3A_3 : i1 to i32
    %cond3A_5 = arith.constant 0 : i32
    %cond3A_6 = arith.cmpi ne, %convert_element_type3A_4, %cond3A_5 : i32
    scf.if %cond3A_6 {
      %get3A = arith.constant 0 : index
      %get3A_7 = arith.constant 0 : index
      %get3A_8 = vector.load %arg11[%get3A, %get3A_7] : memref<1x256xf32, #tpu.memory_space<vmem>>, vector<1x256xf32>
      %mul3A = arith.constant 9.99999974E-5 : f32
      %mul3A_9 = vector.broadcast %mul3A : f32 to vector<1x256xf32>
      %mul3A_10 = arith.mulf %get3A_8, %mul3A_9 : vector<1x256xf32>
      %get3A_11 = arith.constant 0 : index
      %get3A_12 = arith.constant 0 : index
      %get3A_13 = vector.load %arg12[%get3A_11, %get3A_12] : memref<1x256xf32, #tpu.memory_space<vmem>>, vector<1x256xf32>
      %mul3A_14 = arith.constant 9.99999974E-5 : f32
      %mul3A_15 = vector.broadcast %mul3A_14 : f32 to vector<1x256xf32>
      %mul3A_16 = arith.mulf %get3A_13, %mul3A_15 : vector<1x256xf32>
      %mul3A_17 = arith.mulf %mul3A_10, %mul3A_10 : vector<1x256xf32>
      %sub3A = arith.subf %mul3A_16, %mul3A_17 : vector<1x256xf32>
      %get3A_18 = arith.constant 0 : index
      %get3A_19 = arith.constant 0 : index
      %get3A_20 = vector.load %arg6[%get3A_18, %get3A_19] : memref<1x256xf32, #tpu.memory_space<vmem>>, vector<1x256xf32>
      %add3A = arith.constant 9.99999974E-6 : f32
      %add3A_21 = vector.broadcast %add3A : f32 to vector<1x256xf32>
      %add3A_22 = arith.addf %sub3A, %add3A_21 : vector<1x256xf32>
      %rsqrt3A = math.rsqrt %add3A_22 : vector<1x256xf32>
      %mul3A_23 = arith.mulf %get3A_20, %rsqrt3A : vector<1x256xf32>
      %get3A_24 = arith.constant 0 : index
      %get3A_25 = arith.constant 0 : index
      %get3A_26 = vector.load %arg7[%get3A_24, %get3A_25] : memref<1x256xf32, #tpu.memory_space<vmem>>, vector<1x256xf32>
      %mul3A_27 = arith.mulf %mul3A_10, %mul3A_23 : vector<1x256xf32>
      %sub3A_28 = arith.subf %get3A_26, %mul3A_27 : vector<1x256xf32>
      %mul3A_29 = arith.constant 1000 : i32
      %mul3A_30 = arith.muli %arg1, %mul3A_29 : i32
      %get3A_31 = arith.index_cast %mul3A_30 : i32 to index
      %get3A_32 = arith.constant 0 : index
      %get3A_33 = vector.load %arg10[%get3A_31, %get3A_32] : memref<10000x256xf32, #tpu.memory_space<vmem>>, vector<1000x256xf32>
      %mul3A_34 = vector.broadcast %mul3A_23 : vector<1x256xf32> to vector<1000x256xf32>
      %mul3A_35 = arith.mulf %get3A_33, %mul3A_34 : vector<1000x256xf32>
      %add3A_36 = vector.broadcast %sub3A_28 : vector<1x256xf32> to vector<1000x256xf32>
      %add3A_37 = arith.addf %mul3A_35, %add3A_36 : vector<1000x256xf32>
      %max3A = arith.constant 0.000000e+00 : f32
      %max3A_38 = vector.broadcast %max3A : f32 to vector<1000x256xf32>
      %max3A_39 = arith.maximumf %add3A_37, %max3A_38 : vector<1000x256xf32>
      %get3A_40 = arith.constant 0 : index
      %get3A_41 = arith.constant 0 : index
      %get3A_42 = arith.constant 0 : index
      %get3A_43 = vector.load %arg8[%get3A_40, %get3A_41, %get3A_42] : memref<1x1x1000xi32, #tpu.memory_space<vmem>>, vector<1x1x1000xi32>
      %reshape3A = vector.shape_cast %get3A_43 : vector<1x1x1000xi32> to vector<1000x1xi32>
      %iota3A = tpu.iota {dimensions = array<i32: 1>} : vector<1000x64xi32>
      %eq3A_44 = vector.broadcast %reshape3A : vector<1000x1xi32> to vector<1000x64xi32>
      %eq3A_45 = arith.cmpi eq, %eq3A_44, %iota3A : vector<1000x64xi32>
      %convert_element_type3A_46 = arith.extui %eq3A_45 : vector<1000x64xi1> to vector<1000x64xi32>
      %convert_element_type3A_47 = arith.sitofp %convert_element_type3A_46 : vector<1000x64xi32> to vector<1000x64xf32>
      %eq3A_48 = arith.constant 0 : i32
      %eq3A_49 = arith.cmpi eq, %arg1, %eq3A_48 : i32
      %convert_element_type3A_50 = arith.extui %eq3A_49 : i1 to i32
      %cond3A_51 = arith.constant 0 : i32
      %cond3A_52 = arith.cmpi ne, %convert_element_type3A_50, %cond3A_51 : i32
      scf.if %cond3A_52 {
        %broadcast_in_dim3A_73 = arith.constant 0.000000e+00 : f32
        %broadcast_in_dim3A_74 = vector.broadcast %broadcast_in_dim3A_73 : f32 to vector<64x256xf32>
        %swap3A_75 = arith.constant 0 : index
        %swap3A_76 = arith.constant 0 : index
        %swap3A_77 = vector.load %arg13[%swap3A_75, %swap3A_76] : memref<64x256xf32, #tpu.memory_space<vmem>>, vector<64x256xf32>
        tpu.vector_store %arg13[%swap3A_75, %swap3A_76], %broadcast_in_dim3A_74 {strides = array<i32>} : memref<64x256xf32, #tpu.memory_space<vmem>>, vector<64x256xf32>,
        %broadcast_in_dim3A_78 = arith.constant 0.000000e+00 : f32
        %broadcast_in_dim3A_79 = vector.broadcast %broadcast_in_dim3A_78 : f32 to vector<1x64xf32>
        %swap3A_80 = arith.constant 0 : index
        %swap3A_81 = arith.constant 0 : index
        %swap3A_82 = vector.load %arg14[%swap3A_80, %swap3A_81] : memref<1x64xf32, #tpu.memory_space<vmem>>, vector<1x64xf32>
        tpu.vector_store %arg14[%swap3A_80, %swap3A_81], %broadcast_in_dim3A_79 {strides = array<i32>} : memref<1x64xf32, #tpu.memory_space<vmem>>, vector<1x64xf32>,
      } else {
      }
      %get3A_53 = arith.constant 0 : index
      %get3A_54 = arith.constant 0 : index
      %get3A_55 = vector.load %arg13[%get3A_53, %get3A_54] : memref<64x256xf32, #tpu.memory_space<vmem>>, vector<64x256xf32>
      %dot_general3A = arith.constant dense<0.000000e+00> : vector<64x256xf32>
      %dot_general3A_56 = tpu.matmul %convert_element_type3A_47, %max3A_39, %dot_general3A {dimension_numbers = #tpu.dot_dimension_numbers<[0], [0], [1], [1], [0, 1, 1, 1], [], []>, transpose_lhs_hint = false} : vector<1000x64xf32>, vector<1000x256xf32>, vector<64x256xf32> -> vector<64x256xf32>
      %add3A_57 = arith.addf %get3A_55, %dot_general3A_56 : vector<64x256xf32>
      %swap3A = arith.constant 0 : index
      %swap3A_58 = arith.constant 0 : index
      %swap3A_59 = vector.load %arg13[%swap3A, %swap3A_58] : memref<64x256xf32, #tpu.memory_space<vmem>>, vector<64x256xf32>
      tpu.vector_store %arg13[%swap3A, %swap3A_58], %add3A_57 {strides = array<i32>} : memref<64x256xf32, #tpu.memory_space<vmem>>, vector<64x256xf32>,
      %get3A_60 = arith.constant 0 : index
      %get3A_61 = arith.constant 0 : index
      %get3A_62 = vector.load %arg14[%get3A_60, %get3A_61] : memref<1x64xf32, #tpu.memory_space<vmem>>, vector<1x64xf32>
      %reduce_sum3A = arith.constant dense<0.000000e+00> : vector<64xf32>
      %reduce_sum3A_63 = vector.multi_reduction <add>, %convert_element_type3A_47, %reduce_sum3A [0] : vector<1000x64xf32> to vector<64xf32>
      %broadcast_in_dim3A = vector.shape_cast %reduce_sum3A_63 : vector<64xf32> to vector<1x64xf32>
      %add3A_64 = arith.addf %get3A_62, %broadcast_in_dim3A : vector<1x64xf32>
      %swap3A_65 = arith.constant 0 : index
      %swap3A_66 = arith.constant 0 : index
      %swap3A_67 = vector.load %arg14[%swap3A_65, %swap3A_66] : memref<1x64xf32, #tpu.memory_space<vmem>>, vector<1x64xf32>
      tpu.vector_store %arg14[%swap3A_65, %swap3A_66], %add3A_64 {strides = array<i32>} : memref<1x64xf32, #tpu.memory_space<vmem>>, vector<1x64xf32>,
      %eq3A_68 = arith.constant 9 : i32
      %eq3A_69 = arith.cmpi eq, %arg1, %eq3A_68 : i32
      %convert_element_type3A_70 = arith.extui %eq3A_69 : i1 to i32
      %cond3A_71 = arith.constant 0 : i32
      %cond3A_72 = arith.cmpi ne, %convert_element_type3A_70, %cond3A_71 : i32
      scf.if %cond3A_72 {
        %get3A_73 = arith.constant 0 : index
        %get3A_74 = arith.constant 0 : index
        %get3A_75 = vector.load %arg13[%get3A_73, %get3A_74] : memref<64x256xf32, #tpu.memory_space<vmem>>, vector<64x256xf32>
        %get3A_76 = arith.constant 0 : index
        %get3A_77 = arith.constant 0 : index
        %get3A_78 = vector.load %arg14[%get3A_76, %get3A_77] : memref<1x64xf32, #tpu.memory_space<vmem>>, vector<1x64xf32>
        %reshape3A_79 = vector.shape_cast %get3A_78 : vector<1x64xf32> to vector<64x1xf32>
        %max3A_80 = arith.constant 1.000000e+00 : f32
        %max3A_81 = vector.broadcast %max3A_80 : f32 to vector<64x1xf32>
        %max3A_82 = arith.maximumf %reshape3A_79, %max3A_81 : vector<64x1xf32>
        %div3A = vector.broadcast %max3A_82 : vector<64x1xf32> to vector<64x256xf32>
        %div3A_83 = arith.divf %get3A_75, %div3A : vector<64x256xf32>
        %swap3A_84 = arith.constant 0 : index
        %swap3A_85 = arith.constant 0 : index
        %swap3A_86 = vector.load %arg9[%swap3A_84, %swap3A_85] : memref<64x256xf32, #tpu.memory_space<vmem>>, vector<64x256xf32>
        tpu.vector_store %arg9[%swap3A_84, %swap3A_85], %div3A_83 {strides = array<i32>} : memref<64x256xf32, #tpu.memory_space<vmem>>, vector<64x256xf32>,
      } else {
      }
    } else {
    }
    return
  }
  func.func @transform_0(%arg0: i32, %arg1: i32) -> (i32, i32) {
    %sub3A = arith.constant 1 : i32
    %sub3A_0 = arith.subi %sub3A, %arg0 : i32
    %mul3A = arith.muli %sub3A_0, %arg1 : i32
    %c0_i32 = arith.constant 0 : i32
    %c0_i32_1 = arith.constant 0 : i32
    return %mul3A, %c0_i32 : i32, i32
  }
  func.func @transform_1(%arg0: i32, %arg1: i32) -> (i32, i32) {
    %sub3A = arith.constant 1 : i32
    %sub3A_0 = arith.subi %sub3A, %arg0 : i32
    %mul3A = arith.muli %sub3A_0, %arg1 : i32
    %c0_i32 = arith.constant 0 : i32
    %c0_i32_1 = arith.constant 0 : i32
    return %mul3A, %c0_i32 : i32, i32
  }
  func.func @transform_2(%arg0: i32, %arg1: i32) -> (i32, i32) {
    %sub3A = arith.constant 1 : i32
    %sub3A_0 = arith.subi %sub3A, %arg0 : i32
    %mul3A = arith.muli %sub3A_0, %arg1 : i32
    %c0_i32 = arith.constant 0 : i32
    %c0_i32_1 = arith.constant 0 : i32
    return %mul3A, %c0_i32 : i32, i32
  }
  func.func @transform_3(%arg0: i32, %arg1: i32) -> (i32, i32) {
    %c0_i32 = arith.constant 0 : i32
    %c0_i32_0 = arith.constant 0 : i32
    %c0_i32_1 = arith.constant 0 : i32
    return %c0_i32, %c0_i32_0 : i32, i32
  }
  func.func @transform_4(%arg0: i32, %arg1: i32) -> (i32, i32) {
    %c0_i32 = arith.constant 0 : i32
    %c0_i32_0 = arith.constant 0 : i32
    %c0_i32_1 = arith.constant 0 : i32
    return %c0_i32, %c0_i32_0 : i32, i32
  }
  func.func @transform_5(%arg0: i32, %arg1: i32) -> (i32, i32) {
    %c0_i32 = arith.constant 0 : i32
    %c0_i32_0 = arith.constant 0 : i32
    %c0_i32_1 = arith.constant 0 : i32
    return %c0_i32, %c0_i32_0 : i32, i32
  }
  func.func @transform_6(%arg0: i32, %arg1: i32) -> (i32, i32, i32) {
    %mul3A = arith.muli %arg0, %arg1 : i32
    %c0_i32 = arith.constant 0 : i32
    %c0_i32_0 = arith.constant 0 : i32
    %c0_i32_1 = arith.constant 0 : i32
    return %mul3A, %c0_i32, %c0_i32_0 : i32, i32, i32
  }
  func.func @transform_7(%arg0: i32, %arg1: i32) -> (i32, i32) {
    %c0_i32 = arith.constant 0 : i32
    %c0_i32_0 = arith.constant 0 : i32
    %c0_i32_1 = arith.constant 0 : i32
    return %c0_i32, %c0_i32_0 : i32, i32
  }
}

</mosaic_0001>

<sc_bundles>
// kernel: kernel.11.cloned.1.call-start
scs
__scs_entry_jumppad:
0x0: {  	(pc) =	sbr.rel $0x88, $3  }
0x1: {  	(tag) =	ssettag $0x0;
	lr =	simm.s32 $0x1  }
0x2: {  	[smem:$0x3F96] =	sst lr;
	_ =	strace $0xD0000000  }
0x3: {  	_ = 	snop  }
0x4: {  	_ = 	snop  }
0x5: {  	_ = 	snop  }
0x6: {  	_ = 	snop  }
0x7: {  	_ = 	snop  }
__scs_overlays_trampoline_lowered:
0x8: {  	[smem:$0x3FA5] =	sst s0  }
0x9: {  	[smem:$0x3FA6] =	sst s1  }
0xa: {  	[smem:$0x3FA7] =	sst s2  }
0xb: {  	[smem:$0x3FA8] =	sst s3  }
0xc: {  	[smem:$0x3FA9] =	sst s4  }
0xd: {  	[smem:$0x3FAA] =	sst s5  }
0xe: {  	[smem:$0x3FAB] =	sst s6  }
0xf: {  	[smem:$0x3FAC] =	sst s7  }
0x10: {  	[smem:$0x3FAD] =	sst s8  }
0x11: {  	[smem:$0x3FAE] =	sst s9;
	s0 =	simm.s32 @!p0 $0x0  }
0x12: {  	s1 =	sld [smem:$0x3F94];
	s0 =	simm.s32 @p0 $0x1  }
0x13: {  	[smem:$0x3FAF] =	sst s0;
	s0 =	simm.s32 @!p1 $0x0  }
0x14: {  	s2 =	sld [smem:$0x3F93];
	s0 =	simm.s32 @p1 $0x1  }
0x15: {  	[smem:$0x3FB0] =	sst s0;
	s0 =	simm.s32 @!p2 $0x0  }
0x16: {  	s3 =	sld [smem:$0x3FDB];
	s0 =	simm.s32 @p2 $0x1  }
0x17: {  	s4 =	simm.s32 $0x1BF5;
	[smem:$0x3FB2] =	sst s0  }
0x18: {  	s0 =	sld [smem:$0x3F95];
	_ =	swait.ge [sflag:s4], $0x0  }
0x19: {  	s7 =	sld [smem:$0x3F96]  }
0x1a: {  	s8 =	sadd.s32 $0xFFFFE003, lr  }
0x1b: {  	s9 =	sadd.s32 $0xFFFFFEF7, lr;
	s5 =	simm.s32 $0xFFFFFFFF;
	p2 =	slt.u32 s8, $0xFFFFF086  }
0x1c: {  	p1 =	slt.u32 s9, $0xF7A;
	s5 =	simm.s32 @!p2 $0x0  }
0x1d: {  	s5 =	simm.s32 @p1 $0x1;
	p0 =	seq.s32 s7, s2  }
0x1e: {  	s7 =	smul.u32 @!p0 $0xF7A, s2;
	p2 =	seq.s32 @!p0 s5, $0x0  }
0x1f: {  	s9 =	smul.u32 $0xF7A, s1;
	s8 =	simm.s32 @!p0 $0x1BF5;
	p2 =	por !p2, p0  }
0x20: {  	[sflag:s8] =	ssyncset.s32 @!p0 $0xFFFFF086;
	s6 =	sadd.s32 @!p0 s3, s7;
	s7 =	simm.s32 @!p0 $0x108  }
0x21: {  	s3 =	sadd.s32 s3, s9;
	s6 =	sadd.s32 @!p0 $0x88, s6;
	s7 =	simm.s32 @p2 $0x1082  }
0x22: {  	[simem:s7], [sflag:s8] =	dma.local @!p0 [hbm:s6], $0xF7A  }
0x23: {  	s9 =	sor.u32 $0xD0000000, s2;
	s6 =	simm.s32 $0x108;
	_ =	swait.ge @!p0 [sflag:s8], $0x0  }
0x24: {  	s3 =	sadd.s32 $0x88, s3;
	s6 =	simm.s32 @!p1 $0x1082;
	[sflag:s4] =	ssyncset.s32 $0xFFFFF086  }
0x25: {  	[simem:s6], [sflag:s4] =	dma.local [hbm:s3], $0xF7A  }
0x26: {  	[smem:$0x3F96] =	sst s1;
	(tag) =	ssettag s2;
	_ =	strace s9  }
0x27: {  	s1 =	sld [smem:$0x3FA6]  }
0x28: {  	s2 =	sld [smem:$0x3FA7]  }
0x29: {  	s4 =	sld [smem:$0x3FA9]  }
0x2a: {  	p0 =	seq.s32 s5, $0x0;
	s5 =	sld [smem:$0x3FAA]  }
0x2b: {  	s6 =	sld [smem:$0x3FAB]  }
0x2c: {  	s7 =	sld [smem:$0x3FAC]  }
0x2d: {  	s3 =	simm.s32 $0x108;
	s8 =	sld [smem:$0x3FAD]  }
0x2e: {  	s3 =	simm.s32 @!p0 $0x1082;
	s9 =	sld [smem:$0x3FAE]  }
0x2f: {  	lr =	sadd.s32 s0, s3;
	s0 =	sld [smem:$0x3FA5]  }
0x30: {  	s3 =	sld [smem:$0x3FA8]  }
0x31: {  	[smem:$0x3FB1] =	sst s10  }
0x32: {  	s10 =	sld [smem:$0x3FAF];
	_ =	sdelay $0x3  }
0x33: {  	p0 =	seq.s32 s10, $0x1;
	s10 =	sld [smem:$0x3FB1];
	_ =	sdelay $0x3  }
0x34: {  	[smem:$0x3FB1] =	sst s10  }
0x35: {  	s10 =	sld [smem:$0x3FB0];
	_ =	sdelay $0x3  }
0x36: {  	p1 =	seq.s32 s10, $0x1;
	s10 =	sld [smem:$0x3FB1];
	_ =	sdelay $0x3  }
0x37: {  	[smem:$0x3FB1] =	sst s10  }
0x38: {  	s10 =	sld [smem:$0x3FB2]  }
0x39: {  	_ = 	snop;
	(pc) =	sbr.ind lr, $3  }
0x3a: {  	_ = 	snop  }
0x3b: {  	_ = 	snop  }
0x3c: {  	p2 =	seq.s32 s10, $0x1;
	s10 =	sld [smem:$0x3FB1]  }
0x3d: {  	_ =	shalt  }
0x3e: {  	_ =	shalt  }
0x3f: {  	_ =	shalt  }
0x40: {  	_ =	shalt  }
0x41: {  	_ =	shalt  }
0x42: {  	_ =	shalt  }
0x43: {  	_ =	shalt  }
0x44: {  	_ =	shalt  }
0x45: {  	_ =	shalt  }
0x46: {  	_ =	shalt  }
0x47: {  	_ =	shalt  }
0x48: {  	_ =	shalt  }
0x49: {  	_ =	shalt  }
0x4a: {  	_ =	shalt  }
0x4b: {  	_ =	shalt  }
0x4c: {  	_ =	shalt  }
0x4d: {  	_ =	shalt  }
0x4e: {  	_ =	shalt  }
0x4f: {  	_ =	shalt  }
0x50: {  	_ =	shalt  }
0x51: {  	_ =	shalt  }
0x52: {  	_ =	shalt  }
0x53: {  	_ =	shalt  }
0x54: {  	_ =	shalt  }
0x55: {  	_ =	shalt  }
0x56: {  	_ =	shalt  }
0x57: {  	_ =	shalt  }
0x58: {  	_ =	shalt  }
0x59: {  	_ =	shalt  }
0x5a: {  	_ =	shalt  }
0x5b: {  	_ =	shalt  }
0x5c: {  	_ =	shalt  }
0x5d: {  	_ =	shalt  }
0x5e: {  	_ =	shalt  }
0x5f: {  	_ =	shalt  }
0x60: {  	_ =	shalt  }
0x61: {  	_ =	shalt  }
0x62: {  	_ =	shalt  }
0x63: {  	_ =	shalt  }
0x64: {  	_ =	shalt  }
0x65: {  	_ =	shalt  }
0x66: {  	_ =	shalt  }
0x67: {  	_ =	shalt  }
0x68: {  	_ =	shalt  }
0x69: {  	_ =	shalt  }
0x6a: {  	_ =	shalt  }
0x6b: {  	_ =	shalt  }
0x6c: {  	_ =	shalt  }
0x6d: {  	_ =	shalt  }
0x6e: {  	_ =	shalt  }
0x6f: {  	_ =	shalt  }
0x70: {  	_ =	shalt  }
0x71: {  	_ =	shalt  }
0x72: {  	_ =	shalt  }
0x73: {  	_ =	shalt  }
0x74: {  	_ =	shalt  }
0x75: {  	_ =	shalt  }
0x76: {  	_ =	shalt  }
0x77: {  	_ =	shalt  }
0x78: {  	_ =	shalt  }
0x79: {  	_ =	shalt  }
0x7a: {  	_ =	shalt  }
0x7b: {  	_ =	shalt  }
0x7c: {  	_ =	shalt  }
0x7d: {  	_ =	shalt  }
0x7e: {  	_ =	shalt  }
0x7f: {  	_ =	shalt  }
0x80: {  	_ =	shalt  }
0x81: {  	_ =	shalt  }
0x82: {  	_ =	shalt  }
0x83: {  	_ =	shalt  }
0x84: {  	_ =	shalt  }
0x85: {  	_ =	shalt  }
0x86: {  	_ =	shalt  }
0x87: {  	_ =	shalt  }
.Lfunc_end0:
.L_simem_size_0:
called_computation.1_lowered:
.L_overlay_start_0:
0x88: {  	s2 =	sld [smem:$0x3FD9]  }
0x89: {  	s3 =	sld [smem:$0x3FFE];
	_ =	sdelay $0x1  }
0x8a: {  	s1 =	srdreg.scid  }
0x8b: {  	s0 =	sand.u32 $0x1, s1  }
0x8c: {  	s16 =	sshll.u32 s0, $0xA;
	s2 =	sadd.s32 s3, s2  }
0x8d: {  	s2 =	sadd.s32 s2, s16  }
0x8e: {  	[smem:$0x3FBD] =	sst s2  }
0x8f: {  	_ = 	snop  }
0x90: {  	(tm) =	ssettm $0x1  }
0x91: {  	s17 =	sld [smem:$0x3FFB];
	_ =	sdelay $0x3  }
0x92: {  	_ =	strace s17  }
0x93: {  	s2 =	sld [smem:$0x3FFC];
	_ =	sdelay $0x3  }
0x94: {  	_ =	strace s2  }
0x95: {  	s2 =	sld [smem:$0x3FFD];
	_ =	sdelay $0x3  }
0x96: {  	_ =	strace s2  }
0x97: {  	_ =	strace $0x8FFFFFFF  }
0x98: {  	s18 =	sld [smem:$0x3FDB];
	_ =	sdelay $0x1  }
0x99: {  	s19 =	simm.s32 $_scs_section_size  }
0x9a: {  	s4 =	simm.s32 $_size__tile_overlayer_lowered;
	s5 =	simm.s32 $_tile_overlayer_lowered  }
0x9b: {  	s22 =	simm.s32 $0x1BFF;
	s21 =	sshll.u32 s5, $0x1;
	s2 =	sadd.s32 s19, s18  }
0x9c: {  	s6 =	simm.s32 $0x0;
	s20 =	sshll.u32 s4, $0x1;
	s4 =	sadd.s32 s21, s2  }
0x9d: {  	[timem:s6], [sflag:s22] =	dma.local [hbm:s4], s20  }
0x9e: {  	_ =	swait.ge [sflag:s22], s20  }
0x9f: {  	s3 =	ssub.s32 $0x0, s20;
	[sflag:s22] =	ssyncset.done $0x0  }
0xa0: {  	[sflag:s22] =	ssyncadd.s32 s3;
	_ =	sdelay $0x1  }
0xa1: {  	s23 =	simm.s32 $0x1B8B  }
0xa2: {  	_ =	swait.ge [sflag:s23], $0x1  }
0xa3: {  	[sflag:s23] =	ssyncset.done $0x0  }
0xa4: {  	s25 =	simm.s32 $0x1B8E;
	s24 =	sld [smem:$0x3FFE];
	[sflag:s23] =	ssyncadd.s32 $0xFFFFFFFF  }
0xa5: {  	s26 =	simm.s32 $execute0_lowered;
	[smem:$0x3FD2] =	sst s25  }
0xa6: {  	s4 =	sshll.u32 s26, $0x1;
	_ =	strace $0x80000049;
	[dreg:$0x1] =	wrdreg $0xFFFFFFFF  }
0xa7: {  	s28 =	simm.s32 $_size_execute0_lowered;
	s2 =	sadd.s32 s2, s4;
	[dreg:$0x0] =	wrdreg $0x0  }
0xa8: {  	s4 =	sshll.u32 s28, $0x1;
	[dreg:$0x2] =	wrdreg s2  }
0xa9: {  	[dreg:$0x3] =	wrdreg s4  }
0xaa: {  	[dreg:$0x4] =	wrdreg $0xC0  }
0xab: {  	_ =	task [dreg:s6], $0x5FFFF  }
0xac: {  	[dreg:$0x1] =	wrdreg $0xFFFFFFFF  }
0xad: {  	[dreg:$0x0] =	wrdreg $0x60  }
0xae: {  	[dreg:$0x2] =	wrdreg s24  }
0xaf: {  	[dreg:$0x3] =	wrdreg $0xC0000  }
0xb0: {  	[dreg:$0x4] =	wrdreg $0x9  }
0xb1: {  	_ =	task.clear_ibuf [dreg:s6], $0x5FFFF;
	_ =	strace $0x90000049  }
0xb2: {  	s29 =	simm.s32 $0x9;
	_ =	strace $0x8000004B  }
0xb3: {  	_ =	swait.ge [sflag:s29], $0x1  }
0xb4: {  	[sflag:s29] =	ssyncadd.s32 $0xFFFFFFFF  }
0xb5: {  	_ =	strace $0x9000004B  }
0xb6: {  	_ =	sfence  }
0xb7: {  	s30 =	sld [smem:$0x0];
	_ =	sdelay $0x2  }
0xb8: {  	s31 =	sshll.u32 s1, $0xD;
	s1 =	sshrl.u32 s1, $0x2  }
0xb9: {  	s3 =	sand.u32 $0x4000, s31;
	s1 =	sadd.s32 s1, s30  }
0xba: {  	s0 =	sor.u32 s3, s0;
	s1 =	sshll.u32 s1, $0x11  }
0xbb: {  	s0 =	sor.u32 s1, s0  }
0xbc: {  	s0 =	sadd.s32 $0x8F2B, s0  }
0xbd: {  	[sflag:s0] =	ssyncadd.remote.s32 $0x1  }
0xbe: {  	_ =	sfence.sel $0xFFFF  }
0xbf: {  	[dreg:$0x0] =	wrdreg $0xFFFFFFFF;
	(pc) =	sbr.abs _section_cstart, $3  }
0xc0: {  	[dreg:$0x1] =	wrdreg $0xFFFFFFFF  }
0xc1: {  	_ =	task.clear_ibuf [dreg:s6], $0x2FFFF;
	_ =	strace $0x9FFFFFFF  }
0xc2: {  	(tm) =	ssettm $0x7FFFFFFF  }
0xc3: {  	_ =	shalt  }
tec
execute0_lowered:
.L_overlay_start_1:
0x0: {  	(tag) =	ssettag $0x1  }
0x1: {  	s0 =	rddreg [dreg:$0x0]  }
0x2: {  	s1 =	rddreg [dreg:$0x1]  }
0x3: {  	s3 =	simm.s32 $0x0;
	s2 =	stileid.u32;
	s6 =	srdreg.scid  }
0x4: {  	s28 =	simm.s32 $0x1;
	s29 =	simm.s32 $0x8000;
	s30 =	simm.s32 $0x2000  }
0x5: {  	[smem:$0x7FF] =	sst s3;
	s4 =	sadd.s32 $0xE200, s0;
	s7 =	smul.u32 $0x2780, s2  }
0x6: {  	s5 =	sadd.s32 $0x35400, s0;
	s6 =	sand.u32 $0x1, s6;
	s9 =	smul.u32 $0x4F000, s2  }
0x7: {  	s11 =	sadd.s32 $0x4200, s0;
	s16 =	sadd.s32 $0x9200, s0;
	s21 =	smul.u32 $0x500, s2  }
0x8: {  	s12 =	smul.u32 $0x2800, s2;
	s13 =	sadd.s32 $0x33280, s0;
	s15 =	sadd.s32 $0xE000, s0  }
0x9: {  	s25 =	sadd.s32 $0xA8880, s0;
	s26 =	sadd.s32 $0x5A480, s0;
	p1 =	seq.s32 s2, $0xF  }
0xa: {  	_ =	strace $0x8000004A;
	s8 =	ssub.s32 $0x2, s6;
	[dreg:$0x4] =	wrdreg s13  }
0xb: {  	p0 =	seq.s32 s6, $0x1;
	s13 =	sadd.s32 $0x9000, s0;
	[dreg:$0x8] =	wrdreg s25  }
0xc: {  	[dreg:$0xa] =	wrdreg s26;
	s25 =	simm.s32 $0x80;
	s26 =	simm.s32 $0x4000  }
0xd: {  	s17 =	sadd.s32 s7, s0;
	s10 =	sshrl.u32 s8, $0x1;
	s20 =	sshrl.u32 s9, $0x2  }
0xe: {  	s22 =	sadd.s32 s4, s7;
	s9 =	sadd.s32 s16, s21;
	s14 =	sshrl.u32 s12, $0x3  }
0xf: {  	s12 =	sadd.s32 $0x8D00, s0;
	s7 =	sadd.s32 s5, s7;
	s18 =	ssub.s32 s8, s10  }
0x10: {  	s6 =	sadd.s32 s20, s1;
	[dreg:$0x3] =	wrdreg s22;
	s8 =	sadd.s32 s11, s21  }
0x11: {  	s10 =	sadd.s32 $0x128400, s1;
	s19 =	sadd.s32 $0x400, s14;
	s14 =	sadd.s32 $0xDD00, s0  }
0x12: {  	s24 =	sadd.s32 $0x83800, s17;
	[dreg:$0x9] =	wrdreg s7;
	s31 =	sadd.s32 $0xAAA00, s17  }
.Ltmp0:
0x13: {  	s0 =	sadd.s32 $0xCFA80, s0;
	[dreg:$0x7] =	wrdreg s24;
	(pc) =	sbr.rel .LBB2_1-.Ltmp0, $4  }
0x14: {  	s22 =	simm.s32 $0x4;
	s11 =	sadd.s32 s11, s19;
	[dreg:$0xb] =	wrdreg s31  }
0x15: {  	s23 =	sadd.s32 s16, s19;
	[dreg:$0xc] =	wrdreg s0;
	s24 =	smax.u32 s18, $0x1  }
0x16: {  	s0 =	simm.s32 $0x2080;
	s18 =	simm.s32 $0x3;
	[dreg:$0x5] =	wrdreg s11  }
0x17: {  	s19 =	simm.s32 $0x2;
	[dreg:$0x6] =	wrdreg s23;
	s23 =	simm.s32 $0x0  }
.LBB2_11:
0x18: {  	[bflag:$0x0] =	sbarrier.arrive $0xFFFF  }
0x19: {  	s7 =	sshrl.u32 s10, $0x3;
	s16 =	simm.s32 $0x1FC4;
	s11 =	rddreg [dreg:$0xc]  }
0x1a: {  	[hbm:s11], [sflag:s16] =	dma.local [spmem:s7], $0x2080  }
0x1b: {  	_ =	swait.ge [sflag:s22], $0x2080  }
0x1c: {  	[sflag:s22] =	ssyncset.done $0x0  }
0x1d: {  	[sflag:s22] =	ssyncadd.s32 $0xFFFFDF80  }
.LBB2_12:
0x1e: {  	s23 =	sadd.s32 $0x1, s23  }
0x1f: {  	p2 =	sne.s32 s23, s24  }
.Ltmp1:
0x20: {  	_ = 	snop;
	(pc) =	sbr.rel @!p2 .LBB2_13-.Ltmp1, $1  }
0x21: {  	_ =	sdelay $0x3  }
.LBB2_1:
.Ltmp2:
0x22: {  	(pc) =	sbr.rel @!p0 .LBB2_2-.Ltmp2, $2  }
0x23: {  	_ =	sdelay $0x2  }
0x24: {  	s16 =	sshrl.u32 @p1 s10, $0x3;
	s11 =	sshll.u32 @!p1 s2, $0x6;
	s7 =	sshrl.u32 @!p1 s6, $0x3  }
0x25: {  	s17 =	simm.s32 @p1 $0x1FC4;
	s20 =	rddreg [dreg:$0xa]  }
0x26: {  	[spmem:s16], [sflag:s17] =	dma.local @p1 [hbm:s20], $0x2080  }
0x27: {  	s16 =	simm.s32 @p1 $0x4  }
0x28: {  	_ =	swait.ge @p1 [sflag:s16], $0x2080  }
0x29: {  	[sflag:s16] =	ssyncset.done @p1 $0x0  }
0x2a: {  	[sflag:s16] =	ssyncadd.s32 @p1 $0xFFFFDF80  }
0x2b: {  	s17 =	simm.s32 @p1 $0x0;
	[bflag:$0x0] =	sbarrier.arrive @p1 $0xFFFF  }
0x2c: {  	[tilespmem:s17], [sflag:$0x4] =	stream.linear.gather @p1 [hbm4b:s12+s17], $0x1800, $0x38;
	[tilespmem:$0x1F880] =	vst v63  }
0x2d: {  	_ =	swait.ge @p1 [sflag:s16], $0x1800  }
0x2e: {  	[sflag:s16] =	ssyncset.done @p1 $0x0  }
0x2f: {  	s20 =	simm.s32 @p1 $0x1800;
	[sflag:s16] =	ssyncadd.s32 @p1 $0xFFFFE800  }
0x30: {  	[tilespmem:s20], [sflag:$0x4] =	stream.linear.gather @p1 [hbm4b:s13+s17], $0x100, $0x38;
	[tilespmem:$0x1F880] =	vst v63  }
0x31: {  	_ =	swait.ge @p1 [sflag:s16], $0x100  }
0x32: {  	[sflag:s16] =	ssyncset.done @p1 $0x0  }
0x33: {  	s20 =	simm.s32 @p1 $0x2000;
	[sflag:s16] =	ssyncadd.s32 @p1 $0xFFFFFF00  }
0x34: {  	[tilespmem:s20], [sflag:$0x4] =	stream.linear.gather @p1 [hbm4b:s14+s17], $0x1800, $0x38;
	[tilespmem:$0x1F880] =	vst v63  }
0x35: {  	_ =	swait.ge @p1 [sflag:s16], $0x1800  }
0x36: {  	[sflag:s16] =	ssyncset.done @p1 $0x0  }
0x37: {  	s20 =	simm.s32 @p1 $0x3800;
	[sflag:s16] =	ssyncadd.s32 @p1 $0xFFFFE800  }
0x38: {  	[tilespmem:s20], [sflag:$0x4] =	stream.linear.gather @p1 [hbm4b:s15+s17], $0x100, $0x38;
	[tilespmem:$0x1F880] =	vst v63  }
0x39: {  	_ =	swait.ge @p1 [sflag:s16], $0x100  }
0x3a: {  	[sflag:s16] =	ssyncset.done @p1 $0x0  }
0x3b: {  	s11 =	sor.u32 @!p1 $0x1C04, s11;
	[sflag:s16] =	ssyncadd.s32 @p1 $0xFFFFFF00;
	s16 =	rddreg [dreg:$0x9]  }
0x3c: {  	[spmem:s7], [sflag:s11] =	dma.local @!p1 [hbm:s16], $0x2780  }
0x3d: {  	s7 =	simm.s32 @!p1 $0x4  }
0x3e: {  	_ =	swait.ge @!p1 [sflag:s7], $0x2780  }
0x3f: {  	[sflag:s7] =	ssyncset.done @!p1 $0x0  }
0x40: {  	[sflag:s7] =	ssyncadd.s32 @!p1 $0xFFFFD880  }
0x41: {  	s11 =	simm.s32 @!p1 $0x0;
	[bflag:$0x0] =	sbarrier.arrive @!p1 $0xFFFF  }
0x42: {  	[tilespmem:s11], [sflag:$0x4] =	stream.linear.gather @!p1 [hbm4b:s8+s11], $0x2000, $0x38;
	[tilespmem:$0x1F880] =	vst v63  }
0x43: {  	_ =	swait.ge @!p1 [sflag:s7], $0x2000  }
0x44: {  	[sflag:s7] =	ssyncset.done @!p1 $0x0  }
0x45: {  	s16 =	simm.s32 @!p1 $0x2000;
	[sflag:s7] =	ssyncadd.s32 @!p1 $0xFFFFE000  }
0x46: {  	[tilespmem:s16], [sflag:$0x4] =	stream.linear.gather @!p1 [hbm4b:s9+s11], $0x2000, $0x38;
	[tilespmem:$0x1F880] =	vst v63  }
0x47: {  	_ =	swait.ge @!p1 [sflag:s7], $0x2000  }
0x48: {  	[sflag:s7] =	ssyncset.done @!p1 $0x0  }
0x49: {  	[sflag:s7] =	ssyncadd.s32 @!p1 $0xFFFFE000  }
0x4a: {  	[tilespmem:s26], [sflag:$0x1] =	stream.indirect.gather [hbm4b:s5+s25], $0x80, s3, s25, $0xb8;
	[tilespmem:$0x1F880] =	vst v63  }
0x4b: {  	_ =	swait.ge [sflag:s28], $0x4000  }
0x4c: {  	[sflag:s28] =	ssyncset.done $0x0  }
0x4d: {  	[sflag:s28] =	ssyncadd.s32 $0xFFFFC000  }
0x4e: {  	[tilespmem:s29], [sflag:$0x1] =	stream.indirect.gather [hbm4b:s5+s25], $0x80, s25, s25, $0xb8;
	[tilespmem:$0x1F880] =	vst v63  }
0x4f: {  	_ = 	snop  }
0x50: {  	[spmem:s1] =	stream.indirect.scatter.add.f32 [tilespmem:s26], [sflag:$0x2], $0x80, s30, s25, $0xb8;
	[tilespmem:$0x1F880] =	vst v63  }
0x51: {  	_ =	swait.ge [sflag:s28], $0x4000  }
0x52: {  	[sflag:s28] =	ssyncset.done $0x0  }
0x53: {  	s16 =	simm.s32 $0x2;
	[sflag:s28] =	ssyncadd.s32 $0xFFFFC000  }
0x54: {  	_ =	swait.ge [sflag:s16], $0x4000  }
0x55: {  	[sflag:s16] =	ssyncset.done $0x0  }
0x56: {  	s17 =	simm.s32 $0x100;
	[sflag:s16] =	ssyncadd.s32 $0xFFFFC000  }
0x57: {  	[tilespmem:s26], [sflag:$0x1] =	stream.indirect.gather [hbm4b:s5+s25], $0x80, s17, s25, $0xb8;
	[tilespmem:$0x1F880] =	vst v63  }
0x58: {  	_ = 	snop  }
0x59: {  	[spmem:s1] =	stream.indirect.scatter.add.f32 [tilespmem:s29], [sflag:$0x3], $0x80, s0, s25, $0xb8;
	[tilespmem:$0x1F880] =	vst v63  }
0x5a: {  	_ =	swait.ge [sflag:s28], $0x4000  }
0x5b: {  	[sflag:s28] =	ssyncset.done $0x0  }
0x5c: {  	[sflag:s28] =	ssyncadd.s32 $0xFFFFC000  }
0x5d: {  	_ =	swait.ge [sflag:s18], $0x4000  }
0x5e: {  	[sflag:s18] =	ssyncset.done $0x0  }
0x5f: {  	s20 =	simm.s32 $0x180;
	[sflag:s18] =	ssyncadd.s32 $0xFFFFC000  }
0x60: {  	[tilespmem:s29], [sflag:$0x1] =	stream.indirect.gather [hbm4b:s5+s25], $0x80, s20, s25, $0xb8;
	[tilespmem:$0x1F880] =	vst v63  }
0x61: {  	s21 =	simm.s32 $0x2100;
	s11 =	simm.s32 @!p1 $0x20  }
0x62: {  	[spmem:s1] =	stream.indirect.scatter.add.f32 [tilespmem:s26], [sflag:$0x2], $0x80, s21, s25, $0xb8;
	[tilespmem:$0x1F880] =	vst v63  }
0x63: {  	s11 =	simm.s32 @p1 $0x19;
	_ =	swait.ge [sflag:s28], $0x4000  }
0x64: {  	p2 =	sne.s32 s11, $0x3;
	[sflag:s28] =	ssyncset.done $0x0  }
.Ltmp3:
0x65: {  	[sflag:s28] =	ssyncadd.s32 $0xFFFFC000;
	(pc) =	sbr.rel @!p2 .LBB2_9-.Ltmp3, $4  }
0x66: {  	s31 =	simm.s32 $0x200;
	s7 =	simm.s32 $0x2280;
	_ =	swait.ge [sflag:s19], $0x4000  }
0x67: {  	s16 =	simm.s32 $0x280;
	s17 =	simm.s32 $0x2180;
	[sflag:s19] =	ssyncset.done $0x0  }
0x68: {  	s20 =	simm.s32 $0x3;
	s21 =	simm.s32 $0x2180;
	[sflag:s19] =	ssyncadd.s32 $0xFFFFC000  }
0x69: {  	[tilespmem:s26], [sflag:$0x1] =	stream.indirect.gather [hbm4b:s5+s25], $0x80, s31, s25, $0xb8;
	[tilespmem:$0x1F880] =	vst v63  }
.LBB2_8:
0x6a: {  	s17 =	smov.u32 s7  }
0x6b: {  	[spmem:s1] =	stream.indirect.scatter.add.f32 [tilespmem:s29], [sflag:$0x3], $0x80, s21, s25, $0xb8;
	[tilespmem:$0x1F880] =	vst v63  }
0x6c: {  	s20 =	sadd.s32 $0x1, s20;
	s21 =	smov.u32 s7;
	_ =	swait.ge [sflag:s28], $0x4000  }
0x6d: {  	p2 =	sne.s32 s11, s20;
	[sflag:s28] =	ssyncset.done $0x0  }
0x6e: {  	[sflag:s28] =	ssyncadd.s32 $0xFFFFC000  }
0x6f: {  	_ =	swait.ge [sflag:s18], $0x4000  }
0x70: {  	[sflag:s18] =	ssyncset.done $0x0  }
0x71: {  	[sflag:s18] =	ssyncadd.s32 $0xFFFFC000  }
0x72: {  	[tilespmem:s29], [sflag:$0x1] =	stream.indirect.gather [hbm4b:s5+s25], $0x80, s16, s25, $0xb8;
	[tilespmem:$0x1F880] =	vst v63  }
0x73: {  	s31 =	sadd.s32 $0xFFFFFF80, s7  }
0x74: {  	[spmem:s1] =	stream.indirect.scatter.add.f32 [tilespmem:s26], [sflag:$0x2], $0x80, s31, s25, $0xb8;
	[tilespmem:$0x1F880] =	vst v63  }
0x75: {  	_ =	swait.ge [sflag:s28], $0x4000  }
0x76: {  	[sflag:s28] =	ssyncset.done $0x0  }
0x77: {  	[sflag:s28] =	ssyncadd.s32 $0xFFFFC000  }
.Ltmp4:
0x78: {  	_ =	swait.ge [sflag:s19], $0x4000;
	(pc) =	sbr.rel @p2 .LBB2_8-.Ltmp4, $4  }
0x79: {  	[sflag:s19] =	ssyncset.done $0x0  }
0x7a: {  	s31 =	sadd.s32 $0x80, s16;
	[sflag:s19] =	ssyncadd.s32 $0xFFFFC000  }
0x7b: {  	[tilespmem:s26], [sflag:$0x1] =	stream.indirect.gather [hbm4b:s5+s25], $0x80, s31, s25, $0xb8;
	[tilespmem:$0x1F880] =	vst v63  }
0x7c: {  	s7 =	sadd.s32 $0x100, s7;
	s16 =	sadd.s32 $0x100, s16  }
.LBB2_9:
0x7d: {  	[spmem:s1] =	stream.indirect.scatter.add.f32 [tilespmem:s29], [sflag:$0x3], $0x80, s21, s25, $0xb8;
	[tilespmem:$0x1F880] =	vst v63  }
0x7e: {  	_ =	swait.ge [sflag:s28], $0x4000  }
0x7f: {  	[sflag:s28] =	ssyncset.done $0x0  }
0x80: {  	[sflag:s28] =	ssyncadd.s32 $0xFFFFC000  }
0x81: {  	_ =	swait.ge [sflag:s18], $0x4000  }
0x82: {  	[sflag:s18] =	ssyncset.done $0x0  }
0x83: {  	[sflag:s18] =	ssyncadd.s32 $0xFFFFC000  }
0x84: {  	[tilespmem:s29], [sflag:$0x1] =	stream.indirect.gather [hbm4b:s5+s25], $0x80, s16, s25, $0xb8;
	[tilespmem:$0x1F880] =	vst v63  }
0x85: {  	s11 =	sadd.s32 $0x80, s17  }
0x86: {  	[spmem:s1] =	stream.indirect.scatter.add.f32 [tilespmem:s26], [sflag:$0x2], $0x80, s11, s25, $0xb8;
	[tilespmem:$0x1F880] =	vst v63  }
0x87: {  	_ =	swait.ge [sflag:s28], $0x4000  }
0x88: {  	[sflag:s28] =	ssyncset.done $0x0  }
0x89: {  	[sflag:s28] =	ssyncadd.s32 $0xFFFFC000  }
0x8a: {  	_ =	swait.ge [sflag:s19], $0x4000  }
0x8b: {  	[sflag:s19] =	ssyncset.done $0x0  }
.Ltmp5:
0x8c: {  	[sflag:s19] =	ssyncadd.s32 $0xFFFFC000;
	(pc) =	sbr.rel @p1 .LBB2_11-.Ltmp5, $4  }
0x8d: {  	[spmem:s1] =	stream.indirect.scatter.add.f32 [tilespmem:s29], [sflag:$0x3], $0x80, s7, s25, $0xb8;
	[tilespmem:$0x1F880] =	vst v63  }
0x8e: {  	_ =	swait.ge [sflag:s18], $0x4000  }
0x8f: {  	[sflag:s18] =	ssyncset.done $0x0  }
0x90: {  	[sflag:s18] =	ssyncadd.s32 $0xFFFFC000  }
0x91: {  	s7 =	rddreg [dreg:$0x5]  }
0x92: {  	[tilespmem:s3], [sflag:$0x4] =	stream.linear.gather [hbm4b:s7+s3], $0x800, $0x38;
	[tilespmem:$0x1F880] =	vst v63  }
0x93: {  	_ =	swait.ge [sflag:s22], $0x800  }
0x94: {  	[sflag:s22] =	ssyncset.done $0x0  }
0x95: {  	s11 =	rddreg [dreg:$0x6];
	[sflag:s22] =	ssyncadd.s32 $0xFFFFF800  }
0x96: {  	[tilespmem:s30], [sflag:$0x4] =	stream.linear.gather [hbm4b:s11+s3], $0x800, $0x38;
	[tilespmem:$0x1F880] =	vst v63  }
0x97: {  	_ =	swait.ge [sflag:s22], $0x800  }
0x98: {  	[sflag:s22] =	ssyncset.done $0x0  }
0x99: {  	[sflag:s22] =	ssyncadd.s32 $0xFFFFF800  }
0x9a: {  	[tilespmem:s26], [sflag:$0x1] =	stream.indirect.gather [hbm4b:s5+s25], $0x80, s3, s25, $0xb8;
	[tilespmem:$0x1F880] =	vst v63  }
0x9b: {  	_ =	swait.ge [sflag:s28], $0x4000  }
0x9c: {  	[sflag:s28] =	ssyncset.done $0x0  }
0x9d: {  	[sflag:s28] =	ssyncadd.s32 $0xFFFFC000  }
0x9e: {  	[tilespmem:s29], [sflag:$0x1] =	stream.indirect.gather [hbm4b:s5+s25], $0x80, s25, s25, $0xb8;
	[tilespmem:$0x1F880] =	vst v63  }
0x9f: {  	_ = 	snop  }
0xa0: {  	[spmem:s1] =	stream.indirect.scatter.add.f32 [tilespmem:s26], [sflag:$0x2], $0x80, s30, s25, $0xb8;
	[tilespmem:$0x1F880] =	vst v63  }
0xa1: {  	_ =	swait.ge [sflag:s28], $0x4000  }
0xa2: {  	[sflag:s28] =	ssyncset.done $0x0  }
0xa3: {  	[sflag:s28] =	ssyncadd.s32 $0xFFFFC000  }
0xa4: {  	_ =	swait.ge [sflag:s19], $0x4000  }
0xa5: {  	[sflag:s19] =	ssyncset.done $0x0  }
0xa6: {  	s16 =	simm.s32 $0x100;
	[sflag:s19] =	ssyncadd.s32 $0xFFFFC000  }
0xa7: {  	[tilespmem:s26], [sflag:$0x1] =	stream.indirect.gather [hbm4b:s5+s25], $0x80, s16, s25, $0xb8;
	[tilespmem:$0x1F880] =	vst v63  }
0xa8: {  	_ = 	snop  }
0xa9: {  	[spmem:s1] =	stream.indirect.scatter.add.f32 [tilespmem:s29], [sflag:$0x3], $0x80, s0, s25, $0xb8;
	[tilespmem:$0x1F880] =	vst v63  }
0xaa: {  	_ =	swait.ge [sflag:s28], $0x4000  }
0xab: {  	[sflag:s28] =	ssyncset.done $0x0  }
0xac: {  	[sflag:s28] =	ssyncadd.s32 $0xFFFFC000  }
0xad: {  	_ =	swait.ge [sflag:s18], $0x4000  }
0xae: {  	[sflag:s18] =	ssyncset.done $0x0  }
0xaf: {  	s17 =	simm.s32 $0x180;
	[sflag:s18] =	ssyncadd.s32 $0xFFFFC000  }
0xb0: {  	[tilespmem:s29], [sflag:$0x1] =	stream.indirect.gather [hbm4b:s5+s25], $0x80, s17, s25, $0xb8;
	[tilespmem:$0x1F880] =	vst v63  }
0xb1: {  	s20 =	simm.s32 $0x2100  }
0xb2: {  	[spmem:s1] =	stream.indirect.scatter.add.f32 [tilespmem:s26], [sflag:$0x2], $0x80, s20, s25, $0xb8;
	[tilespmem:$0x1F880] =	vst v63  }
0xb3: {  	_ =	swait.ge [sflag:s28], $0x4000  }
0xb4: {  	[sflag:s28] =	ssyncset.done $0x0  }
0xb5: {  	[sflag:s28] =	ssyncadd.s32 $0xFFFFC000  }
0xb6: {  	_ =	swait.ge [sflag:s19], $0x4000  }
0xb7: {  	[sflag:s19] =	ssyncset.done $0x0  }
0xb8: {  	s21 =	simm.s32 $0x200;
	[sflag:s19] =	ssyncadd.s32 $0xFFFFC000  }
0xb9: {  	[tilespmem:s26], [sflag:$0x1] =	stream.indirect.gather [hbm4b:s5+s25], $0x80, s21, s25, $0xb8;
	[tilespmem:$0x1F880] =	vst v63  }
0xba: {  	s31 =	simm.s32 $0x2180  }
0xbb: {  	[spmem:s1] =	stream.indirect.scatter.add.f32 [tilespmem:s29], [sflag:$0x3], $0x80, s31, s25, $0xb8;
	[tilespmem:$0x1F880] =	vst v63  }
0xbc: {  	_ =	swait.ge [sflag:s28], $0x4000  }
0xbd: {  	[sflag:s28] =	ssyncset.done $0x0  }
0xbe: {  	[sflag:s28] =	ssyncadd.s32 $0xFFFFC000  }
0xbf: {  	_ =	swait.ge [sflag:s18], $0x4000  }
0xc0: {  	[sflag:s18] =	ssyncset.done $0x0  }
0xc1: {  	s11 =	simm.s32 $0x280;
	[sflag:s18] =	ssyncadd.s32 $0xFFFFC000  }
0xc2: {  	[tilespmem:s29], [sflag:$0x1] =	stream.indirect.gather [hbm4b:s5+s25], $0x80, s11, s25, $0xb8;
	[tilespmem:$0x1F880] =	vst v63  }
0xc3: {  	s16 =	simm.s32 $0x2200  }
0xc4: {  	[spmem:s1] =	stream.indirect.scatter.add.f32 [tilespmem:s26], [sflag:$0x2], $0x80, s16, s25, $0xb8;
	[tilespmem:$0x1F880] =	vst v63  }
0xc5: {  	_ =	swait.ge [sflag:s28], $0x4000  }
0xc6: {  	[sflag:s28] =	ssyncset.done $0x0  }
0xc7: {  	[sflag:s28] =	ssyncadd.s32 $0xFFFFC000  }
0xc8: {  	_ =	swait.ge [sflag:s19], $0x4000  }
0xc9: {  	[sflag:s19] =	ssyncset.done $0x0  }
0xca: {  	s17 =	simm.s32 $0x300;
	[sflag:s19] =	ssyncadd.s32 $0xFFFFC000  }
0xcb: {  	[tilespmem:s26], [sflag:$0x1] =	stream.indirect.gather [hbm4b:s5+s25], $0x80, s17, s25, $0xb8;
	[tilespmem:$0x1F880] =	vst v63  }
0xcc: {  	s20 =	simm.s32 $0x2280  }
0xcd: {  	[spmem:s1] =	stream.indirect.scatter.add.f32 [tilespmem:s29], [sflag:$0x3], $0x80, s20, s25, $0xb8;
	[tilespmem:$0x1F880] =	vst v63  }
0xce: {  	_ =	swait.ge [sflag:s28], $0x4000  }
0xcf: {  	[sflag:s28] =	ssyncset.done $0x0  }
0xd0: {  	[sflag:s28] =	ssyncadd.s32 $0xFFFFC000  }
0xd1: {  	_ =	swait.ge [sflag:s18], $0x4000  }
0xd2: {  	[sflag:s18] =	ssyncset.done $0x0  }
0xd3: {  	s21 =	simm.s32 $0x380;
	[sflag:s18] =	ssyncadd.s32 $0xFFFFC000  }
0xd4: {  	[tilespmem:s29], [sflag:$0x1] =	stream.indirect.gather [hbm4b:s5+s25], $0x80, s21, s25, $0xb8;
	[tilespmem:$0x1F880] =	vst v63  }
0xd5: {  	s31 =	simm.s32 $0x2300  }
0xd6: {  	[spmem:s1] =	stream.indirect.scatter.add.f32 [tilespmem:s26], [sflag:$0x2], $0x80, s31, s25, $0xb8;
	[tilespmem:$0x1F880] =	vst v63  }
0xd7: {  	_ =	swait.ge [sflag:s28], $0x4000  }
0xd8: {  	[sflag:s28] =	ssyncset.done $0x0  }
0xd9: {  	[sflag:s28] =	ssyncadd.s32 $0xFFFFC000  }
0xda: {  	_ =	swait.ge [sflag:s19], $0x4000  }
0xdb: {  	[sflag:s19] =	ssyncset.done $0x0  }
0xdc: {  	s11 =	simm.s32 $0x400;
	[sflag:s19] =	ssyncadd.s32 $0xFFFFC000  }
0xdd: {  	[tilespmem:s26], [sflag:$0x1] =	stream.indirect.gather [hbm4b:s5+s25], $0x80, s11, s25, $0xb8;
	[tilespmem:$0x1F880] =	vst v63  }
0xde: {  	s16 =	simm.s32 $0x2380  }
0xdf: {  	[spmem:s1] =	stream.indirect.scatter.add.f32 [tilespmem:s29], [sflag:$0x3], $0x80, s16, s25, $0xb8;
	[tilespmem:$0x1F880] =	vst v63  }
0xe0: {  	_ =	swait.ge [sflag:s28], $0x4000  }
0xe1: {  	[sflag:s28] =	ssyncset.done $0x0  }
0xe2: {  	[sflag:s28] =	ssyncadd.s32 $0xFFFFC000  }
0xe3: {  	_ =	swait.ge [sflag:s18], $0x4000  }
0xe4: {  	[sflag:s18] =	ssyncset.done $0x0  }
0xe5: {  	s17 =	simm.s32 $0x480;
	[sflag:s18] =	ssyncadd.s32 $0xFFFFC000  }
0xe6: {  	[tilespmem:s29], [sflag:$0x1] =	stream.indirect.gather [hbm4b:s5+s25], $0x80, s17, s25, $0xb8;
	[tilespmem:$0x1F880] =	vst v63  }
0xe7: {  	s20 =	simm.s32 $0x2400  }
0xe8: {  	[spmem:s1] =	stream.indirect.scatter.add.f32 [tilespmem:s26], [sflag:$0x2], $0x80, s20, s25, $0xb8;
	[tilespmem:$0x1F880] =	vst v63  }
0xe9: {  	_ =	swait.ge [sflag:s28], $0x4000  }
0xea: {  	[sflag:s28] =	ssyncset.done $0x0  }
0xeb: {  	[sflag:s28] =	ssyncadd.s32 $0xFFFFC000  }
0xec: {  	_ =	swait.ge [sflag:s19], $0x4000  }
0xed: {  	[sflag:s19] =	ssyncset.done $0x0  }
0xee: {  	s21 =	simm.s32 $0x500;
	[sflag:s19] =	ssyncadd.s32 $0xFFFFC000  }
0xef: {  	[tilespmem:s26], [sflag:$0x1] =	stream.indirect.gather [hbm4b:s5+s25], $0x80, s21, s25, $0xb8;
	[tilespmem:$0x1F880] =	vst v63  }
0xf0: {  	s31 =	simm.s32 $0x2480  }
0xf1: {  	[spmem:s1] =	stream.indirect.scatter.add.f32 [tilespmem:s29], [sflag:$0x3], $0x80, s31, s25, $0xb8;
	[tilespmem:$0x1F880] =	vst v63  }
0xf2: {  	_ =	swait.ge [sflag:s28], $0x4000  }
0xf3: {  	[sflag:s28] =	ssyncset.done $0x0  }
0xf4: {  	[sflag:s28] =	ssyncadd.s32 $0xFFFFC000  }
0xf5: {  	_ =	swait.ge [sflag:s18], $0x4000  }
0xf6: {  	[sflag:s18] =	ssyncset.done $0x0  }
0xf7: {  	s11 =	simm.s32 $0x580;
	[sflag:s18] =	ssyncadd.s32 $0xFFFFC000  }
0xf8: {  	[tilespmem:s29], [sflag:$0x1] =	stream.indirect.gather [hbm4b:s5+s25], $0x80, s11, s25, $0xb8;
	[tilespmem:$0x1F880] =	vst v63  }
0xf9: {  	s16 =	simm.s32 $0x2500  }
0xfa: {  	[spmem:s1] =	stream.indirect.scatter.add.f32 [tilespmem:s26], [sflag:$0x2], $0x80, s16, s25, $0xb8;
	[tilespmem:$0x1F880] =	vst v63  }
0xfb: {  	_ =	swait.ge [sflag:s28], $0x4000  }
0xfc: {  	[sflag:s28] =	ssyncset.done $0x0  }
0xfd: {  	[sflag:s28] =	ssyncadd.s32 $0xFFFFC000  }
0xfe: {  	_ =	swait.ge [sflag:s19], $0x4000  }
0xff: {  	[sflag:s19] =	ssyncset.done $0x0  }
0x100: {  	s17 =	simm.s32 $0x600;
	[sflag:s19] =	ssyncadd.s32 $0xFFFFC000  }
0x101: {  	[tilespmem:s26], [sflag:$0x1] =	stream.indirect.gather [hbm4b:s5+s25], $0x80, s17, s25, $0xb8;
	[tilespmem:$0x1F880] =	vst v63  }
0x102: {  	s20 =	simm.s32 $0x2580  }
0x103: {  	[spmem:s1] =	stream.indirect.scatter.add.f32 [tilespmem:s29], [sflag:$0x3], $0x80, s20, s25, $0xb8;
	[tilespmem:$0x1F880] =	vst v63  }
0x104: {  	_ =	swait.ge [sflag:s28], $0x4000  }
0x105: {  	[sflag:s28] =	ssyncset.done $0x0  }
0x106: {  	[sflag:s28] =	ssyncadd.s32 $0xFFFFC000  }
0x107: {  	_ =	swait.ge [sflag:s18], $0x4000  }
0x108: {  	[sflag:s18] =	ssyncset.done $0x0  }
0x109: {  	s21 =	simm.s32 $0x680;
	[sflag:s18] =	ssyncadd.s32 $0xFFFFC000  }
0x10a: {  	[tilespmem:s29], [sflag:$0x1] =	stream.indirect.gather [hbm4b:s5+s25], $0x80, s21, s25, $0xb8;
	[tilespmem:$0x1F880] =	vst v63  }
0x10b: {  	s31 =	simm.s32 $0x2600  }
0x10c: {  	[spmem:s1] =	stream.indirect.scatter.add.f32 [tilespmem:s26], [sflag:$0x2], $0x80, s31, s25, $0xb8;
	[tilespmem:$0x1F880] =	vst v63  }
0x10d: {  	_ =	swait.ge [sflag:s28], $0x4000  }
0x10e: {  	[sflag:s28] =	ssyncset.done $0x0  }
0x10f: {  	[sflag:s28] =	ssyncadd.s32 $0xFFFFC000  }
0x110: {  	_ =	swait.ge [sflag:s19], $0x4000  }
0x111: {  	[sflag:s19] =	ssyncset.done $0x0  }
0x112: {  	s11 =	simm.s32 $0x700;
	[sflag:s19] =	ssyncadd.s32 $0xFFFFC000  }
0x113: {  	[tilespmem:s26], [sflag:$0x1] =	stream.indirect.gather [hbm4b:s5+s25], $0x80, s11, s25, $0xb8;
	[tilespmem:$0x1F880] =	vst v63  }
0x114: {  	s16 =	simm.s32 $0x2680  }
0x115: {  	[spmem:s1] =	stream.indirect.scatter.add.f32 [tilespmem:s29], [sflag:$0x3], $0x80, s16, s25, $0xb8;
	[tilespmem:$0x1F880] =	vst v63  }
0x116: {  	_ =	swait.ge [sflag:s28], $0x4000  }
0x117: {  	[sflag:s28] =	ssyncset.done $0x0  }
0x118: {  	[sflag:s28] =	ssyncadd.s32 $0xFFFFC000  }
0x119: {  	_ =	swait.ge [sflag:s18], $0x4000  }
0x11a: {  	[sflag:s18] =	ssyncset.done $0x0  }
0x11b: {  	s17 =	simm.s32 $0x780;
	[sflag:s18] =	ssyncadd.s32 $0xFFFFC000  }
0x11c: {  	[tilespmem:s29], [sflag:$0x1] =	stream.indirect.gather [hbm4b:s5+s25], $0x80, s17, s25, $0xb8;
	[tilespmem:$0x1F880] =	vst v63  }
0x11d: {  	s20 =	simm.s32 $0x2700  }
0x11e: {  	[spmem:s1] =	stream.indirect.scatter.add.f32 [tilespmem:s26], [sflag:$0x2], $0x80, s20, s25, $0xb8;
	[tilespmem:$0x1F880] =	vst v63  }
0x11f: {  	_ =	swait.ge [sflag:s28], $0x4000  }
0x120: {  	[sflag:s28] =	ssyncset.done $0x0  }
0x121: {  	[sflag:s28] =	ssyncadd.s32 $0xFFFFC000  }
0x122: {  	_ =	swait.ge [sflag:s19], $0x4000  }
0x123: {  	[sflag:s19] =	ssyncset.done $0x0  }
0x124: {  	s21 =	simm.s32 $0x2780;
	[sflag:s19] =	ssyncadd.s32 $0xFFFFC000  }
0x125: {  	[spmem:s1] =	stream.indirect.scatter.add.f32 [tilespmem:s29], [sflag:$0x3], $0x80, s21, s25, $0xb8;
	[tilespmem:$0x1F880] =	vst v63  }
0x126: {  	_ =	swait.ge [sflag:s18], $0x4000  }
0x127: {  	[sflag:s18] =	ssyncset.done $0x0  }
0x128: {  	s31 =	sshll.u32 s2, $0x6;
	[sflag:s18] =	ssyncadd.s32 $0xFFFFC000  }
0x129: {  	s7 =	sor.u32 $0x1C04, s31;
	[bflag:$0x0] =	sbarrier.arrive $0xFFFF  }
.Ltmp6:
0x12a: {  	s11 =	sshrl.u32 s6, $0x3;
	s16 =	rddreg [dreg:$0xb];
	(pc) =	sbr.rel .LBB2_12-.Ltmp6, $4  }
0x12b: {  	[hbm:s16], [sflag:s7] =	dma.local [spmem:s11], $0x2780  }
0x12c: {  	_ =	swait.ge [sflag:s22], $0x2780  }
0x12d: {  	[sflag:s22] =	ssyncset.done $0x0  }
0x12e: {  	[sflag:s22] =	ssyncadd.s32 $0xFFFFD880  }
.LBB2_2:
0x12f: {  	s17 =	simm.s32 @p1 $0x1FC4;
	s20 =	rddreg [dreg:$0x4]  }
0x130: {  	[spmem:s16], [sflag:s17] =	dma.local @p1 [hbm:s20], $0x2080  }
0x131: {  	s16 =	simm.s32 @p1 $0x4  }
0x132: {  	_ =	swait.ge @p1 [sflag:s16], $0x2080  }
0x133: {  	[sflag:s16] =	ssyncset.done @p1 $0x0  }
0x134: {  	[sflag:s16] =	ssyncadd.s32 @p1 $0xFFFFDF80  }
0x135: {  	s17 =	simm.s32 @p1 $0x0;
	[bflag:$0x0] =	sbarrier.arrive @p1 $0xFFFF  }
0x136: {  	[tilespmem:s17], [sflag:$0x4] =	stream.linear.gather @p1 [hbm4b:s12+s17], $0x1800, $0x38;
	[tilespmem:$0x1F880] =	vst v63  }
0x137: {  	_ =	swait.ge @p1 [sflag:s16], $0x1800  }
0x138: {  	[sflag:s16] =	ssyncset.done @p1 $0x0  }
0x139: {  	s20 =	simm.s32 @p1 $0x1800;
	[sflag:s16] =	ssyncadd.s32 @p1 $0xFFFFE800  }
0x13a: {  	[tilespmem:s20], [sflag:$0x4] =	stream.linear.gather @p1 [hbm4b:s13+s17], $0x100, $0x38;
	[tilespmem:$0x1F880] =	vst v63  }
0x13b: {  	_ =	swait.ge @p1 [sflag:s16], $0x100  }
0x13c: {  	[sflag:s16] =	ssyncset.done @p1 $0x0  }
0x13d: {  	s20 =	simm.s32 @p1 $0x2000;
	[sflag:s16] =	ssyncadd.s32 @p1 $0xFFFFFF00  }
0x13e: {  	[tilespmem:s20], [sflag:$0x4] =	stream.linear.gather @p1 [hbm4b:s14+s17], $0x1800, $0x38;
	[tilespmem:$0x1F880] =	vst v63  }
0x13f: {  	_ =	swait.ge @p1 [sflag:s16], $0x1800  }
0x140: {  	[sflag:s16] =	ssyncset.done @p1 $0x0  }
0x141: {  	s20 =	simm.s32 @p1 $0x3800;
	[sflag:s16] =	ssyncadd.s32 @p1 $0xFFFFE800  }
0x142: {  	[tilespmem:s20], [sflag:$0x4] =	stream.linear.gather @p1 [hbm4b:s15+s17], $0x100, $0x38;
	[tilespmem:$0x1F880] =	vst v63  }
0x143: {  	_ =	swait.ge @p1 [sflag:s16], $0x100  }
0x144: {  	[sflag:s16] =	ssyncset.done @p1 $0x0  }
0x145: {  	s11 =	sor.u32 @!p1 $0x1C04, s11;
	[sflag:s16] =	ssyncadd.s32 @p1 $0xFFFFFF00;
	s16 =	rddreg [dreg:$0x3]  }
0x146: {  	[spmem:s7], [sflag:s11] =	dma.local @!p1 [hbm:s16], $0x2780  }
0x147: {  	s7 =	simm.s32 @!p1 $0x4  }
0x148: {  	_ =	swait.ge @!p1 [sflag:s7], $0x2780  }
0x149: {  	[sflag:s7] =	ssyncset.done @!p1 $0x0  }
0x14a: {  	[sflag:s7] =	ssyncadd.s32 @!p1 $0xFFFFD880  }
0x14b: {  	s11 =	simm.s32 @!p1 $0x0;
	[bflag:$0x0] =	sbarrier.arrive @!p1 $0xFFFF  }
0x14c: {  	[tilespmem:s11], [sflag:$0x4] =	stream.linear.gather @!p1 [hbm4b:s8+s11], $0x2000, $0x38;
	[tilespmem:$0x1F880] =	vst v63  }
0x14d: {  	_ =	swait.ge @!p1 [sflag:s7], $0x2000  }
0x14e: {  	[sflag:s7] =	ssyncset.done @!p1 $0x0  }
0x14f: {  	s16 =	simm.s32 @!p1 $0x2000;
	[sflag:s7] =	ssyncadd.s32 @!p1 $0xFFFFE000  }
0x150: {  	[tilespmem:s16], [sflag:$0x4] =	stream.linear.gather @!p1 [hbm4b:s9+s11], $0x2000, $0x38;
	[tilespmem:$0x1F880] =	vst v63  }
0x151: {  	_ =	swait.ge @!p1 [sflag:s7], $0x2000  }
0x152: {  	[sflag:s7] =	ssyncset.done @!p1 $0x0  }
0x153: {  	[sflag:s7] =	ssyncadd.s32 @!p1 $0xFFFFE000  }
0x154: {  	[tilespmem:s26], [sflag:$0x1] =	stream.indirect.gather [hbm4b:s4+s25], $0x80, s3, s25, $0xb8;
	[tilespmem:$0x1F880] =	vst v63  }
0x155: {  	_ =	swait.ge [sflag:s28], $0x4000  }
0x156: {  	[sflag:s28] =	ssyncset.done $0x0  }
0x157: {  	[sflag:s28] =	ssyncadd.s32 $0xFFFFC000  }
0x158: {  	[tilespmem:s29], [sflag:$0x1] =	stream.indirect.gather [hbm4b:s4+s25], $0x80, s25, s25, $0xb8;
	[tilespmem:$0x1F880] =	vst v63  }
0x159: {  	_ = 	snop  }
0x15a: {  	[spmem:s1] =	stream.indirect.scatter.add.f32 [tilespmem:s26], [sflag:$0x2], $0x80, s30, s25, $0xb8;
	[tilespmem:$0x1F880] =	vst v63  }
0x15b: {  	_ =	swait.ge [sflag:s28], $0x4000  }
0x15c: {  	[sflag:s28] =	ssyncset.done $0x0  }
0x15d: {  	s16 =	simm.s32 $0x2;
	[sflag:s28] =	ssyncadd.s32 $0xFFFFC000  }
0x15e: {  	_ =	swait.ge [sflag:s16], $0x4000  }
0x15f: {  	[sflag:s16] =	ssyncset.done $0x0  }
0x160: {  	s17 =	simm.s32 $0x100;
	[sflag:s16] =	ssyncadd.s32 $0xFFFFC000  }
0x161: {  	[tilespmem:s26], [sflag:$0x1] =	stream.indirect.gather [hbm4b:s4+s25], $0x80, s17, s25, $0xb8;
	[tilespmem:$0x1F880] =	vst v63  }
0x162: {  	_ = 	snop  }
0x163: {  	[spmem:s1] =	stream.indirect.scatter.add.f32 [tilespmem:s29], [sflag:$0x3], $0x80, s0, s25, $0xb8;
	[tilespmem:$0x1F880] =	vst v63  }
0x164: {  	_ =	swait.ge [sflag:s28], $0x4000  }
0x165: {  	[sflag:s28] =	ssyncset.done $0x0  }
0x166: {  	[sflag:s28] =	ssyncadd.s32 $0xFFFFC000  }
0x167: {  	_ =	swait.ge [sflag:s18], $0x4000  }
0x168: {  	[sflag:s18] =	ssyncset.done $0x0  }
0x169: {  	s20 =	simm.s32 $0x180;
	[sflag:s18] =	ssyncadd.s32 $0xFFFFC000  }
0x16a: {  	[tilespmem:s29], [sflag:$0x1] =	stream.indirect.gather [hbm4b:s4+s25], $0x80, s20, s25, $0xb8;
	[tilespmem:$0x1F880] =	vst v63  }
0x16b: {  	s21 =	simm.s32 $0x2100;
	s11 =	simm.s32 @!p1 $0x20  }
0x16c: {  	[spmem:s1] =	stream.indirect.scatter.add.f32 [tilespmem:s26], [sflag:$0x2], $0x80, s21, s25, $0xb8;
	[tilespmem:$0x1F880] =	vst v63  }
0x16d: {  	s11 =	simm.s32 @p1 $0x19;
	_ =	swait.ge [sflag:s28], $0x4000  }
0x16e: {  	p2 =	sne.s32 s11, $0x3;
	[sflag:s28] =	ssyncset.done $0x0  }
.Ltmp7:
0x16f: {  	[sflag:s28] =	ssyncadd.s32 $0xFFFFC000;
	(pc) =	sbr.rel @!p2 .LBB2_4-.Ltmp7, $4  }
0x170: {  	s31 =	simm.s32 $0x200;
	s7 =	simm.s32 $0x2280;
	_ =	swait.ge [sflag:s19], $0x4000  }
0x171: {  	s16 =	simm.s32 $0x280;
	s17 =	simm.s32 $0x2180;
	[sflag:s19] =	ssyncset.done $0x0  }
0x172: {  	s20 =	simm.s32 $0x3;
	s21 =	simm.s32 $0x2180;
	[sflag:s19] =	ssyncadd.s32 $0xFFFFC000  }
0x173: {  	[tilespmem:s26], [sflag:$0x1] =	stream.indirect.gather [hbm4b:s4+s25], $0x80, s31, s25, $0xb8;
	[tilespmem:$0x1F880] =	vst v63  }
.LBB2_3:
0x174: {  	s17 =	smov.u32 s7  }
0x175: {  	[spmem:s1] =	stream.indirect.scatter.add.f32 [tilespmem:s29], [sflag:$0x3], $0x80, s21, s25, $0xb8;
	[tilespmem:$0x1F880] =	vst v63  }
0x176: {  	s20 =	sadd.s32 $0x1, s20;
	s21 =	smov.u32 s7;
	_ =	swait.ge [sflag:s28], $0x4000  }
0x177: {  	p2 =	sne.s32 s11, s20;
	[sflag:s28] =	ssyncset.done $0x0  }
0x178: {  	[sflag:s28] =	ssyncadd.s32 $0xFFFFC000  }
0x179: {  	_ =	swait.ge [sflag:s18], $0x4000  }
0x17a: {  	[sflag:s18] =	ssyncset.done $0x0  }
0x17b: {  	[sflag:s18] =	ssyncadd.s32 $0xFFFFC000  }
0x17c: {  	[tilespmem:s29], [sflag:$0x1] =	stream.indirect.gather [hbm4b:s4+s25], $0x80, s16, s25, $0xb8;
	[tilespmem:$0x1F880] =	vst v63  }
0x17d: {  	s31 =	sadd.s32 $0xFFFFFF80, s7  }
0x17e: {  	[spmem:s1] =	stream.indirect.scatter.add.f32 [tilespmem:s26], [sflag:$0x2], $0x80, s31, s25, $0xb8;
	[tilespmem:$0x1F880] =	vst v63  }
0x17f: {  	_ =	swait.ge [sflag:s28], $0x4000  }
0x180: {  	[sflag:s28] =	ssyncset.done $0x0  }
0x181: {  	[sflag:s28] =	ssyncadd.s32 $0xFFFFC000  }
.Ltmp8:
0x182: {  	_ =	swait.ge [sflag:s19], $0x4000;
	(pc) =	sbr.rel @p2 .LBB2_3-.Ltmp8, $4  }
0x183: {  	[sflag:s19] =	ssyncset.done $0x0  }
0x184: {  	s31 =	sadd.s32 $0x80, s16;
	[sflag:s19] =	ssyncadd.s32 $0xFFFFC000  }
0x185: {  	[tilespmem:s26], [sflag:$0x1] =	stream.indirect.gather [hbm4b:s4+s25], $0x80, s31, s25, $0xb8;
	[tilespmem:$0x1F880] =	vst v63  }
0x186: {  	s7 =	sadd.s32 $0x100, s7;
	s16 =	sadd.s32 $0x100, s16  }
.LBB2_4:
0x187: {  	[spmem:s1] =	stream.indirect.scatter.add.f32 [tilespmem:s29], [sflag:$0x3], $0x80, s21, s25, $0xb8;
	[tilespmem:$0x1F880] =	vst v63  }
0x188: {  	_ =	swait.ge [sflag:s28], $0x4000  }
0x189: {  	[sflag:s28] =	ssyncset.done $0x0  }
0x18a: {  	[sflag:s28] =	ssyncadd.s32 $0xFFFFC000  }
0x18b: {  	_ =	swait.ge [sflag:s18], $0x4000  }
0x18c: {  	[sflag:s18] =	ssyncset.done $0x0  }
0x18d: {  	[sflag:s18] =	ssyncadd.s32 $0xFFFFC000  }
0x18e: {  	[tilespmem:s29], [sflag:$0x1] =	stream.indirect.gather [hbm4b:s4+s25], $0x80, s16, s25, $0xb8;
	[tilespmem:$0x1F880] =	vst v63  }
0x18f: {  	s11 =	sadd.s32 $0x80, s17  }
0x190: {  	[spmem:s1] =	stream.indirect.scatter.add.f32 [tilespmem:s26], [sflag:$0x2], $0x80, s11, s25, $0xb8;
	[tilespmem:$0x1F880] =	vst v63  }
0x191: {  	_ =	swait.ge [sflag:s28], $0x4000  }
0x192: {  	[sflag:s28] =	ssyncset.done $0x0  }
0x193: {  	[sflag:s28] =	ssyncadd.s32 $0xFFFFC000  }
0x194: {  	_ =	swait.ge [sflag:s19], $0x4000  }
0x195: {  	[sflag:s19] =	ssyncset.done $0x0  }
.Ltmp9:
0x196: {  	[sflag:s19] =	ssyncadd.s32 $0xFFFFC000;
	(pc) =	sbr.rel @!p1 .LBB2_5-.Ltmp9, $4  }
0x197: {  	[spmem:s1] =	stream.indirect.scatter.add.f32 [tilespmem:s29], [sflag:$0x3], $0x80, s7, s25, $0xb8;
	[tilespmem:$0x1F880] =	vst v63  }
0x198: {  	_ =	swait.ge [sflag:s18], $0x4000  }
0x199: {  	[sflag:s18] =	ssyncset.done $0x0  }
0x19a: {  	[sflag:s18] =	ssyncadd.s32 $0xFFFFC000  }
0x19b: {  	[bflag:$0x0] =	sbarrier.arrive $0xFFFF;
	s7 =	sshrl.u32 s10, $0x3  }
.Ltmp10:
0x19c: {  	s16 =	simm.s32 $0x1FC4;
	s11 =	rddreg [dreg:$0x8];
	(pc) =	sbr.rel .LBB2_12-.Ltmp10, $4  }
0x19d: {  	[hbm:s11], [sflag:s16] =	dma.local [spmem:s7], $0x2080  }
0x19e: {  	_ =	swait.ge [sflag:s22], $0x2080  }
0x19f: {  	[sflag:s22] =	ssyncset.done $0x0  }
0x1a0: {  	[sflag:s22] =	ssyncadd.s32 $0xFFFFDF80  }
.LBB2_5:
0x1a1: {  	s7 =	rddreg [dreg:$0x5]  }
0x1a2: {  	[tilespmem:s3], [sflag:$0x4] =	stream.linear.gather [hbm4b:s7+s3], $0x800, $0x38;
	[tilespmem:$0x1F880] =	vst v63  }
0x1a3: {  	_ =	swait.ge [sflag:s22], $0x800  }
0x1a4: {  	[sflag:s22] =	ssyncset.done $0x0  }
0x1a5: {  	s11 =	rddreg [dreg:$0x6];
	[sflag:s22] =	ssyncadd.s32 $0xFFFFF800  }
0x1a6: {  	[tilespmem:s30], [sflag:$0x4] =	stream.linear.gather [hbm4b:s11+s3], $0x800, $0x38;
	[tilespmem:$0x1F880] =	vst v63  }
0x1a7: {  	_ =	swait.ge [sflag:s22], $0x800  }
0x1a8: {  	[sflag:s22] =	ssyncset.done $0x0  }
0x1a9: {  	[sflag:s22] =	ssyncadd.s32 $0xFFFFF800  }
0x1aa: {  	[tilespmem:s26], [sflag:$0x1] =	stream.indirect.gather [hbm4b:s4+s25], $0x80, s3, s25, $0xb8;
	[tilespmem:$0x1F880] =	vst v63  }
0x1ab: {  	_ =	swait.ge [sflag:s28], $0x4000  }
0x1ac: {  	[sflag:s28] =	ssyncset.done $0x0  }
0x1ad: {  	[sflag:s28] =	ssyncadd.s32 $0xFFFFC000  }
0x1ae: {  	[tilespmem:s29], [sflag:$0x1] =	stream.indirect.gather [hbm4b:s4+s25], $0x80, s25, s25, $0xb8;
	[tilespmem:$0x1F880] =	vst v63  }
0x1af: {  	_ = 	snop  }
0x1b0: {  	[spmem:s1] =	stream.indirect.scatter.add.f32 [tilespmem:s26], [sflag:$0x2], $0x80, s30, s25, $0xb8;
	[tilespmem:$0x1F880] =	vst v63  }
0x1b1: {  	_ =	swait.ge [sflag:s28], $0x4000  }
0x1b2: {  	[sflag:s28] =	ssyncset.done $0x0  }
0x1b3: {  	[sflag:s28] =	ssyncadd.s32 $0xFFFFC000  }
0x1b4: {  	_ =	swait.ge [sflag:s19], $0x4000  }
0x1b5: {  	[sflag:s19] =	ssyncset.done $0x0  }
0x1b6: {  	s16 =	simm.s32 $0x100;
	[sflag:s19] =	ssyncadd.s32 $0xFFFFC000  }
0x1b7: {  	[tilespmem:s26], [sflag:$0x1] =	stream.indirect.gather [hbm4b:s4+s25], $0x80, s16, s25, $0xb8;
	[tilespmem:$0x1F880] =	vst v63  }
0x1b8: {  	_ = 	snop  }
0x1b9: {  	[spmem:s1] =	stream.indirect.scatter.add.f32 [tilespmem:s29], [sflag:$0x3], $0x80, s0, s25, $0xb8;
	[tilespmem:$0x1F880] =	vst v63  }
0x1ba: {  	_ =	swait.ge [sflag:s28], $0x4000  }
0x1bb: {  	[sflag:s28] =	ssyncset.done $0x0  }
0x1bc: {  	[sflag:s28] =	ssyncadd.s32 $0xFFFFC000  }
0x1bd: {  	_ =	swait.ge [sflag:s18], $0x4000  }
0x1be: {  	[sflag:s18] =	ssyncset.done $0x0  }
0x1bf: {  	s17 =	simm.s32 $0x180;
	[sflag:s18] =	ssyncadd.s32 $0xFFFFC000  }
0x1c0: {  	[tilespmem:s29], [sflag:$0x1] =	stream.indirect.gather [hbm4b:s4+s25], $0x80, s17, s25, $0xb8;
	[tilespmem:$0x1F880] =	vst v63  }
0x1c1: {  	s20 =	simm.s32 $0x2100  }
0x1c2: {  	[spmem:s1] =	stream.indirect.scatter.add.f32 [tilespmem:s26], [sflag:$0x2], $0x80, s20, s25, $0xb8;
	[tilespmem:$0x1F880] =	vst v63  }
0x1c3: {  	_ =	swait.ge [sflag:s28], $0x4000  }
0x1c4: {  	[sflag:s28] =	ssyncset.done $0x0  }
0x1c5: {  	[sflag:s28] =	ssyncadd.s32 $0xFFFFC000  }
0x1c6: {  	_ =	swait.ge [sflag:s19], $0x4000  }
0x1c7: {  	[sflag:s19] =	ssyncset.done $0x0  }
0x1c8: {  	s21 =	simm.s32 $0x200;
	[sflag:s19] =	ssyncadd.s32 $0xFFFFC000  }
0x1c9: {  	[tilespmem:s26], [sflag:$0x1] =	stream.indirect.gather [hbm4b:s4+s25], $0x80, s21, s25, $0xb8;
	[tilespmem:$0x1F880] =	vst v63  }
0x1ca: {  	s31 =	simm.s32 $0x2180  }
0x1cb: {  	[spmem:s1] =	stream.indirect.scatter.add.f32 [tilespmem:s29], [sflag:$0x3], $0x80, s31, s25, $0xb8;
	[tilespmem:$0x1F880] =	vst v63  }
0x1cc: {  	_ =	swait.ge [sflag:s28], $0x4000  }
0x1cd: {  	[sflag:s28] =	ssyncset.done $0x0  }
0x1ce: {  	[sflag:s28] =	ssyncadd.s32 $0xFFFFC000  }
0x1cf: {  	_ =	swait.ge [sflag:s18], $0x4000  }
0x1d0: {  	[sflag:s18] =	ssyncset.done $0x0  }
0x1d1: {  	s11 =	simm.s32 $0x280;
	[sflag:s18] =	ssyncadd.s32 $0xFFFFC000  }
0x1d2: {  	[tilespmem:s29], [sflag:$0x1] =	stream.indirect.gather [hbm4b:s4+s25], $0x80, s11, s25, $0xb8;
	[tilespmem:$0x1F880] =	vst v63  }
0x1d3: {  	s16 =	simm.s32 $0x2200  }
0x1d4: {  	[spmem:s1] =	stream.indirect.scatter.add.f32 [tilespmem:s26], [sflag:$0x2], $0x80, s16, s25, $0xb8;
	[tilespmem:$0x1F880] =	vst v63  }
0x1d5: {  	_ =	swait.ge [sflag:s28], $0x4000  }
0x1d6: {  	[sflag:s28] =	ssyncset.done $0x0  }
0x1d7: {  	[sflag:s28] =	ssyncadd.s32 $0xFFFFC000  }
0x1d8: {  	_ =	swait.ge [sflag:s19], $0x4000  }
0x1d9: {  	[sflag:s19] =	ssyncset.done $0x0  }
0x1da: {  	s17 =	simm.s32 $0x300;
	[sflag:s19] =	ssyncadd.s32 $0xFFFFC000  }
0x1db: {  	[tilespmem:s26], [sflag:$0x1] =	stream.indirect.gather [hbm4b:s4+s25], $0x80, s17, s25, $0xb8;
	[tilespmem:$0x1F880] =	vst v63  }
0x1dc: {  	s20 =	simm.s32 $0x2280  }
0x1dd: {  	[spmem:s1] =	stream.indirect.scatter.add.f32 [tilespmem:s29], [sflag:$0x3], $0x80, s20, s25, $0xb8;
	[tilespmem:$0x1F880] =	vst v63  }
0x1de: {  	_ =	swait.ge [sflag:s28], $0x4000  }
0x1df: {  	[sflag:s28] =	ssyncset.done $0x0  }
0x1e0: {  	[sflag:s28] =	ssyncadd.s32 $0xFFFFC000  }
0x1e1: {  	_ =	swait.ge [sflag:s18], $0x4000  }
0x1e2: {  	[sflag:s18] =	ssyncset.done $0x0  }
0x1e3: {  	s21 =	simm.s32 $0x380;
	[sflag:s18] =	ssyncadd.s32 $0xFFFFC000  }
0x1e4: {  	[tilespmem:s29], [sflag:$0x1] =	stream.indirect.gather [hbm4b:s4+s25], $0x80, s21, s25, $0xb8;
	[tilespmem:$0x1F880] =	vst v63  }
0x1e5: {  	s31 =	simm.s32 $0x2300  }
0x1e6: {  	[spmem:s1] =	stream.indirect.scatter.add.f32 [tilespmem:s26], [sflag:$0x2], $0x80, s31, s25, $0xb8;
	[tilespmem:$0x1F880] =	vst v63  }
0x1e7: {  	_ =	swait.ge [sflag:s28], $0x4000  }
0x1e8: {  	[sflag:s28] =	ssyncset.done $0x0  }
0x1e9: {  	[sflag:s28] =	ssyncadd.s32 $0xFFFFC000  }
0x1ea: {  	_ =	swait.ge [sflag:s19], $0x4000  }
0x1eb: {  	[sflag:s19] =	ssyncset.done $0x0  }
0x1ec: {  	s11 =	simm.s32 $0x400;
	[sflag:s19] =	ssyncadd.s32 $0xFFFFC000  }
0x1ed: {  	[tilespmem:s26], [sflag:$0x1] =	stream.indirect.gather [hbm4b:s4+s25], $0x80, s11, s25, $0xb8;
	[tilespmem:$0x1F880] =	vst v63  }
0x1ee: {  	s16 =	simm.s32 $0x2380  }
0x1ef: {  	[spmem:s1] =	stream.indirect.scatter.add.f32 [tilespmem:s29], [sflag:$0x3], $0x80, s16, s25, $0xb8;
	[tilespmem:$0x1F880] =	vst v63  }
0x1f0: {  	_ =	swait.ge [sflag:s28], $0x4000  }
0x1f1: {  	[sflag:s28] =	ssyncset.done $0x0  }
0x1f2: {  	[sflag:s28] =	ssyncadd.s32 $0xFFFFC000  }
0x1f3: {  	_ =	swait.ge [sflag:s18], $0x4000  }
0x1f4: {  	[sflag:s18] =	ssyncset.done $0x0  }
0x1f5: {  	s17 =	simm.s32 $0x480;
	[sflag:s18] =	ssyncadd.s32 $0xFFFFC000  }
0x1f6: {  	[tilespmem:s29], [sflag:$0x1] =	stream.indirect.gather [hbm4b:s4+s25], $0x80, s17, s25, $0xb8;
	[tilespmem:$0x1F880] =	vst v63  }
0x1f7: {  	s20 =	simm.s32 $0x2400  }
0x1f8: {  	[spmem:s1] =	stream.indirect.scatter.add.f32 [tilespmem:s26], [sflag:$0x2], $0x80, s20, s25, $0xb8;
	[tilespmem:$0x1F880] =	vst v63  }
0x1f9: {  	_ =	swait.ge [sflag:s28], $0x4000  }
0x1fa: {  	[sflag:s28] =	ssyncset.done $0x0  }
0x1fb: {  	[sflag:s28] =	ssyncadd.s32 $0xFFFFC000  }
0x1fc: {  	_ =	swait.ge [sflag:s19], $0x4000  }
0x1fd: {  	[sflag:s19] =	ssyncset.done $0x0  }
0x1fe: {  	s21 =	simm.s32 $0x500;
	[sflag:s19] =	ssyncadd.s32 $0xFFFFC000  }
0x1ff: {  	[tilespmem:s26], [sflag:$0x1] =	stream.indirect.gather [hbm4b:s4+s25], $0x80, s21, s25, $0xb8;
	[tilespmem:$0x1F880] =	vst v63  }
0x200: {  	s31 =	simm.s32 $0x2480  }
0x201: {  	[spmem:s1] =	stream.indirect.scatter.add.f32 [tilespmem:s29], [sflag:$0x3], $0x80, s31, s25, $0xb8;
	[tilespmem:$0x1F880] =	vst v63  }
0x202: {  	_ =	swait.ge [sflag:s28], $0x4000  }
0x203: {  	[sflag:s28] =	ssyncset.done $0x0  }
0x204: {  	[sflag:s28] =	ssyncadd.s32 $0xFFFFC000  }
0x205: {  	_ =	swait.ge [sflag:s18], $0x4000  }
0x206: {  	[sflag:s18] =	ssyncset.done $0x0  }
0x207: {  	s11 =	simm.s32 $0x580;
	[sflag:s18] =	ssyncadd.s32 $0xFFFFC000  }
0x208: {  	[tilespmem:s29], [sflag:$0x1] =	stream.indirect.gather [hbm4b:s4+s25], $0x80, s11, s25, $0xb8;
	[tilespmem:$0x1F880] =	vst v63  }
0x209: {  	s16 =	simm.s32 $0x2500  }
0x20a: {  	[spmem:s1] =	stream.indirect.scatter.add.f32 [tilespmem:s26], [sflag:$0x2], $0x80, s16, s25, $0xb8;
	[tilespmem:$0x1F880] =	vst v63  }
0x20b: {  	_ =	swait.ge [sflag:s28], $0x4000  }
0x20c: {  	[sflag:s28] =	ssyncset.done $0x0  }
0x20d: {  	[sflag:s28] =	ssyncadd.s32 $0xFFFFC000  }
0x20e: {  	_ =	swait.ge [sflag:s19], $0x4000  }
0x20f: {  	[sflag:s19] =	ssyncset.done $0x0  }
0x210: {  	s17 =	simm.s32 $0x600;
	[sflag:s19] =	ssyncadd.s32 $0xFFFFC000  }
0x211: {  	[tilespmem:s26], [sflag:$0x1] =	stream.indirect.gather [hbm4b:s4+s25], $0x80, s17, s25, $0xb8;
	[tilespmem:$0x1F880] =	vst v63  }
0x212: {  	s20 =	simm.s32 $0x2580  }
0x213: {  	[spmem:s1] =	stream.indirect.scatter.add.f32 [tilespmem:s29], [sflag:$0x3], $0x80, s20, s25, $0xb8;
	[tilespmem:$0x1F880] =	vst v63  }
0x214: {  	_ =	swait.ge [sflag:s28], $0x4000  }
0x215: {  	[sflag:s28] =	ssyncset.done $0x0  }
0x216: {  	[sflag:s28] =	ssyncadd.s32 $0xFFFFC000  }
0x217: {  	_ =	swait.ge [sflag:s18], $0x4000  }
0x218: {  	[sflag:s18] =	ssyncset.done $0x0  }
0x219: {  	s21 =	simm.s32 $0x680;
	[sflag:s18] =	ssyncadd.s32 $0xFFFFC000  }
0x21a: {  	[tilespmem:s29], [sflag:$0x1] =	stream.indirect.gather [hbm4b:s4+s25], $0x80, s21, s25, $0xb8;
	[tilespmem:$0x1F880] =	vst v63  }
0x21b: {  	s31 =	simm.s32 $0x2600  }
0x21c: {  	[spmem:s1] =	stream.indirect.scatter.add.f32 [tilespmem:s26], [sflag:$0x2], $0x80, s31, s25, $0xb8;
	[tilespmem:$0x1F880] =	vst v63  }
0x21d: {  	_ =	swait.ge [sflag:s28], $0x4000  }
0x21e: {  	[sflag:s28] =	ssyncset.done $0x0  }
0x21f: {  	[sflag:s28] =	ssyncadd.s32 $0xFFFFC000  }
0x220: {  	_ =	swait.ge [sflag:s19], $0x4000  }
0x221: {  	[sflag:s19] =	ssyncset.done $0x0  }
0x222: {  	s11 =	simm.s32 $0x700;
	[sflag:s19] =	ssyncadd.s32 $0xFFFFC000  }
0x223: {  	[tilespmem:s26], [sflag:$0x1] =	stream.indirect.gather [hbm4b:s4+s25], $0x80, s11, s25, $0xb8;
	[tilespmem:$0x1F880] =	vst v63  }
0x224: {  	s16 =	simm.s32 $0x2680  }
0x225: {  	[spmem:s1] =	stream.indirect.scatter.add.f32 [tilespmem:s29], [sflag:$0x3], $0x80, s16, s25, $0xb8;
	[tilespmem:$0x1F880] =	vst v63  }
0x226: {  	_ =	swait.ge [sflag:s28], $0x4000  }
0x227: {  	[sflag:s28] =	ssyncset.done $0x0  }
0x228: {  	[sflag:s28] =	ssyncadd.s32 $0xFFFFC000  }
0x229: {  	_ =	swait.ge [sflag:s18], $0x4000  }
0x22a: {  	[sflag:s18] =	ssyncset.done $0x0  }
0x22b: {  	s17 =	simm.s32 $0x780;
	[sflag:s18] =	ssyncadd.s32 $0xFFFFC000  }
0x22c: {  	[tilespmem:s29], [sflag:$0x1] =	stream.indirect.gather [hbm4b:s4+s25], $0x80, s17, s25, $0xb8;
	[tilespmem:$0x1F880] =	vst v63  }
0x22d: {  	s20 =	simm.s32 $0x2700  }
0x22e: {  	[spmem:s1] =	stream.indirect.scatter.add.f32 [tilespmem:s26], [sflag:$0x2], $0x80, s20, s25, $0xb8;
	[tilespmem:$0x1F880] =	vst v63  }
0x22f: {  	_ =	swait.ge [sflag:s28], $0x4000  }
0x230: {  	[sflag:s28] =	ssyncset.done $0x0  }
0x231: {  	[sflag:s28] =	ssyncadd.s32 $0xFFFFC000  }
0x232: {  	_ =	swait.ge [sflag:s19], $0x4000  }
0x233: {  	[sflag:s19] =	ssyncset.done $0x0  }
0x234: {  	s21 =	simm.s32 $0x2780;
	[sflag:s19] =	ssyncadd.s32 $0xFFFFC000  }
0x235: {  	[spmem:s1] =	stream.indirect.scatter.add.f32 [tilespmem:s29], [sflag:$0x3], $0x80, s21, s25, $0xb8;
	[tilespmem:$0x1F880] =	vst v63  }
0x236: {  	_ =	swait.ge [sflag:s18], $0x4000  }
0x237: {  	[sflag:s18] =	ssyncset.done $0x0  }
0x238: {  	s31 =	sshll.u32 s2, $0x6;
	[sflag:s18] =	ssyncadd.s32 $0xFFFFC000  }
0x239: {  	s7 =	sor.u32 $0x1C04, s31;
	[bflag:$0x0] =	sbarrier.arrive $0xFFFF  }
.Ltmp11:
0x23a: {  	s11 =	sshrl.u32 s6, $0x3;
	s16 =	rddreg [dreg:$0x7];
	(pc) =	sbr.rel .LBB2_12-.Ltmp11, $4  }
0x23b: {  	[hbm:s16], [sflag:s7] =	dma.local [spmem:s11], $0x2780  }
0x23c: {  	_ =	swait.ge [sflag:s22], $0x2780  }
0x23d: {  	[sflag:s22] =	ssyncset.done $0x0  }
0x23e: {  	[sflag:s22] =	ssyncadd.s32 $0xFFFFD880  }
.LBB2_13:
0x23f: {  	_ =	sfence.sel $0x180000  }
0x240: {  	[bflag:$0x0] =	sbarrier.arrive $0xFFFF  }
0x241: {  	_ =	strace $0x9000004A  }
0x242: {  	[bflag:$0x2] =	sbarrier.arrive $0xFFFF  }
0x243: {  	p0 =	sne.s32 s2, $0x0;
	s0 =	rddreg [dreg:$0x2]  }
0x244: {  	s0 =	sadd.s32 @!p0 $0x100000, s0  }
0x245: {  	[sflag:s0] =	ssyncadd.tile.s32 @!p0 $0x1;
	_ =	shalt  }
.Lfunc_end2:
_tile_overlayer_lowered:
.L_overlay_start_2:
0x246: {  	(tag) =	ssettag $0x2  }
0x247: {  	s0 =	rddreg [dreg:$0x0];
	s2 =	stileid.u32  }
0x248: {  	s1 =	rddreg [dreg:$0x1];
	p0 =	sne.s32 s2, $0x0  }
0x249: {  	s3 =	rddreg [dreg:$0x2];
	[bflag:$0x3] =	sbarrier.arrive $0xFFFF;
	s2 =	simm.s32 @!p0 $0x1C04  }
0x24a: {  	[timem:s3], [sflag:s2] =	dma.local @!p0 [hbm:s0], s1  }
0x24b: {  	s0 =	simm.s32 @!p0 $0x4  }
0x24c: {  	_ =	swait.ge @!p0 [sflag:s0], s1  }
0x24d: {  	s1 =	ssub.s32 @!p0 $0x0, s1;
	[sflag:s0] =	ssyncset.done @!p0 $0x0  }
0x24e: {  	[sflag:s0] =	ssyncadd.s32 @!p0 s1  }
0x24f: {  	[bflag:$0x3] =	sbarrier.arrive $0xFFFF  }
0x250: {  	_ =	shalt  }

// kernel: kernel.14.cloned.1.call-start
scs
__scs_entry_jumppad:
0x0: {  	(pc) =	sbr.rel $0x88, $3  }
0x1: {  	(tag) =	ssettag $0x0;
	lr =	simm.s32 $0x1  }
0x2: {  	[smem:$0x3F96] =	sst lr;
	_ =	strace $0xD0000000  }
0x3: {  	_ = 	snop  }
0x4: {  	_ = 	snop  }
0x5: {  	_ = 	snop  }
0x6: {  	_ = 	snop  }
0x7: {  	_ = 	snop  }
__scs_overlays_trampoline_lowered:
0x8: {  	[smem:$0x3FA5] =	sst s0  }
0x9: {  	[smem:$0x3FA6] =	sst s1  }
0xa: {  	[smem:$0x3FA7] =	sst s2  }
0xb: {  	[smem:$0x3FA8] =	sst s3  }
0xc: {  	[smem:$0x3FA9] =	sst s4  }
0xd: {  	[smem:$0x3FAA] =	sst s5  }
0xe: {  	[smem:$0x3FAB] =	sst s6  }
0xf: {  	[smem:$0x3FAC] =	sst s7  }
0x10: {  	[smem:$0x3FAD] =	sst s8  }
0x11: {  	[smem:$0x3FAE] =	sst s9;
	s0 =	simm.s32 @!p0 $0x0  }
0x12: {  	s1 =	sld [smem:$0x3F94];
	s0 =	simm.s32 @p0 $0x1  }
0x13: {  	[smem:$0x3FAF] =	sst s0;
	s0 =	simm.s32 @!p1 $0x0  }
0x14: {  	s2 =	sld [smem:$0x3F93];
	s0 =	simm.s32 @p1 $0x1  }
0x15: {  	[smem:$0x3FB0] =	sst s0;
	s0 =	simm.s32 @!p2 $0x0  }
0x16: {  	s3 =	sld [smem:$0x3FDB];
	s0 =	simm.s32 @p2 $0x1  }
0x17: {  	s4 =	simm.s32 $0x1BF5;
	[smem:$0x3FB2] =	sst s0  }
0x18: {  	s0 =	sld [smem:$0x3F95];
	_ =	swait.ge [sflag:s4], $0x0  }
0x19: {  	s7 =	sld [smem:$0x3F96]  }
0x1a: {  	s8 =	sadd.s32 $0xFFFFE003, lr  }
0x1b: {  	s9 =	sadd.s32 $0xFFFFFEF7, lr;
	s5 =	simm.s32 $0xFFFFFFFF;
	p2 =	slt.u32 s8, $0xFFFFF086  }
0x1c: {  	p1 =	slt.u32 s9, $0xF7A;
	s5 =	simm.s32 @!p2 $0x0  }
0x1d: {  	s5 =	simm.s32 @p1 $0x1;
	p0 =	seq.s32 s7, s2  }
0x1e: {  	s7 =	smul.u32 @!p0 $0xF7A, s2;
	p2 =	seq.s32 @!p0 s5, $0x0  }
0x1f: {  	s9 =	smul.u32 $0xF7A, s1;
	s8 =	simm.s32 @!p0 $0x1BF5;
	p2 =	por !p2, p0  }
0x20: {  	[sflag:s8] =	ssyncset.s32 @!p0 $0xFFFFF086;
	s6 =	sadd.s32 @!p0 s3, s7;
	s7 =	simm.s32 @!p0 $0x108  }
0x21: {  	s3 =	sadd.s32 s3, s9;
	s6 =	sadd.s32 @!p0 $0x88, s6;
	s7 =	simm.s32 @p2 $0x1082  }
0x22: {  	[simem:s7], [sflag:s8] =	dma.local @!p0 [hbm:s6], $0xF7A  }
0x23: {  	s9 =	sor.u32 $0xD0000000, s2;
	s6 =	simm.s32 $0x108;
	_ =	swait.ge @!p0 [sflag:s8], $0x0  }
0x24: {  	s3 =	sadd.s32 $0x88, s3;
	s6 =	simm.s32 @!p1 $0x1082;
	[sflag:s4] =	ssyncset.s32 $0xFFFFF086  }
0x25: {  	[simem:s6], [sflag:s4] =	dma.local [hbm:s3], $0xF7A  }
0x26: {  	[smem:$0x3F96] =	sst s1;
	(tag) =	ssettag s2;
	_ =	strace s9  }
0x27: {  	s1 =	sld [smem:$0x3FA6]  }
0x28: {  	s2 =	sld [smem:$0x3FA7]  }
0x29: {  	s4 =	sld [smem:$0x3FA9]  }
0x2a: {  	p0 =	seq.s32 s5, $0x0;
	s5 =	sld [smem:$0x3FAA]  }
0x2b: {  	s6 =	sld [smem:$0x3FAB]  }
0x2c: {  	s7 =	sld [smem:$0x3FAC]  }
0x2d: {  	s3 =	simm.s32 $0x108;
	s8 =	sld [smem:$0x3FAD]  }
0x2e: {  	s3 =	simm.s32 @!p0 $0x1082;
	s9 =	sld [smem:$0x3FAE]  }
0x2f: {  	lr =	sadd.s32 s0, s3;
	s0 =	sld [smem:$0x3FA5]  }
0x30: {  	s3 =	sld [smem:$0x3FA8]  }
0x31: {  	[smem:$0x3FB1] =	sst s10  }
0x32: {  	s10 =	sld [smem:$0x3FAF];
	_ =	sdelay $0x3  }
0x33: {  	p0 =	seq.s32 s10, $0x1;
	s10 =	sld [smem:$0x3FB1];
	_ =	sdelay $0x3  }
0x34: {  	[smem:$0x3FB1] =	sst s10  }
0x35: {  	s10 =	sld [smem:$0x3FB0];
	_ =	sdelay $0x3  }
0x36: {  	p1 =	seq.s32 s10, $0x1;
	s10 =	sld [smem:$0x3FB1];
	_ =	sdelay $0x3  }
0x37: {  	[smem:$0x3FB1] =	sst s10  }
0x38: {  	s10 =	sld [smem:$0x3FB2]  }
0x39: {  	_ = 	snop;
	(pc) =	sbr.ind lr, $3  }
0x3a: {  	_ = 	snop  }
0x3b: {  	_ = 	snop  }
0x3c: {  	p2 =	seq.s32 s10, $0x1;
	s10 =	sld [smem:$0x3FB1]  }
0x3d: {  	_ =	shalt  }
0x3e: {  	_ =	shalt  }
0x3f: {  	_ =	shalt  }
0x40: {  	_ =	shalt  }
0x41: {  	_ =	shalt  }
0x42: {  	_ =	shalt  }
0x43: {  	_ =	shalt  }
0x44: {  	_ =	shalt  }
0x45: {  	_ =	shalt  }
0x46: {  	_ =	shalt  }
0x47: {  	_ =	shalt  }
0x48: {  	_ =	shalt  }
0x49: {  	_ =	shalt  }
0x4a: {  	_ =	shalt  }
0x4b: {  	_ =	shalt  }
0x4c: {  	_ =	shalt  }
0x4d: {  	_ =	shalt  }
0x4e: {  	_ =	shalt  }
0x4f: {  	_ =	shalt  }
0x50: {  	_ =	shalt  }
0x51: {  	_ =	shalt  }
0x52: {  	_ =	shalt  }
0x53: {  	_ =	shalt  }
0x54: {  	_ =	shalt  }
0x55: {  	_ =	shalt  }
0x56: {  	_ =	shalt  }
0x57: {  	_ =	shalt  }
0x58: {  	_ =	shalt  }
0x59: {  	_ =	shalt  }
0x5a: {  	_ =	shalt  }
0x5b: {  	_ =	shalt  }
0x5c: {  	_ =	shalt  }
0x5d: {  	_ =	shalt  }
0x5e: {  	_ =	shalt  }
0x5f: {  	_ =	shalt  }
0x60: {  	_ =	shalt  }
0x61: {  	_ =	shalt  }
0x62: {  	_ =	shalt  }
0x63: {  	_ =	shalt  }
0x64: {  	_ =	shalt  }
0x65: {  	_ =	shalt  }
0x66: {  	_ =	shalt  }
0x67: {  	_ =	shalt  }
0x68: {  	_ =	shalt  }
0x69: {  	_ =	shalt  }
0x6a: {  	_ =	shalt  }
0x6b: {  	_ =	shalt  }
0x6c: {  	_ =	shalt  }
0x6d: {  	_ =	shalt  }
0x6e: {  	_ =	shalt  }
0x6f: {  	_ =	shalt  }
0x70: {  	_ =	shalt  }
0x71: {  	_ =	shalt  }
0x72: {  	_ =	shalt  }
0x73: {  	_ =	shalt  }
0x74: {  	_ =	shalt  }
0x75: {  	_ =	shalt  }
0x76: {  	_ =	shalt  }
0x77: {  	_ =	shalt  }
0x78: {  	_ =	shalt  }
0x79: {  	_ =	shalt  }
0x7a: {  	_ =	shalt  }
0x7b: {  	_ =	shalt  }
0x7c: {  	_ =	shalt  }
0x7d: {  	_ =	shalt  }
0x7e: {  	_ =	shalt  }
0x7f: {  	_ =	shalt  }
0x80: {  	_ =	shalt  }
0x81: {  	_ =	shalt  }
0x82: {  	_ =	shalt  }
0x83: {  	_ =	shalt  }
0x84: {  	_ =	shalt  }
0x85: {  	_ =	shalt  }
0x86: {  	_ =	shalt  }
0x87: {  	_ =	shalt  }
.Lfunc_end0:
.L_simem_size_0:
called_computation.2_lowered:
.L_overlay_start_0:
0x88: {  	s2 =	sld [smem:$0x3FD9]  }
0x89: {  	s3 =	sld [smem:$0x3FFE];
	_ =	sdelay $0x1  }
0x8a: {  	s1 =	srdreg.scid  }
0x8b: {  	s0 =	sand.u32 $0x1, s1  }
0x8c: {  	s16 =	sshll.u32 s0, $0xA;
	s2 =	sadd.s32 s3, s2  }
0x8d: {  	s2 =	sadd.s32 s2, s16  }
0x8e: {  	[smem:$0x3FBD] =	sst s2  }
0x8f: {  	_ = 	snop  }
0x90: {  	(tm) =	ssettm $0x1  }
0x91: {  	s17 =	sld [smem:$0x3FFB];
	_ =	sdelay $0x3  }
0x92: {  	_ =	strace s17  }
0x93: {  	s2 =	sld [smem:$0x3FFC];
	_ =	sdelay $0x3  }
0x94: {  	_ =	strace s2  }
0x95: {  	s2 =	sld [smem:$0x3FFD];
	_ =	sdelay $0x3  }
0x96: {  	_ =	strace s2  }
0x97: {  	_ =	strace $0x8FFFFFFF  }
0x98: {  	s18 =	sld [smem:$0x3FDB];
	_ =	sdelay $0x1  }
0x99: {  	s19 =	simm.s32 $_scs_section_size  }
0x9a: {  	s4 =	simm.s32 $_size__tile_overlayer_lowered;
	s5 =	simm.s32 $_tile_overlayer_lowered  }
0x9b: {  	s22 =	simm.s32 $0x1BFF;
	s21 =	sshll.u32 s5, $0x1;
	s2 =	sadd.s32 s19, s18  }
0x9c: {  	s6 =	simm.s32 $0x0;
	s20 =	sshll.u32 s4, $0x1;
	s4 =	sadd.s32 s21, s2  }
0x9d: {  	[timem:s6], [sflag:s22] =	dma.local [hbm:s4], s20  }
0x9e: {  	_ =	swait.ge [sflag:s22], s20  }
0x9f: {  	s3 =	ssub.s32 $0x0, s20;
	[sflag:s22] =	ssyncset.done $0x0  }
0xa0: {  	[sflag:s22] =	ssyncadd.s32 s3;
	_ =	sdelay $0x1  }
0xa1: {  	s23 =	simm.s32 $0x1B8B  }
0xa2: {  	_ =	swait.ge [sflag:s23], $0x1  }
0xa3: {  	[sflag:s23] =	ssyncset.done $0x0  }
0xa4: {  	s25 =	simm.s32 $0x1B8E;
	s24 =	sld [smem:$0x3FFE];
	[sflag:s23] =	ssyncadd.s32 $0xFFFFFFFF  }
0xa5: {  	s26 =	simm.s32 $execute0_lowered;
	[smem:$0x3FD2] =	sst s25  }
0xa6: {  	s4 =	sshll.u32 s26, $0x1;
	_ =	strace $0x8000004C;
	[dreg:$0x1] =	wrdreg $0xFFFFFFFF  }
0xa7: {  	s28 =	simm.s32 $_size_execute0_lowered;
	s2 =	sadd.s32 s2, s4;
	[dreg:$0x0] =	wrdreg $0x0  }
0xa8: {  	s4 =	sshll.u32 s28, $0x1;
	[dreg:$0x2] =	wrdreg s2  }
0xa9: {  	[dreg:$0x3] =	wrdreg s4  }
0xaa: {  	[dreg:$0x4] =	wrdreg $0xC0  }
0xab: {  	_ =	task [dreg:s6], $0x5FFFF  }
0xac: {  	[dreg:$0x1] =	wrdreg $0xFFFFFFFF  }
0xad: {  	[dreg:$0x0] =	wrdreg $0x60  }
0xae: {  	[dreg:$0x2] =	wrdreg s24  }
0xaf: {  	[dreg:$0x3] =	wrdreg $0xC0000  }
0xb0: {  	[dreg:$0x4] =	wrdreg $0x9  }
0xb1: {  	_ =	task.clear_ibuf [dreg:s6], $0x5FFFF;
	_ =	strace $0x9000004C  }
0xb2: {  	s29 =	simm.s32 $0x9;
	_ =	strace $0x8000004E  }
0xb3: {  	_ =	swait.ge [sflag:s29], $0x1  }
0xb4: {  	[sflag:s29] =	ssyncadd.s32 $0xFFFFFFFF  }
0xb5: {  	_ =	strace $0x9000004E  }
0xb6: {  	_ =	sfence  }
0xb7: {  	s30 =	sld [smem:$0x0];
	_ =	sdelay $0x2  }
0xb8: {  	s31 =	sshll.u32 s1, $0xD;
	s1 =	sshrl.u32 s1, $0x2  }
0xb9: {  	s3 =	sand.u32 $0x4000, s31;
	s1 =	sadd.s32 s1, s30  }
0xba: {  	s0 =	sor.u32 s3, s0;
	s1 =	sshll.u32 s1, $0x11  }
0xbb: {  	s0 =	sor.u32 s1, s0  }
0xbc: {  	s0 =	sadd.s32 $0x8F2B, s0  }
0xbd: {  	[sflag:s0] =	ssyncadd.remote.s32 $0x1  }
0xbe: {  	_ =	sfence.sel $0xFFFF  }
0xbf: {  	[dreg:$0x0] =	wrdreg $0xFFFFFFFF;
	(pc) =	sbr.abs _section_cstart, $3  }
0xc0: {  	[dreg:$0x1] =	wrdreg $0xFFFFFFFF  }
0xc1: {  	_ =	task.clear_ibuf [dreg:s6], $0x2FFFF;
	_ =	strace $0x9FFFFFFF  }
0xc2: {  	(tm) =	ssettm $0x7FFFFFFF  }
0xc3: {  	_ =	shalt  }
tec
execute0_lowered:
.L_overlay_start_1:
0x0: {  	(tag) =	ssettag $0x1  }
0x1: {  	s0 =	rddreg [dreg:$0x0]  }
0x2: {  	s1 =	rddreg [dreg:$0x1]  }
0x3: {  	s3 =	simm.s32 $0x0;
	s2 =	stileid.u32;
	s6 =	srdreg.scid  }
0x4: {  	s28 =	simm.s32 $0x1;
	s29 =	simm.s32 $0x8000;
	s30 =	simm.s32 $0x2000  }
0x5: {  	[smem:$0x7FF] =	sst s3;
	s4 =	sadd.s32 $0xE200, s0;
	s7 =	smul.u32 $0x2780, s2  }
0x6: {  	s5 =	sadd.s32 $0x35400, s0;
	s6 =	sand.u32 $0x1, s6;
	s9 =	smul.u32 $0x4F000, s2  }
0x7: {  	s11 =	sadd.s32 $0x4200, s0;
	s16 =	sadd.s32 $0x9200, s0;
	s21 =	smul.u32 $0x500, s2  }
0x8: {  	s12 =	smul.u32 $0x2800, s2;
	s13 =	sadd.s32 $0x33280, s0;
	s15 =	sadd.s32 $0xE000, s0  }
0x9: {  	s25 =	sadd.s32 $0xA8880, s0;
	s26 =	sadd.s32 $0x5A480, s0;
	p1 =	seq.s32 s2, $0xF  }
0xa: {  	_ =	strace $0x8000004D;
	s8 =	ssub.s32 $0x2, s6;
	[dreg:$0x4] =	wrdreg s13  }
0xb: {  	p0 =	seq.s32 s6, $0x1;
	s13 =	sadd.s32 $0x9000, s0;
	[dreg:$0x8] =	wrdreg s25  }
0xc: {  	[dreg:$0xa] =	wrdreg s26;
	s25 =	simm.s32 $0x80;
	s26 =	simm.s32 $0x4000  }
0xd: {  	s17 =	sadd.s32 s7, s0;
	s10 =	sshrl.u32 s8, $0x1;
	s20 =	sshrl.u32 s9, $0x2  }
0xe: {  	s22 =	sadd.s32 s4, s7;
	s9 =	sadd.s32 s16, s21;
	s14 =	sshrl.u32 s12, $0x3  }
0xf: {  	s12 =	sadd.s32 $0x8D00, s0;
	s7 =	sadd.s32 s5, s7;
	s18 =	ssub.s32 s8, s10  }
0x10: {  	s6 =	sadd.s32 s20, s1;
	[dreg:$0x3] =	wrdreg s22;
	s8 =	sadd.s32 s11, s21  }
0x11: {  	s10 =	sadd.s32 $0x128400, s1;
	s19 =	sadd.s32 $0x400, s14;
	s14 =	sadd.s32 $0xDD00, s0  }
0x12: {  	s24 =	sadd.s32 $0x83800, s17;
	[dreg:$0x9] =	wrdreg s7;
	s31 =	sadd.s32 $0xAAA00, s17  }
.Ltmp0:
0x13: {  	s0 =	sadd.s32 $0xCFA80, s0;
	[dreg:$0x7] =	wrdreg s24;
	(pc) =	sbr.rel .LBB2_1-.Ltmp0, $4  }
0x14: {  	s22 =	simm.s32 $0x4;
	s11 =	sadd.s32 s11, s19;
	[dreg:$0xb] =	wrdreg s31  }
0x15: {  	s23 =	sadd.s32 s16, s19;
	[dreg:$0xc] =	wrdreg s0;
	s24 =	smax.u32 s18, $0x1  }
0x16: {  	s0 =	simm.s32 $0x2080;
	s18 =	simm.s32 $0x3;
	[dreg:$0x5] =	wrdreg s11  }
0x17: {  	s19 =	simm.s32 $0x2;
	[dreg:$0x6] =	wrdreg s23;
	s23 =	simm.s32 $0x0  }
.LBB2_11:
0x18: {  	[bflag:$0x0] =	sbarrier.arrive $0xFFFF  }
0x19: {  	s7 =	sshrl.u32 s10, $0x3;
	s16 =	simm.s32 $0x1FC4;
	s11 =	rddreg [dreg:$0xc]  }
0x1a: {  	[hbm:s11], [sflag:s16] =	dma.local [spmem:s7], $0x2080  }
0x1b: {  	_ =	swait.ge [sflag:s22], $0x2080  }
0x1c: {  	[sflag:s22] =	ssyncset.done $0x0  }
0x1d: {  	[sflag:s22] =	ssyncadd.s32 $0xFFFFDF80  }
.LBB2_12:
0x1e: {  	s23 =	sadd.s32 $0x1, s23  }
0x1f: {  	p2 =	sne.s32 s23, s24  }
.Ltmp1:
0x20: {  	_ = 	snop;
	(pc) =	sbr.rel @!p2 .LBB2_13-.Ltmp1, $1  }
0x21: {  	_ =	sdelay $0x3  }
.LBB2_1:
.Ltmp2:
0x22: {  	(pc) =	sbr.rel @!p0 .LBB2_2-.Ltmp2, $2  }
0x23: {  	_ =	sdelay $0x2  }
0x24: {  	s16 =	sshrl.u32 @p1 s10, $0x3;
	s11 =	sshll.u32 @!p1 s2, $0x6;
	s7 =	sshrl.u32 @!p1 s6, $0x3  }
0x25: {  	s17 =	simm.s32 @p1 $0x1FC4;
	s20 =	rddreg [dreg:$0xa]  }
0x26: {  	[spmem:s16], [sflag:s17] =	dma.local @p1 [hbm:s20], $0x2080  }
0x27: {  	s16 =	simm.s32 @p1 $0x4  }
0x28: {  	_ =	swait.ge @p1 [sflag:s16], $0x2080  }
0x29: {  	[sflag:s16] =	ssyncset.done @p1 $0x0  }
0x2a: {  	[sflag:s16] =	ssyncadd.s32 @p1 $0xFFFFDF80  }
0x2b: {  	s17 =	simm.s32 @p1 $0x0;
	[bflag:$0x0] =	sbarrier.arrive @p1 $0xFFFF  }
0x2c: {  	[tilespmem:s17], [sflag:$0x4] =	stream.linear.gather @p1 [hbm4b:s12+s17], $0x1800, $0x38;
	[tilespmem:$0x1F880] =	vst v63  }
0x2d: {  	_ =	swait.ge @p1 [sflag:s16], $0x1800  }
0x2e: {  	[sflag:s16] =	ssyncset.done @p1 $0x0  }
0x2f: {  	s20 =	simm.s32 @p1 $0x1800;
	[sflag:s16] =	ssyncadd.s32 @p1 $0xFFFFE800  }
0x30: {  	[tilespmem:s20], [sflag:$0x4] =	stream.linear.gather @p1 [hbm4b:s13+s17], $0x100, $0x38;
	[tilespmem:$0x1F880] =	vst v63  }
0x31: {  	_ =	swait.ge @p1 [sflag:s16], $0x100  }
0x32: {  	[sflag:s16] =	ssyncset.done @p1 $0x0  }
0x33: {  	s20 =	simm.s32 @p1 $0x2000;
	[sflag:s16] =	ssyncadd.s32 @p1 $0xFFFFFF00  }
0x34: {  	[tilespmem:s20], [sflag:$0x4] =	stream.linear.gather @p1 [hbm4b:s14+s17], $0x1800, $0x38;
	[tilespmem:$0x1F880] =	vst v63  }
0x35: {  	_ =	swait.ge @p1 [sflag:s16], $0x1800  }
0x36: {  	[sflag:s16] =	ssyncset.done @p1 $0x0  }
0x37: {  	s20 =	simm.s32 @p1 $0x3800;
	[sflag:s16] =	ssyncadd.s32 @p1 $0xFFFFE800  }
0x38: {  	[tilespmem:s20], [sflag:$0x4] =	stream.linear.gather @p1 [hbm4b:s15+s17], $0x100, $0x38;
	[tilespmem:$0x1F880] =	vst v63  }
0x39: {  	_ =	swait.ge @p1 [sflag:s16], $0x100  }
0x3a: {  	[sflag:s16] =	ssyncset.done @p1 $0x0  }
0x3b: {  	s11 =	sor.u32 @!p1 $0x1C04, s11;
	[sflag:s16] =	ssyncadd.s32 @p1 $0xFFFFFF00;
	s16 =	rddreg [dreg:$0x9]  }
0x3c: {  	[spmem:s7], [sflag:s11] =	dma.local @!p1 [hbm:s16], $0x2780  }
0x3d: {  	s7 =	simm.s32 @!p1 $0x4  }
0x3e: {  	_ =	swait.ge @!p1 [sflag:s7], $0x2780  }
0x3f: {  	[sflag:s7] =	ssyncset.done @!p1 $0x0  }
0x40: {  	[sflag:s7] =	ssyncadd.s32 @!p1 $0xFFFFD880  }
0x41: {  	s11 =	simm.s32 @!p1 $0x0;
	[bflag:$0x0] =	sbarrier.arrive @!p1 $0xFFFF  }
0x42: {  	[tilespmem:s11], [sflag:$0x4] =	stream.linear.gather @!p1 [hbm4b:s8+s11], $0x2000, $0x38;
	[tilespmem:$0x1F880] =	vst v63  }
0x43: {  	_ =	swait.ge @!p1 [sflag:s7], $0x2000  }
0x44: {  	[sflag:s7] =	ssyncset.done @!p1 $0x0  }
0x45: {  	s16 =	simm.s32 @!p1 $0x2000;
	[sflag:s7] =	ssyncadd.s32 @!p1 $0xFFFFE000  }
0x46: {  	[tilespmem:s16], [sflag:$0x4] =	stream.linear.gather @!p1 [hbm4b:s9+s11], $0x2000, $0x38;
	[tilespmem:$0x1F880] =	vst v63  }
0x47: {  	_ =	swait.ge @!p1 [sflag:s7], $0x2000  }
0x48: {  	[sflag:s7] =	ssyncset.done @!p1 $0x0  }
0x49: {  	[sflag:s7] =	ssyncadd.s32 @!p1 $0xFFFFE000  }
0x4a: {  	[tilespmem:s26], [sflag:$0x1] =	stream.indirect.gather [hbm4b:s5+s25], $0x80, s3, s25, $0xb8;
	[tilespmem:$0x1F880] =	vst v63  }
0x4b: {  	_ =	swait.ge [sflag:s28], $0x4000  }
0x4c: {  	[sflag:s28] =	ssyncset.done $0x0  }
0x4d: {  	[sflag:s28] =	ssyncadd.s32 $0xFFFFC000  }
0x4e: {  	[tilespmem:s29], [sflag:$0x1] =	stream.indirect.gather [hbm4b:s5+s25], $0x80, s25, s25, $0xb8;
	[tilespmem:$0x1F880] =	vst v63  }
0x4f: {  	_ = 	snop  }
0x50: {  	[spmem:s1] =	stream.indirect.scatter.add.f32 [tilespmem:s26], [sflag:$0x2], $0x80, s30, s25, $0xb8;
	[tilespmem:$0x1F880] =	vst v63  }
0x51: {  	_ =	swait.ge [sflag:s28], $0x4000  }
0x52: {  	[sflag:s28] =	ssyncset.done $0x0  }
0x53: {  	s16 =	simm.s32 $0x2;
	[sflag:s28] =	ssyncadd.s32 $0xFFFFC000  }
0x54: {  	_ =	swait.ge [sflag:s16], $0x4000  }
0x55: {  	[sflag:s16] =	ssyncset.done $0x0  }
0x56: {  	s17 =	simm.s32 $0x100;
	[sflag:s16] =	ssyncadd.s32 $0xFFFFC000  }
0x57: {  	[tilespmem:s26], [sflag:$0x1] =	stream.indirect.gather [hbm4b:s5+s25], $0x80, s17, s25, $0xb8;
	[tilespmem:$0x1F880] =	vst v63  }
0x58: {  	_ = 	snop  }
0x59: {  	[spmem:s1] =	stream.indirect.scatter.add.f32 [tilespmem:s29], [sflag:$0x3], $0x80, s0, s25, $0xb8;
	[tilespmem:$0x1F880] =	vst v63  }
0x5a: {  	_ =	swait.ge [sflag:s28], $0x4000  }
0x5b: {  	[sflag:s28] =	ssyncset.done $0x0  }
0x5c: {  	[sflag:s28] =	ssyncadd.s32 $0xFFFFC000  }
0x5d: {  	_ =	swait.ge [sflag:s18], $0x4000  }
0x5e: {  	[sflag:s18] =	ssyncset.done $0x0  }
0x5f: {  	s20 =	simm.s32 $0x180;
	[sflag:s18] =	ssyncadd.s32 $0xFFFFC000  }
0x60: {  	[tilespmem:s29], [sflag:$0x1] =	stream.indirect.gather [hbm4b:s5+s25], $0x80, s20, s25, $0xb8;
	[tilespmem:$0x1F880] =	vst v63  }
0x61: {  	s21 =	simm.s32 $0x2100;
	s11 =	simm.s32 @!p1 $0x20  }
0x62: {  	[spmem:s1] =	stream.indirect.scatter.add.f32 [tilespmem:s26], [sflag:$0x2], $0x80, s21, s25, $0xb8;
	[tilespmem:$0x1F880] =	vst v63  }
0x63: {  	s11 =	simm.s32 @p1 $0x19;
	_ =	swait.ge [sflag:s28], $0x4000  }
0x64: {  	p2 =	sne.s32 s11, $0x3;
	[sflag:s28] =	ssyncset.done $0x0  }
.Ltmp3:
0x65: {  	[sflag:s28] =	ssyncadd.s32 $0xFFFFC000;
	(pc) =	sbr.rel @!p2 .LBB2_9-.Ltmp3, $4  }
0x66: {  	s31 =	simm.s32 $0x200;
	s7 =	simm.s32 $0x2280;
	_ =	swait.ge [sflag:s19], $0x4000  }
0x67: {  	s16 =	simm.s32 $0x280;
	s17 =	simm.s32 $0x2180;
	[sflag:s19] =	ssyncset.done $0x0  }
0x68: {  	s20 =	simm.s32 $0x3;
	s21 =	simm.s32 $0x2180;
	[sflag:s19] =	ssyncadd.s32 $0xFFFFC000  }
0x69: {  	[tilespmem:s26], [sflag:$0x1] =	stream.indirect.gather [hbm4b:s5+s25], $0x80, s31, s25, $0xb8;
	[tilespmem:$0x1F880] =	vst v63  }
.LBB2_8:
0x6a: {  	s17 =	smov.u32 s7  }
0x6b: {  	[spmem:s1] =	stream.indirect.scatter.add.f32 [tilespmem:s29], [sflag:$0x3], $0x80, s21, s25, $0xb8;
	[tilespmem:$0x1F880] =	vst v63  }
0x6c: {  	s20 =	sadd.s32 $0x1, s20;
	s21 =	smov.u32 s7;
	_ =	swait.ge [sflag:s28], $0x4000  }
0x6d: {  	p2 =	sne.s32 s11, s20;
	[sflag:s28] =	ssyncset.done $0x0  }
0x6e: {  	[sflag:s28] =	ssyncadd.s32 $0xFFFFC000  }
0x6f: {  	_ =	swait.ge [sflag:s18], $0x4000  }
0x70: {  	[sflag:s18] =	ssyncset.done $0x0  }
0x71: {  	[sflag:s18] =	ssyncadd.s32 $0xFFFFC000  }
0x72: {  	[tilespmem:s29], [sflag:$0x1] =	stream.indirect.gather [hbm4b:s5+s25], $0x80, s16, s25, $0xb8;
	[tilespmem:$0x1F880] =	vst v63  }
0x73: {  	s31 =	sadd.s32 $0xFFFFFF80, s7  }
0x74: {  	[spmem:s1] =	stream.indirect.scatter.add.f32 [tilespmem:s26], [sflag:$0x2], $0x80, s31, s25, $0xb8;
	[tilespmem:$0x1F880] =	vst v63  }
0x75: {  	_ =	swait.ge [sflag:s28], $0x4000  }
0x76: {  	[sflag:s28] =	ssyncset.done $0x0  }
0x77: {  	[sflag:s28] =	ssyncadd.s32 $0xFFFFC000  }
.Ltmp4:
0x78: {  	_ =	swait.ge [sflag:s19], $0x4000;
	(pc) =	sbr.rel @p2 .LBB2_8-.Ltmp4, $4  }
0x79: {  	[sflag:s19] =	ssyncset.done $0x0  }
0x7a: {  	s31 =	sadd.s32 $0x80, s16;
	[sflag:s19] =	ssyncadd.s32 $0xFFFFC000  }
0x7b: {  	[tilespmem:s26], [sflag:$0x1] =	stream.indirect.gather [hbm4b:s5+s25], $0x80, s31, s25, $0xb8;
	[tilespmem:$0x1F880] =	vst v63  }
0x7c: {  	s7 =	sadd.s32 $0x100, s7;
	s16 =	sadd.s32 $0x100, s16  }
.LBB2_9:
0x7d: {  	[spmem:s1] =	stream.indirect.scatter.add.f32 [tilespmem:s29], [sflag:$0x3], $0x80, s21, s25, $0xb8;
	[tilespmem:$0x1F880] =	vst v63  }
0x7e: {  	_ =	swait.ge [sflag:s28], $0x4000  }
0x7f: {  	[sflag:s28] =	ssyncset.done $0x0  }
0x80: {  	[sflag:s28] =	ssyncadd.s32 $0xFFFFC000  }
0x81: {  	_ =	swait.ge [sflag:s18], $0x4000  }
0x82: {  	[sflag:s18] =	ssyncset.done $0x0  }
0x83: {  	[sflag:s18] =	ssyncadd.s32 $0xFFFFC000  }
0x84: {  	[tilespmem:s29], [sflag:$0x1] =	stream.indirect.gather [hbm4b:s5+s25], $0x80, s16, s25, $0xb8;
	[tilespmem:$0x1F880] =	vst v63  }
0x85: {  	s11 =	sadd.s32 $0x80, s17  }
0x86: {  	[spmem:s1] =	stream.indirect.scatter.add.f32 [tilespmem:s26], [sflag:$0x2], $0x80, s11, s25, $0xb8;
	[tilespmem:$0x1F880] =	vst v63  }
0x87: {  	_ =	swait.ge [sflag:s28], $0x4000  }
0x88: {  	[sflag:s28] =	ssyncset.done $0x0  }
0x89: {  	[sflag:s28] =	ssyncadd.s32 $0xFFFFC000  }
0x8a: {  	_ =	swait.ge [sflag:s19], $0x4000  }
0x8b: {  	[sflag:s19] =	ssyncset.done $0x0  }
.Ltmp5:
0x8c: {  	[sflag:s19] =	ssyncadd.s32 $0xFFFFC000;
	(pc) =	sbr.rel @p1 .LBB2_11-.Ltmp5, $4  }
0x8d: {  	[spmem:s1] =	stream.indirect.scatter.add.f32 [tilespmem:s29], [sflag:$0x3], $0x80, s7, s25, $0xb8;
	[tilespmem:$0x1F880] =	vst v63  }
0x8e: {  	_ =	swait.ge [sflag:s18], $0x4000  }
0x8f: {  	[sflag:s18] =	ssyncset.done $0x0  }
0x90: {  	[sflag:s18] =	ssyncadd.s32 $0xFFFFC000  }
0x91: {  	s7 =	rddreg [dreg:$0x5]  }
0x92: {  	[tilespmem:s3], [sflag:$0x4] =	stream.linear.gather [hbm4b:s7+s3], $0x800, $0x38;
	[tilespmem:$0x1F880] =	vst v63  }
0x93: {  	_ =	swait.ge [sflag:s22], $0x800  }
0x94: {  	[sflag:s22] =	ssyncset.done $0x0  }
0x95: {  	s11 =	rddreg [dreg:$0x6];
	[sflag:s22] =	ssyncadd.s32 $0xFFFFF800  }
0x96: {  	[tilespmem:s30], [sflag:$0x4] =	stream.linear.gather [hbm4b:s11+s3], $0x800, $0x38;
	[tilespmem:$0x1F880] =	vst v63  }
0x97: {  	_ =	swait.ge [sflag:s22], $0x800  }
0x98: {  	[sflag:s22] =	ssyncset.done $0x0  }
0x99: {  	[sflag:s22] =	ssyncadd.s32 $0xFFFFF800  }
0x9a: {  	[tilespmem:s26], [sflag:$0x1] =	stream.indirect.gather [hbm4b:s5+s25], $0x80, s3, s25, $0xb8;
	[tilespmem:$0x1F880] =	vst v63  }
0x9b: {  	_ =	swait.ge [sflag:s28], $0x4000  }
0x9c: {  	[sflag:s28] =	ssyncset.done $0x0  }
0x9d: {  	[sflag:s28] =	ssyncadd.s32 $0xFFFFC000  }
0x9e: {  	[tilespmem:s29], [sflag:$0x1] =	stream.indirect.gather [hbm4b:s5+s25], $0x80, s25, s25, $0xb8;
	[tilespmem:$0x1F880] =	vst v63  }
0x9f: {  	_ = 	snop  }
0xa0: {  	[spmem:s1] =	stream.indirect.scatter.add.f32 [tilespmem:s26], [sflag:$0x2], $0x80, s30, s25, $0xb8;
	[tilespmem:$0x1F880] =	vst v63  }
0xa1: {  	_ =	swait.ge [sflag:s28], $0x4000  }
0xa2: {  	[sflag:s28] =	ssyncset.done $0x0  }
0xa3: {  	[sflag:s28] =	ssyncadd.s32 $0xFFFFC000  }
0xa4: {  	_ =	swait.ge [sflag:s19], $0x4000  }
0xa5: {  	[sflag:s19] =	ssyncset.done $0x0  }
0xa6: {  	s16 =	simm.s32 $0x100;
	[sflag:s19] =	ssyncadd.s32 $0xFFFFC000  }
0xa7: {  	[tilespmem:s26], [sflag:$0x1] =	stream.indirect.gather [hbm4b:s5+s25], $0x80, s16, s25, $0xb8;
	[tilespmem:$0x1F880] =	vst v63  }
0xa8: {  	_ = 	snop  }
0xa9: {  	[spmem:s1] =	stream.indirect.scatter.add.f32 [tilespmem:s29], [sflag:$0x3], $0x80, s0, s25, $0xb8;
	[tilespmem:$0x1F880] =	vst v63  }
0xaa: {  	_ =	swait.ge [sflag:s28], $0x4000  }
0xab: {  	[sflag:s28] =	ssyncset.done $0x0  }
0xac: {  	[sflag:s28] =	ssyncadd.s32 $0xFFFFC000  }
0xad: {  	_ =	swait.ge [sflag:s18], $0x4000  }
0xae: {  	[sflag:s18] =	ssyncset.done $0x0  }
0xaf: {  	s17 =	simm.s32 $0x180;
	[sflag:s18] =	ssyncadd.s32 $0xFFFFC000  }
0xb0: {  	[tilespmem:s29], [sflag:$0x1] =	stream.indirect.gather [hbm4b:s5+s25], $0x80, s17, s25, $0xb8;
	[tilespmem:$0x1F880] =	vst v63  }
0xb1: {  	s20 =	simm.s32 $0x2100  }
0xb2: {  	[spmem:s1] =	stream.indirect.scatter.add.f32 [tilespmem:s26], [sflag:$0x2], $0x80, s20, s25, $0xb8;
	[tilespmem:$0x1F880] =	vst v63  }
0xb3: {  	_ =	swait.ge [sflag:s28], $0x4000  }
0xb4: {  	[sflag:s28] =	ssyncset.done $0x0  }
0xb5: {  	[sflag:s28] =	ssyncadd.s32 $0xFFFFC000  }
0xb6: {  	_ =	swait.ge [sflag:s19], $0x4000  }
0xb7: {  	[sflag:s19] =	ssyncset.done $0x0  }
0xb8: {  	s21 =	simm.s32 $0x200;
	[sflag:s19] =	ssyncadd.s32 $0xFFFFC000  }
0xb9: {  	[tilespmem:s26], [sflag:$0x1] =	stream.indirect.gather [hbm4b:s5+s25], $0x80, s21, s25, $0xb8;
	[tilespmem:$0x1F880] =	vst v63  }
0xba: {  	s31 =	simm.s32 $0x2180  }
0xbb: {  	[spmem:s1] =	stream.indirect.scatter.add.f32 [tilespmem:s29], [sflag:$0x3], $0x80, s31, s25, $0xb8;
	[tilespmem:$0x1F880] =	vst v63  }
0xbc: {  	_ =	swait.ge [sflag:s28], $0x4000  }
0xbd: {  	[sflag:s28] =	ssyncset.done $0x0  }
0xbe: {  	[sflag:s28] =	ssyncadd.s32 $0xFFFFC000  }
0xbf: {  	_ =	swait.ge [sflag:s18], $0x4000  }
0xc0: {  	[sflag:s18] =	ssyncset.done $0x0  }
0xc1: {  	s11 =	simm.s32 $0x280;
	[sflag:s18] =	ssyncadd.s32 $0xFFFFC000  }
0xc2: {  	[tilespmem:s29], [sflag:$0x1] =	stream.indirect.gather [hbm4b:s5+s25], $0x80, s11, s25, $0xb8;
	[tilespmem:$0x1F880] =	vst v63  }
0xc3: {  	s16 =	simm.s32 $0x2200  }
0xc4: {  	[spmem:s1] =	stream.indirect.scatter.add.f32 [tilespmem:s26], [sflag:$0x2], $0x80, s16, s25, $0xb8;
	[tilespmem:$0x1F880] =	vst v63  }
0xc5: {  	_ =	swait.ge [sflag:s28], $0x4000  }
0xc6: {  	[sflag:s28] =	ssyncset.done $0x0  }
0xc7: {  	[sflag:s28] =	ssyncadd.s32 $0xFFFFC000  }
0xc8: {  	_ =	swait.ge [sflag:s19], $0x4000  }
0xc9: {  	[sflag:s19] =	ssyncset.done $0x0  }
0xca: {  	s17 =	simm.s32 $0x300;
	[sflag:s19] =	ssyncadd.s32 $0xFFFFC000  }
0xcb: {  	[tilespmem:s26], [sflag:$0x1] =	stream.indirect.gather [hbm4b:s5+s25], $0x80, s17, s25, $0xb8;
	[tilespmem:$0x1F880] =	vst v63  }
0xcc: {  	s20 =	simm.s32 $0x2280  }
0xcd: {  	[spmem:s1] =	stream.indirect.scatter.add.f32 [tilespmem:s29], [sflag:$0x3], $0x80, s20, s25, $0xb8;
	[tilespmem:$0x1F880] =	vst v63  }
0xce: {  	_ =	swait.ge [sflag:s28], $0x4000  }
0xcf: {  	[sflag:s28] =	ssyncset.done $0x0  }
0xd0: {  	[sflag:s28] =	ssyncadd.s32 $0xFFFFC000  }
0xd1: {  	_ =	swait.ge [sflag:s18], $0x4000  }
0xd2: {  	[sflag:s18] =	ssyncset.done $0x0  }
0xd3: {  	s21 =	simm.s32 $0x380;
	[sflag:s18] =	ssyncadd.s32 $0xFFFFC000  }
0xd4: {  	[tilespmem:s29], [sflag:$0x1] =	stream.indirect.gather [hbm4b:s5+s25], $0x80, s21, s25, $0xb8;
	[tilespmem:$0x1F880] =	vst v63  }
0xd5: {  	s31 =	simm.s32 $0x2300  }
0xd6: {  	[spmem:s1] =	stream.indirect.scatter.add.f32 [tilespmem:s26], [sflag:$0x2], $0x80, s31, s25, $0xb8;
	[tilespmem:$0x1F880] =	vst v63  }
0xd7: {  	_ =	swait.ge [sflag:s28], $0x4000  }
0xd8: {  	[sflag:s28] =	ssyncset.done $0x0  }
0xd9: {  	[sflag:s28] =	ssyncadd.s32 $0xFFFFC000  }
0xda: {  	_ =	swait.ge [sflag:s19], $0x4000  }
0xdb: {  	[sflag:s19] =	ssyncset.done $0x0  }
0xdc: {  	s11 =	simm.s32 $0x400;
	[sflag:s19] =	ssyncadd.s32 $0xFFFFC000  }
0xdd: {  	[tilespmem:s26], [sflag:$0x1] =	stream.indirect.gather [hbm4b:s5+s25], $0x80, s11, s25, $0xb8;
	[tilespmem:$0x1F880] =	vst v63  }
0xde: {  	s16 =	simm.s32 $0x2380  }
0xdf: {  	[spmem:s1] =	stream.indirect.scatter.add.f32 [tilespmem:s29], [sflag:$0x3], $0x80, s16, s25, $0xb8;
	[tilespmem:$0x1F880] =	vst v63  }
0xe0: {  	_ =	swait.ge [sflag:s28], $0x4000  }
0xe1: {  	[sflag:s28] =	ssyncset.done $0x0  }
0xe2: {  	[sflag:s28] =	ssyncadd.s32 $0xFFFFC000  }
0xe3: {  	_ =	swait.ge [sflag:s18], $0x4000  }
0xe4: {  	[sflag:s18] =	ssyncset.done $0x0  }
0xe5: {  	s17 =	simm.s32 $0x480;
	[sflag:s18] =	ssyncadd.s32 $0xFFFFC000  }
0xe6: {  	[tilespmem:s29], [sflag:$0x1] =	stream.indirect.gather [hbm4b:s5+s25], $0x80, s17, s25, $0xb8;
	[tilespmem:$0x1F880] =	vst v63  }
0xe7: {  	s20 =	simm.s32 $0x2400  }
0xe8: {  	[spmem:s1] =	stream.indirect.scatter.add.f32 [tilespmem:s26], [sflag:$0x2], $0x80, s20, s25, $0xb8;
	[tilespmem:$0x1F880] =	vst v63  }
0xe9: {  	_ =	swait.ge [sflag:s28], $0x4000  }
0xea: {  	[sflag:s28] =	ssyncset.done $0x0  }
0xeb: {  	[sflag:s28] =	ssyncadd.s32 $0xFFFFC000  }
0xec: {  	_ =	swait.ge [sflag:s19], $0x4000  }
0xed: {  	[sflag:s19] =	ssyncset.done $0x0  }
0xee: {  	s21 =	simm.s32 $0x500;
	[sflag:s19] =	ssyncadd.s32 $0xFFFFC000  }
0xef: {  	[tilespmem:s26], [sflag:$0x1] =	stream.indirect.gather [hbm4b:s5+s25], $0x80, s21, s25, $0xb8;
	[tilespmem:$0x1F880] =	vst v63  }
0xf0: {  	s31 =	simm.s32 $0x2480  }
0xf1: {  	[spmem:s1] =	stream.indirect.scatter.add.f32 [tilespmem:s29], [sflag:$0x3], $0x80, s31, s25, $0xb8;
	[tilespmem:$0x1F880] =	vst v63  }
0xf2: {  	_ =	swait.ge [sflag:s28], $0x4000  }
0xf3: {  	[sflag:s28] =	ssyncset.done $0x0  }
0xf4: {  	[sflag:s28] =	ssyncadd.s32 $0xFFFFC000  }
0xf5: {  	_ =	swait.ge [sflag:s18], $0x4000  }
0xf6: {  	[sflag:s18] =	ssyncset.done $0x0  }
0xf7: {  	s11 =	simm.s32 $0x580;
	[sflag:s18] =	ssyncadd.s32 $0xFFFFC000  }
0xf8: {  	[tilespmem:s29], [sflag:$0x1] =	stream.indirect.gather [hbm4b:s5+s25], $0x80, s11, s25, $0xb8;
	[tilespmem:$0x1F880] =	vst v63  }
0xf9: {  	s16 =	simm.s32 $0x2500  }
0xfa: {  	[spmem:s1] =	stream.indirect.scatter.add.f32 [tilespmem:s26], [sflag:$0x2], $0x80, s16, s25, $0xb8;
	[tilespmem:$0x1F880] =	vst v63  }
0xfb: {  	_ =	swait.ge [sflag:s28], $0x4000  }
0xfc: {  	[sflag:s28] =	ssyncset.done $0x0  }
0xfd: {  	[sflag:s28] =	ssyncadd.s32 $0xFFFFC000  }
0xfe: {  	_ =	swait.ge [sflag:s19], $0x4000  }
0xff: {  	[sflag:s19] =	ssyncset.done $0x0  }
0x100: {  	s17 =	simm.s32 $0x600;
	[sflag:s19] =	ssyncadd.s32 $0xFFFFC000  }
0x101: {  	[tilespmem:s26], [sflag:$0x1] =	stream.indirect.gather [hbm4b:s5+s25], $0x80, s17, s25, $0xb8;
	[tilespmem:$0x1F880] =	vst v63  }
0x102: {  	s20 =	simm.s32 $0x2580  }
0x103: {  	[spmem:s1] =	stream.indirect.scatter.add.f32 [tilespmem:s29], [sflag:$0x3], $0x80, s20, s25, $0xb8;
	[tilespmem:$0x1F880] =	vst v63  }
0x104: {  	_ =	swait.ge [sflag:s28], $0x4000  }
0x105: {  	[sflag:s28] =	ssyncset.done $0x0  }
0x106: {  	[sflag:s28] =	ssyncadd.s32 $0xFFFFC000  }
0x107: {  	_ =	swait.ge [sflag:s18], $0x4000  }
0x108: {  	[sflag:s18] =	ssyncset.done $0x0  }
0x109: {  	s21 =	simm.s32 $0x680;
	[sflag:s18] =	ssyncadd.s32 $0xFFFFC000  }
0x10a: {  	[tilespmem:s29], [sflag:$0x1] =	stream.indirect.gather [hbm4b:s5+s25], $0x80, s21, s25, $0xb8;
	[tilespmem:$0x1F880] =	vst v63  }
0x10b: {  	s31 =	simm.s32 $0x2600  }
0x10c: {  	[spmem:s1] =	stream.indirect.scatter.add.f32 [tilespmem:s26], [sflag:$0x2], $0x80, s31, s25, $0xb8;
	[tilespmem:$0x1F880] =	vst v63  }
0x10d: {  	_ =	swait.ge [sflag:s28], $0x4000  }
0x10e: {  	[sflag:s28] =	ssyncset.done $0x0  }
0x10f: {  	[sflag:s28] =	ssyncadd.s32 $0xFFFFC000  }
0x110: {  	_ =	swait.ge [sflag:s19], $0x4000  }
0x111: {  	[sflag:s19] =	ssyncset.done $0x0  }
0x112: {  	s11 =	simm.s32 $0x700;
	[sflag:s19] =	ssyncadd.s32 $0xFFFFC000  }
0x113: {  	[tilespmem:s26], [sflag:$0x1] =	stream.indirect.gather [hbm4b:s5+s25], $0x80, s11, s25, $0xb8;
	[tilespmem:$0x1F880] =	vst v63  }
0x114: {  	s16 =	simm.s32 $0x2680  }
0x115: {  	[spmem:s1] =	stream.indirect.scatter.add.f32 [tilespmem:s29], [sflag:$0x3], $0x80, s16, s25, $0xb8;
	[tilespmem:$0x1F880] =	vst v63  }
0x116: {  	_ =	swait.ge [sflag:s28], $0x4000  }
0x117: {  	[sflag:s28] =	ssyncset.done $0x0  }
0x118: {  	[sflag:s28] =	ssyncadd.s32 $0xFFFFC000  }
0x119: {  	_ =	swait.ge [sflag:s18], $0x4000  }
0x11a: {  	[sflag:s18] =	ssyncset.done $0x0  }
0x11b: {  	s17 =	simm.s32 $0x780;
	[sflag:s18] =	ssyncadd.s32 $0xFFFFC000  }
0x11c: {  	[tilespmem:s29], [sflag:$0x1] =	stream.indirect.gather [hbm4b:s5+s25], $0x80, s17, s25, $0xb8;
	[tilespmem:$0x1F880] =	vst v63  }
0x11d: {  	s20 =	simm.s32 $0x2700  }
0x11e: {  	[spmem:s1] =	stream.indirect.scatter.add.f32 [tilespmem:s26], [sflag:$0x2], $0x80, s20, s25, $0xb8;
	[tilespmem:$0x1F880] =	vst v63  }
0x11f: {  	_ =	swait.ge [sflag:s28], $0x4000  }
0x120: {  	[sflag:s28] =	ssyncset.done $0x0  }
0x121: {  	[sflag:s28] =	ssyncadd.s32 $0xFFFFC000  }
0x122: {  	_ =	swait.ge [sflag:s19], $0x4000  }
0x123: {  	[sflag:s19] =	ssyncset.done $0x0  }
0x124: {  	s21 =	simm.s32 $0x2780;
	[sflag:s19] =	ssyncadd.s32 $0xFFFFC000  }
0x125: {  	[spmem:s1] =	stream.indirect.scatter.add.f32 [tilespmem:s29], [sflag:$0x3], $0x80, s21, s25, $0xb8;
	[tilespmem:$0x1F880] =	vst v63  }
0x126: {  	_ =	swait.ge [sflag:s18], $0x4000  }
0x127: {  	[sflag:s18] =	ssyncset.done $0x0  }
0x128: {  	s31 =	sshll.u32 s2, $0x6;
	[sflag:s18] =	ssyncadd.s32 $0xFFFFC000  }
0x129: {  	s7 =	sor.u32 $0x1C04, s31;
	[bflag:$0x0] =	sbarrier.arrive $0xFFFF  }
.Ltmp6:
0x12a: {  	s11 =	sshrl.u32 s6, $0x3;
	s16 =	rddreg [dreg:$0xb];
	(pc) =	sbr.rel .LBB2_12-.Ltmp6, $4  }
0x12b: {  	[hbm:s16], [sflag:s7] =	dma.local [spmem:s11], $0x2780  }
0x12c: {  	_ =	swait.ge [sflag:s22], $0x2780  }
0x12d: {  	[sflag:s22] =	ssyncset.done $0x0  }
0x12e: {  	[sflag:s22] =	ssyncadd.s32 $0xFFFFD880  }
.LBB2_2:
0x12f: {  	s17 =	simm.s32 @p1 $0x1FC4;
	s20 =	rddreg [dreg:$0x4]  }
0x130: {  	[spmem:s16], [sflag:s17] =	dma.local @p1 [hbm:s20], $0x2080  }
0x131: {  	s16 =	simm.s32 @p1 $0x4  }
0x132: {  	_ =	swait.ge @p1 [sflag:s16], $0x2080  }
0x133: {  	[sflag:s16] =	ssyncset.done @p1 $0x0  }
0x134: {  	[sflag:s16] =	ssyncadd.s32 @p1 $0xFFFFDF80  }
0x135: {  	s17 =	simm.s32 @p1 $0x0;
	[bflag:$0x0] =	sbarrier.arrive @p1 $0xFFFF  }
0x136: {  	[tilespmem:s17], [sflag:$0x4] =	stream.linear.gather @p1 [hbm4b:s12+s17], $0x1800, $0x38;
	[tilespmem:$0x1F880] =	vst v63  }
0x137: {  	_ =	swait.ge @p1 [sflag:s16], $0x1800  }
0x138: {  	[sflag:s16] =	ssyncset.done @p1 $0x0  }
0x139: {  	s20 =	simm.s32 @p1 $0x1800;
	[sflag:s16] =	ssyncadd.s32 @p1 $0xFFFFE800  }
0x13a: {  	[tilespmem:s20], [sflag:$0x4] =	stream.linear.gather @p1 [hbm4b:s13+s17], $0x100, $0x38;
	[tilespmem:$0x1F880] =	vst v63  }
0x13b: {  	_ =	swait.ge @p1 [sflag:s16], $0x100  }
0x13c: {  	[sflag:s16] =	ssyncset.done @p1 $0x0  }
0x13d: {  	s20 =	simm.s32 @p1 $0x2000;
	[sflag:s16] =	ssyncadd.s32 @p1 $0xFFFFFF00  }
0x13e: {  	[tilespmem:s20], [sflag:$0x4] =	stream.linear.gather @p1 [hbm4b:s14+s17], $0x1800, $0x38;
	[tilespmem:$0x1F880] =	vst v63  }
0x13f: {  	_ =	swait.ge @p1 [sflag:s16], $0x1800  }
0x140: {  	[sflag:s16] =	ssyncset.done @p1 $0x0  }
0x141: {  	s20 =	simm.s32 @p1 $0x3800;
	[sflag:s16] =	ssyncadd.s32 @p1 $0xFFFFE800  }
0x142: {  	[tilespmem:s20], [sflag:$0x4] =	stream.linear.gather @p1 [hbm4b:s15+s17], $0x100, $0x38;
	[tilespmem:$0x1F880] =	vst v63  }
0x143: {  	_ =	swait.ge @p1 [sflag:s16], $0x100  }
0x144: {  	[sflag:s16] =	ssyncset.done @p1 $0x0  }
0x145: {  	s11 =	sor.u32 @!p1 $0x1C04, s11;
	[sflag:s16] =	ssyncadd.s32 @p1 $0xFFFFFF00;
	s16 =	rddreg [dreg:$0x3]  }
0x146: {  	[spmem:s7], [sflag:s11] =	dma.local @!p1 [hbm:s16], $0x2780  }
0x147: {  	s7 =	simm.s32 @!p1 $0x4  }
0x148: {  	_ =	swait.ge @!p1 [sflag:s7], $0x2780  }
0x149: {  	[sflag:s7] =	ssyncset.done @!p1 $0x0  }
0x14a: {  	[sflag:s7] =	ssyncadd.s32 @!p1 $0xFFFFD880  }
0x14b: {  	s11 =	simm.s32 @!p1 $0x0;
	[bflag:$0x0] =	sbarrier.arrive @!p1 $0xFFFF  }
0x14c: {  	[tilespmem:s11], [sflag:$0x4] =	stream.linear.gather @!p1 [hbm4b:s8+s11], $0x2000, $0x38;
	[tilespmem:$0x1F880] =	vst v63  }
0x14d: {  	_ =	swait.ge @!p1 [sflag:s7], $0x2000  }
0x14e: {  	[sflag:s7] =	ssyncset.done @!p1 $0x0  }
0x14f: {  	s16 =	simm.s32 @!p1 $0x2000;
	[sflag:s7] =	ssyncadd.s32 @!p1 $0xFFFFE000  }
0x150: {  	[tilespmem:s16], [sflag:$0x4] =	stream.linear.gather @!p1 [hbm4b:s9+s11], $0x2000, $0x38;
	[tilespmem:$0x1F880] =	vst v63  }
0x151: {  	_ =	swait.ge @!p1 [sflag:s7], $0x2000  }
0x152: {  	[sflag:s7] =	ssyncset.done @!p1 $0x0  }
0x153: {  	[sflag:s7] =	ssyncadd.s32 @!p1 $0xFFFFE000  }
0x154: {  	[tilespmem:s26], [sflag:$0x1] =	stream.indirect.gather [hbm4b:s4+s25], $0x80, s3, s25, $0xb8;
	[tilespmem:$0x1F880] =	vst v63  }
0x155: {  	_ =	swait.ge [sflag:s28], $0x4000  }
0x156: {  	[sflag:s28] =	ssyncset.done $0x0  }
0x157: {  	[sflag:s28] =	ssyncadd.s32 $0xFFFFC000  }
0x158: {  	[tilespmem:s29], [sflag:$0x1] =	stream.indirect.gather [hbm4b:s4+s25], $0x80, s25, s25, $0xb8;
	[tilespmem:$0x1F880] =	vst v63  }
0x159: {  	_ = 	snop  }
0x15a: {  	[spmem:s1] =	stream.indirect.scatter.add.f32 [tilespmem:s26], [sflag:$0x2], $0x80, s30, s25, $0xb8;
	[tilespmem:$0x1F880] =	vst v63  }
0x15b: {  	_ =	swait.ge [sflag:s28], $0x4000  }
0x15c: {  	[sflag:s28] =	ssyncset.done $0x0  }
0x15d: {  	s16 =	simm.s32 $0x2;
	[sflag:s28] =	ssyncadd.s32 $0xFFFFC000  }
0x15e: {  	_ =	swait.ge [sflag:s16], $0x4000  }
0x15f: {  	[sflag:s16] =	ssyncset.done $0x0  }
0x160: {  	s17 =	simm.s32 $0x100;
	[sflag:s16] =	ssyncadd.s32 $0xFFFFC000  }
0x161: {  	[tilespmem:s26], [sflag:$0x1] =	stream.indirect.gather [hbm4b:s4+s25], $0x80, s17, s25, $0xb8;
	[tilespmem:$0x1F880] =	vst v63  }
0x162: {  	_ = 	snop  }
0x163: {  	[spmem:s1] =	stream.indirect.scatter.add.f32 [tilespmem:s29], [sflag:$0x3], $0x80, s0, s25, $0xb8;
	[tilespmem:$0x1F880] =	vst v63  }
0x164: {  	_ =	swait.ge [sflag:s28], $0x4000  }
0x165: {  	[sflag:s28] =	ssyncset.done $0x0  }
0x166: {  	[sflag:s28] =	ssyncadd.s32 $0xFFFFC000  }
0x167: {  	_ =	swait.ge [sflag:s18], $0x4000  }
0x168: {  	[sflag:s18] =	ssyncset.done $0x0  }
0x169: {  	s20 =	simm.s32 $0x180;
	[sflag:s18] =	ssyncadd.s32 $0xFFFFC000  }
0x16a: {  	[tilespmem:s29], [sflag:$0x1] =	stream.indirect.gather [hbm4b:s4+s25], $0x80, s20, s25, $0xb8;
	[tilespmem:$0x1F880] =	vst v63  }
0x16b: {  	s21 =	simm.s32 $0x2100;
	s11 =	simm.s32 @!p1 $0x20  }
0x16c: {  	[spmem:s1] =	stream.indirect.scatter.add.f32 [tilespmem:s26], [sflag:$0x2], $0x80, s21, s25, $0xb8;
	[tilespmem:$0x1F880] =	vst v63  }
0x16d: {  	s11 =	simm.s32 @p1 $0x19;
	_ =	swait.ge [sflag:s28], $0x4000  }
0x16e: {  	p2 =	sne.s32 s11, $0x3;
	[sflag:s28] =	ssyncset.done $0x0  }
.Ltmp7:
0x16f: {  	[sflag:s28] =	ssyncadd.s32 $0xFFFFC000;
	(pc) =	sbr.rel @!p2 .LBB2_4-.Ltmp7, $4  }
0x170: {  	s31 =	simm.s32 $0x200;
	s7 =	simm.s32 $0x2280;
	_ =	swait.ge [sflag:s19], $0x4000  }
0x171: {  	s16 =	simm.s32 $0x280;
	s17 =	simm.s32 $0x2180;
	[sflag:s19] =	ssyncset.done $0x0  }
0x172: {  	s20 =	simm.s32 $0x3;
	s21 =	simm.s32 $0x2180;
	[sflag:s19] =	ssyncadd.s32 $0xFFFFC000  }
0x173: {  	[tilespmem:s26], [sflag:$0x1] =	stream.indirect.gather [hbm4b:s4+s25], $0x80, s31, s25, $0xb8;
	[tilespmem:$0x1F880] =	vst v63  }
.LBB2_3:
0x174: {  	s17 =	smov.u32 s7  }
0x175: {  	[spmem:s1] =	stream.indirect.scatter.add.f32 [tilespmem:s29], [sflag:$0x3], $0x80, s21, s25, $0xb8;
	[tilespmem:$0x1F880] =	vst v63  }
0x176: {  	s20 =	sadd.s32 $0x1, s20;
	s21 =	smov.u32 s7;
	_ =	swait.ge [sflag:s28], $0x4000  }
0x177: {  	p2 =	sne.s32 s11, s20;
	[sflag:s28] =	ssyncset.done $0x0  }
0x178: {  	[sflag:s28] =	ssyncadd.s32 $0xFFFFC000  }
0x179: {  	_ =	swait.ge [sflag:s18], $0x4000  }
0x17a: {  	[sflag:s18] =	ssyncset.done $0x0  }
0x17b: {  	[sflag:s18] =	ssyncadd.s32 $0xFFFFC000  }
0x17c: {  	[tilespmem:s29], [sflag:$0x1] =	stream.indirect.gather [hbm4b:s4+s25], $0x80, s16, s25, $0xb8;
	[tilespmem:$0x1F880] =	vst v63  }
0x17d: {  	s31 =	sadd.s32 $0xFFFFFF80, s7  }
0x17e: {  	[spmem:s1] =	stream.indirect.scatter.add.f32 [tilespmem:s26], [sflag:$0x2], $0x80, s31, s25, $0xb8;
	[tilespmem:$0x1F880] =	vst v63  }
0x17f: {  	_ =	swait.ge [sflag:s28], $0x4000  }
0x180: {  	[sflag:s28] =	ssyncset.done $0x0  }
0x181: {  	[sflag:s28] =	ssyncadd.s32 $0xFFFFC000  }
.Ltmp8:
0x182: {  	_ =	swait.ge [sflag:s19], $0x4000;
	(pc) =	sbr.rel @p2 .LBB2_3-.Ltmp8, $4  }
0x183: {  	[sflag:s19] =	ssyncset.done $0x0  }
0x184: {  	s31 =	sadd.s32 $0x80, s16;
	[sflag:s19] =	ssyncadd.s32 $0xFFFFC000  }
0x185: {  	[tilespmem:s26], [sflag:$0x1] =	stream.indirect.gather [hbm4b:s4+s25], $0x80, s31, s25, $0xb8;
	[tilespmem:$0x1F880] =	vst v63  }
0x186: {  	s7 =	sadd.s32 $0x100, s7;
	s16 =	sadd.s32 $0x100, s16  }
.LBB2_4:
0x187: {  	[spmem:s1] =	stream.indirect.scatter.add.f32 [tilespmem:s29], [sflag:$0x3], $0x80, s21, s25, $0xb8;
	[tilespmem:$0x1F880] =	vst v63  }
0x188: {  	_ =	swait.ge [sflag:s28], $0x4000  }
0x189: {  	[sflag:s28] =	ssyncset.done $0x0  }
0x18a: {  	[sflag:s28] =	ssyncadd.s32 $0xFFFFC000  }
0x18b: {  	_ =	swait.ge [sflag:s18], $0x4000  }
0x18c: {  	[sflag:s18] =	ssyncset.done $0x0  }
0x18d: {  	[sflag:s18] =	ssyncadd.s32 $0xFFFFC000  }
0x18e: {  	[tilespmem:s29], [sflag:$0x1] =	stream.indirect.gather [hbm4b:s4+s25], $0x80, s16, s25, $0xb8;
	[tilespmem:$0x1F880] =	vst v63  }
0x18f: {  	s11 =	sadd.s32 $0x80, s17  }
0x190: {  	[spmem:s1] =	stream.indirect.scatter.add.f32 [tilespmem:s26], [sflag:$0x2], $0x80, s11, s25, $0xb8;
	[tilespmem:$0x1F880] =	vst v63  }
0x191: {  	_ =	swait.ge [sflag:s28], $0x4000  }
0x192: {  	[sflag:s28] =	ssyncset.done $0x0  }
0x193: {  	[sflag:s28] =	ssyncadd.s32 $0xFFFFC000  }
0x194: {  	_ =	swait.ge [sflag:s19], $0x4000  }
0x195: {  	[sflag:s19] =	ssyncset.done $0x0  }
.Ltmp9:
0x196: {  	[sflag:s19] =	ssyncadd.s32 $0xFFFFC000;
	(pc) =	sbr.rel @!p1 .LBB2_5-.Ltmp9, $4  }
0x197: {  	[spmem:s1] =	stream.indirect.scatter.add.f32 [tilespmem:s29], [sflag:$0x3], $0x80, s7, s25, $0xb8;
	[tilespmem:$0x1F880] =	vst v63  }
0x198: {  	_ =	swait.ge [sflag:s18], $0x4000  }
0x199: {  	[sflag:s18] =	ssyncset.done $0x0  }
0x19a: {  	[sflag:s18] =	ssyncadd.s32 $0xFFFFC000  }
0x19b: {  	[bflag:$0x0] =	sbarrier.arrive $0xFFFF;
	s7 =	sshrl.u32 s10, $0x3  }
.Ltmp10:
0x19c: {  	s16 =	simm.s32 $0x1FC4;
	s11 =	rddreg [dreg:$0x8];
	(pc) =	sbr.rel .LBB2_12-.Ltmp10, $4  }
0x19d: {  	[hbm:s11], [sflag:s16] =	dma.local [spmem:s7], $0x2080  }
0x19e: {  	_ =	swait.ge [sflag:s22], $0x2080  }
0x19f: {  	[sflag:s22] =	ssyncset.done $0x0  }
0x1a0: {  	[sflag:s22] =	ssyncadd.s32 $0xFFFFDF80  }
.LBB2_5:
0x1a1: {  	s7 =	rddreg [dreg:$0x5]  }
0x1a2: {  	[tilespmem:s3], [sflag:$0x4] =	stream.linear.gather [hbm4b:s7+s3], $0x800, $0x38;
	[tilespmem:$0x1F880] =	vst v63  }
0x1a3: {  	_ =	swait.ge [sflag:s22], $0x800  }
0x1a4: {  	[sflag:s22] =	ssyncset.done $0x0  }
0x1a5: {  	s11 =	rddreg [dreg:$0x6];
	[sflag:s22] =	ssyncadd.s32 $0xFFFFF800  }
0x1a6: {  	[tilespmem:s30], [sflag:$0x4] =	stream.linear.gather [hbm4b:s11+s3], $0x800, $0x38;
	[tilespmem:$0x1F880] =	vst v63  }
0x1a7: {  	_ =	swait.ge [sflag:s22], $0x800  }
0x1a8: {  	[sflag:s22] =	ssyncset.done $0x0  }
0x1a9: {  	[sflag:s22] =	ssyncadd.s32 $0xFFFFF800  }
0x1aa: {  	[tilespmem:s26], [sflag:$0x1] =	stream.indirect.gather [hbm4b:s4+s25], $0x80, s3, s25, $0xb8;
	[tilespmem:$0x1F880] =	vst v63  }
0x1ab: {  	_ =	swait.ge [sflag:s28], $0x4000  }
0x1ac: {  	[sflag:s28] =	ssyncset.done $0x0  }
0x1ad: {  	[sflag:s28] =	ssyncadd.s32 $0xFFFFC000  }
0x1ae: {  	[tilespmem:s29], [sflag:$0x1] =	stream.indirect.gather [hbm4b:s4+s25], $0x80, s25, s25, $0xb8;
	[tilespmem:$0x1F880] =	vst v63  }
0x1af: {  	_ = 	snop  }
0x1b0: {  	[spmem:s1] =	stream.indirect.scatter.add.f32 [tilespmem:s26], [sflag:$0x2], $0x80, s30, s25, $0xb8;
	[tilespmem:$0x1F880] =	vst v63  }
0x1b1: {  	_ =	swait.ge [sflag:s28], $0x4000  }
0x1b2: {  	[sflag:s28] =	ssyncset.done $0x0  }
0x1b3: {  	[sflag:s28] =	ssyncadd.s32 $0xFFFFC000  }
0x1b4: {  	_ =	swait.ge [sflag:s19], $0x4000  }
0x1b5: {  	[sflag:s19] =	ssyncset.done $0x0  }
0x1b6: {  	s16 =	simm.s32 $0x100;
	[sflag:s19] =	ssyncadd.s32 $0xFFFFC000  }
0x1b7: {  	[tilespmem:s26], [sflag:$0x1] =	stream.indirect.gather [hbm4b:s4+s25], $0x80, s16, s25, $0xb8;
	[tilespmem:$0x1F880] =	vst v63  }
0x1b8: {  	_ = 	snop  }
0x1b9: {  	[spmem:s1] =	stream.indirect.scatter.add.f32 [tilespmem:s29], [sflag:$0x3], $0x80, s0, s25, $0xb8;
	[tilespmem:$0x1F880] =	vst v63  }
0x1ba: {  	_ =	swait.ge [sflag:s28], $0x4000  }
0x1bb: {  	[sflag:s28] =	ssyncset.done $0x0  }
0x1bc: {  	[sflag:s28] =	ssyncadd.s32 $0xFFFFC000  }
0x1bd: {  	_ =	swait.ge [sflag:s18], $0x4000  }
0x1be: {  	[sflag:s18] =	ssyncset.done $0x0  }
0x1bf: {  	s17 =	simm.s32 $0x180;
	[sflag:s18] =	ssyncadd.s32 $0xFFFFC000  }
0x1c0: {  	[tilespmem:s29], [sflag:$0x1] =	stream.indirect.gather [hbm4b:s4+s25], $0x80, s17, s25, $0xb8;
	[tilespmem:$0x1F880] =	vst v63  }
0x1c1: {  	s20 =	simm.s32 $0x2100  }
0x1c2: {  	[spmem:s1] =	stream.indirect.scatter.add.f32 [tilespmem:s26], [sflag:$0x2], $0x80, s20, s25, $0xb8;
	[tilespmem:$0x1F880] =	vst v63  }
0x1c3: {  	_ =	swait.ge [sflag:s28], $0x4000  }
0x1c4: {  	[sflag:s28] =	ssyncset.done $0x0  }
0x1c5: {  	[sflag:s28] =	ssyncadd.s32 $0xFFFFC000  }
0x1c6: {  	_ =	swait.ge [sflag:s19], $0x4000  }
0x1c7: {  	[sflag:s19] =	ssyncset.done $0x0  }
0x1c8: {  	s21 =	simm.s32 $0x200;
	[sflag:s19] =	ssyncadd.s32 $0xFFFFC000  }
0x1c9: {  	[tilespmem:s26], [sflag:$0x1] =	stream.indirect.gather [hbm4b:s4+s25], $0x80, s21, s25, $0xb8;
	[tilespmem:$0x1F880] =	vst v63  }
0x1ca: {  	s31 =	simm.s32 $0x2180  }
0x1cb: {  	[spmem:s1] =	stream.indirect.scatter.add.f32 [tilespmem:s29], [sflag:$0x3], $0x80, s31, s25, $0xb8;
	[tilespmem:$0x1F880] =	vst v63  }
0x1cc: {  	_ =	swait.ge [sflag:s28], $0x4000  }
0x1cd: {  	[sflag:s28] =	ssyncset.done $0x0  }
0x1ce: {  	[sflag:s28] =	ssyncadd.s32 $0xFFFFC000  }
0x1cf: {  	_ =	swait.ge [sflag:s18], $0x4000  }
0x1d0: {  	[sflag:s18] =	ssyncset.done $0x0  }
0x1d1: {  	s11 =	simm.s32 $0x280;
	[sflag:s18] =	ssyncadd.s32 $0xFFFFC000  }
0x1d2: {  	[tilespmem:s29], [sflag:$0x1] =	stream.indirect.gather [hbm4b:s4+s25], $0x80, s11, s25, $0xb8;
	[tilespmem:$0x1F880] =	vst v63  }
0x1d3: {  	s16 =	simm.s32 $0x2200  }
0x1d4: {  	[spmem:s1] =	stream.indirect.scatter.add.f32 [tilespmem:s26], [sflag:$0x2], $0x80, s16, s25, $0xb8;
	[tilespmem:$0x1F880] =	vst v63  }
0x1d5: {  	_ =	swait.ge [sflag:s28], $0x4000  }
0x1d6: {  	[sflag:s28] =	ssyncset.done $0x0  }
0x1d7: {  	[sflag:s28] =	ssyncadd.s32 $0xFFFFC000  }
0x1d8: {  	_ =	swait.ge [sflag:s19], $0x4000  }
0x1d9: {  	[sflag:s19] =	ssyncset.done $0x0  }
0x1da: {  	s17 =	simm.s32 $0x300;
	[sflag:s19] =	ssyncadd.s32 $0xFFFFC000  }
0x1db: {  	[tilespmem:s26], [sflag:$0x1] =	stream.indirect.gather [hbm4b:s4+s25], $0x80, s17, s25, $0xb8;
	[tilespmem:$0x1F880] =	vst v63  }
0x1dc: {  	s20 =	simm.s32 $0x2280  }
0x1dd: {  	[spmem:s1] =	stream.indirect.scatter.add.f32 [tilespmem:s29], [sflag:$0x3], $0x80, s20, s25, $0xb8;
	[tilespmem:$0x1F880] =	vst v63  }
0x1de: {  	_ =	swait.ge [sflag:s28], $0x4000  }
0x1df: {  	[sflag:s28] =	ssyncset.done $0x0  }
0x1e0: {  	[sflag:s28] =	ssyncadd.s32 $0xFFFFC000  }
0x1e1: {  	_ =	swait.ge [sflag:s18], $0x4000  }
0x1e2: {  	[sflag:s18] =	ssyncset.done $0x0  }
0x1e3: {  	s21 =	simm.s32 $0x380;
	[sflag:s18] =	ssyncadd.s32 $0xFFFFC000  }
0x1e4: {  	[tilespmem:s29], [sflag:$0x1] =	stream.indirect.gather [hbm4b:s4+s25], $0x80, s21, s25, $0xb8;
	[tilespmem:$0x1F880] =	vst v63  }
0x1e5: {  	s31 =	simm.s32 $0x2300  }
0x1e6: {  	[spmem:s1] =	stream.indirect.scatter.add.f32 [tilespmem:s26], [sflag:$0x2], $0x80, s31, s25, $0xb8;
	[tilespmem:$0x1F880] =	vst v63  }
0x1e7: {  	_ =	swait.ge [sflag:s28], $0x4000  }
0x1e8: {  	[sflag:s28] =	ssyncset.done $0x0  }
0x1e9: {  	[sflag:s28] =	ssyncadd.s32 $0xFFFFC000  }
0x1ea: {  	_ =	swait.ge [sflag:s19], $0x4000  }
0x1eb: {  	[sflag:s19] =	ssyncset.done $0x0  }
0x1ec: {  	s11 =	simm.s32 $0x400;
	[sflag:s19] =	ssyncadd.s32 $0xFFFFC000  }
0x1ed: {  	[tilespmem:s26], [sflag:$0x1] =	stream.indirect.gather [hbm4b:s4+s25], $0x80, s11, s25, $0xb8;
	[tilespmem:$0x1F880] =	vst v63  }
0x1ee: {  	s16 =	simm.s32 $0x2380  }
0x1ef: {  	[spmem:s1] =	stream.indirect.scatter.add.f32 [tilespmem:s29], [sflag:$0x3], $0x80, s16, s25, $0xb8;
	[tilespmem:$0x1F880] =	vst v63  }
0x1f0: {  	_ =	swait.ge [sflag:s28], $0x4000  }
0x1f1: {  	[sflag:s28] =	ssyncset.done $0x0  }
0x1f2: {  	[sflag:s28] =	ssyncadd.s32 $0xFFFFC000  }
0x1f3: {  	_ =	swait.ge [sflag:s18], $0x4000  }
0x1f4: {  	[sflag:s18] =	ssyncset.done $0x0  }
0x1f5: {  	s17 =	simm.s32 $0x480;
	[sflag:s18] =	ssyncadd.s32 $0xFFFFC000  }
0x1f6: {  	[tilespmem:s29], [sflag:$0x1] =	stream.indirect.gather [hbm4b:s4+s25], $0x80, s17, s25, $0xb8;
	[tilespmem:$0x1F880] =	vst v63  }
0x1f7: {  	s20 =	simm.s32 $0x2400  }
0x1f8: {  	[spmem:s1] =	stream.indirect.scatter.add.f32 [tilespmem:s26], [sflag:$0x2], $0x80, s20, s25, $0xb8;
	[tilespmem:$0x1F880] =	vst v63  }
0x1f9: {  	_ =	swait.ge [sflag:s28], $0x4000  }
0x1fa: {  	[sflag:s28] =	ssyncset.done $0x0  }
0x1fb: {  	[sflag:s28] =	ssyncadd.s32 $0xFFFFC000  }
0x1fc: {  	_ =	swait.ge [sflag:s19], $0x4000  }
0x1fd: {  	[sflag:s19] =	ssyncset.done $0x0  }
0x1fe: {  	s21 =	simm.s32 $0x500;
	[sflag:s19] =	ssyncadd.s32 $0xFFFFC000  }
0x1ff: {  	[tilespmem:s26], [sflag:$0x1] =	stream.indirect.gather [hbm4b:s4+s25], $0x80, s21, s25, $0xb8;
	[tilespmem:$0x1F880] =	vst v63  }
0x200: {  	s31 =	simm.s32 $0x2480  }
0x201: {  	[spmem:s1] =	stream.indirect.scatter.add.f32 [tilespmem:s29], [sflag:$0x3], $0x80, s31, s25, $0xb8;
	[tilespmem:$0x1F880] =	vst v63  }
0x202: {  	_ =	swait.ge [sflag:s28], $0x4000  }
0x203: {  	[sflag:s28] =	ssyncset.done $0x0  }
0x204: {  	[sflag:s28] =	ssyncadd.s32 $0xFFFFC000  }
0x205: {  	_ =	swait.ge [sflag:s18], $0x4000  }
0x206: {  	[sflag:s18] =	ssyncset.done $0x0  }
0x207: {  	s11 =	simm.s32 $0x580;
	[sflag:s18] =	ssyncadd.s32 $0xFFFFC000  }
0x208: {  	[tilespmem:s29], [sflag:$0x1] =	stream.indirect.gather [hbm4b:s4+s25], $0x80, s11, s25, $0xb8;
	[tilespmem:$0x1F880] =	vst v63  }
0x209: {  	s16 =	simm.s32 $0x2500  }
0x20a: {  	[spmem:s1] =	stream.indirect.scatter.add.f32 [tilespmem:s26], [sflag:$0x2], $0x80, s16, s25, $0xb8;
	[tilespmem:$0x1F880] =	vst v63  }
0x20b: {  	_ =	swait.ge [sflag:s28], $0x4000  }
0x20c: {  	[sflag:s28] =	ssyncset.done $0x0  }
0x20d: {  	[sflag:s28] =	ssyncadd.s32 $0xFFFFC000  }
0x20e: {  	_ =	swait.ge [sflag:s19], $0x4000  }
0x20f: {  	[sflag:s19] =	ssyncset.done $0x0  }
0x210: {  	s17 =	simm.s32 $0x600;
	[sflag:s19] =	ssyncadd.s32 $0xFFFFC000  }
0x211: {  	[tilespmem:s26], [sflag:$0x1] =	stream.indirect.gather [hbm4b:s4+s25], $0x80, s17, s25, $0xb8;
	[tilespmem:$0x1F880] =	vst v63  }
0x212: {  	s20 =	simm.s32 $0x2580  }
0x213: {  	[spmem:s1] =	stream.indirect.scatter.add.f32 [tilespmem:s29], [sflag:$0x3], $0x80, s20, s25, $0xb8;
	[tilespmem:$0x1F880] =	vst v63  }
0x214: {  	_ =	swait.ge [sflag:s28], $0x4000  }
0x215: {  	[sflag:s28] =	ssyncset.done $0x0  }
0x216: {  	[sflag:s28] =	ssyncadd.s32 $0xFFFFC000  }
0x217: {  	_ =	swait.ge [sflag:s18], $0x4000  }
0x218: {  	[sflag:s18] =	ssyncset.done $0x0  }
0x219: {  	s21 =	simm.s32 $0x680;
	[sflag:s18] =	ssyncadd.s32 $0xFFFFC000  }
0x21a: {  	[tilespmem:s29], [sflag:$0x1] =	stream.indirect.gather [hbm4b:s4+s25], $0x80, s21, s25, $0xb8;
	[tilespmem:$0x1F880] =	vst v63  }
0x21b: {  	s31 =	simm.s32 $0x2600  }
0x21c: {  	[spmem:s1] =	stream.indirect.scatter.add.f32 [tilespmem:s26], [sflag:$0x2], $0x80, s31, s25, $0xb8;
	[tilespmem:$0x1F880] =	vst v63  }
0x21d: {  	_ =	swait.ge [sflag:s28], $0x4000  }
0x21e: {  	[sflag:s28] =	ssyncset.done $0x0  }
0x21f: {  	[sflag:s28] =	ssyncadd.s32 $0xFFFFC000  }
0x220: {  	_ =	swait.ge [sflag:s19], $0x4000  }
0x221: {  	[sflag:s19] =	ssyncset.done $0x0  }
0x222: {  	s11 =	simm.s32 $0x700;
	[sflag:s19] =	ssyncadd.s32 $0xFFFFC000  }
0x223: {  	[tilespmem:s26], [sflag:$0x1] =	stream.indirect.gather [hbm4b:s4+s25], $0x80, s11, s25, $0xb8;
	[tilespmem:$0x1F880] =	vst v63  }
0x224: {  	s16 =	simm.s32 $0x2680  }
0x225: {  	[spmem:s1] =	stream.indirect.scatter.add.f32 [tilespmem:s29], [sflag:$0x3], $0x80, s16, s25, $0xb8;
	[tilespmem:$0x1F880] =	vst v63  }
0x226: {  	_ =	swait.ge [sflag:s28], $0x4000  }
0x227: {  	[sflag:s28] =	ssyncset.done $0x0  }
0x228: {  	[sflag:s28] =	ssyncadd.s32 $0xFFFFC000  }
0x229: {  	_ =	swait.ge [sflag:s18], $0x4000  }
0x22a: {  	[sflag:s18] =	ssyncset.done $0x0  }
0x22b: {  	s17 =	simm.s32 $0x780;
	[sflag:s18] =	ssyncadd.s32 $0xFFFFC000  }
0x22c: {  	[tilespmem:s29], [sflag:$0x1] =	stream.indirect.gather [hbm4b:s4+s25], $0x80, s17, s25, $0xb8;
	[tilespmem:$0x1F880] =	vst v63  }
0x22d: {  	s20 =	simm.s32 $0x2700  }
0x22e: {  	[spmem:s1] =	stream.indirect.scatter.add.f32 [tilespmem:s26], [sflag:$0x2], $0x80, s20, s25, $0xb8;
	[tilespmem:$0x1F880] =	vst v63  }
0x22f: {  	_ =	swait.ge [sflag:s28], $0x4000  }
0x230: {  	[sflag:s28] =	ssyncset.done $0x0  }
0x231: {  	[sflag:s28] =	ssyncadd.s32 $0xFFFFC000  }
0x232: {  	_ =	swait.ge [sflag:s19], $0x4000  }
0x233: {  	[sflag:s19] =	ssyncset.done $0x0  }
0x234: {  	s21 =	simm.s32 $0x2780;
	[sflag:s19] =	ssyncadd.s32 $0xFFFFC000  }
0x235: {  	[spmem:s1] =	stream.indirect.scatter.add.f32 [tilespmem:s29], [sflag:$0x3], $0x80, s21, s25, $0xb8;
	[tilespmem:$0x1F880] =	vst v63  }
0x236: {  	_ =	swait.ge [sflag:s18], $0x4000  }
0x237: {  	[sflag:s18] =	ssyncset.done $0x0  }
0x238: {  	s31 =	sshll.u32 s2, $0x6;
	[sflag:s18] =	ssyncadd.s32 $0xFFFFC000  }
0x239: {  	s7 =	sor.u32 $0x1C04, s31;
	[bflag:$0x0] =	sbarrier.arrive $0xFFFF  }
.Ltmp11:
0x23a: {  	s11 =	sshrl.u32 s6, $0x3;
	s16 =	rddreg [dreg:$0x7];
	(pc) =	sbr.rel .LBB2_12-.Ltmp11, $4  }
0x23b: {  	[hbm:s16], [sflag:s7] =	dma.local [spmem:s11], $0x2780  }
0x23c: {  	_ =	swait.ge [sflag:s22], $0x2780  }
0x23d: {  	[sflag:s22] =	ssyncset.done $0x0  }
0x23e: {  	[sflag:s22] =	ssyncadd.s32 $0xFFFFD880  }
.LBB2_13:
0x23f: {  	_ =	sfence.sel $0x180000  }
0x240: {  	[bflag:$0x0] =	sbarrier.arrive $0xFFFF  }
0x241: {  	_ =	strace $0x9000004D  }
0x242: {  	[bflag:$0x2] =	sbarrier.arrive $0xFFFF  }
0x243: {  	p0 =	sne.s32 s2, $0x0;
	s0 =	rddreg [dreg:$0x2]  }
0x244: {  	s0 =	sadd.s32 @!p0 $0x100000, s0  }
0x245: {  	[sflag:s0] =	ssyncadd.tile.s32 @!p0 $0x1;
	_ =	shalt  }
.Lfunc_end2:
_tile_overlayer_lowered:
.L_overlay_start_2:
0x246: {  	(tag) =	ssettag $0x2  }
0x247: {  	s0 =	rddreg [dreg:$0x0];
	s2 =	stileid.u32  }
0x248: {  	s1 =	rddreg [dreg:$0x1];
	p0 =	sne.s32 s2, $0x0  }
0x249: {  	s3 =	rddreg [dreg:$0x2];
	[bflag:$0x3] =	sbarrier.arrive $0xFFFF;
	s2 =	simm.s32 @!p0 $0x1C04  }
0x24a: {  	[timem:s3], [sflag:s2] =	dma.local @!p0 [hbm:s0], s1  }
0x24b: {  	s0 =	simm.s32 @!p0 $0x4  }
0x24c: {  	_ =	swait.ge @!p0 [sflag:s0], s1  }
0x24d: {  	s1 =	ssub.s32 @!p0 $0x0, s1;
	[sflag:s0] =	ssyncset.done @!p0 $0x0  }
0x24e: {  	[sflag:s0] =	ssyncadd.s32 @!p0 s1  }
0x24f: {  	[bflag:$0x3] =	sbarrier.arrive $0xFFFF  }
0x250: {  	_ =	shalt  }

// kernel: kernel.8.cloned.1.call-start
scs
__scs_entry_jumppad:
0x0: {  	(pc) =	sbr.rel $0x88, $3  }
0x1: {  	(tag) =	ssettag $0x0;
	lr =	simm.s32 $0x1  }
0x2: {  	[smem:$0x3F96] =	sst lr;
	_ =	strace $0xD0000000  }
0x3: {  	_ = 	snop  }
0x4: {  	_ = 	snop  }
0x5: {  	_ = 	snop  }
0x6: {  	_ = 	snop  }
0x7: {  	_ = 	snop  }
__scs_overlays_trampoline_lowered:
0x8: {  	[smem:$0x3FA5] =	sst s0  }
0x9: {  	[smem:$0x3FA6] =	sst s1  }
0xa: {  	[smem:$0x3FA7] =	sst s2  }
0xb: {  	[smem:$0x3FA8] =	sst s3  }
0xc: {  	[smem:$0x3FA9] =	sst s4  }
0xd: {  	[smem:$0x3FAA] =	sst s5  }
0xe: {  	[smem:$0x3FAB] =	sst s6  }
0xf: {  	[smem:$0x3FAC] =	sst s7  }
0x10: {  	[smem:$0x3FAD] =	sst s8  }
0x11: {  	[smem:$0x3FAE] =	sst s9;
	s0 =	simm.s32 @!p0 $0x0  }
0x12: {  	s1 =	sld [smem:$0x3F94];
	s0 =	simm.s32 @p0 $0x1  }
0x13: {  	[smem:$0x3FAF] =	sst s0;
	s0 =	simm.s32 @!p1 $0x0  }
0x14: {  	s2 =	sld [smem:$0x3F93];
	s0 =	simm.s32 @p1 $0x1  }
0x15: {  	[smem:$0x3FB0] =	sst s0;
	s0 =	simm.s32 @!p2 $0x0  }
0x16: {  	s3 =	sld [smem:$0x3FDB];
	s0 =	simm.s32 @p2 $0x1  }
0x17: {  	s4 =	simm.s32 $0x1BF5;
	[smem:$0x3FB2] =	sst s0  }
0x18: {  	s0 =	sld [smem:$0x3F95];
	_ =	swait.ge [sflag:s4], $0x0  }
0x19: {  	s7 =	sld [smem:$0x3F96]  }
0x1a: {  	s8 =	sadd.s32 $0xFFFFE003, lr  }
0x1b: {  	s9 =	sadd.s32 $0xFFFFFEF7, lr;
	s5 =	simm.s32 $0xFFFFFFFF;
	p2 =	slt.u32 s8, $0xFFFFF086  }
0x1c: {  	p1 =	slt.u32 s9, $0xF7A;
	s5 =	simm.s32 @!p2 $0x0  }
0x1d: {  	s5 =	simm.s32 @p1 $0x1;
	p0 =	seq.s32 s7, s2  }
0x1e: {  	s7 =	smul.u32 @!p0 $0xF7A, s2;
	p2 =	seq.s32 @!p0 s5, $0x0  }
0x1f: {  	s9 =	smul.u32 $0xF7A, s1;
	s8 =	simm.s32 @!p0 $0x1BF5;
	p2 =	por !p2, p0  }
0x20: {  	[sflag:s8] =	ssyncset.s32 @!p0 $0xFFFFF086;
	s6 =	sadd.s32 @!p0 s3, s7;
	s7 =	simm.s32 @!p0 $0x108  }
0x21: {  	s3 =	sadd.s32 s3, s9;
	s6 =	sadd.s32 @!p0 $0x88, s6;
	s7 =	simm.s32 @p2 $0x1082  }
0x22: {  	[simem:s7], [sflag:s8] =	dma.local @!p0 [hbm:s6], $0xF7A  }
0x23: {  	s9 =	sor.u32 $0xD0000000, s2;
	s6 =	simm.s32 $0x108;
	_ =	swait.ge @!p0 [sflag:s8], $0x0  }
0x24: {  	s3 =	sadd.s32 $0x88, s3;
	s6 =	simm.s32 @!p1 $0x1082;
	[sflag:s4] =	ssyncset.s32 $0xFFFFF086  }
0x25: {  	[simem:s6], [sflag:s4] =	dma.local [hbm:s3], $0xF7A  }
0x26: {  	[smem:$0x3F96] =	sst s1;
	(tag) =	ssettag s2;
	_ =	strace s9  }
0x27: {  	s1 =	sld [smem:$0x3FA6]  }
0x28: {  	s2 =	sld [smem:$0x3FA7]  }
0x29: {  	s4 =	sld [smem:$0x3FA9]  }
0x2a: {  	p0 =	seq.s32 s5, $0x0;
	s5 =	sld [smem:$0x3FAA]  }
0x2b: {  	s6 =	sld [smem:$0x3FAB]  }
0x2c: {  	s7 =	sld [smem:$0x3FAC]  }
0x2d: {  	s3 =	simm.s32 $0x108;
	s8 =	sld [smem:$0x3FAD]  }
0x2e: {  	s3 =	simm.s32 @!p0 $0x1082;
	s9 =	sld [smem:$0x3FAE]  }
0x2f: {  	lr =	sadd.s32 s0, s3;
	s0 =	sld [smem:$0x3FA5]  }
0x30: {  	s3 =	sld [smem:$0x3FA8]  }
0x31: {  	[smem:$0x3FB1] =	sst s10  }
0x32: {  	s10 =	sld [smem:$0x3FAF];
	_ =	sdelay $0x3  }
0x33: {  	p0 =	seq.s32 s10, $0x1;
	s10 =	sld [smem:$0x3FB1];
	_ =	sdelay $0x3  }
0x34: {  	[smem:$0x3FB1] =	sst s10  }
0x35: {  	s10 =	sld [smem:$0x3FB0];
	_ =	sdelay $0x3  }
0x36: {  	p1 =	seq.s32 s10, $0x1;
	s10 =	sld [smem:$0x3FB1];
	_ =	sdelay $0x3  }
0x37: {  	[smem:$0x3FB1] =	sst s10  }
0x38: {  	s10 =	sld [smem:$0x3FB2]  }
0x39: {  	_ = 	snop;
	(pc) =	sbr.ind lr, $3  }
0x3a: {  	_ = 	snop  }
0x3b: {  	_ = 	snop  }
0x3c: {  	p2 =	seq.s32 s10, $0x1;
	s10 =	sld [smem:$0x3FB1]  }
0x3d: {  	_ =	shalt  }
0x3e: {  	_ =	shalt  }
0x3f: {  	_ =	shalt  }
0x40: {  	_ =	shalt  }
0x41: {  	_ =	shalt  }
0x42: {  	_ =	shalt  }
0x43: {  	_ =	shalt  }
0x44: {  	_ =	shalt  }
0x45: {  	_ =	shalt  }
0x46: {  	_ =	shalt  }
0x47: {  	_ =	shalt  }
0x48: {  	_ =	shalt  }
0x49: {  	_ =	shalt  }
0x4a: {  	_ =	shalt  }
0x4b: {  	_ =	shalt  }
0x4c: {  	_ =	shalt  }
0x4d: {  	_ =	shalt  }
0x4e: {  	_ =	shalt  }
0x4f: {  	_ =	shalt  }
0x50: {  	_ =	shalt  }
0x51: {  	_ =	shalt  }
0x52: {  	_ =	shalt  }
0x53: {  	_ =	shalt  }
0x54: {  	_ =	shalt  }
0x55: {  	_ =	shalt  }
0x56: {  	_ =	shalt  }
0x57: {  	_ =	shalt  }
0x58: {  	_ =	shalt  }
0x59: {  	_ =	shalt  }
0x5a: {  	_ =	shalt  }
0x5b: {  	_ =	shalt  }
0x5c: {  	_ =	shalt  }
0x5d: {  	_ =	shalt  }
0x5e: {  	_ =	shalt  }
0x5f: {  	_ =	shalt  }
0x60: {  	_ =	shalt  }
0x61: {  	_ =	shalt  }
0x62: {  	_ =	shalt  }
0x63: {  	_ =	shalt  }
0x64: {  	_ =	shalt  }
0x65: {  	_ =	shalt  }
0x66: {  	_ =	shalt  }
0x67: {  	_ =	shalt  }
0x68: {  	_ =	shalt  }
0x69: {  	_ =	shalt  }
0x6a: {  	_ =	shalt  }
0x6b: {  	_ =	shalt  }
0x6c: {  	_ =	shalt  }
0x6d: {  	_ =	shalt  }
0x6e: {  	_ =	shalt  }
0x6f: {  	_ =	shalt  }
0x70: {  	_ =	shalt  }
0x71: {  	_ =	shalt  }
0x72: {  	_ =	shalt  }
0x73: {  	_ =	shalt  }
0x74: {  	_ =	shalt  }
0x75: {  	_ =	shalt  }
0x76: {  	_ =	shalt  }
0x77: {  	_ =	shalt  }
0x78: {  	_ =	shalt  }
0x79: {  	_ =	shalt  }
0x7a: {  	_ =	shalt  }
0x7b: {  	_ =	shalt  }
0x7c: {  	_ =	shalt  }
0x7d: {  	_ =	shalt  }
0x7e: {  	_ =	shalt  }
0x7f: {  	_ =	shalt  }
0x80: {  	_ =	shalt  }
0x81: {  	_ =	shalt  }
0x82: {  	_ =	shalt  }
0x83: {  	_ =	shalt  }
0x84: {  	_ =	shalt  }
0x85: {  	_ =	shalt  }
0x86: {  	_ =	shalt  }
0x87: {  	_ =	shalt  }
.Lfunc_end0:
.L_simem_size_0:
called_computation_lowered:
.L_overlay_start_0:
0x88: {  	s2 =	sld [smem:$0x3FD9]  }
0x89: {  	s3 =	sld [smem:$0x3FFE];
	_ =	sdelay $0x1  }
0x8a: {  	s1 =	srdreg.scid  }
0x8b: {  	s0 =	sand.u32 $0x1, s1  }
0x8c: {  	s17 =	sshll.u32 s0, $0xA;
	s2 =	sadd.s32 s3, s2  }
0x8d: {  	s2 =	sadd.s32 s2, s17  }
0x8e: {  	[smem:$0x3FBD] =	sst s2  }
0x8f: {  	_ = 	snop  }
0x90: {  	s2 =	sld [smem:$0x3FD0];
	(tm) =	ssettm $0x1  }
0x91: {  	s18 =	sld [smem:$0x3FFB];
	_ =	sdelay $0x3  }
0x92: {  	_ =	strace s18  }
0x93: {  	s3 =	sld [smem:$0x3FFC];
	_ =	sdelay $0x3  }
0x94: {  	_ =	strace s3  }
0x95: {  	s3 =	sld [smem:$0x3FFD];
	_ =	sdelay $0x3  }
0x96: {  	_ =	strace s3  }
0x97: {  	_ =	strace $0x8FFFFFFF  }
0x98: {  	s19 =	sld [smem:$0x3FDB];
	_ =	sdelay $0x1  }
0x99: {  	s4 =	simm.s32 $_scs_section_size  }
0x9a: {  	s5 =	simm.s32 $_size__tile_overlayer_lowered;
	s6 =	simm.s32 $_tile_overlayer_lowered  }
0x9b: {  	s22 =	simm.s32 $0x1BFF;
	s21 =	sshll.u32 s6, $0x1;
	s3 =	sadd.s32 s4, s19  }
0x9c: {  	s7 =	simm.s32 $0x0;
	s20 =	sshll.u32 s5, $0x1;
	s5 =	sadd.s32 s21, s3  }
0x9d: {  	[timem:s7], [sflag:s22] =	dma.local [hbm:s5], s20  }
0x9e: {  	_ =	swait.ge [sflag:s22], s20  }
0x9f: {  	s4 =	ssub.s32 $0x0, s20;
	[sflag:s22] =	ssyncset.done $0x0  }
0xa0: {  	[sflag:s22] =	ssyncadd.s32 s4;
	_ =	sdelay $0x1  }
0xa1: {  	s23 =	simm.s32 $0x1B8B  }
0xa2: {  	_ =	swait.ge [sflag:s23], $0x1  }
0xa3: {  	[sflag:s23] =	ssyncset.done $0x0  }
0xa4: {  	s25 =	simm.s32 $0x1B8E;
	s24 =	sld [smem:$0x3FFE];
	[sflag:s23] =	ssyncadd.s32 $0xFFFFFFFF  }
0xa5: {  	s26 =	simm.s32 $execute0_lowered;
	[smem:$0x3FD2] =	sst s25  }
0xa6: {  	s5 =	sshll.u32 s26, $0x1;
	_ =	strace $0x80000046;
	[dreg:$0x1] =	wrdreg $0xFFFFFFFF  }
0xa7: {  	s28 =	simm.s32 $_size_execute0_lowered;
	s3 =	sadd.s32 s3, s5;
	[dreg:$0x0] =	wrdreg $0x0  }
0xa8: {  	s5 =	sshll.u32 s28, $0x1;
	[dreg:$0x2] =	wrdreg s3  }
0xa9: {  	[dreg:$0x3] =	wrdreg s5  }
0xaa: {  	[dreg:$0x4] =	wrdreg $0xC0  }
0xab: {  	_ =	task [dreg:s7], $0x5FFFF  }
0xac: {  	[dreg:$0x1] =	wrdreg $0xFFFFFFFF  }
0xad: {  	[dreg:$0x0] =	wrdreg $0x60  }
0xae: {  	[dreg:$0x2] =	wrdreg s2  }
0xaf: {  	[dreg:$0x3] =	wrdreg s24  }
0xb0: {  	[dreg:$0x4] =	wrdreg $0x18800  }
0xb1: {  	[dreg:$0x5] =	wrdreg $0x9  }
0xb2: {  	_ =	task.clear_ibuf [dreg:s7], $0x6FFFF;
	_ =	strace $0x90000046  }
0xb3: {  	s29 =	simm.s32 $0x9;
	_ =	strace $0x80000048  }
0xb4: {  	_ =	swait.ge [sflag:s29], $0x1  }
0xb5: {  	[sflag:s29] =	ssyncadd.s32 $0xFFFFFFFF  }
0xb6: {  	_ =	strace $0x90000048  }
0xb7: {  	_ =	sfence  }
0xb8: {  	s30 =	sld [smem:$0x0];
	_ =	sdelay $0x2  }
0xb9: {  	s31 =	sshll.u32 s1, $0xD;
	s1 =	sshrl.u32 s1, $0x2  }
0xba: {  	s3 =	sand.u32 $0x4000, s31;
	s1 =	sadd.s32 s1, s30  }
0xbb: {  	s0 =	sor.u32 s3, s0;
	s1 =	sshll.u32 s1, $0x11  }
0xbc: {  	s0 =	sor.u32 s1, s0  }
0xbd: {  	s0 =	sadd.s32 $0x8F2B, s0  }
0xbe: {  	[sflag:s0] =	ssyncadd.remote.s32 $0x1  }
0xbf: {  	_ =	sfence.sel $0xFFFF  }
0xc0: {  	[dreg:$0x0] =	wrdreg $0xFFFFFFFF;
	(pc) =	sbr.abs _section_cstart, $3  }
0xc1: {  	[dreg:$0x1] =	wrdreg $0xFFFFFFFF  }
0xc2: {  	_ =	task.clear_ibuf [dreg:s7], $0x2FFFF;
	_ =	strace $0x9FFFFFFF  }
0xc3: {  	(tm) =	ssettm $0x7FFFFFFF  }
tec
execute0_lowered:
.L_overlay_start_1:
0x0: {  	(tag) =	ssettag $0x1  }
0x1: {  	s0 =	rddreg [dreg:$0x0]  }
0x2: {  	s11 =	rddreg [dreg:$0x1]  }
0x3: {  	s1 =	srdreg.scid;
	s3 =	rddreg [dreg:$0x2]  }
0x4: {  	s2 =	stileid.u32;
	s4 =	simm.s32 $0x0;
	s14 =	simm.s32 $0xE800  }
0x5: {  	s15 =	simm.s32 $0x0;
	s8 =	sand.u32 $0x1, s1;
	s1 =	rddreg [dreg:$0x3]  }
0x6: {  	[smem:$0x7FF] =	sst s4;
	s10 =	smul.u32 $0x3E8, s2;
	s5 =	sshll.u32 s8, $0x4  }
0x7: {  	s7 =	ssub.s32 $0x2, s8;
	_ =	strace $0x80000047;
	p1 =	seq.s32 s8, $0x1  }
0x8: {  	s5 =	sor.u32 s2, s5;
	s9 =	sshrl.u32 s7, $0x1;
	s13 =	sshrl.u32 s10, $0x3  }
0x9: {  	s8 =	sadd.s32 s10, s3;
	s14 =	simm.s32 @!p1 $0xE200;
	s6 =	smul.u32 $0x280, s5  }
0xa: {  	s12 =	ssub.s32 s7, s9;
	p0 =	seq.s32 s5, $0x1F;
	s9 =	simm.s32 $0xA  }
0xb: {  	p1 =	sgt.u32 s2, $0x9;
	s7 =	sadd.s32 s0, s13;
	s9 =	simm.s32 @!p0 $0x28  }
0xc: {  	s10 =	smax.u32 s12, $0x1;
	s12 =	simm.s32 $0x1400;
	s6 =	sadd.s32 s6, s11  }
0xd: {  	s5 =	sadd.s32 $0x9200, s6;
	s6 =	sadd.s32 $0xDF80, s11;
	s11 =	sadd.s32 s14, s11  }
0xe: {  	s14 =	simm.s32 $0x80;
	s11 =	sadd.s32 s11, s13;
	s13 =	simm.s32 $0x1  }
.LBB2_1:
0xf: {  	s16 =	simm.s32 @p0 $0x0  }
0x10: {  	[tilespmem:s16], [sflag:$0x1] =	stream.linear.gather @p0 [hbm4b:s6+s16], $0x500, $0x38;
	[tilespmem:$0x1AF8] =	vst v63  }
0x11: {  	s16 =	simm.s32 @p0 $0x1  }
0x12: {  	_ =	swait.ge @p0 [sflag:s16], $0x500  }
0x13: {  	[sflag:s16] =	ssyncset.done @p0 $0x0  }
0x14: {  	[sflag:s16] =	ssyncadd.s32 @p0 $0xFFFFFB00;
	s16 =	simm.s32 @!p0 $0x0  }
0x15: {  	[tilespmem:s16], [sflag:$0x1] =	stream.linear.gather @!p0 [hbm4b:s5+s16], $0x1400, $0x38;
	[tilespmem:$0x1AF8] =	vst v63  }
0x16: {  	s16 =	simm.s32 @!p0 $0x1  }
0x17: {  	_ =	swait.ge @!p0 [sflag:s16], $0x1400  }
0x18: {  	[sflag:s16] =	ssyncset.done @!p0 $0x0  }
0x19: {  	[sflag:s16] =	ssyncadd.s32 @!p0 $0xFFFFEC00  }
0x1a: {  	[tilespmem:s12], [sflag:$0x1] =	stream.linear.gather [hbm4b:s0+s4], $0x80, $0x38;
	[tilespmem:$0x1AF8] =	vst v63  }
0x1b: {  	_ =	swait.ge [sflag:s13], $0x80  }
0x1c: {  	s17 =	simm.s32 @!p1 $0x0;
	[sflag:s13] =	ssyncset.done $0x0  }
0x1d: {  	s18 =	simm.s32 @!p1 $0x1480;
	s16 =	simm.s32 @!p1 $0x1;
	[sflag:s13] =	ssyncadd.s32 $0xFFFFFF80  }
0x1e: {  	[tilespmem:s18], [sflag:$0x1] =	stream.linear.gather @!p1 [hbm4b:s7+s17], $0x3E8, $0x38;
	[tilespmem:$0x1AF8] =	vst v63  }
0x1f: {  	_ =	swait.ge @!p1 [sflag:s16], $0x3E8  }
0x20: {  	[sflag:s16] =	ssyncset.done @!p1 $0x0  }
0x21: {  	[sflag:s16] =	ssyncadd.s32 @!p1 $0xFFFFFC18  }
0x22: {  	[spmem:s8] =	stream.linear.scatter @!p1 [tilespmem:s18], [sflag:$0x1], $0x3E8, $0x38;
	[tilespmem:$0x1AF8] =	vst v63  }
0x23: {  	_ =	swait.ge @!p1 [sflag:s16], $0x3E8  }
0x24: {  	p2 =	sne.s32 s9, $0x1;
	[sflag:s16] =	ssyncset.done @!p1 $0x0  }
.Ltmp0:
0x25: {  	[sflag:s16] =	ssyncadd.s32 @!p1 $0xFFFFFC18;
	(pc) =	sbr.rel @!p2 .LBB2_3-.Ltmp0, $4  }
0x26: {  	[bflag:$0x0] =	sbarrier.arrive $0xFFFF  }
0x27: {  	[spmem:s3] =	stream.indirect.scatter.add.f32 [tilespmem:s12], [sflag:$0x1], $0x1, s4, s14, $0xb8;
	[tilespmem:$0x1AF8] =	vst v63  }
0x28: {  	_ =	swait.ge [sflag:s13], $0x80  }
0x29: {  	s19 =	sadd.s32 $0xFFFFFFFF, s9;
	s20 =	simm.s32 $0x0;
	[sflag:s13] =	ssyncset.done $0x0  }
.LBB2_2:
0x2a: {  	p2 =	sne.s32 s19, $0x1;
	[sflag:s13] =	ssyncadd.s32 $0xFFFFFF80;
	s20 =	sadd.s32 $0x80, s20  }
.Ltmp1:
0x2b: {  	s19 =	sadd.s32 $0xFFFFFFFF, s19;
	(pc) =	sbr.rel @p2 .LBB2_2-.Ltmp1, $4  }
0x2c: {  	_ = 	snop  }
0x2d: {  	[spmem:s3] =	stream.indirect.scatter.add.f32 [tilespmem:s12], [sflag:$0x1], $0x1, s20, s14, $0xb8;
	[tilespmem:$0x1AF8] =	vst v63  }
0x2e: {  	_ =	swait.ge [sflag:s13], $0x80  }
0x2f: {  	[sflag:s13] =	ssyncset.done $0x0  }
.LBB2_3:
0x30: {  	[sflag:s13] =	ssyncadd.s32 $0xFFFFFF80  }
0x31: {  	[bflag:$0x0] =	sbarrier.arrive $0xFFFF  }
0x32: {  	[tilespmem:s18], [sflag:$0x1] =	stream.linear.gather @!p1 [spmem:s8], $0x3E8, $0x38;
	[tilespmem:$0x1AF8] =	vst v63  }
0x33: {  	s15 =	sadd.s32 $0x1, s15;
	_ =	swait.ge @!p1 [sflag:s16], $0x3E8  }
0x34: {  	p2 =	sne.s32 s15, s10;
	[sflag:s16] =	ssyncset.done @!p1 $0x0  }
.Ltmp2:
0x35: {  	[sflag:s16] =	ssyncadd.s32 @!p1 $0xFFFFFC18;
	(pc) =	sbr.rel @p2 .LBB2_1-.Ltmp2, $4  }
0x36: {  	[hbm4b:s11+s17] =	stream.linear.scatter @!p1 [tilespmem:s18], [sflag:$0x1], $0x3E8, $0x38;
	[tilespmem:$0x1AF8] =	vst v63  }
0x37: {  	_ =	swait.ge @!p1 [sflag:s16], $0x3E8  }
0x38: {  	[sflag:s16] =	ssyncset.done @!p1 $0x0  }
0x39: {  	[sflag:s16] =	ssyncadd.s32 @!p1 $0xFFFFFC18  }
0x3a: {  	_ =	sfence.sel $0x180000  }
0x3b: {  	[bflag:$0x0] =	sbarrier.arrive $0xFFFF  }
0x3c: {  	p0 =	sne.s32 s2, $0x0;
	_ =	strace $0x90000047  }
0x3d: {  	s0 =	sadd.s32 @!p0 $0x100000, s1;
	[bflag:$0x2] =	sbarrier.arrive $0xFFFF  }
0x3e: {  	[sflag:s0] =	ssyncadd.tile.s32 @!p0 $0x1;
	_ =	shalt  }
.Lfunc_end2:
_tile_overlayer_lowered:
.L_overlay_start_2:
0x3f: {  	(tag) =	ssettag $0x2  }
0x40: {  	s0 =	rddreg [dreg:$0x0];
	s2 =	stileid.u32  }
0x41: {  	s1 =	rddreg [dreg:$0x1];
	p0 =	sne.s32 s2, $0x0  }
0x42: {  	s3 =	rddreg [dreg:$0x2];
	[bflag:$0x3] =	sbarrier.arrive $0xFFFF;
	s2 =	simm.s32 @!p0 $0x1C01  }
0x43: {  	[timem:s3], [sflag:s2] =	dma.local @!p0 [hbm:s0], s1  }
0x44: {  	s0 =	simm.s32 @!p0 $0x1  }
0x45: {  	_ =	swait.ge @!p0 [sflag:s0], s1  }
0x46: {  	s1 =	ssub.s32 @!p0 $0x0, s1;
	[sflag:s0] =	ssyncset.done @!p0 $0x0  }
0x47: {  	[sflag:s0] =	ssyncadd.s32 @!p0 s1  }
0x48: {  	[bflag:$0x3] =	sbarrier.arrive $0xFFFF  }
0x49: {  	_ =	shalt  }

</sc_bundles>
